<compile_context>
chip_gen: v7x
topology: tpu7x:2x2x1
jax: 0.10.2.dev20260603
libtpu: 0.0.44.dev20260713+nightly
codegen_flags: <defaults>
</compile_context>

<pallas_src>
import jax
import jax.numpy as jnp
from jax import lax
from jax.experimental import pallas as pl
from jax.experimental.pallas import tpu as pltpu
from jax.experimental.pallas import tpu_sc as plsc

N = 10000
E = 320000
F = 128
K = 2
NH = 3

NC = 2
NS = 16
NW = NC * NS

CHUNK = 128
RPT = 80
R_PAD = RPT * NW
E_PAD = R_PAD * CHUNK
NBUF = 2
RPT0 = 80
RPT1 = 80
RPT_MAX = max(RPT0, RPT1)
N_PAD = 10240
ROWS_PER_TILE = N_PAD // NS


def _sc_mesh():
    return plsc.VectorSubcoreMesh(core_axis_name="c", subcore_axis_name="s")


def _deg_body(packed3, deg_out, pk_v, idx_d, ones_v, stripe_v, deg_acc, sem):
    c = lax.axis_index("c")
    s = lax.axis_index("s")
    wid = c * NS + s

    ones16 = jnp.ones((16,), jnp.float32)
    zeros16 = jnp.zeros((16,), jnp.float32)
    for j in range(CHUNK // 16):
        ones_v[pl.ds(j * 16, 16)] = ones16

    pltpu.async_copy(packed3.at[wid], pk_v, sem).wait()

    def zbody(j, carry):
        stripe_v[pl.ds(j * 16, 16)] = zeros16
        return carry

    lax.fori_loop(0, ROWS_PER_TILE // 16, zbody, 0)

    pltpu.sync_copy(stripe_v, deg_acc.at[pl.ds(s * ROWS_PER_TILE, ROWS_PER_TILE)])
    plsc.subcore_barrier()

    def body(i, carry):
        def ub(j, cc):
            v = pk_v[i, pl.ds(j * 16, 16)]
            idx_d[pl.ds(j * 16, 16)] = v & 16383
            return cc

        lax.fori_loop(0, CHUNK // 16, ub, 0)
        pltpu.sync_copy(ones_v, deg_acc.at[idx_d], add=True)
        return carry

    lax.fori_loop(0, RPT, body, 0)

    plsc.subcore_barrier()
    pltpu.sync_copy(deg_acc.at[pl.ds(s * ROWS_PER_TILE, ROWS_PER_TILE)], stripe_v)
    pltpu.sync_copy(
        stripe_v,
        deg_out.at[pl.ds(c * N_PAD + s * ROWS_PER_TILE, ROWS_PER_TILE)],
    )


def _deg_kernel(packed3):
    fn = pl.kernel(
        _deg_body,
        out_type=jax.ShapeDtypeStruct((NC * N_PAD,), jnp.float32),
        mesh=_sc_mesh(),
        scratch_types=[
            pltpu.VMEM((RPT, CHUNK), jnp.int32),
            pltpu.VMEM((CHUNK,), jnp.int32),
            pltpu.VMEM((CHUNK,), jnp.float32),
            pltpu.VMEM((ROWS_PER_TILE,), jnp.float32),
            pltpu.VMEM_SHARED((N_PAD,), jnp.float32),
            pltpu.SemaphoreType.DMA,
        ],
    )
    return fn(packed3)


def _hop_body(packed2, x, out, pk_v, src_c, dst_c, rows, acc, isem, gsem):
    c = lax.axis_index("c")
    s = lax.axis_index("s")

    base = jnp.where(c == 0, s * RPT0, NS * RPT0 + s * RPT1)
    nch = jnp.where(c == 0, RPT0, RPT1)

    zeros16 = jnp.zeros((16,), jnp.float32)

    idx_cp = pltpu.async_copy(packed2.at[pl.ds(base, RPT_MAX)], pk_v, isem)

    def zbody(k, carry):
        rows[0, k // 8, pl.ds((k % 8) * 16, 16)] = zeros16
        return carry

    lax.fori_loop(0, CHUNK * 8, zbody, 0)

    def zcopy(t, carry):
        pltpu.sync_copy(
            rows.at[0], acc.at[pl.ds(s * ROWS_PER_TILE + t * CHUNK, CHUNK)]
        )
        return carry

    lax.fori_loop(0, ROWS_PER_TILE // CHUNK, zcopy, 0)
    idx_cp.wait()
    plsc.subcore_barrier()

    def unpack(g, b):
        def ub(j, cc):
            v = pk_v[g, pl.ds(j * 16, 16)]
            src_c[b, pl.ds(j * 16, 16)] = lax.shift_right_logical(v, 14)
            dst_c[b, pl.ds(j * 16, 16)] = v & 16383
            return cc

        lax.fori_loop(0, CHUNK // 16, ub, 0)

    H = CHUNK // 2

    def start_gather(b):
        pltpu.async_copy(
            x.at[src_c.at[b, pl.ds(0, H)]], rows.at[b, pl.ds(0, H)],
            gsem.at[b])
        pltpu.async_copy(
            x.at[src_c.at[b, pl.ds(H, H)]], rows.at[b, pl.ds(H, H)],
            gsem.at[b])

    def drain(b):
        pltpu.make_async_copy(
            x.at[src_c.at[b, pl.ds(0, H)]], rows.at[b, pl.ds(0, H)],
            gsem.at[b]).wait()
        pltpu.make_async_copy(
            x.at[src_c.at[b, pl.ds(H, H)]], rows.at[b, pl.ds(H, H)],
            gsem.at[b]).wait()

    for b in range(NBUF):
        unpack(b, b)
        start_gather(b)

    def body(t, carry):
        for b in range(NBUF):
            g = t * NBUF + b
            drain(b)
            pltpu.sync_copy(rows.at[b], acc.at[dst_c.at[b]], add=True)
            unpack(g + NBUF, b)
            start_gather(b)
        return carry

    lax.fori_loop(0, nch // NBUF - 1, body, 0)

    for b in range(NBUF):
        drain(b)
        pltpu.sync_copy(rows.at[b], acc.at[dst_c.at[b]], add=True)

    plsc.subcore_barrier()

    def ocopy(t, carry):
        r0 = s * ROWS_PER_TILE + t * CHUNK
        pltpu.sync_copy(acc.at[pl.ds(r0, CHUNK)], rows.at[0])
        pltpu.sync_copy(rows.at[0], out.at[c, pl.ds(r0, CHUNK)])
        return carry

    lax.fori_loop(0, ROWS_PER_TILE // CHUNK, ocopy, 0)


def _hop_kernel(packed2, x):
    fn = pl.kernel(
        _hop_body,
        out_type=jax.ShapeDtypeStruct((NC, N_PAD, F), jnp.float32),
        mesh=_sc_mesh(),
        scratch_types=[
            pltpu.VMEM((RPT_MAX, CHUNK), jnp.int32),
            pltpu.VMEM((NBUF, CHUNK), jnp.int32),
            pltpu.VMEM((NBUF, CHUNK), jnp.int32),
            pltpu.VMEM((NBUF, CHUNK, F), jnp.float32),
            pltpu.VMEM_SHARED((N_PAD, F), jnp.float32),
            pltpu.SemaphoreType.DMA,
            pltpu.SemaphoreType.DMA((NBUF,)),
        ],
    )
    return fn(packed2, x)


NB = 2000
GRID = N // NB


def _scale_body(feat_ref, norm_ref, x1_ref):
    x1_ref[...] = feat_ref[...] * norm_ref[...]


def _scale_kernel(feat, norm):
    return pl.pallas_call(
        _scale_body,
        grid=(GRID,),
        in_specs=[
            pl.BlockSpec((NB, F), lambda i: (i, 0)),
            pl.BlockSpec((NB, 1), lambda i: (i, 0)),
        ],
        out_specs=pl.BlockSpec((NB, F), lambda i: (i, 0)),
        out_shape=jax.ShapeDtypeStruct((N, F), jnp.float32),
    )(feat, norm)


def _combine_body(parts_ref, norm_ref, x2_ref):
    p = parts_ref[0] + parts_ref[1]
    norm = norm_ref[...]
    x2_ref[...] = p * norm * norm


def _combine_kernel(parts, norm):
    return pl.pallas_call(
        _combine_body,
        grid=(GRID,),
        in_specs=[
            pl.BlockSpec((NC, NB, F), lambda i: (0, i, 0)),
            pl.BlockSpec((NB, 1), lambda i: (i, 0)),
        ],
        out_specs=pl.BlockSpec((NB, F), lambda i: (i, 0)),
        out_shape=jax.ShapeDtypeStruct((N, F), jnp.float32),
    )(parts, norm)


def _final_body(feat_ref, parts1_ref, parts2_ref, norm_ref, lam_w_ref,
                lam_b_ref, alpha_ref, fc_wt_ref, fc_b_ref, res_ref, ent_ref):
    norm = norm_ref[...]
    h1 = (parts1_ref[0] + parts1_ref[1]) * norm
    h2 = (parts2_ref[0] + parts2_ref[1]) * norm
    xs = (feat_ref[...], h1, h2)
    lam_w = lam_w_ref[...]
    logits = [[jnp.sum(xs[k] * lam_w[h][None, :], axis=1, keepdims=True)
               + lam_b_ref[0, h]
               for h in range(NH)] for k in range(K + 1)]
    g = [jnp.zeros((NB, 1), jnp.float32) for _ in range(K + 1)]
    ent = jnp.zeros((NB, 1), jnp.float32)
    for h in range(NH):
        lk = [logits[k][h] for k in range(K + 1)]
        m = jnp.maximum(jnp.maximum(lk[0], lk[1]), lk[2])
        e = [jnp.exp(l - m) for l in lk]
        z = e[0] + e[1] + e[2]
        inv_z = 1.0 / z
        for k in range(K + 1):
            p = e[k] * inv_z
            g[k] = g[k] + p
            ent = ent - p * jnp.log(p + 1e-12)
    combined = jnp.zeros((NB, F), jnp.float32)
    for k in range(K + 1):
        combined = combined + xs[k] * (alpha_ref[0, k] * g[k])
    res = jnp.dot(combined, fc_wt_ref[...],
                  preferred_element_type=jnp.float32)
    res_ref[...] = res + 3.0 * fc_b_ref[...]
    ent_ref[...] = ent


def _final_kernel(feat, parts1, parts2, norm, lam_w, lam_b, alpha, fc_wt, fc_b):
    row_spec = pl.BlockSpec((NB, F), lambda i: (i, 0))
    parts_spec = pl.BlockSpec((NC, NB, F), lambda i: (0, i, 0))
    return pl.pallas_call(
        _final_body,
        grid=(GRID,),
        in_specs=[
            row_spec, parts_spec, parts_spec,
            pl.BlockSpec((NB, 1), lambda i: (i, 0)),
            pl.BlockSpec((NH, F), lambda i: (0, 0)),
            pl.BlockSpec((1, NH), lambda i: (0, 0)),
            pl.BlockSpec((1, K + 1), lambda i: (0, 0)),
            pl.BlockSpec((F, F), lambda i: (0, 0)),
            pl.BlockSpec((1, F), lambda i: (0, 0)),
        ],
        out_specs=(
            row_spec,
            pl.BlockSpec((NB, 1), lambda i: (i, 0)),
        ),
        out_shape=(
            jax.ShapeDtypeStruct((N, F), jnp.float32),
            jax.ShapeDtypeStruct((N, 1), jnp.float32),
        ),
    )(feat, parts1, parts2, norm, lam_w, lam_b, alpha, fc_wt, fc_b)


def kernel(feat, edge_index, fc_w, fc_b, alpha, lam_w, lam_b):
    src = edge_index[0]
    dst = edge_index[1]
    pad = E_PAD - E
    dummy_i = jnp.arange(pad, dtype=jnp.int32)
    src_p = jnp.concatenate([src, dummy_i % N])
    dst_p = jnp.concatenate([dst, N + (dummy_i % (N_PAD - N))])
    packed = src_p * 16384 + dst_p
    packed3 = packed.reshape(NW, RPT, CHUNK)
    packed2 = jnp.concatenate(
        [packed.reshape(R_PAD, CHUNK),
         jnp.full((RPT_MAX, CHUNK), N, jnp.int32)])
    deg_parts = _deg_kernel(packed3).reshape(NC, N_PAD)
    deg = (deg_parts[0, :N] + deg_parts[1, :N])
    norm = lax.rsqrt(jnp.maximum(deg, 1.0))[:, None]
    x1 = _scale_kernel(feat, norm)

    parts1 = _hop_kernel(packed2, x1)
    x2 = _combine_kernel(parts1, norm)

    parts2 = _hop_kernel(packed2, x2)

    res, ent = _final_kernel(
        feat, parts1, parts2, norm, lam_w,
        lam_b.reshape(1, NH), alpha.reshape(1, K + 1),
        fc_w.T, fc_b.reshape(1, F),
    )
    return (res, ent.reshape(N))

# --- scband reference (transcript-rebuilt; emitter-appended) ---
"""Pipeline reference for scband-smg-mulithead-3942779977729 (READ-ONLY COPY).

The authoritative reference and input builder live on the scoring server;
editing this copy changes nothing except your own understanding.
"""

import jax, jax.numpy as jnp
import numpy as np

N = 10000
E = 320000
IN_FEATS = 128
OUT_FEATS = 128
K = 2
N_HEAD = 3


def setup_inputs(seed: int = 0) -> dict:
    key = jax.random.key(seed)
    ks = jax.random.split(key, 8)
    feat = jax.random.normal(ks[0], (N, IN_FEATS), dtype=jnp.float32)
    edge_index = jax.random.randint(ks[1], (2, E), 0, N, dtype=jnp.int32)
    stdv = 1.0 / np.sqrt(OUT_FEATS)
    fc_w = jax.random.uniform(ks[2], (OUT_FEATS, IN_FEATS), minval=-stdv, maxval=stdv, dtype=jnp.float32)
    fc_b = jnp.zeros((OUT_FEATS,), dtype=jnp.float32)
    stdvk = 1.0 / np.sqrt(K)
    alpha = jax.random.uniform(ks[3], (K + 1,), minval=-stdvk, maxval=stdvk, dtype=jnp.float32)
    lim = 1.0 / np.sqrt(IN_FEATS)
    lam_w = jax.random.uniform(ks[4], (N_HEAD, IN_FEATS), minval=-lim, maxval=lim, dtype=jnp.float32)
    lam_b = jax.random.uniform(ks[5], (N_HEAD,), minval=-lim, maxval=lim, dtype=jnp.float32)
    return {"feat": feat, "edge_index": edge_index, "fc_w": fc_w, "fc_b": fc_b, "alpha": alpha, "lam_w": lam_w, "lam_b": lam_b}


def eval_entropy(logits):
    p = jax.nn.softmax(logits, axis=1)
    return -jnp.sum(p * jnp.log(p + 1e-12), axis=1)


def reference(feat, edge_index, fc_w, fc_b, alpha, lam_w, lam_b):
    src = edge_index[0]
    dst = edge_index[1]
    # in-degrees via scatter-add
    deg = jnp.zeros((N,), dtype=jnp.float32).at[dst].add(1.0)
    degs = jnp.clip(deg, 1.0, None)
    norm = jnp.power(degs, -0.5)[:, None]
    feat_list = [feat.astype(jnp.float32)]
    h = feat
    for _ in range(K):
        h = h * norm
        # copy_u + sum: h_dst = sum over incoming edges of h[src]
        h = jax.ops.segment_sum(h[src], dst, num_segments=N)
        h = h * norm
        feat_list.append(h)
    stacked = jnp.stack(feat_list, axis=1)  # [N, K+1, IN]
    # multi-head gating logits: [n_head, N, K+1]
    logits = jnp.einsum('nki,hi->hnk', stacked, lam_w) + lam_b[:, None, None]
    g = jnp.zeros((N, K + 1), dtype=jnp.float32)
    entropy = jnp.zeros((N,), dtype=jnp.float32)
    for j in range(N_HEAD):
        entropy = entropy + eval_entropy(logits[j])
        g = g + jax.nn.softmax(logits[j], axis=1)
    result = jnp.zeros((N, OUT_FEATS), dtype=jnp.float32)
    for i in range(K + 1):
        scaled = feat_list[i] * alpha[i] * g[:, i:i + 1]
        result = result + scaled @ fc_w.T + fc_b
    return (result, entropy)

if __name__ == "__main__":
    import jax
    _d = setup_inputs()
    print(jax.jit(kernel)(*tuple(_d.values())))

</pallas_src>

<mosaic_0001>
#map = affine_map<(d0, d1) -> (0, 0)>
#map1 = affine_map<(d0, d1) -> (0, 0, 0)>
module attributes {stable_mosaic.version = 14 : i64} {
  func.func @_hop_body(%arg0: i32, %arg1: i32, %arg2: memref<2640x128xi32, #tpu.memory_space<hbm>>, %arg3: memref<10000x128xf32, #tpu.memory_space<hbm>>, %arg4: memref<2x10240x128xf32, #tpu.memory_space<hbm>>, %arg5: memref<80x128xi32, #tpu.memory_space<vmem>>, %arg6: memref<2x128xi32, #tpu.memory_space<vmem>>, %arg7: memref<2x128xi32, #tpu.memory_space<vmem>>, %arg8: memref<2x128x128xf32, #tpu.memory_space<vmem>>, %arg9: memref<10240x128xf32, #tpu.memory_space<vmem_shared>>, %arg10: memref<!tpu.dma_semaphore, #tpu.memory_space<semaphore_mem>>, %arg11: memref<2x!tpu.dma_semaphore, #tpu.memory_space<semaphore_mem>>) attributes {dimension_semantics = [#tpu.dimension_semantics<core_parallel>, #tpu.dimension_semantics<subcore_parallel>], iteration_bounds = array<i64: 2, 16>, scalar_prefetch = 0 : i64, scratch_operands = 7 : i64, tpu.core_type = #tpu.core_type<sc_vector_subcore>, window_params = [{transform_indices = #map}, {transform_indices = #map}, {transform_indices = #map1}]} {
    %eq3A = arith.constant 0 : i32
    %eq3A_0 = arith.cmpi eq, %arg0, %eq3A : i32
    %mul3A = arith.constant 80 : i32
    %mul3A_1 = arith.muli %arg1, %mul3A : i32
    %mul3A_2 = arith.constant 80 : i32
    %mul3A_3 = arith.muli %arg1, %mul3A_2 : i32
    %add3A = arith.constant 1280 : i32
    %add3A_4 = arith.addi %add3A, %mul3A_3 : i32
    %select_n3A = arith.select %eq3A_0, %mul3A_1, %add3A_4 : i32
    %eq3A_5 = arith.constant 0 : i32
    %eq3A_6 = arith.cmpi eq, %arg0, %eq3A_5 : i32
    %jit3A = arith.constant 80 : i32
    %jit3A_7 = arith.constant 80 : i32
    %select_n3A_8 = arith.select %eq3A_6, %jit3A, %jit3A_7 : i32
    %broadcast_in_dim3A = arith.constant 0.000000e+00 : f32
    %broadcast_in_dim3A_9 = vector.broadcast %broadcast_in_dim3A : f32 to vector<16xf32>
    %dma_start3A = arith.constant 0 : i32
    %dma_start3A_10 = tpu.memref_slice %arg2[%select_n3A, %dma_start3A] : memref<2640x128xi32, #tpu.memory_space<hbm>> -> memref<80x128xi32, #tpu.memory_space<hbm>>
    %dma_start3A_11 = arith.constant 0 : i32
    %dma_start3A_12 = tpu.memref_slice %arg2[%select_n3A, %dma_start3A_11] : memref<2640x128xi32, #tpu.memory_space<hbm>> -> memref<80x128xi32, #tpu.memory_space<hbm>>
    tpu.enqueue_dma source(%dma_start3A_12 : memref<80x128xi32, #tpu.memory_space<hbm>>) target(%arg5 : memref<80x128xi32, #tpu.memory_space<vmem>>) target_semaphore(%arg10 : memref<!tpu.dma_semaphore, #tpu.memory_space<semaphore_mem>>)
    %scan3A = arith.constant 0 : i32
    %scan3A_13 = arith.constant 0 : i32
    %scan3A_14 = arith.constant 1024 : i32
    %scan3A_15 = arith.addi %scan3A_13, %scan3A_14 : i32
    %scan3A_16 = arith.constant 1 : i32
    scf.for %scan3A_198 = %scan3A_13 to %scan3A_15 step %scan3A_16  : i32 {
      %jit3A_199 = arith.constant 8 : i32
      %div3A_200 = arith.divsi %scan3A_198, %jit3A_199 : i32
      %sign3A_201 = arith.constant 0 : i32
      %sign3A_202 = arith.cmpi sgt, %scan3A_198, %sign3A_201 : i32
      %sign3A_203 = arith.extui %sign3A_202 : i1 to i32
      %sign3A_204 = arith.constant 0 : i32
      %sign3A_205 = arith.cmpi slt, %scan3A_198, %sign3A_204 : i32
      %sign3A_206 = arith.extui %sign3A_205 : i1 to i32
      %sign3A_207 = arith.subi %sign3A_203, %sign3A_206 : i32
      %sign3A_208 = arith.constant 0 : i32
      %sign3A_209 = arith.cmpi sgt, %jit3A_199, %sign3A_208 : i32
      %sign3A_210 = arith.extui %sign3A_209 : i1 to i32
      %sign3A_211 = arith.constant 0 : i32
      %sign3A_212 = arith.cmpi slt, %jit3A_199, %sign3A_211 : i32
      %sign3A_213 = arith.extui %sign3A_212 : i1 to i32
      %sign3A_214 = arith.subi %sign3A_210, %sign3A_213 : i32
      %ne3A_215 = arith.cmpi ne, %sign3A_207, %sign3A_214 : i32
      %rem3A_216 = arith.remsi %scan3A_198, %jit3A_199 : i32
      %ne3A_217 = arith.constant 0 : i32
      %ne3A_218 = arith.cmpi ne, %rem3A_216, %ne3A_217 : i32
      %and3A_219 = arith.andi %ne3A_215, %ne3A_218 : i1
      %sub3A_220 = arith.constant 1 : i32
      %sub3A_221 = arith.subi %div3A_200, %sub3A_220 : i32
      %select_n3A_222 = arith.select %and3A_219, %sub3A_221, %div3A_200 : i32
      %jit3A_223 = arith.constant 8 : i32
      %eq3A_224 = arith.constant 0 : i32
      %eq3A_225 = arith.cmpi eq, %jit3A_223, %eq3A_224 : i32
      %jit3A_226 = arith.constant 1 : i32
      %select_n3A_227 = arith.select %eq3A_225, %jit3A_226, %jit3A_223 : i32
      %rem3A_228 = arith.remsi %scan3A_198, %select_n3A_227 : i32
      %ne3A_229 = arith.constant 0 : i32
      %ne3A_230 = arith.cmpi ne, %rem3A_228, %ne3A_229 : i32
      %lt3A = arith.constant 0 : i32
      %lt3A_231 = arith.cmpi slt, %rem3A_228, %lt3A : i32
      %lt3A_232 = arith.constant 0 : i32
      %lt3A_233 = arith.cmpi slt, %select_n3A_227, %lt3A_232 : i32
      %ne3A_234 = arith.xori %lt3A_231, %lt3A_233 : i1
      %and3A_235 = arith.andi %ne3A_234, %ne3A_230 : i1
      %add3A_236 = arith.addi %rem3A_228, %select_n3A_227 : i32
      %select_n3A_237 = arith.select %and3A_235, %add3A_236, %rem3A_228 : i32
      %mul3A_238 = arith.constant 16 : i32
      %mul3A_239 = arith.muli %select_n3A_237, %mul3A_238 : i32
      %swap3A = arith.constant 0 : i32
      %swap3A_240 = arith.index_cast %swap3A : i32 to index
      %swap3A_241 = arith.index_cast %select_n3A_222 : i32 to index
      %swap3A_242 = arith.index_cast %mul3A_239 : i32 to index
      %swap3A_243 = tpu.vector_load %arg8[%swap3A_240, %swap3A_241, %swap3A_242] {strides = array<i32>} : memref<2x128x128xf32, #tpu.memory_space<vmem>>, vector<1x1x16xf32>,
      %swap3A_244 = vector.shape_cast %swap3A_243 : vector<1x1x16xf32> to vector<16xf32>
      %swap3A_245 = vector.shape_cast %broadcast_in_dim3A_9 : vector<16xf32> to vector<1x1x16xf32>
      tpu.vector_store %arg8[%swap3A_240, %swap3A_241, %swap3A_242], %swap3A_245 {strides = array<i32>} : memref<2x128x128xf32, #tpu.memory_space<vmem>>, vector<1x1x16xf32>,
    }
    %scan3A_17 = arith.constant 1024 : i32
    %scan3A_18 = arith.constant 0 : i32
    %scan3A_19 = arith.constant 0 : i32
    %scan3A_20 = arith.constant 5 : i32
    %scan3A_21 = arith.addi %scan3A_19, %scan3A_20 : i32
    %scan3A_22 = arith.constant 1 : i32
    scf.for %scan3A_198 = %scan3A_19 to %scan3A_21 step %scan3A_22  : i32 {
      %mul3A_199 = arith.constant 640 : i32
      %mul3A_200 = arith.muli %arg1, %mul3A_199 : i32
      %mul3A_201 = arith.constant 128 : i32
      %mul3A_202 = arith.muli %scan3A_198, %mul3A_201 : i32
      %add3A_203 = arith.addi %mul3A_200, %mul3A_202 : i32
      %run_scoped3A_204 = arith.constant 0 : i32
      "tpu.region"() ({
        %run_scoped3A_205 = tpu.sem_alloc : memref<!tpu.dma_semaphore, #tpu.memory_space<semaphore_mem>>
        %dma_start3A_206 = arith.constant 0 : i32
        %dma_start3A_207 = arith.constant 0 : i32
        %dma_start3A_208 = tpu.memref_slice %arg8[%run_scoped3A_204, %dma_start3A_206, %dma_start3A_207] : memref<2x128x128xf32, #tpu.memory_space<vmem>> -> memref<1x128x128xf32, #tpu.memory_space<vmem>>
        %dma_start3A_209 = tpu.memref_squeeze %dma_start3A_208 : memref<1x128x128xf32, #tpu.memory_space<vmem>> -> memref<128x128xf32, #tpu.memory_space<vmem>>
        %dma_start3A_210 = arith.constant 0 : i32
        %dma_start3A_211 = tpu.memref_slice %arg9[%add3A_203, %dma_start3A_210] : memref<10240x128xf32, #tpu.memory_space<vmem_shared>> -> memref<128x128xf32, #tpu.memory_space<vmem_shared>>
        %dma_start3A_212 = arith.constant 0 : i32
        %dma_start3A_213 = tpu.memref_slice %arg9[%add3A_203, %dma_start3A_212] : memref<10240x128xf32, #tpu.memory_space<vmem_shared>> -> memref<128x128xf32, #tpu.memory_space<vmem_shared>>
        %dma_start3A_214 = arith.constant 0 : i32
        %dma_start3A_215 = arith.constant 0 : i32
        %dma_start3A_216 = tpu.memref_slice %arg8[%run_scoped3A_204, %dma_start3A_214, %dma_start3A_215] : memref<2x128x128xf32, #tpu.memory_space<vmem>> -> memref<1x128x128xf32, #tpu.memory_space<vmem>>
        %dma_start3A_217 = tpu.memref_squeeze %dma_start3A_216 : memref<1x128x128xf32, #tpu.memory_space<vmem>> -> memref<128x128xf32, #tpu.memory_space<vmem>>
        tpu.enqueue_dma source(%dma_start3A_217 : memref<128x128xf32, #tpu.memory_space<vmem>>) target(%dma_start3A_213 : memref<128x128xf32, #tpu.memory_space<vmem_shared>>) target_semaphore(%run_scoped3A_205 : memref<!tpu.dma_semaphore, #tpu.memory_space<semaphore_mem>>)
        %dma_wait3A_218 = arith.constant 0 : i32
        %dma_wait3A_219 = arith.constant 0 : i32
        %dma_wait3A_220 = tpu.memref_slice %arg8[%run_scoped3A_204, %dma_wait3A_218, %dma_wait3A_219] : memref<2x128x128xf32, #tpu.memory_space<vmem>> -> memref<1x128x128xf32, #tpu.memory_space<vmem>>
        %dma_wait3A_221 = tpu.memref_squeeze %dma_wait3A_220 : memref<1x128x128xf32, #tpu.memory_space<vmem>> -> memref<128x128xf32, #tpu.memory_space<vmem>>
        %dma_wait3A_222 = arith.constant 0 : i32
        %dma_wait3A_223 = tpu.memref_slice %arg9[%add3A_203, %dma_wait3A_222] : memref<10240x128xf32, #tpu.memory_space<vmem_shared>> -> memref<128x128xf32, #tpu.memory_space<vmem_shared>>
        %dma_wait3A_224 = arith.constant 0 : i32
        %dma_wait3A_225 = tpu.memref_slice %arg9[%add3A_203, %dma_wait3A_224] : memref<10240x128xf32, #tpu.memory_space<vmem_shared>> -> memref<128x128xf32, #tpu.memory_space<vmem_shared>>
        %dma_wait3A_226 = arith.constant 0 : i32
        %dma_wait3A_227 = arith.constant 0 : i32
        %dma_wait3A_228 = tpu.memref_slice %arg8[%run_scoped3A_204, %dma_wait3A_226, %dma_wait3A_227] : memref<2x128x128xf32, #tpu.memory_space<vmem>> -> memref<1x128x128xf32, #tpu.memory_space<vmem>>
        %dma_wait3A_229 = tpu.memref_squeeze %dma_wait3A_228 : memref<1x128x128xf32, #tpu.memory_space<vmem>> -> memref<128x128xf32, #tpu.memory_space<vmem>>
        tpu.wait_dma2 semaphore(%run_scoped3A_205 : memref<!tpu.dma_semaphore, #tpu.memory_space<semaphore_mem>>) src(%dma_wait3A_229 : memref<128x128xf32, #tpu.memory_space<vmem>>) dst(%dma_wait3A_225 : memref<128x128xf32, #tpu.memory_space<vmem_shared>>)
        tpu.yield
      }) : () -> ()
    }
    %scan3A_23 = arith.constant 5 : i32
    %dma_wait3A = arith.constant 0 : i32
    %dma_wait3A_24 = tpu.memref_slice %arg2[%select_n3A, %dma_wait3A] : memref<2640x128xi32, #tpu.memory_space<hbm>> -> memref<80x128xi32, #tpu.memory_space<hbm>>
    %dma_wait3A_25 = arith.constant 0 : i32
    %dma_wait3A_26 = tpu.memref_slice %arg2[%select_n3A, %dma_wait3A_25] : memref<2640x128xi32, #tpu.memory_space<hbm>> -> memref<80x128xi32, #tpu.memory_space<hbm>>
    tpu.wait_dma2 semaphore(%arg10 : memref<!tpu.dma_semaphore, #tpu.memory_space<semaphore_mem>>) src(%dma_wait3A_26 : memref<80x128xi32, #tpu.memory_space<hbm>>) dst(%arg5 : memref<80x128xi32, #tpu.memory_space<vmem>>)
    %barrier3A = arith.constant 0 : index
    tpu.barrier barrier_id(%barrier3A)
    %scan3A_27 = arith.constant 0 : i32
    %scan3A_28 = arith.constant 0 : i32
    %scan3A_29 = arith.constant 8 : i32
    %scan3A_30 = arith.addi %scan3A_28, %scan3A_29 : i32
    %scan3A_31 = arith.constant 1 : i32
    scf.for %scan3A_198 = %scan3A_28 to %scan3A_30 step %scan3A_31  : i32 {
      %mul3A_199 = arith.constant 16 : i32
      %mul3A_200 = arith.muli %scan3A_198, %mul3A_199 : i32
      %get3A = arith.constant 0 : i32
      %get3A_201 = arith.index_cast %get3A : i32 to index
      %get3A_202 = arith.index_cast %mul3A_200 : i32 to index
      %get3A_203 = tpu.vector_load %arg5[%get3A_201, %get3A_202] {strides = array<i32>} : memref<80x128xi32, #tpu.memory_space<vmem>>, vector<1x16xi32>,
      %get3A_204 = vector.shape_cast %get3A_203 : vector<1x16xi32> to vector<16xi32>
      %shift_right_logical3A = arith.constant 14 : i32
      %shift_right_logical3A_205 = vector.broadcast %shift_right_logical3A : i32 to vector<16xi32>
      %shift_right_logical3A_206 = arith.shrui %get3A_204, %shift_right_logical3A_205 : vector<16xi32>
      %mul3A_207 = arith.constant 16 : i32
      %mul3A_208 = arith.muli %scan3A_198, %mul3A_207 : i32
      %swap3A = arith.constant 0 : i32
      %swap3A_209 = arith.index_cast %swap3A : i32 to index
      %swap3A_210 = arith.index_cast %mul3A_208 : i32 to index
      %swap3A_211 = tpu.vector_load %arg6[%swap3A_209, %swap3A_210] {strides = array<i32>} : memref<2x128xi32, #tpu.memory_space<vmem>>, vector<1x16xi32>,
      %swap3A_212 = vector.shape_cast %swap3A_211 : vector<1x16xi32> to vector<16xi32>
      %swap3A_213 = vector.shape_cast %shift_right_logical3A_206 : vector<16xi32> to vector<1x16xi32>
      tpu.vector_store %arg6[%swap3A_209, %swap3A_210], %swap3A_213 {strides = array<i32>} : memref<2x128xi32, #tpu.memory_space<vmem>>, vector<1x16xi32>,
      %and3A_214 = arith.constant 16383 : i32
      %and3A_215 = vector.broadcast %and3A_214 : i32 to vector<16xi32>
      %and3A_216 = arith.andi %get3A_204, %and3A_215 : vector<16xi32>
      %mul3A_217 = arith.constant 16 : i32
      %mul3A_218 = arith.muli %scan3A_198, %mul3A_217 : i32
      %swap3A_219 = arith.constant 0 : i32
      %swap3A_220 = arith.index_cast %swap3A_219 : i32 to index
      %swap3A_221 = arith.index_cast %mul3A_218 : i32 to index
      %swap3A_222 = tpu.vector_load %arg7[%swap3A_220, %swap3A_221] {strides = array<i32>} : memref<2x128xi32, #tpu.memory_space<vmem>>, vector<1x16xi32>,
      %swap3A_223 = vector.shape_cast %swap3A_222 : vector<1x16xi32> to vector<16xi32>
      %swap3A_224 = vector.shape_cast %and3A_216 : vector<16xi32> to vector<1x16xi32>
      tpu.vector_store %arg7[%swap3A_220, %swap3A_221], %swap3A_224 {strides = array<i32>} : memref<2x128xi32, #tpu.memory_space<vmem>>, vector<1x16xi32>,
    }
    %scan3A_32 = arith.constant 8 : i32
    %dma_start3A_33 = arith.constant 0 : i32
    %dma_start3A_34 = arith.constant 0 : i32
    %dma_start3A_35 = arith.constant 0 : i32
    %dma_start3A_36 = arith.constant 0 : i32
    %dma_start3A_37 = arith.constant 0 : i32
    %dma_start3A_38 = tpu.memref_slice %arg8[%dma_start3A_34, %dma_start3A_36, %dma_start3A_37] : memref<2x128x128xf32, #tpu.memory_space<vmem>> -> memref<1x64x128xf32, #tpu.memory_space<vmem>>
    %dma_start3A_39 = tpu.memref_squeeze %dma_start3A_38 : memref<1x64x128xf32, #tpu.memory_space<vmem>> -> memref<64x128xf32, #tpu.memory_space<vmem>>
    %dma_start3A_40 = arith.constant 0 : i32
    %dma_start3A_41 = tpu.memref_slice %arg6[%dma_start3A_33, %dma_start3A_40] : memref<2x128xi32, #tpu.memory_space<vmem>> -> memref<1x64xi32, #tpu.memory_space<vmem>>
    %dma_start3A_42 = tpu.memref_squeeze %dma_start3A_41 : memref<1x64xi32, #tpu.memory_space<vmem>> -> memref<64xi32, #tpu.memory_space<vmem>>
    %dma_start3A_43 = arith.constant 0 : i32
    %dma_start3A_44 = arith.constant 0 : i32
    %dma_start3A_45 = tpu.memref_slice %arg3[%dma_start3A_43, %dma_start3A_44] : memref<10000x128xf32, #tpu.memory_space<hbm>> -> memref<10000x128xf32, #tpu.memory_space<hbm>>
    %dma_start3A_46 = tpu.memref_slice %arg11[%dma_start3A_35] : memref<2x!tpu.dma_semaphore, #tpu.memory_space<semaphore_mem>> -> memref<1x!tpu.dma_semaphore, #tpu.memory_space<semaphore_mem>>
    %dma_start3A_47 = tpu.memref_squeeze %dma_start3A_46 : memref<1x!tpu.dma_semaphore, #tpu.memory_space<semaphore_mem>> -> memref<!tpu.dma_semaphore, #tpu.memory_space<semaphore_mem>>
    tpu.enqueue_indirect_dma source(%dma_start3A_45 : memref<10000x128xf32, #tpu.memory_space<hbm>>) target(%dma_start3A_39 : memref<64x128xf32, #tpu.memory_space<vmem>>) offsets(%dma_start3A_42 : memref<64xi32, #tpu.memory_space<vmem>>) semaphore(%dma_start3A_47 : memref<!tpu.dma_semaphore, #tpu.memory_space<semaphore_mem>>)
    %dma_start3A_48 = arith.constant 0 : i32
    %dma_start3A_49 = arith.constant 0 : i32
    %dma_start3A_50 = arith.constant 0 : i32
    %dma_start3A_51 = arith.constant 64 : i32
    %dma_start3A_52 = arith.constant 0 : i32
    %dma_start3A_53 = tpu.memref_slice %arg8[%dma_start3A_49, %dma_start3A_51, %dma_start3A_52] : memref<2x128x128xf32, #tpu.memory_space<vmem>> -> memref<1x64x128xf32, #tpu.memory_space<vmem>>
    %dma_start3A_54 = tpu.memref_squeeze %dma_start3A_53 : memref<1x64x128xf32, #tpu.memory_space<vmem>> -> memref<64x128xf32, #tpu.memory_space<vmem>>
    %dma_start3A_55 = arith.constant 64 : i32
    %dma_start3A_56 = tpu.memref_slice %arg6[%dma_start3A_48, %dma_start3A_55] : memref<2x128xi32, #tpu.memory_space<vmem>> -> memref<1x64xi32, #tpu.memory_space<vmem>>
    %dma_start3A_57 = tpu.memref_squeeze %dma_start3A_56 : memref<1x64xi32, #tpu.memory_space<vmem>> -> memref<64xi32, #tpu.memory_space<vmem>>
    %dma_start3A_58 = arith.constant 0 : i32
    %dma_start3A_59 = arith.constant 0 : i32
    %dma_start3A_60 = tpu.memref_slice %arg3[%dma_start3A_58, %dma_start3A_59] : memref<10000x128xf32, #tpu.memory_space<hbm>> -> memref<10000x128xf32, #tpu.memory_space<hbm>>
    %dma_start3A_61 = tpu.memref_slice %arg11[%dma_start3A_50] : memref<2x!tpu.dma_semaphore, #tpu.memory_space<semaphore_mem>> -> memref<1x!tpu.dma_semaphore, #tpu.memory_space<semaphore_mem>>
    %dma_start3A_62 = tpu.memref_squeeze %dma_start3A_61 : memref<1x!tpu.dma_semaphore, #tpu.memory_space<semaphore_mem>> -> memref<!tpu.dma_semaphore, #tpu.memory_space<semaphore_mem>>
    tpu.enqueue_indirect_dma source(%dma_start3A_60 : memref<10000x128xf32, #tpu.memory_space<hbm>>) target(%dma_start3A_54 : memref<64x128xf32, #tpu.memory_space<vmem>>) offsets(%dma_start3A_57 : memref<64xi32, #tpu.memory_space<vmem>>) semaphore(%dma_start3A_62 : memref<!tpu.dma_semaphore, #tpu.memory_space<semaphore_mem>>)
    %scan3A_63 = arith.constant 0 : i32
    %scan3A_64 = arith.constant 0 : i32
    %scan3A_65 = arith.constant 8 : i32
    %scan3A_66 = arith.addi %scan3A_64, %scan3A_65 : i32
    %scan3A_67 = arith.constant 1 : i32
    scf.for %scan3A_198 = %scan3A_64 to %scan3A_66 step %scan3A_67  : i32 {
      %mul3A_199 = arith.constant 16 : i32
      %mul3A_200 = arith.muli %scan3A_198, %mul3A_199 : i32
      %get3A = arith.constant 1 : i32
      %get3A_201 = arith.index_cast %get3A : i32 to index
      %get3A_202 = arith.index_cast %mul3A_200 : i32 to index
      %get3A_203 = tpu.vector_load %arg5[%get3A_201, %get3A_202] {strides = array<i32>} : memref<80x128xi32, #tpu.memory_space<vmem>>, vector<1x16xi32>,
      %get3A_204 = vector.shape_cast %get3A_203 : vector<1x16xi32> to vector<16xi32>
      %shift_right_logical3A = arith.constant 14 : i32
      %shift_right_logical3A_205 = vector.broadcast %shift_right_logical3A : i32 to vector<16xi32>
      %shift_right_logical3A_206 = arith.shrui %get3A_204, %shift_right_logical3A_205 : vector<16xi32>
      %mul3A_207 = arith.constant 16 : i32
      %mul3A_208 = arith.muli %scan3A_198, %mul3A_207 : i32
      %swap3A = arith.constant 1 : i32
      %swap3A_209 = arith.index_cast %swap3A : i32 to index
      %swap3A_210 = arith.index_cast %mul3A_208 : i32 to index
      %swap3A_211 = tpu.vector_load %arg6[%swap3A_209, %swap3A_210] {strides = array<i32>} : memref<2x128xi32, #tpu.memory_space<vmem>>, vector<1x16xi32>,
      %swap3A_212 = vector.shape_cast %swap3A_211 : vector<1x16xi32> to vector<16xi32>
      %swap3A_213 = vector.shape_cast %shift_right_logical3A_206 : vector<16xi32> to vector<1x16xi32>
      tpu.vector_store %arg6[%swap3A_209, %swap3A_210], %swap3A_213 {strides = array<i32>} : memref<2x128xi32, #tpu.memory_space<vmem>>, vector<1x16xi32>,
      %and3A_214 = arith.constant 16383 : i32
      %and3A_215 = vector.broadcast %and3A_214 : i32 to vector<16xi32>
      %and3A_216 = arith.andi %get3A_204, %and3A_215 : vector<16xi32>
      %mul3A_217 = arith.constant 16 : i32
      %mul3A_218 = arith.muli %scan3A_198, %mul3A_217 : i32
      %swap3A_219 = arith.constant 1 : i32
      %swap3A_220 = arith.index_cast %swap3A_219 : i32 to index
      %swap3A_221 = arith.index_cast %mul3A_218 : i32 to index
      %swap3A_222 = tpu.vector_load %arg7[%swap3A_220, %swap3A_221] {strides = array<i32>} : memref<2x128xi32, #tpu.memory_space<vmem>>, vector<1x16xi32>,
      %swap3A_223 = vector.shape_cast %swap3A_222 : vector<1x16xi32> to vector<16xi32>
      %swap3A_224 = vector.shape_cast %and3A_216 : vector<16xi32> to vector<1x16xi32>
      tpu.vector_store %arg7[%swap3A_220, %swap3A_221], %swap3A_224 {strides = array<i32>} : memref<2x128xi32, #tpu.memory_space<vmem>>, vector<1x16xi32>,
    }
    %scan3A_68 = arith.constant 8 : i32
    %dma_start3A_69 = arith.constant 1 : i32
    %dma_start3A_70 = arith.constant 1 : i32
    %dma_start3A_71 = arith.constant 1 : i32
    %dma_start3A_72 = arith.constant 0 : i32
    %dma_start3A_73 = arith.constant 0 : i32
    %dma_start3A_74 = tpu.memref_slice %arg8[%dma_start3A_70, %dma_start3A_72, %dma_start3A_73] : memref<2x128x128xf32, #tpu.memory_space<vmem>> -> memref<1x64x128xf32, #tpu.memory_space<vmem>>
    %dma_start3A_75 = tpu.memref_squeeze %dma_start3A_74 : memref<1x64x128xf32, #tpu.memory_space<vmem>> -> memref<64x128xf32, #tpu.memory_space<vmem>>
    %dma_start3A_76 = arith.constant 0 : i32
    %dma_start3A_77 = tpu.memref_slice %arg6[%dma_start3A_69, %dma_start3A_76] : memref<2x128xi32, #tpu.memory_space<vmem>> -> memref<1x64xi32, #tpu.memory_space<vmem>>
    %dma_start3A_78 = tpu.memref_squeeze %dma_start3A_77 : memref<1x64xi32, #tpu.memory_space<vmem>> -> memref<64xi32, #tpu.memory_space<vmem>>
    %dma_start3A_79 = arith.constant 0 : i32
    %dma_start3A_80 = arith.constant 0 : i32
    %dma_start3A_81 = tpu.memref_slice %arg3[%dma_start3A_79, %dma_start3A_80] : memref<10000x128xf32, #tpu.memory_space<hbm>> -> memref<10000x128xf32, #tpu.memory_space<hbm>>
    %dma_start3A_82 = tpu.memref_slice %arg11[%dma_start3A_71] : memref<2x!tpu.dma_semaphore, #tpu.memory_space<semaphore_mem>> -> memref<1x!tpu.dma_semaphore, #tpu.memory_space<semaphore_mem>>
    %dma_start3A_83 = tpu.memref_squeeze %dma_start3A_82 : memref<1x!tpu.dma_semaphore, #tpu.memory_space<semaphore_mem>> -> memref<!tpu.dma_semaphore, #tpu.memory_space<semaphore_mem>>
    tpu.enqueue_indirect_dma source(%dma_start3A_81 : memref<10000x128xf32, #tpu.memory_space<hbm>>) target(%dma_start3A_75 : memref<64x128xf32, #tpu.memory_space<vmem>>) offsets(%dma_start3A_78 : memref<64xi32, #tpu.memory_space<vmem>>) semaphore(%dma_start3A_83 : memref<!tpu.dma_semaphore, #tpu.memory_space<semaphore_mem>>)
    %dma_start3A_84 = arith.constant 1 : i32
    %dma_start3A_85 = arith.constant 1 : i32
    %dma_start3A_86 = arith.constant 1 : i32
    %dma_start3A_87 = arith.constant 64 : i32
    %dma_start3A_88 = arith.constant 0 : i32
    %dma_start3A_89 = tpu.memref_slice %arg8[%dma_start3A_85, %dma_start3A_87, %dma_start3A_88] : memref<2x128x128xf32, #tpu.memory_space<vmem>> -> memref<1x64x128xf32, #tpu.memory_space<vmem>>
    %dma_start3A_90 = tpu.memref_squeeze %dma_start3A_89 : memref<1x64x128xf32, #tpu.memory_space<vmem>> -> memref<64x128xf32, #tpu.memory_space<vmem>>
    %dma_start3A_91 = arith.constant 64 : i32
    %dma_start3A_92 = tpu.memref_slice %arg6[%dma_start3A_84, %dma_start3A_91] : memref<2x128xi32, #tpu.memory_space<vmem>> -> memref<1x64xi32, #tpu.memory_space<vmem>>
    %dma_start3A_93 = tpu.memref_squeeze %dma_start3A_92 : memref<1x64xi32, #tpu.memory_space<vmem>> -> memref<64xi32, #tpu.memory_space<vmem>>
    %dma_start3A_94 = arith.constant 0 : i32
    %dma_start3A_95 = arith.constant 0 : i32
    %dma_start3A_96 = tpu.memref_slice %arg3[%dma_start3A_94, %dma_start3A_95] : memref<10000x128xf32, #tpu.memory_space<hbm>> -> memref<10000x128xf32, #tpu.memory_space<hbm>>
    %dma_start3A_97 = tpu.memref_slice %arg11[%dma_start3A_86] : memref<2x!tpu.dma_semaphore, #tpu.memory_space<semaphore_mem>> -> memref<1x!tpu.dma_semaphore, #tpu.memory_space<semaphore_mem>>
    %dma_start3A_98 = tpu.memref_squeeze %dma_start3A_97 : memref<1x!tpu.dma_semaphore, #tpu.memory_space<semaphore_mem>> -> memref<!tpu.dma_semaphore, #tpu.memory_space<semaphore_mem>>
    tpu.enqueue_indirect_dma source(%dma_start3A_96 : memref<10000x128xf32, #tpu.memory_space<hbm>>) target(%dma_start3A_90 : memref<64x128xf32, #tpu.memory_space<vmem>>) offsets(%dma_start3A_93 : memref<64xi32, #tpu.memory_space<vmem>>) semaphore(%dma_start3A_98 : memref<!tpu.dma_semaphore, #tpu.memory_space<semaphore_mem>>)
    %jit3A_99 = arith.constant 2 : i32
    %div3A = arith.divsi %select_n3A_8, %jit3A_99 : i32
    %sign3A = arith.constant 0 : i32
    %sign3A_100 = arith.cmpi sgt, %select_n3A_8, %sign3A : i32
    %sign3A_101 = arith.extui %sign3A_100 : i1 to i32
    %sign3A_102 = arith.constant 0 : i32
    %sign3A_103 = arith.cmpi slt, %select_n3A_8, %sign3A_102 : i32
    %sign3A_104 = arith.extui %sign3A_103 : i1 to i32
    %sign3A_105 = arith.subi %sign3A_101, %sign3A_104 : i32
    %sign3A_106 = arith.constant 0 : i32
    %sign3A_107 = arith.cmpi sgt, %jit3A_99, %sign3A_106 : i32
    %sign3A_108 = arith.extui %sign3A_107 : i1 to i32
    %sign3A_109 = arith.constant 0 : i32
    %sign3A_110 = arith.cmpi slt, %jit3A_99, %sign3A_109 : i32
    %sign3A_111 = arith.extui %sign3A_110 : i1 to i32
    %sign3A_112 = arith.subi %sign3A_108, %sign3A_111 : i32
    %ne3A = arith.cmpi ne, %sign3A_105, %sign3A_112 : i32
    %rem3A = arith.remsi %select_n3A_8, %jit3A_99 : i32
    %ne3A_113 = arith.constant 0 : i32
    %ne3A_114 = arith.cmpi ne, %rem3A, %ne3A_113 : i32
    %and3A = arith.andi %ne3A, %ne3A_114 : i1
    %sub3A = arith.constant 1 : i32
    %sub3A_115 = arith.subi %div3A, %sub3A : i32
    %select_n3A_116 = arith.select %and3A, %sub3A_115, %div3A : i32
    %sub3A_117 = arith.constant 1 : i32
    %sub3A_118 = arith.subi %select_n3A_116, %sub3A_117 : i32
    %while3A = arith.constant 0 : i32
    %while3A_119 = arith.constant 0 : i32
    %while3A_120 = arith.subi %sub3A_118, %while3A_119 : i32
    %while3A_121 = arith.addi %while3A_119, %while3A_120 : i32
    %while3A_122 = arith.constant 1 : i32
    %while3A_123 = arith.divsi %while3A_120, %while3A_122 : i32
    %while3A_124 = arith.muli %while3A_123, %while3A_122 : i32
    %while3A_125 = arith.addi %while3A_119, %while3A_124 : i32
    %while3A_126 = arith.constant 1 : i32
    scf.for %while3A_198 = %while3A_119 to %while3A_125 step %while3A_126  : i32 {
      %mul3A_199 = arith.constant 2 : i32
      %mul3A_200 = arith.muli %while3A_198, %mul3A_199 : i32
      %add3A_201 = arith.constant 0 : i32
      %add3A_202 = arith.addi %mul3A_200, %add3A_201 : i32
      %dma_wait3A_203 = arith.constant 0 : i32
      %dma_wait3A_204 = arith.constant 0 : i32
      %dma_wait3A_205 = arith.constant 0 : i32
      %dma_wait3A_206 = arith.constant 0 : i32
      %dma_wait3A_207 = arith.constant 0 : i32
      %dma_wait3A_208 = tpu.memref_slice %arg8[%dma_wait3A_204, %dma_wait3A_206, %dma_wait3A_207] : memref<2x128x128xf32, #tpu.memory_space<vmem>> -> memref<1x64x128xf32, #tpu.memory_space<vmem>>
      %dma_wait3A_209 = tpu.memref_squeeze %dma_wait3A_208 : memref<1x64x128xf32, #tpu.memory_space<vmem>> -> memref<64x128xf32, #tpu.memory_space<vmem>>
      %dma_wait3A_210 = arith.constant 0 : i32
      %dma_wait3A_211 = tpu.memref_slice %arg6[%dma_wait3A_203, %dma_wait3A_210] : memref<2x128xi32, #tpu.memory_space<vmem>> -> memref<1x64xi32, #tpu.memory_space<vmem>>
      %dma_wait3A_212 = tpu.memref_squeeze %dma_wait3A_211 : memref<1x64xi32, #tpu.memory_space<vmem>> -> memref<64xi32, #tpu.memory_space<vmem>>
      %dma_wait3A_213 = arith.constant 0 : i32
      %dma_wait3A_214 = arith.constant 0 : i32
      %dma_wait3A_215 = tpu.memref_slice %arg3[%dma_wait3A_213, %dma_wait3A_214] : memref<10000x128xf32, #tpu.memory_space<hbm>> -> memref<10000x128xf32, #tpu.memory_space<hbm>>
      %dma_wait3A_216 = tpu.memref_slice %arg11[%dma_wait3A_205] : memref<2x!tpu.dma_semaphore, #tpu.memory_space<semaphore_mem>> -> memref<1x!tpu.dma_semaphore, #tpu.memory_space<semaphore_mem>>
      %dma_wait3A_217 = tpu.memref_squeeze %dma_wait3A_216 : memref<1x!tpu.dma_semaphore, #tpu.memory_space<semaphore_mem>> -> memref<!tpu.dma_semaphore, #tpu.memory_space<semaphore_mem>>
      tpu.wait_indirect_dma semaphore(%dma_wait3A_217 : memref<!tpu.dma_semaphore, #tpu.memory_space<semaphore_mem>>) src(%dma_wait3A_215 : memref<10000x128xf32, #tpu.memory_space<hbm>>) dst(%dma_wait3A_209 : memref<64x128xf32, #tpu.memory_space<vmem>>)
      %dma_wait3A_218 = arith.constant 0 : i32
      %dma_wait3A_219 = arith.constant 0 : i32
      %dma_wait3A_220 = arith.constant 0 : i32
      %dma_wait3A_221 = arith.constant 64 : i32
      %dma_wait3A_222 = arith.constant 0 : i32
      %dma_wait3A_223 = tpu.memref_slice %arg8[%dma_wait3A_219, %dma_wait3A_221, %dma_wait3A_222] : memref<2x128x128xf32, #tpu.memory_space<vmem>> -> memref<1x64x128xf32, #tpu.memory_space<vmem>>
      %dma_wait3A_224 = tpu.memref_squeeze %dma_wait3A_223 : memref<1x64x128xf32, #tpu.memory_space<vmem>> -> memref<64x128xf32, #tpu.memory_space<vmem>>
      %dma_wait3A_225 = arith.constant 64 : i32
      %dma_wait3A_226 = tpu.memref_slice %arg6[%dma_wait3A_218, %dma_wait3A_225] : memref<2x128xi32, #tpu.memory_space<vmem>> -> memref<1x64xi32, #tpu.memory_space<vmem>>
      %dma_wait3A_227 = tpu.memref_squeeze %dma_wait3A_226 : memref<1x64xi32, #tpu.memory_space<vmem>> -> memref<64xi32, #tpu.memory_space<vmem>>
      %dma_wait3A_228 = arith.constant 0 : i32
      %dma_wait3A_229 = arith.constant 0 : i32
      %dma_wait3A_230 = tpu.memref_slice %arg3[%dma_wait3A_228, %dma_wait3A_229] : memref<10000x128xf32, #tpu.memory_space<hbm>> -> memref<10000x128xf32, #tpu.memory_space<hbm>>
      %dma_wait3A_231 = tpu.memref_slice %arg11[%dma_wait3A_220] : memref<2x!tpu.dma_semaphore, #tpu.memory_space<semaphore_mem>> -> memref<1x!tpu.dma_semaphore, #tpu.memory_space<semaphore_mem>>
      %dma_wait3A_232 = tpu.memref_squeeze %dma_wait3A_231 : memref<1x!tpu.dma_semaphore, #tpu.memory_space<semaphore_mem>> -> memref<!tpu.dma_semaphore, #tpu.memory_space<semaphore_mem>>
      tpu.wait_indirect_dma semaphore(%dma_wait3A_232 : memref<!tpu.dma_semaphore, #tpu.memory_space<semaphore_mem>>) src(%dma_wait3A_230 : memref<10000x128xf32, #tpu.memory_space<hbm>>) dst(%dma_wait3A_224 : memref<64x128xf32, #tpu.memory_space<vmem>>)
      %run_scoped3A_233 = arith.constant 0 : i32
      %run_scoped3A_234 = arith.constant 0 : i32
      "tpu.region"() ({
        %run_scoped3A_347 = tpu.sem_alloc : memref<!tpu.dma_semaphore, #tpu.memory_space<semaphore_mem>>
        %dma_start3A_348 = arith.constant 0 : i32
        %dma_start3A_349 = arith.constant 0 : i32
        %dma_start3A_350 = tpu.memref_slice %arg8[%run_scoped3A_233, %dma_start3A_348, %dma_start3A_349] : memref<2x128x128xf32, #tpu.memory_space<vmem>> -> memref<1x128x128xf32, #tpu.memory_space<vmem>>
        %dma_start3A_351 = tpu.memref_squeeze %dma_start3A_350 : memref<1x128x128xf32, #tpu.memory_space<vmem>> -> memref<128x128xf32, #tpu.memory_space<vmem>>
        %dma_start3A_352 = arith.constant 0 : i32
        %dma_start3A_353 = tpu.memref_slice %arg7[%run_scoped3A_234, %dma_start3A_352] : memref<2x128xi32, #tpu.memory_space<vmem>> -> memref<1x128xi32, #tpu.memory_space<vmem>>
        %dma_start3A_354 = tpu.memref_squeeze %dma_start3A_353 : memref<1x128xi32, #tpu.memory_space<vmem>> -> memref<128xi32, #tpu.memory_space<vmem>>
        %dma_start3A_355 = arith.constant 0 : i32
        %dma_start3A_356 = arith.constant 0 : i32
        %dma_start3A_357 = tpu.memref_slice %arg9[%dma_start3A_355, %dma_start3A_356] : memref<10240x128xf32, #tpu.memory_space<vmem_shared>> -> memref<10240x128xf32, #tpu.memory_space<vmem_shared>>
        tpu.enqueue_indirect_dma source(%dma_start3A_351 : memref<128x128xf32, #tpu.memory_space<vmem>>) target(%dma_start3A_357 : memref<10240x128xf32, #tpu.memory_space<vmem_shared>>) offsets(%dma_start3A_354 : memref<128xi32, #tpu.memory_space<vmem>>) semaphore(%run_scoped3A_347 : memref<!tpu.dma_semaphore, #tpu.memory_space<semaphore_mem>>) {add = true}
        %dma_wait3A_358 = arith.constant 0 : i32
        %dma_wait3A_359 = arith.constant 0 : i32
        %dma_wait3A_360 = tpu.memref_slice %arg8[%run_scoped3A_233, %dma_wait3A_358, %dma_wait3A_359] : memref<2x128x128xf32, #tpu.memory_space<vmem>> -> memref<1x128x128xf32, #tpu.memory_space<vmem>>
        %dma_wait3A_361 = tpu.memref_squeeze %dma_wait3A_360 : memref<1x128x128xf32, #tpu.memory_space<vmem>> -> memref<128x128xf32, #tpu.memory_space<vmem>>
        %dma_wait3A_362 = arith.constant 0 : i32
        %dma_wait3A_363 = tpu.memref_slice %arg7[%run_scoped3A_234, %dma_wait3A_362] : memref<2x128xi32, #tpu.memory_space<vmem>> -> memref<1x128xi32, #tpu.memory_space<vmem>>
        %dma_wait3A_364 = tpu.memref_squeeze %dma_wait3A_363 : memref<1x128xi32, #tpu.memory_space<vmem>> -> memref<128xi32, #tpu.memory_space<vmem>>
        %dma_wait3A_365 = arith.constant 0 : i32
        %dma_wait3A_366 = arith.constant 0 : i32
        %dma_wait3A_367 = tpu.memref_slice %arg9[%dma_wait3A_365, %dma_wait3A_366] : memref<10240x128xf32, #tpu.memory_space<vmem_shared>> -> memref<10240x128xf32, #tpu.memory_space<vmem_shared>>
        tpu.wait_indirect_dma semaphore(%run_scoped3A_347 : memref<!tpu.dma_semaphore, #tpu.memory_space<semaphore_mem>>) src(%dma_wait3A_361 : memref<128x128xf32, #tpu.memory_space<vmem>>) dst(%dma_wait3A_367 : memref<10240x128xf32, #tpu.memory_space<vmem_shared>>)
        tpu.yield
      }) : () -> ()
      %add3A_235 = arith.constant 2 : i32
      %add3A_236 = arith.addi %add3A_202, %add3A_235 : i32
      %scan3A_237 = arith.constant 0 : i32
      %scan3A_238 = arith.constant 0 : i32
      %scan3A_239 = arith.constant 8 : i32
      %scan3A_240 = arith.addi %scan3A_238, %scan3A_239 : i32
      %scan3A_241 = arith.constant 1 : i32
      scf.for %scan3A_347 = %scan3A_238 to %scan3A_240 step %scan3A_241  : i32 {
        %mul3A_348 = arith.constant 16 : i32
        %mul3A_349 = arith.muli %scan3A_347, %mul3A_348 : i32
        %get3A = arith.index_cast %add3A_236 : i32 to index
        %get3A_350 = arith.index_cast %mul3A_349 : i32 to index
        %get3A_351 = tpu.vector_load %arg5[%get3A, %get3A_350] {strides = array<i32>} : memref<80x128xi32, #tpu.memory_space<vmem>>, vector<1x16xi32>,
        %get3A_352 = vector.shape_cast %get3A_351 : vector<1x16xi32> to vector<16xi32>
        %shift_right_logical3A = arith.constant 14 : i32
        %shift_right_logical3A_353 = vector.broadcast %shift_right_logical3A : i32 to vector<16xi32>
        %shift_right_logical3A_354 = arith.shrui %get3A_352, %shift_right_logical3A_353 : vector<16xi32>
        %mul3A_355 = arith.constant 16 : i32
        %mul3A_356 = arith.muli %scan3A_347, %mul3A_355 : i32
        %swap3A = arith.constant 0 : i32
        %swap3A_357 = arith.index_cast %swap3A : i32 to index
        %swap3A_358 = arith.index_cast %mul3A_356 : i32 to index
        %swap3A_359 = tpu.vector_load %arg6[%swap3A_357, %swap3A_358] {strides = array<i32>} : memref<2x128xi32, #tpu.memory_space<vmem>>, vector<1x16xi32>,
        %swap3A_360 = vector.shape_cast %swap3A_359 : vector<1x16xi32> to vector<16xi32>
        %swap3A_361 = vector.shape_cast %shift_right_logical3A_354 : vector<16xi32> to vector<1x16xi32>
        tpu.vector_store %arg6[%swap3A_357, %swap3A_358], %swap3A_361 {strides = array<i32>} : memref<2x128xi32, #tpu.memory_space<vmem>>, vector<1x16xi32>,
        %and3A_362 = arith.constant 16383 : i32
        %and3A_363 = vector.broadcast %and3A_362 : i32 to vector<16xi32>
        %and3A_364 = arith.andi %get3A_352, %and3A_363 : vector<16xi32>
        %mul3A_365 = arith.constant 16 : i32
        %mul3A_366 = arith.muli %scan3A_347, %mul3A_365 : i32
        %swap3A_367 = arith.constant 0 : i32
        %swap3A_368 = arith.index_cast %swap3A_367 : i32 to index
        %swap3A_369 = arith.index_cast %mul3A_366 : i32 to index
        %swap3A_370 = tpu.vector_load %arg7[%swap3A_368, %swap3A_369] {strides = array<i32>} : memref<2x128xi32, #tpu.memory_space<vmem>>, vector<1x16xi32>,
        %swap3A_371 = vector.shape_cast %swap3A_370 : vector<1x16xi32> to vector<16xi32>
        %swap3A_372 = vector.shape_cast %and3A_364 : vector<16xi32> to vector<1x16xi32>
        tpu.vector_store %arg7[%swap3A_368, %swap3A_369], %swap3A_372 {strides = array<i32>} : memref<2x128xi32, #tpu.memory_space<vmem>>, vector<1x16xi32>,
      }
      %scan3A_242 = arith.constant 8 : i32
      %dma_start3A_243 = arith.constant 0 : i32
      %dma_start3A_244 = arith.constant 0 : i32
      %dma_start3A_245 = arith.constant 0 : i32
      %dma_start3A_246 = arith.constant 0 : i32
      %dma_start3A_247 = arith.constant 0 : i32
      %dma_start3A_248 = tpu.memref_slice %arg8[%dma_start3A_244, %dma_start3A_246, %dma_start3A_247] : memref<2x128x128xf32, #tpu.memory_space<vmem>> -> memref<1x64x128xf32, #tpu.memory_space<vmem>>
      %dma_start3A_249 = tpu.memref_squeeze %dma_start3A_248 : memref<1x64x128xf32, #tpu.memory_space<vmem>> -> memref<64x128xf32, #tpu.memory_space<vmem>>
      %dma_start3A_250 = arith.constant 0 : i32
      %dma_start3A_251 = tpu.memref_slice %arg6[%dma_start3A_243, %dma_start3A_250] : memref<2x128xi32, #tpu.memory_space<vmem>> -> memref<1x64xi32, #tpu.memory_space<vmem>>
      %dma_start3A_252 = tpu.memref_squeeze %dma_start3A_251 : memref<1x64xi32, #tpu.memory_space<vmem>> -> memref<64xi32, #tpu.memory_space<vmem>>
      %dma_start3A_253 = arith.constant 0 : i32
      %dma_start3A_254 = arith.constant 0 : i32
      %dma_start3A_255 = tpu.memref_slice %arg3[%dma_start3A_253, %dma_start3A_254] : memref<10000x128xf32, #tpu.memory_space<hbm>> -> memref<10000x128xf32, #tpu.memory_space<hbm>>
      %dma_start3A_256 = tpu.memref_slice %arg11[%dma_start3A_245] : memref<2x!tpu.dma_semaphore, #tpu.memory_space<semaphore_mem>> -> memref<1x!tpu.dma_semaphore, #tpu.memory_space<semaphore_mem>>
      %dma_start3A_257 = tpu.memref_squeeze %dma_start3A_256 : memref<1x!tpu.dma_semaphore, #tpu.memory_space<semaphore_mem>> -> memref<!tpu.dma_semaphore, #tpu.memory_space<semaphore_mem>>
      tpu.enqueue_indirect_dma source(%dma_start3A_255 : memref<10000x128xf32, #tpu.memory_space<hbm>>) target(%dma_start3A_249 : memref<64x128xf32, #tpu.memory_space<vmem>>) offsets(%dma_start3A_252 : memref<64xi32, #tpu.memory_space<vmem>>) semaphore(%dma_start3A_257 : memref<!tpu.dma_semaphore, #tpu.memory_space<semaphore_mem>>)
      %dma_start3A_258 = arith.constant 0 : i32
      %dma_start3A_259 = arith.constant 0 : i32
      %dma_start3A_260 = arith.constant 0 : i32
      %dma_start3A_261 = arith.constant 64 : i32
      %dma_start3A_262 = arith.constant 0 : i32
      %dma_start3A_263 = tpu.memref_slice %arg8[%dma_start3A_259, %dma_start3A_261, %dma_start3A_262] : memref<2x128x128xf32, #tpu.memory_space<vmem>> -> memref<1x64x128xf32, #tpu.memory_space<vmem>>
      %dma_start3A_264 = tpu.memref_squeeze %dma_start3A_263 : memref<1x64x128xf32, #tpu.memory_space<vmem>> -> memref<64x128xf32, #tpu.memory_space<vmem>>
      %dma_start3A_265 = arith.constant 64 : i32
      %dma_start3A_266 = tpu.memref_slice %arg6[%dma_start3A_258, %dma_start3A_265] : memref<2x128xi32, #tpu.memory_space<vmem>> -> memref<1x64xi32, #tpu.memory_space<vmem>>
      %dma_start3A_267 = tpu.memref_squeeze %dma_start3A_266 : memref<1x64xi32, #tpu.memory_space<vmem>> -> memref<64xi32, #tpu.memory_space<vmem>>
      %dma_start3A_268 = arith.constant 0 : i32
      %dma_start3A_269 = arith.constant 0 : i32
      %dma_start3A_270 = tpu.memref_slice %arg3[%dma_start3A_268, %dma_start3A_269] : memref<10000x128xf32, #tpu.memory_space<hbm>> -> memref<10000x128xf32, #tpu.memory_space<hbm>>
      %dma_start3A_271 = tpu.memref_slice %arg11[%dma_start3A_260] : memref<2x!tpu.dma_semaphore, #tpu.memory_space<semaphore_mem>> -> memref<1x!tpu.dma_semaphore, #tpu.memory_space<semaphore_mem>>
      %dma_start3A_272 = tpu.memref_squeeze %dma_start3A_271 : memref<1x!tpu.dma_semaphore, #tpu.memory_space<semaphore_mem>> -> memref<!tpu.dma_semaphore, #tpu.memory_space<semaphore_mem>>
      tpu.enqueue_indirect_dma source(%dma_start3A_270 : memref<10000x128xf32, #tpu.memory_space<hbm>>) target(%dma_start3A_264 : memref<64x128xf32, #tpu.memory_space<vmem>>) offsets(%dma_start3A_267 : memref<64xi32, #tpu.memory_space<vmem>>) semaphore(%dma_start3A_272 : memref<!tpu.dma_semaphore, #tpu.memory_space<semaphore_mem>>)
      %mul3A_273 = arith.constant 2 : i32
      %mul3A_274 = arith.muli %while3A_198, %mul3A_273 : i32
      %add3A_275 = arith.constant 1 : i32
      %add3A_276 = arith.addi %mul3A_274, %add3A_275 : i32
      %dma_wait3A_277 = arith.constant 1 : i32
      %dma_wait3A_278 = arith.constant 1 : i32
      %dma_wait3A_279 = arith.constant 1 : i32
      %dma_wait3A_280 = arith.constant 0 : i32
      %dma_wait3A_281 = arith.constant 0 : i32
      %dma_wait3A_282 = tpu.memref_slice %arg8[%dma_wait3A_278, %dma_wait3A_280, %dma_wait3A_281] : memref<2x128x128xf32, #tpu.memory_space<vmem>> -> memref<1x64x128xf32, #tpu.memory_space<vmem>>
      %dma_wait3A_283 = tpu.memref_squeeze %dma_wait3A_282 : memref<1x64x128xf32, #tpu.memory_space<vmem>> -> memref<64x128xf32, #tpu.memory_space<vmem>>
      %dma_wait3A_284 = arith.constant 0 : i32
      %dma_wait3A_285 = tpu.memref_slice %arg6[%dma_wait3A_277, %dma_wait3A_284] : memref<2x128xi32, #tpu.memory_space<vmem>> -> memref<1x64xi32, #tpu.memory_space<vmem>>
      %dma_wait3A_286 = tpu.memref_squeeze %dma_wait3A_285 : memref<1x64xi32, #tpu.memory_space<vmem>> -> memref<64xi32, #tpu.memory_space<vmem>>
      %dma_wait3A_287 = arith.constant 0 : i32
      %dma_wait3A_288 = arith.constant 0 : i32
      %dma_wait3A_289 = tpu.memref_slice %arg3[%dma_wait3A_287, %dma_wait3A_288] : memref<10000x128xf32, #tpu.memory_space<hbm>> -> memref<10000x128xf32, #tpu.memory_space<hbm>>
      %dma_wait3A_290 = tpu.memref_slice %arg11[%dma_wait3A_279] : memref<2x!tpu.dma_semaphore, #tpu.memory_space<semaphore_mem>> -> memref<1x!tpu.dma_semaphore, #tpu.memory_space<semaphore_mem>>
      %dma_wait3A_291 = tpu.memref_squeeze %dma_wait3A_290 : memref<1x!tpu.dma_semaphore, #tpu.memory_space<semaphore_mem>> -> memref<!tpu.dma_semaphore, #tpu.memory_space<semaphore_mem>>
      tpu.wait_indirect_dma semaphore(%dma_wait3A_291 : memref<!tpu.dma_semaphore, #tpu.memory_space<semaphore_mem>>) src(%dma_wait3A_289 : memref<10000x128xf32, #tpu.memory_space<hbm>>) dst(%dma_wait3A_283 : memref<64x128xf32, #tpu.memory_space<vmem>>)
      %dma_wait3A_292 = arith.constant 1 : i32
      %dma_wait3A_293 = arith.constant 1 : i32
      %dma_wait3A_294 = arith.constant 1 : i32
      %dma_wait3A_295 = arith.constant 64 : i32
      %dma_wait3A_296 = arith.constant 0 : i32
      %dma_wait3A_297 = tpu.memref_slice %arg8[%dma_wait3A_293, %dma_wait3A_295, %dma_wait3A_296] : memref<2x128x128xf32, #tpu.memory_space<vmem>> -> memref<1x64x128xf32, #tpu.memory_space<vmem>>
      %dma_wait3A_298 = tpu.memref_squeeze %dma_wait3A_297 : memref<1x64x128xf32, #tpu.memory_space<vmem>> -> memref<64x128xf32, #tpu.memory_space<vmem>>
      %dma_wait3A_299 = arith.constant 64 : i32
      %dma_wait3A_300 = tpu.memref_slice %arg6[%dma_wait3A_292, %dma_wait3A_299] : memref<2x128xi32, #tpu.memory_space<vmem>> -> memref<1x64xi32, #tpu.memory_space<vmem>>
      %dma_wait3A_301 = tpu.memref_squeeze %dma_wait3A_300 : memref<1x64xi32, #tpu.memory_space<vmem>> -> memref<64xi32, #tpu.memory_space<vmem>>
      %dma_wait3A_302 = arith.constant 0 : i32
      %dma_wait3A_303 = arith.constant 0 : i32
      %dma_wait3A_304 = tpu.memref_slice %arg3[%dma_wait3A_302, %dma_wait3A_303] : memref<10000x128xf32, #tpu.memory_space<hbm>> -> memref<10000x128xf32, #tpu.memory_space<hbm>>
      %dma_wait3A_305 = tpu.memref_slice %arg11[%dma_wait3A_294] : memref<2x!tpu.dma_semaphore, #tpu.memory_space<semaphore_mem>> -> memref<1x!tpu.dma_semaphore, #tpu.memory_space<semaphore_mem>>
      %dma_wait3A_306 = tpu.memref_squeeze %dma_wait3A_305 : memref<1x!tpu.dma_semaphore, #tpu.memory_space<semaphore_mem>> -> memref<!tpu.dma_semaphore, #tpu.memory_space<semaphore_mem>>
      tpu.wait_indirect_dma semaphore(%dma_wait3A_306 : memref<!tpu.dma_semaphore, #tpu.memory_space<semaphore_mem>>) src(%dma_wait3A_304 : memref<10000x128xf32, #tpu.memory_space<hbm>>) dst(%dma_wait3A_298 : memref<64x128xf32, #tpu.memory_space<vmem>>)
      %run_scoped3A_307 = arith.constant 1 : i32
      %run_scoped3A_308 = arith.constant 1 : i32
      "tpu.region"() ({
        %run_scoped3A_347 = tpu.sem_alloc : memref<!tpu.dma_semaphore, #tpu.memory_space<semaphore_mem>>
        %dma_start3A_348 = arith.constant 0 : i32
        %dma_start3A_349 = arith.constant 0 : i32
        %dma_start3A_350 = tpu.memref_slice %arg8[%run_scoped3A_307, %dma_start3A_348, %dma_start3A_349] : memref<2x128x128xf32, #tpu.memory_space<vmem>> -> memref<1x128x128xf32, #tpu.memory_space<vmem>>
        %dma_start3A_351 = tpu.memref_squeeze %dma_start3A_350 : memref<1x128x128xf32, #tpu.memory_space<vmem>> -> memref<128x128xf32, #tpu.memory_space<vmem>>
        %dma_start3A_352 = arith.constant 0 : i32
        %dma_start3A_353 = tpu.memref_slice %arg7[%run_scoped3A_308, %dma_start3A_352] : memref<2x128xi32, #tpu.memory_space<vmem>> -> memref<1x128xi32, #tpu.memory_space<vmem>>
        %dma_start3A_354 = tpu.memref_squeeze %dma_start3A_353 : memref<1x128xi32, #tpu.memory_space<vmem>> -> memref<128xi32, #tpu.memory_space<vmem>>
        %dma_start3A_355 = arith.constant 0 : i32
        %dma_start3A_356 = arith.constant 0 : i32
        %dma_start3A_357 = tpu.memref_slice %arg9[%dma_start3A_355, %dma_start3A_356] : memref<10240x128xf32, #tpu.memory_space<vmem_shared>> -> memref<10240x128xf32, #tpu.memory_space<vmem_shared>>
        tpu.enqueue_indirect_dma source(%dma_start3A_351 : memref<128x128xf32, #tpu.memory_space<vmem>>) target(%dma_start3A_357 : memref<10240x128xf32, #tpu.memory_space<vmem_shared>>) offsets(%dma_start3A_354 : memref<128xi32, #tpu.memory_space<vmem>>) semaphore(%run_scoped3A_347 : memref<!tpu.dma_semaphore, #tpu.memory_space<semaphore_mem>>) {add = true}
        %dma_wait3A_358 = arith.constant 0 : i32
        %dma_wait3A_359 = arith.constant 0 : i32
        %dma_wait3A_360 = tpu.memref_slice %arg8[%run_scoped3A_307, %dma_wait3A_358, %dma_wait3A_359] : memref<2x128x128xf32, #tpu.memory_space<vmem>> -> memref<1x128x128xf32, #tpu.memory_space<vmem>>
        %dma_wait3A_361 = tpu.memref_squeeze %dma_wait3A_360 : memref<1x128x128xf32, #tpu.memory_space<vmem>> -> memref<128x128xf32, #tpu.memory_space<vmem>>
        %dma_wait3A_362 = arith.constant 0 : i32
        %dma_wait3A_363 = tpu.memref_slice %arg7[%run_scoped3A_308, %dma_wait3A_362] : memref<2x128xi32, #tpu.memory_space<vmem>> -> memref<1x128xi32, #tpu.memory_space<vmem>>
        %dma_wait3A_364 = tpu.memref_squeeze %dma_wait3A_363 : memref<1x128xi32, #tpu.memory_space<vmem>> -> memref<128xi32, #tpu.memory_space<vmem>>
        %dma_wait3A_365 = arith.constant 0 : i32
        %dma_wait3A_366 = arith.constant 0 : i32
        %dma_wait3A_367 = tpu.memref_slice %arg9[%dma_wait3A_365, %dma_wait3A_366] : memref<10240x128xf32, #tpu.memory_space<vmem_shared>> -> memref<10240x128xf32, #tpu.memory_space<vmem_shared>>
        tpu.wait_indirect_dma semaphore(%run_scoped3A_347 : memref<!tpu.dma_semaphore, #tpu.memory_space<semaphore_mem>>) src(%dma_wait3A_361 : memref<128x128xf32, #tpu.memory_space<vmem>>) dst(%dma_wait3A_367 : memref<10240x128xf32, #tpu.memory_space<vmem_shared>>)
        tpu.yield
      }) : () -> ()
      %add3A_309 = arith.constant 2 : i32
      %add3A_310 = arith.addi %add3A_276, %add3A_309 : i32
      %scan3A_311 = arith.constant 0 : i32
      %scan3A_312 = arith.constant 0 : i32
      %scan3A_313 = arith.constant 8 : i32
      %scan3A_314 = arith.addi %scan3A_312, %scan3A_313 : i32
      %scan3A_315 = arith.constant 1 : i32
      scf.for %scan3A_347 = %scan3A_312 to %scan3A_314 step %scan3A_315  : i32 {
        %mul3A_348 = arith.constant 16 : i32
        %mul3A_349 = arith.muli %scan3A_347, %mul3A_348 : i32
        %get3A = arith.index_cast %add3A_310 : i32 to index
        %get3A_350 = arith.index_cast %mul3A_349 : i32 to index
        %get3A_351 = tpu.vector_load %arg5[%get3A, %get3A_350] {strides = array<i32>} : memref<80x128xi32, #tpu.memory_space<vmem>>, vector<1x16xi32>,
        %get3A_352 = vector.shape_cast %get3A_351 : vector<1x16xi32> to vector<16xi32>
        %shift_right_logical3A = arith.constant 14 : i32
        %shift_right_logical3A_353 = vector.broadcast %shift_right_logical3A : i32 to vector<16xi32>
        %shift_right_logical3A_354 = arith.shrui %get3A_352, %shift_right_logical3A_353 : vector<16xi32>
        %mul3A_355 = arith.constant 16 : i32
        %mul3A_356 = arith.muli %scan3A_347, %mul3A_355 : i32
        %swap3A = arith.constant 1 : i32
        %swap3A_357 = arith.index_cast %swap3A : i32 to index
        %swap3A_358 = arith.index_cast %mul3A_356 : i32 to index
        %swap3A_359 = tpu.vector_load %arg6[%swap3A_357, %swap3A_358] {strides = array<i32>} : memref<2x128xi32, #tpu.memory_space<vmem>>, vector<1x16xi32>,
        %swap3A_360 = vector.shape_cast %swap3A_359 : vector<1x16xi32> to vector<16xi32>
        %swap3A_361 = vector.shape_cast %shift_right_logical3A_354 : vector<16xi32> to vector<1x16xi32>
        tpu.vector_store %arg6[%swap3A_357, %swap3A_358], %swap3A_361 {strides = array<i32>} : memref<2x128xi32, #tpu.memory_space<vmem>>, vector<1x16xi32>,
        %and3A_362 = arith.constant 16383 : i32
        %and3A_363 = vector.broadcast %and3A_362 : i32 to vector<16xi32>
        %and3A_364 = arith.andi %get3A_352, %and3A_363 : vector<16xi32>
        %mul3A_365 = arith.constant 16 : i32
        %mul3A_366 = arith.muli %scan3A_347, %mul3A_365 : i32
        %swap3A_367 = arith.constant 1 : i32
        %swap3A_368 = arith.index_cast %swap3A_367 : i32 to index
        %swap3A_369 = arith.index_cast %mul3A_366 : i32 to index
        %swap3A_370 = tpu.vector_load %arg7[%swap3A_368, %swap3A_369] {strides = array<i32>} : memref<2x128xi32, #tpu.memory_space<vmem>>, vector<1x16xi32>,
        %swap3A_371 = vector.shape_cast %swap3A_370 : vector<1x16xi32> to vector<16xi32>
        %swap3A_372 = vector.shape_cast %and3A_364 : vector<16xi32> to vector<1x16xi32>
        tpu.vector_store %arg7[%swap3A_368, %swap3A_369], %swap3A_372 {strides = array<i32>} : memref<2x128xi32, #tpu.memory_space<vmem>>, vector<1x16xi32>,
      }
      %scan3A_316 = arith.constant 8 : i32
      %dma_start3A_317 = arith.constant 1 : i32
      %dma_start3A_318 = arith.constant 1 : i32
      %dma_start3A_319 = arith.constant 1 : i32
      %dma_start3A_320 = arith.constant 0 : i32
      %dma_start3A_321 = arith.constant 0 : i32
      %dma_start3A_322 = tpu.memref_slice %arg8[%dma_start3A_318, %dma_start3A_320, %dma_start3A_321] : memref<2x128x128xf32, #tpu.memory_space<vmem>> -> memref<1x64x128xf32, #tpu.memory_space<vmem>>
      %dma_start3A_323 = tpu.memref_squeeze %dma_start3A_322 : memref<1x64x128xf32, #tpu.memory_space<vmem>> -> memref<64x128xf32, #tpu.memory_space<vmem>>
      %dma_start3A_324 = arith.constant 0 : i32
      %dma_start3A_325 = tpu.memref_slice %arg6[%dma_start3A_317, %dma_start3A_324] : memref<2x128xi32, #tpu.memory_space<vmem>> -> memref<1x64xi32, #tpu.memory_space<vmem>>
      %dma_start3A_326 = tpu.memref_squeeze %dma_start3A_325 : memref<1x64xi32, #tpu.memory_space<vmem>> -> memref<64xi32, #tpu.memory_space<vmem>>
      %dma_start3A_327 = arith.constant 0 : i32
      %dma_start3A_328 = arith.constant 0 : i32
      %dma_start3A_329 = tpu.memref_slice %arg3[%dma_start3A_327, %dma_start3A_328] : memref<10000x128xf32, #tpu.memory_space<hbm>> -> memref<10000x128xf32, #tpu.memory_space<hbm>>
      %dma_start3A_330 = tpu.memref_slice %arg11[%dma_start3A_319] : memref<2x!tpu.dma_semaphore, #tpu.memory_space<semaphore_mem>> -> memref<1x!tpu.dma_semaphore, #tpu.memory_space<semaphore_mem>>
      %dma_start3A_331 = tpu.memref_squeeze %dma_start3A_330 : memref<1x!tpu.dma_semaphore, #tpu.memory_space<semaphore_mem>> -> memref<!tpu.dma_semaphore, #tpu.memory_space<semaphore_mem>>
      tpu.enqueue_indirect_dma source(%dma_start3A_329 : memref<10000x128xf32, #tpu.memory_space<hbm>>) target(%dma_start3A_323 : memref<64x128xf32, #tpu.memory_space<vmem>>) offsets(%dma_start3A_326 : memref<64xi32, #tpu.memory_space<vmem>>) semaphore(%dma_start3A_331 : memref<!tpu.dma_semaphore, #tpu.memory_space<semaphore_mem>>)
      %dma_start3A_332 = arith.constant 1 : i32
      %dma_start3A_333 = arith.constant 1 : i32
      %dma_start3A_334 = arith.constant 1 : i32
      %dma_start3A_335 = arith.constant 64 : i32
      %dma_start3A_336 = arith.constant 0 : i32
      %dma_start3A_337 = tpu.memref_slice %arg8[%dma_start3A_333, %dma_start3A_335, %dma_start3A_336] : memref<2x128x128xf32, #tpu.memory_space<vmem>> -> memref<1x64x128xf32, #tpu.memory_space<vmem>>
      %dma_start3A_338 = tpu.memref_squeeze %dma_start3A_337 : memref<1x64x128xf32, #tpu.memory_space<vmem>> -> memref<64x128xf32, #tpu.memory_space<vmem>>
      %dma_start3A_339 = arith.constant 64 : i32
      %dma_start3A_340 = tpu.memref_slice %arg6[%dma_start3A_332, %dma_start3A_339] : memref<2x128xi32, #tpu.memory_space<vmem>> -> memref<1x64xi32, #tpu.memory_space<vmem>>
      %dma_start3A_341 = tpu.memref_squeeze %dma_start3A_340 : memref<1x64xi32, #tpu.memory_space<vmem>> -> memref<64xi32, #tpu.memory_space<vmem>>
      %dma_start3A_342 = arith.constant 0 : i32
      %dma_start3A_343 = arith.constant 0 : i32
      %dma_start3A_344 = tpu.memref_slice %arg3[%dma_start3A_342, %dma_start3A_343] : memref<10000x128xf32, #tpu.memory_space<hbm>> -> memref<10000x128xf32, #tpu.memory_space<hbm>>
      %dma_start3A_345 = tpu.memref_slice %arg11[%dma_start3A_334] : memref<2x!tpu.dma_semaphore, #tpu.memory_space<semaphore_mem>> -> memref<1x!tpu.dma_semaphore, #tpu.memory_space<semaphore_mem>>
      %dma_start3A_346 = tpu.memref_squeeze %dma_start3A_345 : memref<1x!tpu.dma_semaphore, #tpu.memory_space<semaphore_mem>> -> memref<!tpu.dma_semaphore, #tpu.memory_space<semaphore_mem>>
      tpu.enqueue_indirect_dma source(%dma_start3A_344 : memref<10000x128xf32, #tpu.memory_space<hbm>>) target(%dma_start3A_338 : memref<64x128xf32, #tpu.memory_space<vmem>>) offsets(%dma_start3A_341 : memref<64xi32, #tpu.memory_space<vmem>>) semaphore(%dma_start3A_346 : memref<!tpu.dma_semaphore, #tpu.memory_space<semaphore_mem>>)
    }
    %while3A_127 = arith.constant 1 : i32
    scf.for %while3A_198 = %while3A_125 to %while3A_121 step %while3A_127  : i32 {
      %mul3A_199 = arith.constant 2 : i32
      %mul3A_200 = arith.muli %while3A_198, %mul3A_199 : i32
      %add3A_201 = arith.constant 0 : i32
      %add3A_202 = arith.addi %mul3A_200, %add3A_201 : i32
      %dma_wait3A_203 = arith.constant 0 : i32
      %dma_wait3A_204 = arith.constant 0 : i32
      %dma_wait3A_205 = arith.constant 0 : i32
      %dma_wait3A_206 = arith.constant 0 : i32
      %dma_wait3A_207 = arith.constant 0 : i32
      %dma_wait3A_208 = tpu.memref_slice %arg8[%dma_wait3A_204, %dma_wait3A_206, %dma_wait3A_207] : memref<2x128x128xf32, #tpu.memory_space<vmem>> -> memref<1x64x128xf32, #tpu.memory_space<vmem>>
      %dma_wait3A_209 = tpu.memref_squeeze %dma_wait3A_208 : memref<1x64x128xf32, #tpu.memory_space<vmem>> -> memref<64x128xf32, #tpu.memory_space<vmem>>
      %dma_wait3A_210 = arith.constant 0 : i32
      %dma_wait3A_211 = tpu.memref_slice %arg6[%dma_wait3A_203, %dma_wait3A_210] : memref<2x128xi32, #tpu.memory_space<vmem>> -> memref<1x64xi32, #tpu.memory_space<vmem>>
      %dma_wait3A_212 = tpu.memref_squeeze %dma_wait3A_211 : memref<1x64xi32, #tpu.memory_space<vmem>> -> memref<64xi32, #tpu.memory_space<vmem>>
      %dma_wait3A_213 = arith.constant 0 : i32
      %dma_wait3A_214 = arith.constant 0 : i32
      %dma_wait3A_215 = tpu.memref_slice %arg3[%dma_wait3A_213, %dma_wait3A_214] : memref<10000x128xf32, #tpu.memory_space<hbm>> -> memref<10000x128xf32, #tpu.memory_space<hbm>>
      %dma_wait3A_216 = tpu.memref_slice %arg11[%dma_wait3A_205] : memref<2x!tpu.dma_semaphore, #tpu.memory_space<semaphore_mem>> -> memref<1x!tpu.dma_semaphore, #tpu.memory_space<semaphore_mem>>
      %dma_wait3A_217 = tpu.memref_squeeze %dma_wait3A_216 : memref<1x!tpu.dma_semaphore, #tpu.memory_space<semaphore_mem>> -> memref<!tpu.dma_semaphore, #tpu.memory_space<semaphore_mem>>
      tpu.wait_indirect_dma semaphore(%dma_wait3A_217 : memref<!tpu.dma_semaphore, #tpu.memory_space<semaphore_mem>>) src(%dma_wait3A_215 : memref<10000x128xf32, #tpu.memory_space<hbm>>) dst(%dma_wait3A_209 : memref<64x128xf32, #tpu.memory_space<vmem>>)
      %dma_wait3A_218 = arith.constant 0 : i32
      %dma_wait3A_219 = arith.constant 0 : i32
      %dma_wait3A_220 = arith.constant 0 : i32
      %dma_wait3A_221 = arith.constant 64 : i32
      %dma_wait3A_222 = arith.constant 0 : i32
      %dma_wait3A_223 = tpu.memref_slice %arg8[%dma_wait3A_219, %dma_wait3A_221, %dma_wait3A_222] : memref<2x128x128xf32, #tpu.memory_space<vmem>> -> memref<1x64x128xf32, #tpu.memory_space<vmem>>
      %dma_wait3A_224 = tpu.memref_squeeze %dma_wait3A_223 : memref<1x64x128xf32, #tpu.memory_space<vmem>> -> memref<64x128xf32, #tpu.memory_space<vmem>>
      %dma_wait3A_225 = arith.constant 64 : i32
      %dma_wait3A_226 = tpu.memref_slice %arg6[%dma_wait3A_218, %dma_wait3A_225] : memref<2x128xi32, #tpu.memory_space<vmem>> -> memref<1x64xi32, #tpu.memory_space<vmem>>
      %dma_wait3A_227 = tpu.memref_squeeze %dma_wait3A_226 : memref<1x64xi32, #tpu.memory_space<vmem>> -> memref<64xi32, #tpu.memory_space<vmem>>
      %dma_wait3A_228 = arith.constant 0 : i32
      %dma_wait3A_229 = arith.constant 0 : i32
      %dma_wait3A_230 = tpu.memref_slice %arg3[%dma_wait3A_228, %dma_wait3A_229] : memref<10000x128xf32, #tpu.memory_space<hbm>> -> memref<10000x128xf32, #tpu.memory_space<hbm>>
      %dma_wait3A_231 = tpu.memref_slice %arg11[%dma_wait3A_220] : memref<2x!tpu.dma_semaphore, #tpu.memory_space<semaphore_mem>> -> memref<1x!tpu.dma_semaphore, #tpu.memory_space<semaphore_mem>>
      %dma_wait3A_232 = tpu.memref_squeeze %dma_wait3A_231 : memref<1x!tpu.dma_semaphore, #tpu.memory_space<semaphore_mem>> -> memref<!tpu.dma_semaphore, #tpu.memory_space<semaphore_mem>>
      tpu.wait_indirect_dma semaphore(%dma_wait3A_232 : memref<!tpu.dma_semaphore, #tpu.memory_space<semaphore_mem>>) src(%dma_wait3A_230 : memref<10000x128xf32, #tpu.memory_space<hbm>>) dst(%dma_wait3A_224 : memref<64x128xf32, #tpu.memory_space<vmem>>)
      %run_scoped3A_233 = arith.constant 0 : i32
      %run_scoped3A_234 = arith.constant 0 : i32
      "tpu.region"() ({
        %run_scoped3A_347 = tpu.sem_alloc : memref<!tpu.dma_semaphore, #tpu.memory_space<semaphore_mem>>
        %dma_start3A_348 = arith.constant 0 : i32
        %dma_start3A_349 = arith.constant 0 : i32
        %dma_start3A_350 = tpu.memref_slice %arg8[%run_scoped3A_233, %dma_start3A_348, %dma_start3A_349] : memref<2x128x128xf32, #tpu.memory_space<vmem>> -> memref<1x128x128xf32, #tpu.memory_space<vmem>>
        %dma_start3A_351 = tpu.memref_squeeze %dma_start3A_350 : memref<1x128x128xf32, #tpu.memory_space<vmem>> -> memref<128x128xf32, #tpu.memory_space<vmem>>
        %dma_start3A_352 = arith.constant 0 : i32
        %dma_start3A_353 = tpu.memref_slice %arg7[%run_scoped3A_234, %dma_start3A_352] : memref<2x128xi32, #tpu.memory_space<vmem>> -> memref<1x128xi32, #tpu.memory_space<vmem>>
        %dma_start3A_354 = tpu.memref_squeeze %dma_start3A_353 : memref<1x128xi32, #tpu.memory_space<vmem>> -> memref<128xi32, #tpu.memory_space<vmem>>
        %dma_start3A_355 = arith.constant 0 : i32
        %dma_start3A_356 = arith.constant 0 : i32
        %dma_start3A_357 = tpu.memref_slice %arg9[%dma_start3A_355, %dma_start3A_356] : memref<10240x128xf32, #tpu.memory_space<vmem_shared>> -> memref<10240x128xf32, #tpu.memory_space<vmem_shared>>
        tpu.enqueue_indirect_dma source(%dma_start3A_351 : memref<128x128xf32, #tpu.memory_space<vmem>>) target(%dma_start3A_357 : memref<10240x128xf32, #tpu.memory_space<vmem_shared>>) offsets(%dma_start3A_354 : memref<128xi32, #tpu.memory_space<vmem>>) semaphore(%run_scoped3A_347 : memref<!tpu.dma_semaphore, #tpu.memory_space<semaphore_mem>>) {add = true}
        %dma_wait3A_358 = arith.constant 0 : i32
        %dma_wait3A_359 = arith.constant 0 : i32
        %dma_wait3A_360 = tpu.memref_slice %arg8[%run_scoped3A_233, %dma_wait3A_358, %dma_wait3A_359] : memref<2x128x128xf32, #tpu.memory_space<vmem>> -> memref<1x128x128xf32, #tpu.memory_space<vmem>>
        %dma_wait3A_361 = tpu.memref_squeeze %dma_wait3A_360 : memref<1x128x128xf32, #tpu.memory_space<vmem>> -> memref<128x128xf32, #tpu.memory_space<vmem>>
        %dma_wait3A_362 = arith.constant 0 : i32
        %dma_wait3A_363 = tpu.memref_slice %arg7[%run_scoped3A_234, %dma_wait3A_362] : memref<2x128xi32, #tpu.memory_space<vmem>> -> memref<1x128xi32, #tpu.memory_space<vmem>>
        %dma_wait3A_364 = tpu.memref_squeeze %dma_wait3A_363 : memref<1x128xi32, #tpu.memory_space<vmem>> -> memref<128xi32, #tpu.memory_space<vmem>>
        %dma_wait3A_365 = arith.constant 0 : i32
        %dma_wait3A_366 = arith.constant 0 : i32
        %dma_wait3A_367 = tpu.memref_slice %arg9[%dma_wait3A_365, %dma_wait3A_366] : memref<10240x128xf32, #tpu.memory_space<vmem_shared>> -> memref<10240x128xf32, #tpu.memory_space<vmem_shared>>
        tpu.wait_indirect_dma semaphore(%run_scoped3A_347 : memref<!tpu.dma_semaphore, #tpu.memory_space<semaphore_mem>>) src(%dma_wait3A_361 : memref<128x128xf32, #tpu.memory_space<vmem>>) dst(%dma_wait3A_367 : memref<10240x128xf32, #tpu.memory_space<vmem_shared>>)
        tpu.yield
      }) : () -> ()
      %add3A_235 = arith.constant 2 : i32
      %add3A_236 = arith.addi %add3A_202, %add3A_235 : i32
      %scan3A_237 = arith.constant 0 : i32
      %scan3A_238 = arith.constant 0 : i32
      %scan3A_239 = arith.constant 8 : i32
      %scan3A_240 = arith.addi %scan3A_238, %scan3A_239 : i32
      %scan3A_241 = arith.constant 1 : i32
      scf.for %scan3A_347 = %scan3A_238 to %scan3A_240 step %scan3A_241  : i32 {
        %mul3A_348 = arith.constant 16 : i32
        %mul3A_349 = arith.muli %scan3A_347, %mul3A_348 : i32
        %get3A = arith.index_cast %add3A_236 : i32 to index
        %get3A_350 = arith.index_cast %mul3A_349 : i32 to index
        %get3A_351 = tpu.vector_load %arg5[%get3A, %get3A_350] {strides = array<i32>} : memref<80x128xi32, #tpu.memory_space<vmem>>, vector<1x16xi32>,
        %get3A_352 = vector.shape_cast %get3A_351 : vector<1x16xi32> to vector<16xi32>
        %shift_right_logical3A = arith.constant 14 : i32
        %shift_right_logical3A_353 = vector.broadcast %shift_right_logical3A : i32 to vector<16xi32>
        %shift_right_logical3A_354 = arith.shrui %get3A_352, %shift_right_logical3A_353 : vector<16xi32>
        %mul3A_355 = arith.constant 16 : i32
        %mul3A_356 = arith.muli %scan3A_347, %mul3A_355 : i32
        %swap3A = arith.constant 0 : i32
        %swap3A_357 = arith.index_cast %swap3A : i32 to index
        %swap3A_358 = arith.index_cast %mul3A_356 : i32 to index
        %swap3A_359 = tpu.vector_load %arg6[%swap3A_357, %swap3A_358] {strides = array<i32>} : memref<2x128xi32, #tpu.memory_space<vmem>>, vector<1x16xi32>,
        %swap3A_360 = vector.shape_cast %swap3A_359 : vector<1x16xi32> to vector<16xi32>
        %swap3A_361 = vector.shape_cast %shift_right_logical3A_354 : vector<16xi32> to vector<1x16xi32>
        tpu.vector_store %arg6[%swap3A_357, %swap3A_358], %swap3A_361 {strides = array<i32>} : memref<2x128xi32, #tpu.memory_space<vmem>>, vector<1x16xi32>,
        %and3A_362 = arith.constant 16383 : i32
        %and3A_363 = vector.broadcast %and3A_362 : i32 to vector<16xi32>
        %and3A_364 = arith.andi %get3A_352, %and3A_363 : vector<16xi32>
        %mul3A_365 = arith.constant 16 : i32
        %mul3A_366 = arith.muli %scan3A_347, %mul3A_365 : i32
        %swap3A_367 = arith.constant 0 : i32
        %swap3A_368 = arith.index_cast %swap3A_367 : i32 to index
        %swap3A_369 = arith.index_cast %mul3A_366 : i32 to index
        %swap3A_370 = tpu.vector_load %arg7[%swap3A_368, %swap3A_369] {strides = array<i32>} : memref<2x128xi32, #tpu.memory_space<vmem>>, vector<1x16xi32>,
        %swap3A_371 = vector.shape_cast %swap3A_370 : vector<1x16xi32> to vector<16xi32>
        %swap3A_372 = vector.shape_cast %and3A_364 : vector<16xi32> to vector<1x16xi32>
        tpu.vector_store %arg7[%swap3A_368, %swap3A_369], %swap3A_372 {strides = array<i32>} : memref<2x128xi32, #tpu.memory_space<vmem>>, vector<1x16xi32>,
      }
      %scan3A_242 = arith.constant 8 : i32
      %dma_start3A_243 = arith.constant 0 : i32
      %dma_start3A_244 = arith.constant 0 : i32
      %dma_start3A_245 = arith.constant 0 : i32
      %dma_start3A_246 = arith.constant 0 : i32
      %dma_start3A_247 = arith.constant 0 : i32
      %dma_start3A_248 = tpu.memref_slice %arg8[%dma_start3A_244, %dma_start3A_246, %dma_start3A_247] : memref<2x128x128xf32, #tpu.memory_space<vmem>> -> memref<1x64x128xf32, #tpu.memory_space<vmem>>
      %dma_start3A_249 = tpu.memref_squeeze %dma_start3A_248 : memref<1x64x128xf32, #tpu.memory_space<vmem>> -> memref<64x128xf32, #tpu.memory_space<vmem>>
      %dma_start3A_250 = arith.constant 0 : i32
      %dma_start3A_251 = tpu.memref_slice %arg6[%dma_start3A_243, %dma_start3A_250] : memref<2x128xi32, #tpu.memory_space<vmem>> -> memref<1x64xi32, #tpu.memory_space<vmem>>
      %dma_start3A_252 = tpu.memref_squeeze %dma_start3A_251 : memref<1x64xi32, #tpu.memory_space<vmem>> -> memref<64xi32, #tpu.memory_space<vmem>>
      %dma_start3A_253 = arith.constant 0 : i32
      %dma_start3A_254 = arith.constant 0 : i32
      %dma_start3A_255 = tpu.memref_slice %arg3[%dma_start3A_253, %dma_start3A_254] : memref<10000x128xf32, #tpu.memory_space<hbm>> -> memref<10000x128xf32, #tpu.memory_space<hbm>>
      %dma_start3A_256 = tpu.memref_slice %arg11[%dma_start3A_245] : memref<2x!tpu.dma_semaphore, #tpu.memory_space<semaphore_mem>> -> memref<1x!tpu.dma_semaphore, #tpu.memory_space<semaphore_mem>>
      %dma_start3A_257 = tpu.memref_squeeze %dma_start3A_256 : memref<1x!tpu.dma_semaphore, #tpu.memory_space<semaphore_mem>> -> memref<!tpu.dma_semaphore, #tpu.memory_space<semaphore_mem>>
      tpu.enqueue_indirect_dma source(%dma_start3A_255 : memref<10000x128xf32, #tpu.memory_space<hbm>>) target(%dma_start3A_249 : memref<64x128xf32, #tpu.memory_space<vmem>>) offsets(%dma_start3A_252 : memref<64xi32, #tpu.memory_space<vmem>>) semaphore(%dma_start3A_257 : memref<!tpu.dma_semaphore, #tpu.memory_space<semaphore_mem>>)
      %dma_start3A_258 = arith.constant 0 : i32
      %dma_start3A_259 = arith.constant 0 : i32
      %dma_start3A_260 = arith.constant 0 : i32
      %dma_start3A_261 = arith.constant 64 : i32
      %dma_start3A_262 = arith.constant 0 : i32
      %dma_start3A_263 = tpu.memref_slice %arg8[%dma_start3A_259, %dma_start3A_261, %dma_start3A_262] : memref<2x128x128xf32, #tpu.memory_space<vmem>> -> memref<1x64x128xf32, #tpu.memory_space<vmem>>
      %dma_start3A_264 = tpu.memref_squeeze %dma_start3A_263 : memref<1x64x128xf32, #tpu.memory_space<vmem>> -> memref<64x128xf32, #tpu.memory_space<vmem>>
      %dma_start3A_265 = arith.constant 64 : i32
      %dma_start3A_266 = tpu.memref_slice %arg6[%dma_start3A_258, %dma_start3A_265] : memref<2x128xi32, #tpu.memory_space<vmem>> -> memref<1x64xi32, #tpu.memory_space<vmem>>
      %dma_start3A_267 = tpu.memref_squeeze %dma_start3A_266 : memref<1x64xi32, #tpu.memory_space<vmem>> -> memref<64xi32, #tpu.memory_space<vmem>>
      %dma_start3A_268 = arith.constant 0 : i32
      %dma_start3A_269 = arith.constant 0 : i32
      %dma_start3A_270 = tpu.memref_slice %arg3[%dma_start3A_268, %dma_start3A_269] : memref<10000x128xf32, #tpu.memory_space<hbm>> -> memref<10000x128xf32, #tpu.memory_space<hbm>>
      %dma_start3A_271 = tpu.memref_slice %arg11[%dma_start3A_260] : memref<2x!tpu.dma_semaphore, #tpu.memory_space<semaphore_mem>> -> memref<1x!tpu.dma_semaphore, #tpu.memory_space<semaphore_mem>>
      %dma_start3A_272 = tpu.memref_squeeze %dma_start3A_271 : memref<1x!tpu.dma_semaphore, #tpu.memory_space<semaphore_mem>> -> memref<!tpu.dma_semaphore, #tpu.memory_space<semaphore_mem>>
      tpu.enqueue_indirect_dma source(%dma_start3A_270 : memref<10000x128xf32, #tpu.memory_space<hbm>>) target(%dma_start3A_264 : memref<64x128xf32, #tpu.memory_space<vmem>>) offsets(%dma_start3A_267 : memref<64xi32, #tpu.memory_space<vmem>>) semaphore(%dma_start3A_272 : memref<!tpu.dma_semaphore, #tpu.memory_space<semaphore_mem>>)
      %mul3A_273 = arith.constant 2 : i32
      %mul3A_274 = arith.muli %while3A_198, %mul3A_273 : i32
      %add3A_275 = arith.constant 1 : i32
      %add3A_276 = arith.addi %mul3A_274, %add3A_275 : i32
      %dma_wait3A_277 = arith.constant 1 : i32
      %dma_wait3A_278 = arith.constant 1 : i32
      %dma_wait3A_279 = arith.constant 1 : i32
      %dma_wait3A_280 = arith.constant 0 : i32
      %dma_wait3A_281 = arith.constant 0 : i32
      %dma_wait3A_282 = tpu.memref_slice %arg8[%dma_wait3A_278, %dma_wait3A_280, %dma_wait3A_281] : memref<2x128x128xf32, #tpu.memory_space<vmem>> -> memref<1x64x128xf32, #tpu.memory_space<vmem>>
      %dma_wait3A_283 = tpu.memref_squeeze %dma_wait3A_282 : memref<1x64x128xf32, #tpu.memory_space<vmem>> -> memref<64x128xf32, #tpu.memory_space<vmem>>
      %dma_wait3A_284 = arith.constant 0 : i32
      %dma_wait3A_285 = tpu.memref_slice %arg6[%dma_wait3A_277, %dma_wait3A_284] : memref<2x128xi32, #tpu.memory_space<vmem>> -> memref<1x64xi32, #tpu.memory_space<vmem>>
      %dma_wait3A_286 = tpu.memref_squeeze %dma_wait3A_285 : memref<1x64xi32, #tpu.memory_space<vmem>> -> memref<64xi32, #tpu.memory_space<vmem>>
      %dma_wait3A_287 = arith.constant 0 : i32
      %dma_wait3A_288 = arith.constant 0 : i32
      %dma_wait3A_289 = tpu.memref_slice %arg3[%dma_wait3A_287, %dma_wait3A_288] : memref<10000x128xf32, #tpu.memory_space<hbm>> -> memref<10000x128xf32, #tpu.memory_space<hbm>>
      %dma_wait3A_290 = tpu.memref_slice %arg11[%dma_wait3A_279] : memref<2x!tpu.dma_semaphore, #tpu.memory_space<semaphore_mem>> -> memref<1x!tpu.dma_semaphore, #tpu.memory_space<semaphore_mem>>
      %dma_wait3A_291 = tpu.memref_squeeze %dma_wait3A_290 : memref<1x!tpu.dma_semaphore, #tpu.memory_space<semaphore_mem>> -> memref<!tpu.dma_semaphore, #tpu.memory_space<semaphore_mem>>
      tpu.wait_indirect_dma semaphore(%dma_wait3A_291 : memref<!tpu.dma_semaphore, #tpu.memory_space<semaphore_mem>>) src(%dma_wait3A_289 : memref<10000x128xf32, #tpu.memory_space<hbm>>) dst(%dma_wait3A_283 : memref<64x128xf32, #tpu.memory_space<vmem>>)
      %dma_wait3A_292 = arith.constant 1 : i32
      %dma_wait3A_293 = arith.constant 1 : i32
      %dma_wait3A_294 = arith.constant 1 : i32
      %dma_wait3A_295 = arith.constant 64 : i32
      %dma_wait3A_296 = arith.constant 0 : i32
      %dma_wait3A_297 = tpu.memref_slice %arg8[%dma_wait3A_293, %dma_wait3A_295, %dma_wait3A_296] : memref<2x128x128xf32, #tpu.memory_space<vmem>> -> memref<1x64x128xf32, #tpu.memory_space<vmem>>
      %dma_wait3A_298 = tpu.memref_squeeze %dma_wait3A_297 : memref<1x64x128xf32, #tpu.memory_space<vmem>> -> memref<64x128xf32, #tpu.memory_space<vmem>>
      %dma_wait3A_299 = arith.constant 64 : i32
      %dma_wait3A_300 = tpu.memref_slice %arg6[%dma_wait3A_292, %dma_wait3A_299] : memref<2x128xi32, #tpu.memory_space<vmem>> -> memref<1x64xi32, #tpu.memory_space<vmem>>
      %dma_wait3A_301 = tpu.memref_squeeze %dma_wait3A_300 : memref<1x64xi32, #tpu.memory_space<vmem>> -> memref<64xi32, #tpu.memory_space<vmem>>
      %dma_wait3A_302 = arith.constant 0 : i32
      %dma_wait3A_303 = arith.constant 0 : i32
      %dma_wait3A_304 = tpu.memref_slice %arg3[%dma_wait3A_302, %dma_wait3A_303] : memref<10000x128xf32, #tpu.memory_space<hbm>> -> memref<10000x128xf32, #tpu.memory_space<hbm>>
      %dma_wait3A_305 = tpu.memref_slice %arg11[%dma_wait3A_294] : memref<2x!tpu.dma_semaphore, #tpu.memory_space<semaphore_mem>> -> memref<1x!tpu.dma_semaphore, #tpu.memory_space<semaphore_mem>>
      %dma_wait3A_306 = tpu.memref_squeeze %dma_wait3A_305 : memref<1x!tpu.dma_semaphore, #tpu.memory_space<semaphore_mem>> -> memref<!tpu.dma_semaphore, #tpu.memory_space<semaphore_mem>>
      tpu.wait_indirect_dma semaphore(%dma_wait3A_306 : memref<!tpu.dma_semaphore, #tpu.memory_space<semaphore_mem>>) src(%dma_wait3A_304 : memref<10000x128xf32, #tpu.memory_space<hbm>>) dst(%dma_wait3A_298 : memref<64x128xf32, #tpu.memory_space<vmem>>)
      %run_scoped3A_307 = arith.constant 1 : i32
      %run_scoped3A_308 = arith.constant 1 : i32
      "tpu.region"() ({
        %run_scoped3A_347 = tpu.sem_alloc : memref<!tpu.dma_semaphore, #tpu.memory_space<semaphore_mem>>
        %dma_start3A_348 = arith.constant 0 : i32
        %dma_start3A_349 = arith.constant 0 : i32
        %dma_start3A_350 = tpu.memref_slice %arg8[%run_scoped3A_307, %dma_start3A_348, %dma_start3A_349] : memref<2x128x128xf32, #tpu.memory_space<vmem>> -> memref<1x128x128xf32, #tpu.memory_space<vmem>>
        %dma_start3A_351 = tpu.memref_squeeze %dma_start3A_350 : memref<1x128x128xf32, #tpu.memory_space<vmem>> -> memref<128x128xf32, #tpu.memory_space<vmem>>
        %dma_start3A_352 = arith.constant 0 : i32
        %dma_start3A_353 = tpu.memref_slice %arg7[%run_scoped3A_308, %dma_start3A_352] : memref<2x128xi32, #tpu.memory_space<vmem>> -> memref<1x128xi32, #tpu.memory_space<vmem>>
        %dma_start3A_354 = tpu.memref_squeeze %dma_start3A_353 : memref<1x128xi32, #tpu.memory_space<vmem>> -> memref<128xi32, #tpu.memory_space<vmem>>
        %dma_start3A_355 = arith.constant 0 : i32
        %dma_start3A_356 = arith.constant 0 : i32
        %dma_start3A_357 = tpu.memref_slice %arg9[%dma_start3A_355, %dma_start3A_356] : memref<10240x128xf32, #tpu.memory_space<vmem_shared>> -> memref<10240x128xf32, #tpu.memory_space<vmem_shared>>
        tpu.enqueue_indirect_dma source(%dma_start3A_351 : memref<128x128xf32, #tpu.memory_space<vmem>>) target(%dma_start3A_357 : memref<10240x128xf32, #tpu.memory_space<vmem_shared>>) offsets(%dma_start3A_354 : memref<128xi32, #tpu.memory_space<vmem>>) semaphore(%run_scoped3A_347 : memref<!tpu.dma_semaphore, #tpu.memory_space<semaphore_mem>>) {add = true}
        %dma_wait3A_358 = arith.constant 0 : i32
        %dma_wait3A_359 = arith.constant 0 : i32
        %dma_wait3A_360 = tpu.memref_slice %arg8[%run_scoped3A_307, %dma_wait3A_358, %dma_wait3A_359] : memref<2x128x128xf32, #tpu.memory_space<vmem>> -> memref<1x128x128xf32, #tpu.memory_space<vmem>>
        %dma_wait3A_361 = tpu.memref_squeeze %dma_wait3A_360 : memref<1x128x128xf32, #tpu.memory_space<vmem>> -> memref<128x128xf32, #tpu.memory_space<vmem>>
        %dma_wait3A_362 = arith.constant 0 : i32
        %dma_wait3A_363 = tpu.memref_slice %arg7[%run_scoped3A_308, %dma_wait3A_362] : memref<2x128xi32, #tpu.memory_space<vmem>> -> memref<1x128xi32, #tpu.memory_space<vmem>>
        %dma_wait3A_364 = tpu.memref_squeeze %dma_wait3A_363 : memref<1x128xi32, #tpu.memory_space<vmem>> -> memref<128xi32, #tpu.memory_space<vmem>>
        %dma_wait3A_365 = arith.constant 0 : i32
        %dma_wait3A_366 = arith.constant 0 : i32
        %dma_wait3A_367 = tpu.memref_slice %arg9[%dma_wait3A_365, %dma_wait3A_366] : memref<10240x128xf32, #tpu.memory_space<vmem_shared>> -> memref<10240x128xf32, #tpu.memory_space<vmem_shared>>
        tpu.wait_indirect_dma semaphore(%run_scoped3A_347 : memref<!tpu.dma_semaphore, #tpu.memory_space<semaphore_mem>>) src(%dma_wait3A_361 : memref<128x128xf32, #tpu.memory_space<vmem>>) dst(%dma_wait3A_367 : memref<10240x128xf32, #tpu.memory_space<vmem_shared>>)
        tpu.yield
      }) : () -> ()
      %add3A_309 = arith.constant 2 : i32
      %add3A_310 = arith.addi %add3A_276, %add3A_309 : i32
      %scan3A_311 = arith.constant 0 : i32
      %scan3A_312 = arith.constant 0 : i32
      %scan3A_313 = arith.constant 8 : i32
      %scan3A_314 = arith.addi %scan3A_312, %scan3A_313 : i32
      %scan3A_315 = arith.constant 1 : i32
      scf.for %scan3A_347 = %scan3A_312 to %scan3A_314 step %scan3A_315  : i32 {
        %mul3A_348 = arith.constant 16 : i32
        %mul3A_349 = arith.muli %scan3A_347, %mul3A_348 : i32
        %get3A = arith.index_cast %add3A_310 : i32 to index
        %get3A_350 = arith.index_cast %mul3A_349 : i32 to index
        %get3A_351 = tpu.vector_load %arg5[%get3A, %get3A_350] {strides = array<i32>} : memref<80x128xi32, #tpu.memory_space<vmem>>, vector<1x16xi32>,
        %get3A_352 = vector.shape_cast %get3A_351 : vector<1x16xi32> to vector<16xi32>
        %shift_right_logical3A = arith.constant 14 : i32
        %shift_right_logical3A_353 = vector.broadcast %shift_right_logical3A : i32 to vector<16xi32>
        %shift_right_logical3A_354 = arith.shrui %get3A_352, %shift_right_logical3A_353 : vector<16xi32>
        %mul3A_355 = arith.constant 16 : i32
        %mul3A_356 = arith.muli %scan3A_347, %mul3A_355 : i32
        %swap3A = arith.constant 1 : i32
        %swap3A_357 = arith.index_cast %swap3A : i32 to index
        %swap3A_358 = arith.index_cast %mul3A_356 : i32 to index
        %swap3A_359 = tpu.vector_load %arg6[%swap3A_357, %swap3A_358] {strides = array<i32>} : memref<2x128xi32, #tpu.memory_space<vmem>>, vector<1x16xi32>,
        %swap3A_360 = vector.shape_cast %swap3A_359 : vector<1x16xi32> to vector<16xi32>
        %swap3A_361 = vector.shape_cast %shift_right_logical3A_354 : vector<16xi32> to vector<1x16xi32>
        tpu.vector_store %arg6[%swap3A_357, %swap3A_358], %swap3A_361 {strides = array<i32>} : memref<2x128xi32, #tpu.memory_space<vmem>>, vector<1x16xi32>,
        %and3A_362 = arith.constant 16383 : i32
        %and3A_363 = vector.broadcast %and3A_362 : i32 to vector<16xi32>
        %and3A_364 = arith.andi %get3A_352, %and3A_363 : vector<16xi32>
        %mul3A_365 = arith.constant 16 : i32
        %mul3A_366 = arith.muli %scan3A_347, %mul3A_365 : i32
        %swap3A_367 = arith.constant 1 : i32
        %swap3A_368 = arith.index_cast %swap3A_367 : i32 to index
        %swap3A_369 = arith.index_cast %mul3A_366 : i32 to index
        %swap3A_370 = tpu.vector_load %arg7[%swap3A_368, %swap3A_369] {strides = array<i32>} : memref<2x128xi32, #tpu.memory_space<vmem>>, vector<1x16xi32>,
        %swap3A_371 = vector.shape_cast %swap3A_370 : vector<1x16xi32> to vector<16xi32>
        %swap3A_372 = vector.shape_cast %and3A_364 : vector<16xi32> to vector<1x16xi32>
        tpu.vector_store %arg7[%swap3A_368, %swap3A_369], %swap3A_372 {strides = array<i32>} : memref<2x128xi32, #tpu.memory_space<vmem>>, vector<1x16xi32>,
      }
      %scan3A_316 = arith.constant 8 : i32
      %dma_start3A_317 = arith.constant 1 : i32
      %dma_start3A_318 = arith.constant 1 : i32
      %dma_start3A_319 = arith.constant 1 : i32
      %dma_start3A_320 = arith.constant 0 : i32
      %dma_start3A_321 = arith.constant 0 : i32
      %dma_start3A_322 = tpu.memref_slice %arg8[%dma_start3A_318, %dma_start3A_320, %dma_start3A_321] : memref<2x128x128xf32, #tpu.memory_space<vmem>> -> memref<1x64x128xf32, #tpu.memory_space<vmem>>
      %dma_start3A_323 = tpu.memref_squeeze %dma_start3A_322 : memref<1x64x128xf32, #tpu.memory_space<vmem>> -> memref<64x128xf32, #tpu.memory_space<vmem>>
      %dma_start3A_324 = arith.constant 0 : i32
      %dma_start3A_325 = tpu.memref_slice %arg6[%dma_start3A_317, %dma_start3A_324] : memref<2x128xi32, #tpu.memory_space<vmem>> -> memref<1x64xi32, #tpu.memory_space<vmem>>
      %dma_start3A_326 = tpu.memref_squeeze %dma_start3A_325 : memref<1x64xi32, #tpu.memory_space<vmem>> -> memref<64xi32, #tpu.memory_space<vmem>>
      %dma_start3A_327 = arith.constant 0 : i32
      %dma_start3A_328 = arith.constant 0 : i32
      %dma_start3A_329 = tpu.memref_slice %arg3[%dma_start3A_327, %dma_start3A_328] : memref<10000x128xf32, #tpu.memory_space<hbm>> -> memref<10000x128xf32, #tpu.memory_space<hbm>>
      %dma_start3A_330 = tpu.memref_slice %arg11[%dma_start3A_319] : memref<2x!tpu.dma_semaphore, #tpu.memory_space<semaphore_mem>> -> memref<1x!tpu.dma_semaphore, #tpu.memory_space<semaphore_mem>>
      %dma_start3A_331 = tpu.memref_squeeze %dma_start3A_330 : memref<1x!tpu.dma_semaphore, #tpu.memory_space<semaphore_mem>> -> memref<!tpu.dma_semaphore, #tpu.memory_space<semaphore_mem>>
      tpu.enqueue_indirect_dma source(%dma_start3A_329 : memref<10000x128xf32, #tpu.memory_space<hbm>>) target(%dma_start3A_323 : memref<64x128xf32, #tpu.memory_space<vmem>>) offsets(%dma_start3A_326 : memref<64xi32, #tpu.memory_space<vmem>>) semaphore(%dma_start3A_331 : memref<!tpu.dma_semaphore, #tpu.memory_space<semaphore_mem>>)
      %dma_start3A_332 = arith.constant 1 : i32
      %dma_start3A_333 = arith.constant 1 : i32
      %dma_start3A_334 = arith.constant 1 : i32
      %dma_start3A_335 = arith.constant 64 : i32
      %dma_start3A_336 = arith.constant 0 : i32
      %dma_start3A_337 = tpu.memref_slice %arg8[%dma_start3A_333, %dma_start3A_335, %dma_start3A_336] : memref<2x128x128xf32, #tpu.memory_space<vmem>> -> memref<1x64x128xf32, #tpu.memory_space<vmem>>
      %dma_start3A_338 = tpu.memref_squeeze %dma_start3A_337 : memref<1x64x128xf32, #tpu.memory_space<vmem>> -> memref<64x128xf32, #tpu.memory_space<vmem>>
      %dma_start3A_339 = arith.constant 64 : i32
      %dma_start3A_340 = tpu.memref_slice %arg6[%dma_start3A_332, %dma_start3A_339] : memref<2x128xi32, #tpu.memory_space<vmem>> -> memref<1x64xi32, #tpu.memory_space<vmem>>
      %dma_start3A_341 = tpu.memref_squeeze %dma_start3A_340 : memref<1x64xi32, #tpu.memory_space<vmem>> -> memref<64xi32, #tpu.memory_space<vmem>>
      %dma_start3A_342 = arith.constant 0 : i32
      %dma_start3A_343 = arith.constant 0 : i32
      %dma_start3A_344 = tpu.memref_slice %arg3[%dma_start3A_342, %dma_start3A_343] : memref<10000x128xf32, #tpu.memory_space<hbm>> -> memref<10000x128xf32, #tpu.memory_space<hbm>>
      %dma_start3A_345 = tpu.memref_slice %arg11[%dma_start3A_334] : memref<2x!tpu.dma_semaphore, #tpu.memory_space<semaphore_mem>> -> memref<1x!tpu.dma_semaphore, #tpu.memory_space<semaphore_mem>>
      %dma_start3A_346 = tpu.memref_squeeze %dma_start3A_345 : memref<1x!tpu.dma_semaphore, #tpu.memory_space<semaphore_mem>> -> memref<!tpu.dma_semaphore, #tpu.memory_space<semaphore_mem>>
      tpu.enqueue_indirect_dma source(%dma_start3A_344 : memref<10000x128xf32, #tpu.memory_space<hbm>>) target(%dma_start3A_338 : memref<64x128xf32, #tpu.memory_space<vmem>>) offsets(%dma_start3A_341 : memref<64xi32, #tpu.memory_space<vmem>>) semaphore(%dma_start3A_346 : memref<!tpu.dma_semaphore, #tpu.memory_space<semaphore_mem>>)
    }
    %dma_wait3A_128 = arith.constant 0 : i32
    %dma_wait3A_129 = arith.constant 0 : i32
    %dma_wait3A_130 = arith.constant 0 : i32
    %dma_wait3A_131 = arith.constant 0 : i32
    %dma_wait3A_132 = arith.constant 0 : i32
    %dma_wait3A_133 = tpu.memref_slice %arg8[%dma_wait3A_129, %dma_wait3A_131, %dma_wait3A_132] : memref<2x128x128xf32, #tpu.memory_space<vmem>> -> memref<1x64x128xf32, #tpu.memory_space<vmem>>
    %dma_wait3A_134 = tpu.memref_squeeze %dma_wait3A_133 : memref<1x64x128xf32, #tpu.memory_space<vmem>> -> memref<64x128xf32, #tpu.memory_space<vmem>>
    %dma_wait3A_135 = arith.constant 0 : i32
    %dma_wait3A_136 = tpu.memref_slice %arg6[%dma_wait3A_128, %dma_wait3A_135] : memref<2x128xi32, #tpu.memory_space<vmem>> -> memref<1x64xi32, #tpu.memory_space<vmem>>
    %dma_wait3A_137 = tpu.memref_squeeze %dma_wait3A_136 : memref<1x64xi32, #tpu.memory_space<vmem>> -> memref<64xi32, #tpu.memory_space<vmem>>
    %dma_wait3A_138 = arith.constant 0 : i32
    %dma_wait3A_139 = arith.constant 0 : i32
    %dma_wait3A_140 = tpu.memref_slice %arg3[%dma_wait3A_138, %dma_wait3A_139] : memref<10000x128xf32, #tpu.memory_space<hbm>> -> memref<10000x128xf32, #tpu.memory_space<hbm>>
    %dma_wait3A_141 = tpu.memref_slice %arg11[%dma_wait3A_130] : memref<2x!tpu.dma_semaphore, #tpu.memory_space<semaphore_mem>> -> memref<1x!tpu.dma_semaphore, #tpu.memory_space<semaphore_mem>>
    %dma_wait3A_142 = tpu.memref_squeeze %dma_wait3A_141 : memref<1x!tpu.dma_semaphore, #tpu.memory_space<semaphore_mem>> -> memref<!tpu.dma_semaphore, #tpu.memory_space<semaphore_mem>>
    tpu.wait_indirect_dma semaphore(%dma_wait3A_142 : memref<!tpu.dma_semaphore, #tpu.memory_space<semaphore_mem>>) src(%dma_wait3A_140 : memref<10000x128xf32, #tpu.memory_space<hbm>>) dst(%dma_wait3A_134 : memref<64x128xf32, #tpu.memory_space<vmem>>)
    %dma_wait3A_143 = arith.constant 0 : i32
    %dma_wait3A_144 = arith.constant 0 : i32
    %dma_wait3A_145 = arith.constant 0 : i32
    %dma_wait3A_146 = arith.constant 64 : i32
    %dma_wait3A_147 = arith.constant 0 : i32
    %dma_wait3A_148 = tpu.memref_slice %arg8[%dma_wait3A_144, %dma_wait3A_146, %dma_wait3A_147] : memref<2x128x128xf32, #tpu.memory_space<vmem>> -> memref<1x64x128xf32, #tpu.memory_space<vmem>>
    %dma_wait3A_149 = tpu.memref_squeeze %dma_wait3A_148 : memref<1x64x128xf32, #tpu.memory_space<vmem>> -> memref<64x128xf32, #tpu.memory_space<vmem>>
    %dma_wait3A_150 = arith.constant 64 : i32
    %dma_wait3A_151 = tpu.memref_slice %arg6[%dma_wait3A_143, %dma_wait3A_150] : memref<2x128xi32, #tpu.memory_space<vmem>> -> memref<1x64xi32, #tpu.memory_space<vmem>>
    %dma_wait3A_152 = tpu.memref_squeeze %dma_wait3A_151 : memref<1x64xi32, #tpu.memory_space<vmem>> -> memref<64xi32, #tpu.memory_space<vmem>>
    %dma_wait3A_153 = arith.constant 0 : i32
    %dma_wait3A_154 = arith.constant 0 : i32
    %dma_wait3A_155 = tpu.memref_slice %arg3[%dma_wait3A_153, %dma_wait3A_154] : memref<10000x128xf32, #tpu.memory_space<hbm>> -> memref<10000x128xf32, #tpu.memory_space<hbm>>
    %dma_wait3A_156 = tpu.memref_slice %arg11[%dma_wait3A_145] : memref<2x!tpu.dma_semaphore, #tpu.memory_space<semaphore_mem>> -> memref<1x!tpu.dma_semaphore, #tpu.memory_space<semaphore_mem>>
    %dma_wait3A_157 = tpu.memref_squeeze %dma_wait3A_156 : memref<1x!tpu.dma_semaphore, #tpu.memory_space<semaphore_mem>> -> memref<!tpu.dma_semaphore, #tpu.memory_space<semaphore_mem>>
    tpu.wait_indirect_dma semaphore(%dma_wait3A_157 : memref<!tpu.dma_semaphore, #tpu.memory_space<semaphore_mem>>) src(%dma_wait3A_155 : memref<10000x128xf32, #tpu.memory_space<hbm>>) dst(%dma_wait3A_149 : memref<64x128xf32, #tpu.memory_space<vmem>>)
    %run_scoped3A = arith.constant 0 : i32
    %run_scoped3A_158 = arith.constant 0 : i32
    "tpu.region"() ({
      %run_scoped3A_198 = tpu.sem_alloc : memref<!tpu.dma_semaphore, #tpu.memory_space<semaphore_mem>>
      %dma_start3A_199 = arith.constant 0 : i32
      %dma_start3A_200 = arith.constant 0 : i32
      %dma_start3A_201 = tpu.memref_slice %arg8[%run_scoped3A, %dma_start3A_199, %dma_start3A_200] : memref<2x128x128xf32, #tpu.memory_space<vmem>> -> memref<1x128x128xf32, #tpu.memory_space<vmem>>
      %dma_start3A_202 = tpu.memref_squeeze %dma_start3A_201 : memref<1x128x128xf32, #tpu.memory_space<vmem>> -> memref<128x128xf32, #tpu.memory_space<vmem>>
      %dma_start3A_203 = arith.constant 0 : i32
      %dma_start3A_204 = tpu.memref_slice %arg7[%run_scoped3A_158, %dma_start3A_203] : memref<2x128xi32, #tpu.memory_space<vmem>> -> memref<1x128xi32, #tpu.memory_space<vmem>>
      %dma_start3A_205 = tpu.memref_squeeze %dma_start3A_204 : memref<1x128xi32, #tpu.memory_space<vmem>> -> memref<128xi32, #tpu.memory_space<vmem>>
      %dma_start3A_206 = arith.constant 0 : i32
      %dma_start3A_207 = arith.constant 0 : i32
      %dma_start3A_208 = tpu.memref_slice %arg9[%dma_start3A_206, %dma_start3A_207] : memref<10240x128xf32, #tpu.memory_space<vmem_shared>> -> memref<10240x128xf32, #tpu.memory_space<vmem_shared>>
      tpu.enqueue_indirect_dma source(%dma_start3A_202 : memref<128x128xf32, #tpu.memory_space<vmem>>) target(%dma_start3A_208 : memref<10240x128xf32, #tpu.memory_space<vmem_shared>>) offsets(%dma_start3A_205 : memref<128xi32, #tpu.memory_space<vmem>>) semaphore(%run_scoped3A_198 : memref<!tpu.dma_semaphore, #tpu.memory_space<semaphore_mem>>) {add = true}
      %dma_wait3A_209 = arith.constant 0 : i32
      %dma_wait3A_210 = arith.constant 0 : i32
      %dma_wait3A_211 = tpu.memref_slice %arg8[%run_scoped3A, %dma_wait3A_209, %dma_wait3A_210] : memref<2x128x128xf32, #tpu.memory_space<vmem>> -> memref<1x128x128xf32, #tpu.memory_space<vmem>>
      %dma_wait3A_212 = tpu.memref_squeeze %dma_wait3A_211 : memref<1x128x128xf32, #tpu.memory_space<vmem>> -> memref<128x128xf32, #tpu.memory_space<vmem>>
      %dma_wait3A_213 = arith.constant 0 : i32
      %dma_wait3A_214 = tpu.memref_slice %arg7[%run_scoped3A_158, %dma_wait3A_213] : memref<2x128xi32, #tpu.memory_space<vmem>> -> memref<1x128xi32, #tpu.memory_space<vmem>>
      %dma_wait3A_215 = tpu.memref_squeeze %dma_wait3A_214 : memref<1x128xi32, #tpu.memory_space<vmem>> -> memref<128xi32, #tpu.memory_space<vmem>>
      %dma_wait3A_216 = arith.constant 0 : i32
      %dma_wait3A_217 = arith.constant 0 : i32
      %dma_wait3A_218 = tpu.memref_slice %arg9[%dma_wait3A_216, %dma_wait3A_217] : memref<10240x128xf32, #tpu.memory_space<vmem_shared>> -> memref<10240x128xf32, #tpu.memory_space<vmem_shared>>
      tpu.wait_indirect_dma semaphore(%run_scoped3A_198 : memref<!tpu.dma_semaphore, #tpu.memory_space<semaphore_mem>>) src(%dma_wait3A_212 : memref<128x128xf32, #tpu.memory_space<vmem>>) dst(%dma_wait3A_218 : memref<10240x128xf32, #tpu.memory_space<vmem_shared>>)
      tpu.yield
    }) : () -> ()
    %dma_wait3A_159 = arith.constant 1 : i32
    %dma_wait3A_160 = arith.constant 1 : i32
    %dma_wait3A_161 = arith.constant 1 : i32
    %dma_wait3A_162 = arith.constant 0 : i32
    %dma_wait3A_163 = arith.constant 0 : i32
    %dma_wait3A_164 = tpu.memref_slice %arg8[%dma_wait3A_160, %dma_wait3A_162, %dma_wait3A_163] : memref<2x128x128xf32, #tpu.memory_space<vmem>> -> memref<1x64x128xf32, #tpu.memory_space<vmem>>
    %dma_wait3A_165 = tpu.memref_squeeze %dma_wait3A_164 : memref<1x64x128xf32, #tpu.memory_space<vmem>> -> memref<64x128xf32, #tpu.memory_space<vmem>>
    %dma_wait3A_166 = arith.constant 0 : i32
    %dma_wait3A_167 = tpu.memref_slice %arg6[%dma_wait3A_159, %dma_wait3A_166] : memref<2x128xi32, #tpu.memory_space<vmem>> -> memref<1x64xi32, #tpu.memory_space<vmem>>
    %dma_wait3A_168 = tpu.memref_squeeze %dma_wait3A_167 : memref<1x64xi32, #tpu.memory_space<vmem>> -> memref<64xi32, #tpu.memory_space<vmem>>
    %dma_wait3A_169 = arith.constant 0 : i32
    %dma_wait3A_170 = arith.constant 0 : i32
    %dma_wait3A_171 = tpu.memref_slice %arg3[%dma_wait3A_169, %dma_wait3A_170] : memref<10000x128xf32, #tpu.memory_space<hbm>> -> memref<10000x128xf32, #tpu.memory_space<hbm>>
    %dma_wait3A_172 = tpu.memref_slice %arg11[%dma_wait3A_161] : memref<2x!tpu.dma_semaphore, #tpu.memory_space<semaphore_mem>> -> memref<1x!tpu.dma_semaphore, #tpu.memory_space<semaphore_mem>>
    %dma_wait3A_173 = tpu.memref_squeeze %dma_wait3A_172 : memref<1x!tpu.dma_semaphore, #tpu.memory_space<semaphore_mem>> -> memref<!tpu.dma_semaphore, #tpu.memory_space<semaphore_mem>>
    tpu.wait_indirect_dma semaphore(%dma_wait3A_173 : memref<!tpu.dma_semaphore, #tpu.memory_space<semaphore_mem>>) src(%dma_wait3A_171 : memref<10000x128xf32, #tpu.memory_space<hbm>>) dst(%dma_wait3A_165 : memref<64x128xf32, #tpu.memory_space<vmem>>)
    %dma_wait3A_174 = arith.constant 1 : i32
    %dma_wait3A_175 = arith.constant 1 : i32
    %dma_wait3A_176 = arith.constant 1 : i32
    %dma_wait3A_177 = arith.constant 64 : i32
    %dma_wait3A_178 = arith.constant 0 : i32
    %dma_wait3A_179 = tpu.memref_slice %arg8[%dma_wait3A_175, %dma_wait3A_177, %dma_wait3A_178] : memref<2x128x128xf32, #tpu.memory_space<vmem>> -> memref<1x64x128xf32, #tpu.memory_space<vmem>>
    %dma_wait3A_180 = tpu.memref_squeeze %dma_wait3A_179 : memref<1x64x128xf32, #tpu.memory_space<vmem>> -> memref<64x128xf32, #tpu.memory_space<vmem>>
    %dma_wait3A_181 = arith.constant 64 : i32
    %dma_wait3A_182 = tpu.memref_slice %arg6[%dma_wait3A_174, %dma_wait3A_181] : memref<2x128xi32, #tpu.memory_space<vmem>> -> memref<1x64xi32, #tpu.memory_space<vmem>>
    %dma_wait3A_183 = tpu.memref_squeeze %dma_wait3A_182 : memref<1x64xi32, #tpu.memory_space<vmem>> -> memref<64xi32, #tpu.memory_space<vmem>>
    %dma_wait3A_184 = arith.constant 0 : i32
    %dma_wait3A_185 = arith.constant 0 : i32
    %dma_wait3A_186 = tpu.memref_slice %arg3[%dma_wait3A_184, %dma_wait3A_185] : memref<10000x128xf32, #tpu.memory_space<hbm>> -> memref<10000x128xf32, #tpu.memory_space<hbm>>
    %dma_wait3A_187 = tpu.memref_slice %arg11[%dma_wait3A_176] : memref<2x!tpu.dma_semaphore, #tpu.memory_space<semaphore_mem>> -> memref<1x!tpu.dma_semaphore, #tpu.memory_space<semaphore_mem>>
    %dma_wait3A_188 = tpu.memref_squeeze %dma_wait3A_187 : memref<1x!tpu.dma_semaphore, #tpu.memory_space<semaphore_mem>> -> memref<!tpu.dma_semaphore, #tpu.memory_space<semaphore_mem>>
    tpu.wait_indirect_dma semaphore(%dma_wait3A_188 : memref<!tpu.dma_semaphore, #tpu.memory_space<semaphore_mem>>) src(%dma_wait3A_186 : memref<10000x128xf32, #tpu.memory_space<hbm>>) dst(%dma_wait3A_180 : memref<64x128xf32, #tpu.memory_space<vmem>>)
    %run_scoped3A_189 = arith.constant 1 : i32
    %run_scoped3A_190 = arith.constant 1 : i32
    "tpu.region"() ({
      %run_scoped3A_198 = tpu.sem_alloc : memref<!tpu.dma_semaphore, #tpu.memory_space<semaphore_mem>>
      %dma_start3A_199 = arith.constant 0 : i32
      %dma_start3A_200 = arith.constant 0 : i32
      %dma_start3A_201 = tpu.memref_slice %arg8[%run_scoped3A_189, %dma_start3A_199, %dma_start3A_200] : memref<2x128x128xf32, #tpu.memory_space<vmem>> -> memref<1x128x128xf32, #tpu.memory_space<vmem>>
      %dma_start3A_202 = tpu.memref_squeeze %dma_start3A_201 : memref<1x128x128xf32, #tpu.memory_space<vmem>> -> memref<128x128xf32, #tpu.memory_space<vmem>>
      %dma_start3A_203 = arith.constant 0 : i32
      %dma_start3A_204 = tpu.memref_slice %arg7[%run_scoped3A_190, %dma_start3A_203] : memref<2x128xi32, #tpu.memory_space<vmem>> -> memref<1x128xi32, #tpu.memory_space<vmem>>
      %dma_start3A_205 = tpu.memref_squeeze %dma_start3A_204 : memref<1x128xi32, #tpu.memory_space<vmem>> -> memref<128xi32, #tpu.memory_space<vmem>>
      %dma_start3A_206 = arith.constant 0 : i32
      %dma_start3A_207 = arith.constant 0 : i32
      %dma_start3A_208 = tpu.memref_slice %arg9[%dma_start3A_206, %dma_start3A_207] : memref<10240x128xf32, #tpu.memory_space<vmem_shared>> -> memref<10240x128xf32, #tpu.memory_space<vmem_shared>>
      tpu.enqueue_indirect_dma source(%dma_start3A_202 : memref<128x128xf32, #tpu.memory_space<vmem>>) target(%dma_start3A_208 : memref<10240x128xf32, #tpu.memory_space<vmem_shared>>) offsets(%dma_start3A_205 : memref<128xi32, #tpu.memory_space<vmem>>) semaphore(%run_scoped3A_198 : memref<!tpu.dma_semaphore, #tpu.memory_space<semaphore_mem>>) {add = true}
      %dma_wait3A_209 = arith.constant 0 : i32
      %dma_wait3A_210 = arith.constant 0 : i32
      %dma_wait3A_211 = tpu.memref_slice %arg8[%run_scoped3A_189, %dma_wait3A_209, %dma_wait3A_210] : memref<2x128x128xf32, #tpu.memory_space<vmem>> -> memref<1x128x128xf32, #tpu.memory_space<vmem>>
      %dma_wait3A_212 = tpu.memref_squeeze %dma_wait3A_211 : memref<1x128x128xf32, #tpu.memory_space<vmem>> -> memref<128x128xf32, #tpu.memory_space<vmem>>
      %dma_wait3A_213 = arith.constant 0 : i32
      %dma_wait3A_214 = tpu.memref_slice %arg7[%run_scoped3A_190, %dma_wait3A_213] : memref<2x128xi32, #tpu.memory_space<vmem>> -> memref<1x128xi32, #tpu.memory_space<vmem>>
      %dma_wait3A_215 = tpu.memref_squeeze %dma_wait3A_214 : memref<1x128xi32, #tpu.memory_space<vmem>> -> memref<128xi32, #tpu.memory_space<vmem>>
      %dma_wait3A_216 = arith.constant 0 : i32
      %dma_wait3A_217 = arith.constant 0 : i32
      %dma_wait3A_218 = tpu.memref_slice %arg9[%dma_wait3A_216, %dma_wait3A_217] : memref<10240x128xf32, #tpu.memory_space<vmem_shared>> -> memref<10240x128xf32, #tpu.memory_space<vmem_shared>>
      tpu.wait_indirect_dma semaphore(%run_scoped3A_198 : memref<!tpu.dma_semaphore, #tpu.memory_space<semaphore_mem>>) src(%dma_wait3A_212 : memref<128x128xf32, #tpu.memory_space<vmem>>) dst(%dma_wait3A_218 : memref<10240x128xf32, #tpu.memory_space<vmem_shared>>)
      tpu.yield
    }) : () -> ()
    %barrier3A_191 = arith.constant 0 : index
    tpu.barrier barrier_id(%barrier3A_191)
    %scan3A_192 = arith.constant 0 : i32
    %scan3A_193 = arith.constant 0 : i32
    %scan3A_194 = arith.constant 5 : i32
    %scan3A_195 = arith.addi %scan3A_193, %scan3A_194 : i32
    %scan3A_196 = arith.constant 1 : i32
    scf.for %scan3A_198 = %scan3A_193 to %scan3A_195 step %scan3A_196  : i32 {
      %mul3A_199 = arith.constant 640 : i32
      %mul3A_200 = arith.muli %arg1, %mul3A_199 : i32
      %mul3A_201 = arith.constant 128 : i32
      %mul3A_202 = arith.muli %scan3A_198, %mul3A_201 : i32
      %add3A_203 = arith.addi %mul3A_200, %mul3A_202 : i32
      %run_scoped3A_204 = arith.constant 0 : i32
      "tpu.region"() ({
        %run_scoped3A_206 = tpu.sem_alloc : memref<!tpu.dma_semaphore, #tpu.memory_space<semaphore_mem>>
        %dma_start3A_207 = arith.constant 0 : i32
        %dma_start3A_208 = arith.constant 0 : i32
        %dma_start3A_209 = tpu.memref_slice %arg8[%run_scoped3A_204, %dma_start3A_207, %dma_start3A_208] : memref<2x128x128xf32, #tpu.memory_space<vmem>> -> memref<1x128x128xf32, #tpu.memory_space<vmem>>
        %dma_start3A_210 = tpu.memref_squeeze %dma_start3A_209 : memref<1x128x128xf32, #tpu.memory_space<vmem>> -> memref<128x128xf32, #tpu.memory_space<vmem>>
        %dma_start3A_211 = arith.constant 0 : i32
        %dma_start3A_212 = tpu.memref_slice %arg9[%add3A_203, %dma_start3A_211] : memref<10240x128xf32, #tpu.memory_space<vmem_shared>> -> memref<128x128xf32, #tpu.memory_space<vmem_shared>>
        %dma_start3A_213 = arith.constant 0 : i32
        %dma_start3A_214 = arith.constant 0 : i32
        %dma_start3A_215 = tpu.memref_slice %arg8[%run_scoped3A_204, %dma_start3A_213, %dma_start3A_214] : memref<2x128x128xf32, #tpu.memory_space<vmem>> -> memref<1x128x128xf32, #tpu.memory_space<vmem>>
        %dma_start3A_216 = tpu.memref_squeeze %dma_start3A_215 : memref<1x128x128xf32, #tpu.memory_space<vmem>> -> memref<128x128xf32, #tpu.memory_space<vmem>>
        %dma_start3A_217 = arith.constant 0 : i32
        %dma_start3A_218 = tpu.memref_slice %arg9[%add3A_203, %dma_start3A_217] : memref<10240x128xf32, #tpu.memory_space<vmem_shared>> -> memref<128x128xf32, #tpu.memory_space<vmem_shared>>
        tpu.enqueue_dma source(%dma_start3A_218 : memref<128x128xf32, #tpu.memory_space<vmem_shared>>) target(%dma_start3A_216 : memref<128x128xf32, #tpu.memory_space<vmem>>) target_semaphore(%run_scoped3A_206 : memref<!tpu.dma_semaphore, #tpu.memory_space<semaphore_mem>>)
        %dma_wait3A_219 = arith.constant 0 : i32
        %dma_wait3A_220 = arith.constant 0 : i32
        %dma_wait3A_221 = tpu.memref_slice %arg8[%run_scoped3A_204, %dma_wait3A_219, %dma_wait3A_220] : memref<2x128x128xf32, #tpu.memory_space<vmem>> -> memref<1x128x128xf32, #tpu.memory_space<vmem>>
        %dma_wait3A_222 = tpu.memref_squeeze %dma_wait3A_221 : memref<1x128x128xf32, #tpu.memory_space<vmem>> -> memref<128x128xf32, #tpu.memory_space<vmem>>
        %dma_wait3A_223 = arith.constant 0 : i32
        %dma_wait3A_224 = tpu.memref_slice %arg9[%add3A_203, %dma_wait3A_223] : memref<10240x128xf32, #tpu.memory_space<vmem_shared>> -> memref<128x128xf32, #tpu.memory_space<vmem_shared>>
        %dma_wait3A_225 = arith.constant 0 : i32
        %dma_wait3A_226 = arith.constant 0 : i32
        %dma_wait3A_227 = tpu.memref_slice %arg8[%run_scoped3A_204, %dma_wait3A_225, %dma_wait3A_226] : memref<2x128x128xf32, #tpu.memory_space<vmem>> -> memref<1x128x128xf32, #tpu.memory_space<vmem>>
        %dma_wait3A_228 = tpu.memref_squeeze %dma_wait3A_227 : memref<1x128x128xf32, #tpu.memory_space<vmem>> -> memref<128x128xf32, #tpu.memory_space<vmem>>
        %dma_wait3A_229 = arith.constant 0 : i32
        %dma_wait3A_230 = tpu.memref_slice %arg9[%add3A_203, %dma_wait3A_229] : memref<10240x128xf32, #tpu.memory_space<vmem_shared>> -> memref<128x128xf32, #tpu.memory_space<vmem_shared>>
        tpu.wait_dma2 semaphore(%run_scoped3A_206 : memref<!tpu.dma_semaphore, #tpu.memory_space<semaphore_mem>>) src(%dma_wait3A_230 : memref<128x128xf32, #tpu.memory_space<vmem_shared>>) dst(%dma_wait3A_228 : memref<128x128xf32, #tpu.memory_space<vmem>>)
        tpu.yield
      }) : () -> ()
      %run_scoped3A_205 = arith.constant 0 : i32
      "tpu.region"() ({
        %run_scoped3A_206 = tpu.sem_alloc : memref<!tpu.dma_semaphore, #tpu.memory_space<semaphore_mem>>
        %dma_start3A_207 = arith.constant 0 : i32
        %dma_start3A_208 = arith.constant 0 : i32
        %dma_start3A_209 = tpu.memref_slice %arg8[%run_scoped3A_205, %dma_start3A_207, %dma_start3A_208] : memref<2x128x128xf32, #tpu.memory_space<vmem>> -> memref<1x128x128xf32, #tpu.memory_space<vmem>>
        %dma_start3A_210 = tpu.memref_squeeze %dma_start3A_209 : memref<1x128x128xf32, #tpu.memory_space<vmem>> -> memref<128x128xf32, #tpu.memory_space<vmem>>
        %dma_start3A_211 = arith.constant 0 : i32
        %dma_start3A_212 = tpu.memref_slice %arg4[%arg0, %add3A_203, %dma_start3A_211] : memref<2x10240x128xf32, #tpu.memory_space<hbm>> -> memref<1x128x128xf32, #tpu.memory_space<hbm>>
        %dma_start3A_213 = tpu.memref_squeeze %dma_start3A_212 : memref<1x128x128xf32, #tpu.memory_space<hbm>> -> memref<128x128xf32, #tpu.memory_space<hbm>>
        %dma_start3A_214 = arith.constant 0 : i32
        %dma_start3A_215 = tpu.memref_slice %arg4[%arg0, %add3A_203, %dma_start3A_214] : memref<2x10240x128xf32, #tpu.memory_space<hbm>> -> memref<1x128x128xf32, #tpu.memory_space<hbm>>
        %dma_start3A_216 = tpu.memref_squeeze %dma_start3A_215 : memref<1x128x128xf32, #tpu.memory_space<hbm>> -> memref<128x128xf32, #tpu.memory_space<hbm>>
        %dma_start3A_217 = arith.constant 0 : i32
        %dma_start3A_218 = arith.constant 0 : i32
        %dma_start3A_219 = tpu.memref_slice %arg8[%run_scoped3A_205, %dma_start3A_217, %dma_start3A_218] : memref<2x128x128xf32, #tpu.memory_space<vmem>> -> memref<1x128x128xf32, #tpu.memory_space<vmem>>
        %dma_start3A_220 = tpu.memref_squeeze %dma_start3A_219 : memref<1x128x128xf32, #tpu.memory_space<vmem>> -> memref<128x128xf32, #tpu.memory_space<vmem>>
        tpu.enqueue_dma source(%dma_start3A_220 : memref<128x128xf32, #tpu.memory_space<vmem>>) target(%dma_start3A_216 : memref<128x128xf32, #tpu.memory_space<hbm>>) target_semaphore(%run_scoped3A_206 : memref<!tpu.dma_semaphore, #tpu.memory_space<semaphore_mem>>)
        %dma_wait3A_221 = arith.constant 0 : i32
        %dma_wait3A_222 = arith.constant 0 : i32
        %dma_wait3A_223 = tpu.memref_slice %arg8[%run_scoped3A_205, %dma_wait3A_221, %dma_wait3A_222] : memref<2x128x128xf32, #tpu.memory_space<vmem>> -> memref<1x128x128xf32, #tpu.memory_space<vmem>>
        %dma_wait3A_224 = tpu.memref_squeeze %dma_wait3A_223 : memref<1x128x128xf32, #tpu.memory_space<vmem>> -> memref<128x128xf32, #tpu.memory_space<vmem>>
        %dma_wait3A_225 = arith.constant 0 : i32
        %dma_wait3A_226 = tpu.memref_slice %arg4[%arg0, %add3A_203, %dma_wait3A_225] : memref<2x10240x128xf32, #tpu.memory_space<hbm>> -> memref<1x128x128xf32, #tpu.memory_space<hbm>>
        %dma_wait3A_227 = tpu.memref_squeeze %dma_wait3A_226 : memref<1x128x128xf32, #tpu.memory_space<hbm>> -> memref<128x128xf32, #tpu.memory_space<hbm>>
        %dma_wait3A_228 = arith.constant 0 : i32
        %dma_wait3A_229 = tpu.memref_slice %arg4[%arg0, %add3A_203, %dma_wait3A_228] : memref<2x10240x128xf32, #tpu.memory_space<hbm>> -> memref<1x128x128xf32, #tpu.memory_space<hbm>>
        %dma_wait3A_230 = tpu.memref_squeeze %dma_wait3A_229 : memref<1x128x128xf32, #tpu.memory_space<hbm>> -> memref<128x128xf32, #tpu.memory_space<hbm>>
        %dma_wait3A_231 = arith.constant 0 : i32
        %dma_wait3A_232 = arith.constant 0 : i32
        %dma_wait3A_233 = tpu.memref_slice %arg8[%run_scoped3A_205, %dma_wait3A_231, %dma_wait3A_232] : memref<2x128x128xf32, #tpu.memory_space<vmem>> -> memref<1x128x128xf32, #tpu.memory_space<vmem>>
        %dma_wait3A_234 = tpu.memref_squeeze %dma_wait3A_233 : memref<1x128x128xf32, #tpu.memory_space<vmem>> -> memref<128x128xf32, #tpu.memory_space<vmem>>
        tpu.wait_dma2 semaphore(%run_scoped3A_206 : memref<!tpu.dma_semaphore, #tpu.memory_space<semaphore_mem>>) src(%dma_wait3A_234 : memref<128x128xf32, #tpu.memory_space<vmem>>) dst(%dma_wait3A_230 : memref<128x128xf32, #tpu.memory_space<hbm>>)
        tpu.yield
      }) : () -> ()
    }
    %scan3A_197 = arith.constant 5 : i32
    return
  }
}

#map = affine_map<(d0, d1) -> (0, 0, 0)>
#map1 = affine_map<(d0, d1) -> (0)>
module attributes {stable_mosaic.version = 14 : i64} {
  func.func @_deg_body(%arg0: i32, %arg1: i32, %arg2: memref<32x80x128xi32, #tpu.memory_space<hbm>>, %arg3: memref<20480xf32, #tpu.memory_space<hbm>>, %arg4: memref<80x128xi32, #tpu.memory_space<vmem>>, %arg5: memref<128xi32, #tpu.memory_space<vmem>>, %arg6: memref<128xf32, #tpu.memory_space<vmem>>, %arg7: memref<640xf32, #tpu.memory_space<vmem>>, %arg8: memref<10240xf32, #tpu.memory_space<vmem_shared>>, %arg9: memref<!tpu.dma_semaphore, #tpu.memory_space<semaphore_mem>>) attributes {dimension_semantics = [#tpu.dimension_semantics<core_parallel>, #tpu.dimension_semantics<subcore_parallel>], iteration_bounds = array<i64: 2, 16>, scalar_prefetch = 0 : i64, scratch_operands = 6 : i64, tpu.core_type = #tpu.core_type<sc_vector_subcore>, window_params = [{transform_indices = #map}, {transform_indices = #map1}]} {
    %mul3A = arith.constant 16 : i32
    %mul3A_0 = arith.muli %arg0, %mul3A : i32
    %add3A = arith.addi %mul3A_0, %arg1 : i32
    %broadcast_in_dim3A = arith.constant 1.000000e+00 : f32
    %broadcast_in_dim3A_1 = vector.broadcast %broadcast_in_dim3A : f32 to vector<16xf32>
    %broadcast_in_dim3A_2 = arith.constant 0.000000e+00 : f32
    %broadcast_in_dim3A_3 = vector.broadcast %broadcast_in_dim3A_2 : f32 to vector<16xf32>
    %swap3A = arith.constant 0 : index
    %swap3A_4 = tpu.vector_load %arg6[%swap3A] {strides = array<i32>} : memref<128xf32, #tpu.memory_space<vmem>>, vector<16xf32>,
    %swap3A_5 = vector.shape_cast %swap3A_4 : vector<16xf32> to vector<16xf32>
    %swap3A_6 = vector.shape_cast %broadcast_in_dim3A_1 : vector<16xf32> to vector<16xf32>
    tpu.vector_store %arg6[%swap3A], %swap3A_6 {strides = array<i32>} : memref<128xf32, #tpu.memory_space<vmem>>, vector<16xf32>,
    %swap3A_7 = arith.constant 16 : index
    %swap3A_8 = tpu.vector_load %arg6[%swap3A_7] {strides = array<i32>} : memref<128xf32, #tpu.memory_space<vmem>>, vector<16xf32>,
    %swap3A_9 = vector.shape_cast %swap3A_8 : vector<16xf32> to vector<16xf32>
    %swap3A_10 = vector.shape_cast %broadcast_in_dim3A_1 : vector<16xf32> to vector<16xf32>
    tpu.vector_store %arg6[%swap3A_7], %swap3A_10 {strides = array<i32>} : memref<128xf32, #tpu.memory_space<vmem>>, vector<16xf32>,
    %swap3A_11 = arith.constant 32 : index
    %swap3A_12 = tpu.vector_load %arg6[%swap3A_11] {strides = array<i32>} : memref<128xf32, #tpu.memory_space<vmem>>, vector<16xf32>,
    %swap3A_13 = vector.shape_cast %swap3A_12 : vector<16xf32> to vector<16xf32>
    %swap3A_14 = vector.shape_cast %broadcast_in_dim3A_1 : vector<16xf32> to vector<16xf32>
    tpu.vector_store %arg6[%swap3A_11], %swap3A_14 {strides = array<i32>} : memref<128xf32, #tpu.memory_space<vmem>>, vector<16xf32>,
    %swap3A_15 = arith.constant 48 : index
    %swap3A_16 = tpu.vector_load %arg6[%swap3A_15] {strides = array<i32>} : memref<128xf32, #tpu.memory_space<vmem>>, vector<16xf32>,
    %swap3A_17 = vector.shape_cast %swap3A_16 : vector<16xf32> to vector<16xf32>
    %swap3A_18 = vector.shape_cast %broadcast_in_dim3A_1 : vector<16xf32> to vector<16xf32>
    tpu.vector_store %arg6[%swap3A_15], %swap3A_18 {strides = array<i32>} : memref<128xf32, #tpu.memory_space<vmem>>, vector<16xf32>,
    %swap3A_19 = arith.constant 64 : index
    %swap3A_20 = tpu.vector_load %arg6[%swap3A_19] {strides = array<i32>} : memref<128xf32, #tpu.memory_space<vmem>>, vector<16xf32>,
    %swap3A_21 = vector.shape_cast %swap3A_20 : vector<16xf32> to vector<16xf32>
    %swap3A_22 = vector.shape_cast %broadcast_in_dim3A_1 : vector<16xf32> to vector<16xf32>
    tpu.vector_store %arg6[%swap3A_19], %swap3A_22 {strides = array<i32>} : memref<128xf32, #tpu.memory_space<vmem>>, vector<16xf32>,
    %swap3A_23 = arith.constant 80 : index
    %swap3A_24 = tpu.vector_load %arg6[%swap3A_23] {strides = array<i32>} : memref<128xf32, #tpu.memory_space<vmem>>, vector<16xf32>,
    %swap3A_25 = vector.shape_cast %swap3A_24 : vector<16xf32> to vector<16xf32>
    %swap3A_26 = vector.shape_cast %broadcast_in_dim3A_1 : vector<16xf32> to vector<16xf32>
    tpu.vector_store %arg6[%swap3A_23], %swap3A_26 {strides = array<i32>} : memref<128xf32, #tpu.memory_space<vmem>>, vector<16xf32>,
    %swap3A_27 = arith.constant 96 : index
    %swap3A_28 = tpu.vector_load %arg6[%swap3A_27] {strides = array<i32>} : memref<128xf32, #tpu.memory_space<vmem>>, vector<16xf32>,
    %swap3A_29 = vector.shape_cast %swap3A_28 : vector<16xf32> to vector<16xf32>
    %swap3A_30 = vector.shape_cast %broadcast_in_dim3A_1 : vector<16xf32> to vector<16xf32>
    tpu.vector_store %arg6[%swap3A_27], %swap3A_30 {strides = array<i32>} : memref<128xf32, #tpu.memory_space<vmem>>, vector<16xf32>,
    %swap3A_31 = arith.constant 112 : index
    %swap3A_32 = tpu.vector_load %arg6[%swap3A_31] {strides = array<i32>} : memref<128xf32, #tpu.memory_space<vmem>>, vector<16xf32>,
    %swap3A_33 = vector.shape_cast %swap3A_32 : vector<16xf32> to vector<16xf32>
    %swap3A_34 = vector.shape_cast %broadcast_in_dim3A_1 : vector<16xf32> to vector<16xf32>
    tpu.vector_store %arg6[%swap3A_31], %swap3A_34 {strides = array<i32>} : memref<128xf32, #tpu.memory_space<vmem>>, vector<16xf32>,
    %dma_start3A = arith.constant 0 : i32
    %dma_start3A_35 = arith.constant 0 : i32
    %dma_start3A_36 = tpu.memref_slice %arg2[%add3A, %dma_start3A, %dma_start3A_35] : memref<32x80x128xi32, #tpu.memory_space<hbm>> -> memref<1x80x128xi32, #tpu.memory_space<hbm>>
    %dma_start3A_37 = tpu.memref_squeeze %dma_start3A_36 : memref<1x80x128xi32, #tpu.memory_space<hbm>> -> memref<80x128xi32, #tpu.memory_space<hbm>>
    %dma_start3A_38 = arith.constant 0 : i32
    %dma_start3A_39 = arith.constant 0 : i32
    %dma_start3A_40 = tpu.memref_slice %arg2[%add3A, %dma_start3A_38, %dma_start3A_39] : memref<32x80x128xi32, #tpu.memory_space<hbm>> -> memref<1x80x128xi32, #tpu.memory_space<hbm>>
    %dma_start3A_41 = tpu.memref_squeeze %dma_start3A_40 : memref<1x80x128xi32, #tpu.memory_space<hbm>> -> memref<80x128xi32, #tpu.memory_space<hbm>>
    tpu.enqueue_dma source(%dma_start3A_41 : memref<80x128xi32, #tpu.memory_space<hbm>>) target(%arg4 : memref<80x128xi32, #tpu.memory_space<vmem>>) target_semaphore(%arg9 : memref<!tpu.dma_semaphore, #tpu.memory_space<semaphore_mem>>)
    %dma_wait3A = arith.constant 0 : i32
    %dma_wait3A_42 = arith.constant 0 : i32
    %dma_wait3A_43 = tpu.memref_slice %arg2[%add3A, %dma_wait3A, %dma_wait3A_42] : memref<32x80x128xi32, #tpu.memory_space<hbm>> -> memref<1x80x128xi32, #tpu.memory_space<hbm>>
    %dma_wait3A_44 = tpu.memref_squeeze %dma_wait3A_43 : memref<1x80x128xi32, #tpu.memory_space<hbm>> -> memref<80x128xi32, #tpu.memory_space<hbm>>
    %dma_wait3A_45 = arith.constant 0 : i32
    %dma_wait3A_46 = arith.constant 0 : i32
    %dma_wait3A_47 = tpu.memref_slice %arg2[%add3A, %dma_wait3A_45, %dma_wait3A_46] : memref<32x80x128xi32, #tpu.memory_space<hbm>> -> memref<1x80x128xi32, #tpu.memory_space<hbm>>
    %dma_wait3A_48 = tpu.memref_squeeze %dma_wait3A_47 : memref<1x80x128xi32, #tpu.memory_space<hbm>> -> memref<80x128xi32, #tpu.memory_space<hbm>>
    tpu.wait_dma2 semaphore(%arg9 : memref<!tpu.dma_semaphore, #tpu.memory_space<semaphore_mem>>) src(%dma_wait3A_48 : memref<80x128xi32, #tpu.memory_space<hbm>>) dst(%arg4 : memref<80x128xi32, #tpu.memory_space<vmem>>)
    %scan3A = arith.constant 0 : i32
    %scan3A_49 = arith.constant 0 : i32
    %scan3A_50 = arith.constant 40 : i32
    %scan3A_51 = arith.addi %scan3A_49, %scan3A_50 : i32
    %scan3A_52 = arith.constant 1 : i32
    scf.for %scan3A_70 = %scan3A_49 to %scan3A_51 step %scan3A_52  : i32 {
      %mul3A_71 = arith.constant 16 : i32
      %mul3A_72 = arith.muli %scan3A_70, %mul3A_71 : i32
      %swap3A_73 = arith.index_cast %mul3A_72 : i32 to index
      %swap3A_74 = tpu.vector_load %arg7[%swap3A_73] {strides = array<i32>} : memref<640xf32, #tpu.memory_space<vmem>>, vector<16xf32>,
      %swap3A_75 = vector.shape_cast %swap3A_74 : vector<16xf32> to vector<16xf32>
      %swap3A_76 = vector.shape_cast %broadcast_in_dim3A_3 : vector<16xf32> to vector<16xf32>
      tpu.vector_store %arg7[%swap3A_73], %swap3A_76 {strides = array<i32>} : memref<640xf32, #tpu.memory_space<vmem>>, vector<16xf32>,
    }
    %scan3A_53 = arith.constant 40 : i32
    %mul3A_54 = arith.constant 640 : i32
    %mul3A_55 = arith.muli %arg1, %mul3A_54 : i32
    "tpu.region"() ({
      %run_scoped3A = tpu.sem_alloc : memref<!tpu.dma_semaphore, #tpu.memory_space<semaphore_mem>>
      %dma_start3A_70 = tpu.memref_slice %arg8[%mul3A_55] : memref<10240xf32, #tpu.memory_space<vmem_shared>> -> memref<640xf32, #tpu.memory_space<vmem_shared>>
      %dma_start3A_71 = tpu.memref_slice %arg8[%mul3A_55] : memref<10240xf32, #tpu.memory_space<vmem_shared>> -> memref<640xf32, #tpu.memory_space<vmem_shared>>
      tpu.enqueue_dma source(%arg7 : memref<640xf32, #tpu.memory_space<vmem>>) target(%dma_start3A_71 : memref<640xf32, #tpu.memory_space<vmem_shared>>) target_semaphore(%run_scoped3A : memref<!tpu.dma_semaphore, #tpu.memory_space<semaphore_mem>>)
      %dma_wait3A_72 = tpu.memref_slice %arg8[%mul3A_55] : memref<10240xf32, #tpu.memory_space<vmem_shared>> -> memref<640xf32, #tpu.memory_space<vmem_shared>>
      %dma_wait3A_73 = tpu.memref_slice %arg8[%mul3A_55] : memref<10240xf32, #tpu.memory_space<vmem_shared>> -> memref<640xf32, #tpu.memory_space<vmem_shared>>
      tpu.wait_dma2 semaphore(%run_scoped3A : memref<!tpu.dma_semaphore, #tpu.memory_space<semaphore_mem>>) src(%arg7 : memref<640xf32, #tpu.memory_space<vmem>>) dst(%dma_wait3A_73 : memref<640xf32, #tpu.memory_space<vmem_shared>>)
      tpu.yield
    }) : () -> ()
    %barrier3A = arith.constant 0 : index
    tpu.barrier barrier_id(%barrier3A)
    %scan3A_56 = arith.constant 0 : i32
    %scan3A_57 = arith.constant 0 : i32
    %scan3A_58 = arith.constant 80 : i32
    %scan3A_59 = arith.addi %scan3A_57, %scan3A_58 : i32
    %scan3A_60 = arith.constant 1 : i32
    scf.for %scan3A_70 = %scan3A_57 to %scan3A_59 step %scan3A_60  : i32 {
      %scan3A_71 = arith.constant 0 : i32
      %scan3A_72 = arith.constant 0 : i32
      %scan3A_73 = arith.constant 8 : i32
      %scan3A_74 = arith.addi %scan3A_72, %scan3A_73 : i32
      %scan3A_75 = arith.constant 1 : i32
      scf.for %scan3A_77 = %scan3A_72 to %scan3A_74 step %scan3A_75  : i32 {
        %mul3A_78 = arith.constant 16 : i32
        %mul3A_79 = arith.muli %scan3A_77, %mul3A_78 : i32
        %get3A = arith.index_cast %scan3A_70 : i32 to index
        %get3A_80 = arith.index_cast %mul3A_79 : i32 to index
        %get3A_81 = tpu.vector_load %arg4[%get3A, %get3A_80] {strides = array<i32>} : memref<80x128xi32, #tpu.memory_space<vmem>>, vector<1x16xi32>,
        %get3A_82 = vector.shape_cast %get3A_81 : vector<1x16xi32> to vector<16xi32>
        %and3A = arith.constant 16383 : i32
        %and3A_83 = vector.broadcast %and3A : i32 to vector<16xi32>
        %and3A_84 = arith.andi %get3A_82, %and3A_83 : vector<16xi32>
        %mul3A_85 = arith.constant 16 : i32
        %mul3A_86 = arith.muli %scan3A_77, %mul3A_85 : i32
        %swap3A_87 = arith.index_cast %mul3A_86 : i32 to index
        %swap3A_88 = tpu.vector_load %arg5[%swap3A_87] {strides = array<i32>} : memref<128xi32, #tpu.memory_space<vmem>>, vector<16xi32>,
        %swap3A_89 = vector.shape_cast %swap3A_88 : vector<16xi32> to vector<16xi32>
        %swap3A_90 = vector.shape_cast %and3A_84 : vector<16xi32> to vector<16xi32>
        tpu.vector_store %arg5[%swap3A_87], %swap3A_90 {strides = array<i32>} : memref<128xi32, #tpu.memory_space<vmem>>, vector<16xi32>,
      }
      %scan3A_76 = arith.constant 8 : i32
      "tpu.region"() ({
        %run_scoped3A = tpu.sem_alloc : memref<!tpu.dma_semaphore, #tpu.memory_space<semaphore_mem>>
        %dma_start3A_77 = arith.constant 0 : i32
        %dma_start3A_78 = tpu.memref_slice %arg8[%dma_start3A_77] : memref<10240xf32, #tpu.memory_space<vmem_shared>> -> memref<10240xf32, #tpu.memory_space<vmem_shared>>
        tpu.enqueue_indirect_dma source(%arg6 : memref<128xf32, #tpu.memory_space<vmem>>) target(%dma_start3A_78 : memref<10240xf32, #tpu.memory_space<vmem_shared>>) offsets(%arg5 : memref<128xi32, #tpu.memory_space<vmem>>) semaphore(%run_scoped3A : memref<!tpu.dma_semaphore, #tpu.memory_space<semaphore_mem>>) {add = true}
        %dma_wait3A_79 = arith.constant 0 : i32
        %dma_wait3A_80 = tpu.memref_slice %arg8[%dma_wait3A_79] : memref<10240xf32, #tpu.memory_space<vmem_shared>> -> memref<10240xf32, #tpu.memory_space<vmem_shared>>
        tpu.wait_indirect_dma semaphore(%run_scoped3A : memref<!tpu.dma_semaphore, #tpu.memory_space<semaphore_mem>>) src(%arg6 : memref<128xf32, #tpu.memory_space<vmem>>) dst(%dma_wait3A_80 : memref<10240xf32, #tpu.memory_space<vmem_shared>>)
        tpu.yield
      }) : () -> ()
    }
    %scan3A_61 = arith.constant 80 : i32
    %barrier3A_62 = arith.constant 0 : index
    tpu.barrier barrier_id(%barrier3A_62)
    %mul3A_63 = arith.constant 640 : i32
    %mul3A_64 = arith.muli %arg1, %mul3A_63 : i32
    "tpu.region"() ({
      %run_scoped3A = tpu.sem_alloc : memref<!tpu.dma_semaphore, #tpu.memory_space<semaphore_mem>>
      %dma_start3A_70 = tpu.memref_slice %arg8[%mul3A_64] : memref<10240xf32, #tpu.memory_space<vmem_shared>> -> memref<640xf32, #tpu.memory_space<vmem_shared>>
      %dma_start3A_71 = tpu.memref_slice %arg8[%mul3A_64] : memref<10240xf32, #tpu.memory_space<vmem_shared>> -> memref<640xf32, #tpu.memory_space<vmem_shared>>
      tpu.enqueue_dma source(%dma_start3A_71 : memref<640xf32, #tpu.memory_space<vmem_shared>>) target(%arg7 : memref<640xf32, #tpu.memory_space<vmem>>) target_semaphore(%run_scoped3A : memref<!tpu.dma_semaphore, #tpu.memory_space<semaphore_mem>>)
      %dma_wait3A_72 = tpu.memref_slice %arg8[%mul3A_64] : memref<10240xf32, #tpu.memory_space<vmem_shared>> -> memref<640xf32, #tpu.memory_space<vmem_shared>>
      %dma_wait3A_73 = tpu.memref_slice %arg8[%mul3A_64] : memref<10240xf32, #tpu.memory_space<vmem_shared>> -> memref<640xf32, #tpu.memory_space<vmem_shared>>
      tpu.wait_dma2 semaphore(%run_scoped3A : memref<!tpu.dma_semaphore, #tpu.memory_space<semaphore_mem>>) src(%dma_wait3A_73 : memref<640xf32, #tpu.memory_space<vmem_shared>>) dst(%arg7 : memref<640xf32, #tpu.memory_space<vmem>>)
      tpu.yield
    }) : () -> ()
    %mul3A_65 = arith.constant 10240 : i32
    %mul3A_66 = arith.muli %arg0, %mul3A_65 : i32
    %mul3A_67 = arith.constant 640 : i32
    %mul3A_68 = arith.muli %arg1, %mul3A_67 : i32
    %add3A_69 = arith.addi %mul3A_66, %mul3A_68 : i32
    "tpu.region"() ({
      %run_scoped3A = tpu.sem_alloc : memref<!tpu.dma_semaphore, #tpu.memory_space<semaphore_mem>>
      %dma_start3A_70 = tpu.memref_slice %arg3[%add3A_69] : memref<20480xf32, #tpu.memory_space<hbm>> -> memref<640xf32, #tpu.memory_space<hbm>>
      %dma_start3A_71 = tpu.memref_slice %arg3[%add3A_69] : memref<20480xf32, #tpu.memory_space<hbm>> -> memref<640xf32, #tpu.memory_space<hbm>>
      tpu.enqueue_dma source(%arg7 : memref<640xf32, #tpu.memory_space<vmem>>) target(%dma_start3A_71 : memref<640xf32, #tpu.memory_space<hbm>>) target_semaphore(%run_scoped3A : memref<!tpu.dma_semaphore, #tpu.memory_space<semaphore_mem>>)
      %dma_wait3A_72 = tpu.memref_slice %arg3[%add3A_69] : memref<20480xf32, #tpu.memory_space<hbm>> -> memref<640xf32, #tpu.memory_space<hbm>>
      %dma_wait3A_73 = tpu.memref_slice %arg3[%add3A_69] : memref<20480xf32, #tpu.memory_space<hbm>> -> memref<640xf32, #tpu.memory_space<hbm>>
      tpu.wait_dma2 semaphore(%run_scoped3A : memref<!tpu.dma_semaphore, #tpu.memory_space<semaphore_mem>>) src(%arg7 : memref<640xf32, #tpu.memory_space<vmem>>) dst(%dma_wait3A_73 : memref<640xf32, #tpu.memory_space<hbm>>)
      tpu.yield
    }) : () -> ()
    return
  }
}

#map = affine_map<(d0, d1) -> (0, 0)>
#map1 = affine_map<(d0, d1) -> (0, 0, 0)>
module attributes {stable_mosaic.version = 14 : i64} {
  func.func @_hop_body(%arg0: i32, %arg1: i32, %arg2: memref<2640x128xi32, #tpu.memory_space<hbm>>, %arg3: memref<10000x128xf32, #tpu.memory_space<hbm>>, %arg4: memref<2x10240x128xf32, #tpu.memory_space<hbm>>, %arg5: memref<80x128xi32, #tpu.memory_space<vmem>>, %arg6: memref<2x128xi32, #tpu.memory_space<vmem>>, %arg7: memref<2x128xi32, #tpu.memory_space<vmem>>, %arg8: memref<2x128x128xf32, #tpu.memory_space<vmem>>, %arg9: memref<10240x128xf32, #tpu.memory_space<vmem_shared>>, %arg10: memref<!tpu.dma_semaphore, #tpu.memory_space<semaphore_mem>>, %arg11: memref<2x!tpu.dma_semaphore, #tpu.memory_space<semaphore_mem>>) attributes {dimension_semantics = [#tpu.dimension_semantics<core_parallel>, #tpu.dimension_semantics<subcore_parallel>], iteration_bounds = array<i64: 2, 16>, scalar_prefetch = 0 : i64, scratch_operands = 7 : i64, tpu.core_type = #tpu.core_type<sc_vector_subcore>, window_params = [{transform_indices = #map}, {transform_indices = #map}, {transform_indices = #map1}]} {
    %eq3A = arith.constant 0 : i32
    %eq3A_0 = arith.cmpi eq, %arg0, %eq3A : i32
    %mul3A = arith.constant 80 : i32
    %mul3A_1 = arith.muli %arg1, %mul3A : i32
    %mul3A_2 = arith.constant 80 : i32
    %mul3A_3 = arith.muli %arg1, %mul3A_2 : i32
    %add3A = arith.constant 1280 : i32
    %add3A_4 = arith.addi %add3A, %mul3A_3 : i32
    %select_n3A = arith.select %eq3A_0, %mul3A_1, %add3A_4 : i32
    %eq3A_5 = arith.constant 0 : i32
    %eq3A_6 = arith.cmpi eq, %arg0, %eq3A_5 : i32
    %jit3A = arith.constant 80 : i32
    %jit3A_7 = arith.constant 80 : i32
    %select_n3A_8 = arith.select %eq3A_6, %jit3A, %jit3A_7 : i32
    %broadcast_in_dim3A = arith.constant 0.000000e+00 : f32
    %broadcast_in_dim3A_9 = vector.broadcast %broadcast_in_dim3A : f32 to vector<16xf32>
    %dma_start3A = arith.constant 0 : i32
    %dma_start3A_10 = tpu.memref_slice %arg2[%select_n3A, %dma_start3A] : memref<2640x128xi32, #tpu.memory_space<hbm>> -> memref<80x128xi32, #tpu.memory_space<hbm>>
    %dma_start3A_11 = arith.constant 0 : i32
    %dma_start3A_12 = tpu.memref_slice %arg2[%select_n3A, %dma_start3A_11] : memref<2640x128xi32, #tpu.memory_space<hbm>> -> memref<80x128xi32, #tpu.memory_space<hbm>>
    tpu.enqueue_dma source(%dma_start3A_12 : memref<80x128xi32, #tpu.memory_space<hbm>>) target(%arg5 : memref<80x128xi32, #tpu.memory_space<vmem>>) target_semaphore(%arg10 : memref<!tpu.dma_semaphore, #tpu.memory_space<semaphore_mem>>)
    %scan3A = arith.constant 0 : i32
    %scan3A_13 = arith.constant 0 : i32
    %scan3A_14 = arith.constant 1024 : i32
    %scan3A_15 = arith.addi %scan3A_13, %scan3A_14 : i32
    %scan3A_16 = arith.constant 1 : i32
    scf.for %scan3A_198 = %scan3A_13 to %scan3A_15 step %scan3A_16  : i32 {
      %jit3A_199 = arith.constant 8 : i32
      %div3A_200 = arith.divsi %scan3A_198, %jit3A_199 : i32
      %sign3A_201 = arith.constant 0 : i32
      %sign3A_202 = arith.cmpi sgt, %scan3A_198, %sign3A_201 : i32
      %sign3A_203 = arith.extui %sign3A_202 : i1 to i32
      %sign3A_204 = arith.constant 0 : i32
      %sign3A_205 = arith.cmpi slt, %scan3A_198, %sign3A_204 : i32
      %sign3A_206 = arith.extui %sign3A_205 : i1 to i32
      %sign3A_207 = arith.subi %sign3A_203, %sign3A_206 : i32
      %sign3A_208 = arith.constant 0 : i32
      %sign3A_209 = arith.cmpi sgt, %jit3A_199, %sign3A_208 : i32
      %sign3A_210 = arith.extui %sign3A_209 : i1 to i32
      %sign3A_211 = arith.constant 0 : i32
      %sign3A_212 = arith.cmpi slt, %jit3A_199, %sign3A_211 : i32
      %sign3A_213 = arith.extui %sign3A_212 : i1 to i32
      %sign3A_214 = arith.subi %sign3A_210, %sign3A_213 : i32
      %ne3A_215 = arith.cmpi ne, %sign3A_207, %sign3A_214 : i32
      %rem3A_216 = arith.remsi %scan3A_198, %jit3A_199 : i32
      %ne3A_217 = arith.constant 0 : i32
      %ne3A_218 = arith.cmpi ne, %rem3A_216, %ne3A_217 : i32
      %and3A_219 = arith.andi %ne3A_215, %ne3A_218 : i1
      %sub3A_220 = arith.constant 1 : i32
      %sub3A_221 = arith.subi %div3A_200, %sub3A_220 : i32
      %select_n3A_222 = arith.select %and3A_219, %sub3A_221, %div3A_200 : i32
      %jit3A_223 = arith.constant 8 : i32
      %eq3A_224 = arith.constant 0 : i32
      %eq3A_225 = arith.cmpi eq, %jit3A_223, %eq3A_224 : i32
      %jit3A_226 = arith.constant 1 : i32
      %select_n3A_227 = arith.select %eq3A_225, %jit3A_226, %jit3A_223 : i32
      %rem3A_228 = arith.remsi %scan3A_198, %select_n3A_227 : i32
      %ne3A_229 = arith.constant 0 : i32
      %ne3A_230 = arith.cmpi ne, %rem3A_228, %ne3A_229 : i32
      %lt3A = arith.constant 0 : i32
      %lt3A_231 = arith.cmpi slt, %rem3A_228, %lt3A : i32
      %lt3A_232 = arith.constant 0 : i32
      %lt3A_233 = arith.cmpi slt, %select_n3A_227, %lt3A_232 : i32
      %ne3A_234 = arith.xori %lt3A_231, %lt3A_233 : i1
      %and3A_235 = arith.andi %ne3A_234, %ne3A_230 : i1
      %add3A_236 = arith.addi %rem3A_228, %select_n3A_227 : i32
      %select_n3A_237 = arith.select %and3A_235, %add3A_236, %rem3A_228 : i32
      %mul3A_238 = arith.constant 16 : i32
      %mul3A_239 = arith.muli %select_n3A_237, %mul3A_238 : i32
      %swap3A = arith.constant 0 : i32
      %swap3A_240 = arith.index_cast %swap3A : i32 to index
      %swap3A_241 = arith.index_cast %select_n3A_222 : i32 to index
      %swap3A_242 = arith.index_cast %mul3A_239 : i32 to index
      %swap3A_243 = tpu.vector_load %arg8[%swap3A_240, %swap3A_241, %swap3A_242] {strides = array<i32>} : memref<2x128x128xf32, #tpu.memory_space<vmem>>, vector<1x1x16xf32>,
      %swap3A_244 = vector.shape_cast %swap3A_243 : vector<1x1x16xf32> to vector<16xf32>
      %swap3A_245 = vector.shape_cast %broadcast_in_dim3A_9 : vector<16xf32> to vector<1x1x16xf32>
      tpu.vector_store %arg8[%swap3A_240, %swap3A_241, %swap3A_242], %swap3A_245 {strides = array<i32>} : memref<2x128x128xf32, #tpu.memory_space<vmem>>, vector<1x1x16xf32>,
    }
    %scan3A_17 = arith.constant 1024 : i32
    %scan3A_18 = arith.constant 0 : i32
    %scan3A_19 = arith.constant 0 : i32
    %scan3A_20 = arith.constant 5 : i32
    %scan3A_21 = arith.addi %scan3A_19, %scan3A_20 : i32
    %scan3A_22 = arith.constant 1 : i32
    scf.for %scan3A_198 = %scan3A_19 to %scan3A_21 step %scan3A_22  : i32 {
      %mul3A_199 = arith.constant 640 : i32
      %mul3A_200 = arith.muli %arg1, %mul3A_199 : i32
      %mul3A_201 = arith.constant 128 : i32
      %mul3A_202 = arith.muli %scan3A_198, %mul3A_201 : i32
      %add3A_203 = arith.addi %mul3A_200, %mul3A_202 : i32
      %run_scoped3A_204 = arith.constant 0 : i32
      "tpu.region"() ({
        %run_scoped3A_205 = tpu.sem_alloc : memref<!tpu.dma_semaphore, #tpu.memory_space<semaphore_mem>>
        %dma_start3A_206 = arith.constant 0 : i32
        %dma_start3A_207 = arith.constant 0 : i32
        %dma_start3A_208 = tpu.memref_slice %arg8[%run_scoped3A_204, %dma_start3A_206, %dma_start3A_207] : memref<2x128x128xf32, #tpu.memory_space<vmem>> -> memref<1x128x128xf32, #tpu.memory_space<vmem>>
        %dma_start3A_209 = tpu.memref_squeeze %dma_start3A_208 : memref<1x128x128xf32, #tpu.memory_space<vmem>> -> memref<128x128xf32, #tpu.memory_space<vmem>>
        %dma_start3A_210 = arith.constant 0 : i32
        %dma_start3A_211 = tpu.memref_slice %arg9[%add3A_203, %dma_start3A_210] : memref<10240x128xf32, #tpu.memory_space<vmem_shared>> -> memref<128x128xf32, #tpu.memory_space<vmem_shared>>
        %dma_start3A_212 = arith.constant 0 : i32
        %dma_start3A_213 = tpu.memref_slice %arg9[%add3A_203, %dma_start3A_212] : memref<10240x128xf32, #tpu.memory_space<vmem_shared>> -> memref<128x128xf32, #tpu.memory_space<vmem_shared>>
        %dma_start3A_214 = arith.constant 0 : i32
        %dma_start3A_215 = arith.constant 0 : i32
        %dma_start3A_216 = tpu.memref_slice %arg8[%run_scoped3A_204, %dma_start3A_214, %dma_start3A_215] : memref<2x128x128xf32, #tpu.memory_space<vmem>> -> memref<1x128x128xf32, #tpu.memory_space<vmem>>
        %dma_start3A_217 = tpu.memref_squeeze %dma_start3A_216 : memref<1x128x128xf32, #tpu.memory_space<vmem>> -> memref<128x128xf32, #tpu.memory_space<vmem>>
        tpu.enqueue_dma source(%dma_start3A_217 : memref<128x128xf32, #tpu.memory_space<vmem>>) target(%dma_start3A_213 : memref<128x128xf32, #tpu.memory_space<vmem_shared>>) target_semaphore(%run_scoped3A_205 : memref<!tpu.dma_semaphore, #tpu.memory_space<semaphore_mem>>)
        %dma_wait3A_218 = arith.constant 0 : i32
        %dma_wait3A_219 = arith.constant 0 : i32
        %dma_wait3A_220 = tpu.memref_slice %arg8[%run_scoped3A_204, %dma_wait3A_218, %dma_wait3A_219] : memref<2x128x128xf32, #tpu.memory_space<vmem>> -> memref<1x128x128xf32, #tpu.memory_space<vmem>>
        %dma_wait3A_221 = tpu.memref_squeeze %dma_wait3A_220 : memref<1x128x128xf32, #tpu.memory_space<vmem>> -> memref<128x128xf32, #tpu.memory_space<vmem>>
        %dma_wait3A_222 = arith.constant 0 : i32
        %dma_wait3A_223 = tpu.memref_slice %arg9[%add3A_203, %dma_wait3A_222] : memref<10240x128xf32, #tpu.memory_space<vmem_shared>> -> memref<128x128xf32, #tpu.memory_space<vmem_shared>>
        %dma_wait3A_224 = arith.constant 0 : i32
        %dma_wait3A_225 = tpu.memref_slice %arg9[%add3A_203, %dma_wait3A_224] : memref<10240x128xf32, #tpu.memory_space<vmem_shared>> -> memref<128x128xf32, #tpu.memory_space<vmem_shared>>
        %dma_wait3A_226 = arith.constant 0 : i32
        %dma_wait3A_227 = arith.constant 0 : i32
        %dma_wait3A_228 = tpu.memref_slice %arg8[%run_scoped3A_204, %dma_wait3A_226, %dma_wait3A_227] : memref<2x128x128xf32, #tpu.memory_space<vmem>> -> memref<1x128x128xf32, #tpu.memory_space<vmem>>
        %dma_wait3A_229 = tpu.memref_squeeze %dma_wait3A_228 : memref<1x128x128xf32, #tpu.memory_space<vmem>> -> memref<128x128xf32, #tpu.memory_space<vmem>>
        tpu.wait_dma2 semaphore(%run_scoped3A_205 : memref<!tpu.dma_semaphore, #tpu.memory_space<semaphore_mem>>) src(%dma_wait3A_229 : memref<128x128xf32, #tpu.memory_space<vmem>>) dst(%dma_wait3A_225 : memref<128x128xf32, #tpu.memory_space<vmem_shared>>)
        tpu.yield
      }) : () -> ()
    }
    %scan3A_23 = arith.constant 5 : i32
    %dma_wait3A = arith.constant 0 : i32
    %dma_wait3A_24 = tpu.memref_slice %arg2[%select_n3A, %dma_wait3A] : memref<2640x128xi32, #tpu.memory_space<hbm>> -> memref<80x128xi32, #tpu.memory_space<hbm>>
    %dma_wait3A_25 = arith.constant 0 : i32
    %dma_wait3A_26 = tpu.memref_slice %arg2[%select_n3A, %dma_wait3A_25] : memref<2640x128xi32, #tpu.memory_space<hbm>> -> memref<80x128xi32, #tpu.memory_space<hbm>>
    tpu.wait_dma2 semaphore(%arg10 : memref<!tpu.dma_semaphore, #tpu.memory_space<semaphore_mem>>) src(%dma_wait3A_26 : memref<80x128xi32, #tpu.memory_space<hbm>>) dst(%arg5 : memref<80x128xi32, #tpu.memory_space<vmem>>)
    %barrier3A = arith.constant 0 : index
    tpu.barrier barrier_id(%barrier3A)
    %scan3A_27 = arith.constant 0 : i32
    %scan3A_28 = arith.constant 0 : i32
    %scan3A_29 = arith.constant 8 : i32
    %scan3A_30 = arith.addi %scan3A_28, %scan3A_29 : i32
    %scan3A_31 = arith.constant 1 : i32
    scf.for %scan3A_198 = %scan3A_28 to %scan3A_30 step %scan3A_31  : i32 {
      %mul3A_199 = arith.constant 16 : i32
      %mul3A_200 = arith.muli %scan3A_198, %mul3A_199 : i32
      %get3A = arith.constant 0 : i32
      %get3A_201 = arith.index_cast %get3A : i32 to index
      %get3A_202 = arith.index_cast %mul3A_200 : i32 to index
      %get3A_203 = tpu.vector_load %arg5[%get3A_201, %get3A_202] {strides = array<i32>} : memref<80x128xi32, #tpu.memory_space<vmem>>, vector<1x16xi32>,
      %get3A_204 = vector.shape_cast %get3A_203 : vector<1x16xi32> to vector<16xi32>
      %shift_right_logical3A = arith.constant 14 : i32
      %shift_right_logical3A_205 = vector.broadcast %shift_right_logical3A : i32 to vector<16xi32>
      %shift_right_logical3A_206 = arith.shrui %get3A_204, %shift_right_logical3A_205 : vector<16xi32>
      %mul3A_207 = arith.constant 16 : i32
      %mul3A_208 = arith.muli %scan3A_198, %mul3A_207 : i32
      %swap3A = arith.constant 0 : i32
      %swap3A_209 = arith.index_cast %swap3A : i32 to index
      %swap3A_210 = arith.index_cast %mul3A_208 : i32 to index
      %swap3A_211 = tpu.vector_load %arg6[%swap3A_209, %swap3A_210] {strides = array<i32>} : memref<2x128xi32, #tpu.memory_space<vmem>>, vector<1x16xi32>,
      %swap3A_212 = vector.shape_cast %swap3A_211 : vector<1x16xi32> to vector<16xi32>
      %swap3A_213 = vector.shape_cast %shift_right_logical3A_206 : vector<16xi32> to vector<1x16xi32>
      tpu.vector_store %arg6[%swap3A_209, %swap3A_210], %swap3A_213 {strides = array<i32>} : memref<2x128xi32, #tpu.memory_space<vmem>>, vector<1x16xi32>,
      %and3A_214 = arith.constant 16383 : i32
      %and3A_215 = vector.broadcast %and3A_214 : i32 to vector<16xi32>
      %and3A_216 = arith.andi %get3A_204, %and3A_215 : vector<16xi32>
      %mul3A_217 = arith.constant 16 : i32
      %mul3A_218 = arith.muli %scan3A_198, %mul3A_217 : i32
      %swap3A_219 = arith.constant 0 : i32
      %swap3A_220 = arith.index_cast %swap3A_219 : i32 to index
      %swap3A_221 = arith.index_cast %mul3A_218 : i32 to index
      %swap3A_222 = tpu.vector_load %arg7[%swap3A_220, %swap3A_221] {strides = array<i32>} : memref<2x128xi32, #tpu.memory_space<vmem>>, vector<1x16xi32>,
      %swap3A_223 = vector.shape_cast %swap3A_222 : vector<1x16xi32> to vector<16xi32>
      %swap3A_224 = vector.shape_cast %and3A_216 : vector<16xi32> to vector<1x16xi32>
      tpu.vector_store %arg7[%swap3A_220, %swap3A_221], %swap3A_224 {strides = array<i32>} : memref<2x128xi32, #tpu.memory_space<vmem>>, vector<1x16xi32>,
    }
    %scan3A_32 = arith.constant 8 : i32
    %dma_start3A_33 = arith.constant 0 : i32
    %dma_start3A_34 = arith.constant 0 : i32
    %dma_start3A_35 = arith.constant 0 : i32
    %dma_start3A_36 = arith.constant 0 : i32
    %dma_start3A_37 = arith.constant 0 : i32
    %dma_start3A_38 = tpu.memref_slice %arg8[%dma_start3A_34, %dma_start3A_36, %dma_start3A_37] : memref<2x128x128xf32, #tpu.memory_space<vmem>> -> memref<1x64x128xf32, #tpu.memory_space<vmem>>
    %dma_start3A_39 = tpu.memref_squeeze %dma_start3A_38 : memref<1x64x128xf32, #tpu.memory_space<vmem>> -> memref<64x128xf32, #tpu.memory_space<vmem>>
    %dma_start3A_40 = arith.constant 0 : i32
    %dma_start3A_41 = tpu.memref_slice %arg6[%dma_start3A_33, %dma_start3A_40] : memref<2x128xi32, #tpu.memory_space<vmem>> -> memref<1x64xi32, #tpu.memory_space<vmem>>
    %dma_start3A_42 = tpu.memref_squeeze %dma_start3A_41 : memref<1x64xi32, #tpu.memory_space<vmem>> -> memref<64xi32, #tpu.memory_space<vmem>>
    %dma_start3A_43 = arith.constant 0 : i32
    %dma_start3A_44 = arith.constant 0 : i32
    %dma_start3A_45 = tpu.memref_slice %arg3[%dma_start3A_43, %dma_start3A_44] : memref<10000x128xf32, #tpu.memory_space<hbm>> -> memref<10000x128xf32, #tpu.memory_space<hbm>>
    %dma_start3A_46 = tpu.memref_slice %arg11[%dma_start3A_35] : memref<2x!tpu.dma_semaphore, #tpu.memory_space<semaphore_mem>> -> memref<1x!tpu.dma_semaphore, #tpu.memory_space<semaphore_mem>>
    %dma_start3A_47 = tpu.memref_squeeze %dma_start3A_46 : memref<1x!tpu.dma_semaphore, #tpu.memory_space<semaphore_mem>> -> memref<!tpu.dma_semaphore, #tpu.memory_space<semaphore_mem>>
    tpu.enqueue_indirect_dma source(%dma_start3A_45 : memref<10000x128xf32, #tpu.memory_space<hbm>>) target(%dma_start3A_39 : memref<64x128xf32, #tpu.memory_space<vmem>>) offsets(%dma_start3A_42 : memref<64xi32, #tpu.memory_space<vmem>>) semaphore(%dma_start3A_47 : memref<!tpu.dma_semaphore, #tpu.memory_space<semaphore_mem>>)
    %dma_start3A_48 = arith.constant 0 : i32
    %dma_start3A_49 = arith.constant 0 : i32
    %dma_start3A_50 = arith.constant 0 : i32
    %dma_start3A_51 = arith.constant 64 : i32
    %dma_start3A_52 = arith.constant 0 : i32
    %dma_start3A_53 = tpu.memref_slice %arg8[%dma_start3A_49, %dma_start3A_51, %dma_start3A_52] : memref<2x128x128xf32, #tpu.memory_space<vmem>> -> memref<1x64x128xf32, #tpu.memory_space<vmem>>
    %dma_start3A_54 = tpu.memref_squeeze %dma_start3A_53 : memref<1x64x128xf32, #tpu.memory_space<vmem>> -> memref<64x128xf32, #tpu.memory_space<vmem>>
    %dma_start3A_55 = arith.constant 64 : i32
    %dma_start3A_56 = tpu.memref_slice %arg6[%dma_start3A_48, %dma_start3A_55] : memref<2x128xi32, #tpu.memory_space<vmem>> -> memref<1x64xi32, #tpu.memory_space<vmem>>
    %dma_start3A_57 = tpu.memref_squeeze %dma_start3A_56 : memref<1x64xi32, #tpu.memory_space<vmem>> -> memref<64xi32, #tpu.memory_space<vmem>>
    %dma_start3A_58 = arith.constant 0 : i32
    %dma_start3A_59 = arith.constant 0 : i32
    %dma_start3A_60 = tpu.memref_slice %arg3[%dma_start3A_58, %dma_start3A_59] : memref<10000x128xf32, #tpu.memory_space<hbm>> -> memref<10000x128xf32, #tpu.memory_space<hbm>>
    %dma_start3A_61 = tpu.memref_slice %arg11[%dma_start3A_50] : memref<2x!tpu.dma_semaphore, #tpu.memory_space<semaphore_mem>> -> memref<1x!tpu.dma_semaphore, #tpu.memory_space<semaphore_mem>>
    %dma_start3A_62 = tpu.memref_squeeze %dma_start3A_61 : memref<1x!tpu.dma_semaphore, #tpu.memory_space<semaphore_mem>> -> memref<!tpu.dma_semaphore, #tpu.memory_space<semaphore_mem>>
    tpu.enqueue_indirect_dma source(%dma_start3A_60 : memref<10000x128xf32, #tpu.memory_space<hbm>>) target(%dma_start3A_54 : memref<64x128xf32, #tpu.memory_space<vmem>>) offsets(%dma_start3A_57 : memref<64xi32, #tpu.memory_space<vmem>>) semaphore(%dma_start3A_62 : memref<!tpu.dma_semaphore, #tpu.memory_space<semaphore_mem>>)
    %scan3A_63 = arith.constant 0 : i32
    %scan3A_64 = arith.constant 0 : i32
    %scan3A_65 = arith.constant 8 : i32
    %scan3A_66 = arith.addi %scan3A_64, %scan3A_65 : i32
    %scan3A_67 = arith.constant 1 : i32
    scf.for %scan3A_198 = %scan3A_64 to %scan3A_66 step %scan3A_67  : i32 {
      %mul3A_199 = arith.constant 16 : i32
      %mul3A_200 = arith.muli %scan3A_198, %mul3A_199 : i32
      %get3A = arith.constant 1 : i32
      %get3A_201 = arith.index_cast %get3A : i32 to index
      %get3A_202 = arith.index_cast %mul3A_200 : i32 to index
      %get3A_203 = tpu.vector_load %arg5[%get3A_201, %get3A_202] {strides = array<i32>} : memref<80x128xi32, #tpu.memory_space<vmem>>, vector<1x16xi32>,
      %get3A_204 = vector.shape_cast %get3A_203 : vector<1x16xi32> to vector<16xi32>
      %shift_right_logical3A = arith.constant 14 : i32
      %shift_right_logical3A_205 = vector.broadcast %shift_right_logical3A : i32 to vector<16xi32>
      %shift_right_logical3A_206 = arith.shrui %get3A_204, %shift_right_logical3A_205 : vector<16xi32>
      %mul3A_207 = arith.constant 16 : i32
      %mul3A_208 = arith.muli %scan3A_198, %mul3A_207 : i32
      %swap3A = arith.constant 1 : i32
      %swap3A_209 = arith.index_cast %swap3A : i32 to index
      %swap3A_210 = arith.index_cast %mul3A_208 : i32 to index
      %swap3A_211 = tpu.vector_load %arg6[%swap3A_209, %swap3A_210] {strides = array<i32>} : memref<2x128xi32, #tpu.memory_space<vmem>>, vector<1x16xi32>,
      %swap3A_212 = vector.shape_cast %swap3A_211 : vector<1x16xi32> to vector<16xi32>
      %swap3A_213 = vector.shape_cast %shift_right_logical3A_206 : vector<16xi32> to vector<1x16xi32>
      tpu.vector_store %arg6[%swap3A_209, %swap3A_210], %swap3A_213 {strides = array<i32>} : memref<2x128xi32, #tpu.memory_space<vmem>>, vector<1x16xi32>,
      %and3A_214 = arith.constant 16383 : i32
      %and3A_215 = vector.broadcast %and3A_214 : i32 to vector<16xi32>
      %and3A_216 = arith.andi %get3A_204, %and3A_215 : vector<16xi32>
      %mul3A_217 = arith.constant 16 : i32
      %mul3A_218 = arith.muli %scan3A_198, %mul3A_217 : i32
      %swap3A_219 = arith.constant 1 : i32
      %swap3A_220 = arith.index_cast %swap3A_219 : i32 to index
      %swap3A_221 = arith.index_cast %mul3A_218 : i32 to index
      %swap3A_222 = tpu.vector_load %arg7[%swap3A_220, %swap3A_221] {strides = array<i32>} : memref<2x128xi32, #tpu.memory_space<vmem>>, vector<1x16xi32>,
      %swap3A_223 = vector.shape_cast %swap3A_222 : vector<1x16xi32> to vector<16xi32>
      %swap3A_224 = vector.shape_cast %and3A_216 : vector<16xi32> to vector<1x16xi32>
      tpu.vector_store %arg7[%swap3A_220, %swap3A_221], %swap3A_224 {strides = array<i32>} : memref<2x128xi32, #tpu.memory_space<vmem>>, vector<1x16xi32>,
    }
    %scan3A_68 = arith.constant 8 : i32
    %dma_start3A_69 = arith.constant 1 : i32
    %dma_start3A_70 = arith.constant 1 : i32
    %dma_start3A_71 = arith.constant 1 : i32
    %dma_start3A_72 = arith.constant 0 : i32
    %dma_start3A_73 = arith.constant 0 : i32
    %dma_start3A_74 = tpu.memref_slice %arg8[%dma_start3A_70, %dma_start3A_72, %dma_start3A_73] : memref<2x128x128xf32, #tpu.memory_space<vmem>> -> memref<1x64x128xf32, #tpu.memory_space<vmem>>
    %dma_start3A_75 = tpu.memref_squeeze %dma_start3A_74 : memref<1x64x128xf32, #tpu.memory_space<vmem>> -> memref<64x128xf32, #tpu.memory_space<vmem>>
    %dma_start3A_76 = arith.constant 0 : i32
    %dma_start3A_77 = tpu.memref_slice %arg6[%dma_start3A_69, %dma_start3A_76] : memref<2x128xi32, #tpu.memory_space<vmem>> -> memref<1x64xi32, #tpu.memory_space<vmem>>
    %dma_start3A_78 = tpu.memref_squeeze %dma_start3A_77 : memref<1x64xi32, #tpu.memory_space<vmem>> -> memref<64xi32, #tpu.memory_space<vmem>>
    %dma_start3A_79 = arith.constant 0 : i32
    %dma_start3A_80 = arith.constant 0 : i32
    %dma_start3A_81 = tpu.memref_slice %arg3[%dma_start3A_79, %dma_start3A_80] : memref<10000x128xf32, #tpu.memory_space<hbm>> -> memref<10000x128xf32, #tpu.memory_space<hbm>>
    %dma_start3A_82 = tpu.memref_slice %arg11[%dma_start3A_71] : memref<2x!tpu.dma_semaphore, #tpu.memory_space<semaphore_mem>> -> memref<1x!tpu.dma_semaphore, #tpu.memory_space<semaphore_mem>>
    %dma_start3A_83 = tpu.memref_squeeze %dma_start3A_82 : memref<1x!tpu.dma_semaphore, #tpu.memory_space<semaphore_mem>> -> memref<!tpu.dma_semaphore, #tpu.memory_space<semaphore_mem>>
    tpu.enqueue_indirect_dma source(%dma_start3A_81 : memref<10000x128xf32, #tpu.memory_space<hbm>>) target(%dma_start3A_75 : memref<64x128xf32, #tpu.memory_space<vmem>>) offsets(%dma_start3A_78 : memref<64xi32, #tpu.memory_space<vmem>>) semaphore(%dma_start3A_83 : memref<!tpu.dma_semaphore, #tpu.memory_space<semaphore_mem>>)
    %dma_start3A_84 = arith.constant 1 : i32
    %dma_start3A_85 = arith.constant 1 : i32
    %dma_start3A_86 = arith.constant 1 : i32
    %dma_start3A_87 = arith.constant 64 : i32
    %dma_start3A_88 = arith.constant 0 : i32
    %dma_start3A_89 = tpu.memref_slice %arg8[%dma_start3A_85, %dma_start3A_87, %dma_start3A_88] : memref<2x128x128xf32, #tpu.memory_space<vmem>> -> memref<1x64x128xf32, #tpu.memory_space<vmem>>
    %dma_start3A_90 = tpu.memref_squeeze %dma_start3A_89 : memref<1x64x128xf32, #tpu.memory_space<vmem>> -> memref<64x128xf32, #tpu.memory_space<vmem>>
    %dma_start3A_91 = arith.constant 64 : i32
    %dma_start3A_92 = tpu.memref_slice %arg6[%dma_start3A_84, %dma_start3A_91] : memref<2x128xi32, #tpu.memory_space<vmem>> -> memref<1x64xi32, #tpu.memory_space<vmem>>
    %dma_start3A_93 = tpu.memref_squeeze %dma_start3A_92 : memref<1x64xi32, #tpu.memory_space<vmem>> -> memref<64xi32, #tpu.memory_space<vmem>>
    %dma_start3A_94 = arith.constant 0 : i32
    %dma_start3A_95 = arith.constant 0 : i32
    %dma_start3A_96 = tpu.memref_slice %arg3[%dma_start3A_94, %dma_start3A_95] : memref<10000x128xf32, #tpu.memory_space<hbm>> -> memref<10000x128xf32, #tpu.memory_space<hbm>>
    %dma_start3A_97 = tpu.memref_slice %arg11[%dma_start3A_86] : memref<2x!tpu.dma_semaphore, #tpu.memory_space<semaphore_mem>> -> memref<1x!tpu.dma_semaphore, #tpu.memory_space<semaphore_mem>>
    %dma_start3A_98 = tpu.memref_squeeze %dma_start3A_97 : memref<1x!tpu.dma_semaphore, #tpu.memory_space<semaphore_mem>> -> memref<!tpu.dma_semaphore, #tpu.memory_space<semaphore_mem>>
    tpu.enqueue_indirect_dma source(%dma_start3A_96 : memref<10000x128xf32, #tpu.memory_space<hbm>>) target(%dma_start3A_90 : memref<64x128xf32, #tpu.memory_space<vmem>>) offsets(%dma_start3A_93 : memref<64xi32, #tpu.memory_space<vmem>>) semaphore(%dma_start3A_98 : memref<!tpu.dma_semaphore, #tpu.memory_space<semaphore_mem>>)
    %jit3A_99 = arith.constant 2 : i32
    %div3A = arith.divsi %select_n3A_8, %jit3A_99 : i32
    %sign3A = arith.constant 0 : i32
    %sign3A_100 = arith.cmpi sgt, %select_n3A_8, %sign3A : i32
    %sign3A_101 = arith.extui %sign3A_100 : i1 to i32
    %sign3A_102 = arith.constant 0 : i32
    %sign3A_103 = arith.cmpi slt, %select_n3A_8, %sign3A_102 : i32
    %sign3A_104 = arith.extui %sign3A_103 : i1 to i32
    %sign3A_105 = arith.subi %sign3A_101, %sign3A_104 : i32
    %sign3A_106 = arith.constant 0 : i32
    %sign3A_107 = arith.cmpi sgt, %jit3A_99, %sign3A_106 : i32
    %sign3A_108 = arith.extui %sign3A_107 : i1 to i32
    %sign3A_109 = arith.constant 0 : i32
    %sign3A_110 = arith.cmpi slt, %jit3A_99, %sign3A_109 : i32
    %sign3A_111 = arith.extui %sign3A_110 : i1 to i32
    %sign3A_112 = arith.subi %sign3A_108, %sign3A_111 : i32
    %ne3A = arith.cmpi ne, %sign3A_105, %sign3A_112 : i32
    %rem3A = arith.remsi %select_n3A_8, %jit3A_99 : i32
    %ne3A_113 = arith.constant 0 : i32
    %ne3A_114 = arith.cmpi ne, %rem3A, %ne3A_113 : i32
    %and3A = arith.andi %ne3A, %ne3A_114 : i1
    %sub3A = arith.constant 1 : i32
    %sub3A_115 = arith.subi %div3A, %sub3A : i32
    %select_n3A_116 = arith.select %and3A, %sub3A_115, %div3A : i32
    %sub3A_117 = arith.constant 1 : i32
    %sub3A_118 = arith.subi %select_n3A_116, %sub3A_117 : i32
    %while3A = arith.constant 0 : i32
    %while3A_119 = arith.constant 0 : i32
    %while3A_120 = arith.subi %sub3A_118, %while3A_119 : i32
    %while3A_121 = arith.addi %while3A_119, %while3A_120 : i32
    %while3A_122 = arith.constant 1 : i32
    %while3A_123 = arith.divsi %while3A_120, %while3A_122 : i32
    %while3A_124 = arith.muli %while3A_123, %while3A_122 : i32
    %while3A_125 = arith.addi %while3A_119, %while3A_124 : i32
    %while3A_126 = arith.constant 1 : i32
    scf.for %while3A_198 = %while3A_119 to %while3A_125 step %while3A_126  : i32 {
      %mul3A_199 = arith.constant 2 : i32
      %mul3A_200 = arith.muli %while3A_198, %mul3A_199 : i32
      %add3A_201 = arith.constant 0 : i32
      %add3A_202 = arith.addi %mul3A_200, %add3A_201 : i32
      %dma_wait3A_203 = arith.constant 0 : i32
      %dma_wait3A_204 = arith.constant 0 : i32
      %dma_wait3A_205 = arith.constant 0 : i32
      %dma_wait3A_206 = arith.constant 0 : i32
      %dma_wait3A_207 = arith.constant 0 : i32
      %dma_wait3A_208 = tpu.memref_slice %arg8[%dma_wait3A_204, %dma_wait3A_206, %dma_wait3A_207] : memref<2x128x128xf32, #tpu.memory_space<vmem>> -> memref<1x64x128xf32, #tpu.memory_space<vmem>>
      %dma_wait3A_209 = tpu.memref_squeeze %dma_wait3A_208 : memref<1x64x128xf32, #tpu.memory_space<vmem>> -> memref<64x128xf32, #tpu.memory_space<vmem>>
      %dma_wait3A_210 = arith.constant 0 : i32
      %dma_wait3A_211 = tpu.memref_slice %arg6[%dma_wait3A_203, %dma_wait3A_210] : memref<2x128xi32, #tpu.memory_space<vmem>> -> memref<1x64xi32, #tpu.memory_space<vmem>>
      %dma_wait3A_212 = tpu.memref_squeeze %dma_wait3A_211 : memref<1x64xi32, #tpu.memory_space<vmem>> -> memref<64xi32, #tpu.memory_space<vmem>>
      %dma_wait3A_213 = arith.constant 0 : i32
      %dma_wait3A_214 = arith.constant 0 : i32
      %dma_wait3A_215 = tpu.memref_slice %arg3[%dma_wait3A_213, %dma_wait3A_214] : memref<10000x128xf32, #tpu.memory_space<hbm>> -> memref<10000x128xf32, #tpu.memory_space<hbm>>
      %dma_wait3A_216 = tpu.memref_slice %arg11[%dma_wait3A_205] : memref<2x!tpu.dma_semaphore, #tpu.memory_space<semaphore_mem>> -> memref<1x!tpu.dma_semaphore, #tpu.memory_space<semaphore_mem>>
      %dma_wait3A_217 = tpu.memref_squeeze %dma_wait3A_216 : memref<1x!tpu.dma_semaphore, #tpu.memory_space<semaphore_mem>> -> memref<!tpu.dma_semaphore, #tpu.memory_space<semaphore_mem>>
      tpu.wait_indirect_dma semaphore(%dma_wait3A_217 : memref<!tpu.dma_semaphore, #tpu.memory_space<semaphore_mem>>) src(%dma_wait3A_215 : memref<10000x128xf32, #tpu.memory_space<hbm>>) dst(%dma_wait3A_209 : memref<64x128xf32, #tpu.memory_space<vmem>>)
      %dma_wait3A_218 = arith.constant 0 : i32
      %dma_wait3A_219 = arith.constant 0 : i32
      %dma_wait3A_220 = arith.constant 0 : i32
      %dma_wait3A_221 = arith.constant 64 : i32
      %dma_wait3A_222 = arith.constant 0 : i32
      %dma_wait3A_223 = tpu.memref_slice %arg8[%dma_wait3A_219, %dma_wait3A_221, %dma_wait3A_222] : memref<2x128x128xf32, #tpu.memory_space<vmem>> -> memref<1x64x128xf32, #tpu.memory_space<vmem>>
      %dma_wait3A_224 = tpu.memref_squeeze %dma_wait3A_223 : memref<1x64x128xf32, #tpu.memory_space<vmem>> -> memref<64x128xf32, #tpu.memory_space<vmem>>
      %dma_wait3A_225 = arith.constant 64 : i32
      %dma_wait3A_226 = tpu.memref_slice %arg6[%dma_wait3A_218, %dma_wait3A_225] : memref<2x128xi32, #tpu.memory_space<vmem>> -> memref<1x64xi32, #tpu.memory_space<vmem>>
      %dma_wait3A_227 = tpu.memref_squeeze %dma_wait3A_226 : memref<1x64xi32, #tpu.memory_space<vmem>> -> memref<64xi32, #tpu.memory_space<vmem>>
      %dma_wait3A_228 = arith.constant 0 : i32
      %dma_wait3A_229 = arith.constant 0 : i32
      %dma_wait3A_230 = tpu.memref_slice %arg3[%dma_wait3A_228, %dma_wait3A_229] : memref<10000x128xf32, #tpu.memory_space<hbm>> -> memref<10000x128xf32, #tpu.memory_space<hbm>>
      %dma_wait3A_231 = tpu.memref_slice %arg11[%dma_wait3A_220] : memref<2x!tpu.dma_semaphore, #tpu.memory_space<semaphore_mem>> -> memref<1x!tpu.dma_semaphore, #tpu.memory_space<semaphore_mem>>
      %dma_wait3A_232 = tpu.memref_squeeze %dma_wait3A_231 : memref<1x!tpu.dma_semaphore, #tpu.memory_space<semaphore_mem>> -> memref<!tpu.dma_semaphore, #tpu.memory_space<semaphore_mem>>
      tpu.wait_indirect_dma semaphore(%dma_wait3A_232 : memref<!tpu.dma_semaphore, #tpu.memory_space<semaphore_mem>>) src(%dma_wait3A_230 : memref<10000x128xf32, #tpu.memory_space<hbm>>) dst(%dma_wait3A_224 : memref<64x128xf32, #tpu.memory_space<vmem>>)
      %run_scoped3A_233 = arith.constant 0 : i32
      %run_scoped3A_234 = arith.constant 0 : i32
      "tpu.region"() ({
        %run_scoped3A_347 = tpu.sem_alloc : memref<!tpu.dma_semaphore, #tpu.memory_space<semaphore_mem>>
        %dma_start3A_348 = arith.constant 0 : i32
        %dma_start3A_349 = arith.constant 0 : i32
        %dma_start3A_350 = tpu.memref_slice %arg8[%run_scoped3A_233, %dma_start3A_348, %dma_start3A_349] : memref<2x128x128xf32, #tpu.memory_space<vmem>> -> memref<1x128x128xf32, #tpu.memory_space<vmem>>
        %dma_start3A_351 = tpu.memref_squeeze %dma_start3A_350 : memref<1x128x128xf32, #tpu.memory_space<vmem>> -> memref<128x128xf32, #tpu.memory_space<vmem>>
        %dma_start3A_352 = arith.constant 0 : i32
        %dma_start3A_353 = tpu.memref_slice %arg7[%run_scoped3A_234, %dma_start3A_352] : memref<2x128xi32, #tpu.memory_space<vmem>> -> memref<1x128xi32, #tpu.memory_space<vmem>>
        %dma_start3A_354 = tpu.memref_squeeze %dma_start3A_353 : memref<1x128xi32, #tpu.memory_space<vmem>> -> memref<128xi32, #tpu.memory_space<vmem>>
        %dma_start3A_355 = arith.constant 0 : i32
        %dma_start3A_356 = arith.constant 0 : i32
        %dma_start3A_357 = tpu.memref_slice %arg9[%dma_start3A_355, %dma_start3A_356] : memref<10240x128xf32, #tpu.memory_space<vmem_shared>> -> memref<10240x128xf32, #tpu.memory_space<vmem_shared>>
        tpu.enqueue_indirect_dma source(%dma_start3A_351 : memref<128x128xf32, #tpu.memory_space<vmem>>) target(%dma_start3A_357 : memref<10240x128xf32, #tpu.memory_space<vmem_shared>>) offsets(%dma_start3A_354 : memref<128xi32, #tpu.memory_space<vmem>>) semaphore(%run_scoped3A_347 : memref<!tpu.dma_semaphore, #tpu.memory_space<semaphore_mem>>) {add = true}
        %dma_wait3A_358 = arith.constant 0 : i32
        %dma_wait3A_359 = arith.constant 0 : i32
        %dma_wait3A_360 = tpu.memref_slice %arg8[%run_scoped3A_233, %dma_wait3A_358, %dma_wait3A_359] : memref<2x128x128xf32, #tpu.memory_space<vmem>> -> memref<1x128x128xf32, #tpu.memory_space<vmem>>
        %dma_wait3A_361 = tpu.memref_squeeze %dma_wait3A_360 : memref<1x128x128xf32, #tpu.memory_space<vmem>> -> memref<128x128xf32, #tpu.memory_space<vmem>>
        %dma_wait3A_362 = arith.constant 0 : i32
        %dma_wait3A_363 = tpu.memref_slice %arg7[%run_scoped3A_234, %dma_wait3A_362] : memref<2x128xi32, #tpu.memory_space<vmem>> -> memref<1x128xi32, #tpu.memory_space<vmem>>
        %dma_wait3A_364 = tpu.memref_squeeze %dma_wait3A_363 : memref<1x128xi32, #tpu.memory_space<vmem>> -> memref<128xi32, #tpu.memory_space<vmem>>
        %dma_wait3A_365 = arith.constant 0 : i32
        %dma_wait3A_366 = arith.constant 0 : i32
        %dma_wait3A_367 = tpu.memref_slice %arg9[%dma_wait3A_365, %dma_wait3A_366] : memref<10240x128xf32, #tpu.memory_space<vmem_shared>> -> memref<10240x128xf32, #tpu.memory_space<vmem_shared>>
        tpu.wait_indirect_dma semaphore(%run_scoped3A_347 : memref<!tpu.dma_semaphore, #tpu.memory_space<semaphore_mem>>) src(%dma_wait3A_361 : memref<128x128xf32, #tpu.memory_space<vmem>>) dst(%dma_wait3A_367 : memref<10240x128xf32, #tpu.memory_space<vmem_shared>>)
        tpu.yield
      }) : () -> ()
      %add3A_235 = arith.constant 2 : i32
      %add3A_236 = arith.addi %add3A_202, %add3A_235 : i32
      %scan3A_237 = arith.constant 0 : i32
      %scan3A_238 = arith.constant 0 : i32
      %scan3A_239 = arith.constant 8 : i32
      %scan3A_240 = arith.addi %scan3A_238, %scan3A_239 : i32
      %scan3A_241 = arith.constant 1 : i32
      scf.for %scan3A_347 = %scan3A_238 to %scan3A_240 step %scan3A_241  : i32 {
        %mul3A_348 = arith.constant 16 : i32
        %mul3A_349 = arith.muli %scan3A_347, %mul3A_348 : i32
        %get3A = arith.index_cast %add3A_236 : i32 to index
        %get3A_350 = arith.index_cast %mul3A_349 : i32 to index
        %get3A_351 = tpu.vector_load %arg5[%get3A, %get3A_350] {strides = array<i32>} : memref<80x128xi32, #tpu.memory_space<vmem>>, vector<1x16xi32>,
        %get3A_352 = vector.shape_cast %get3A_351 : vector<1x16xi32> to vector<16xi32>
        %shift_right_logical3A = arith.constant 14 : i32
        %shift_right_logical3A_353 = vector.broadcast %shift_right_logical3A : i32 to vector<16xi32>
        %shift_right_logical3A_354 = arith.shrui %get3A_352, %shift_right_logical3A_353 : vector<16xi32>
        %mul3A_355 = arith.constant 16 : i32
        %mul3A_356 = arith.muli %scan3A_347, %mul3A_355 : i32
        %swap3A = arith.constant 0 : i32
        %swap3A_357 = arith.index_cast %swap3A : i32 to index
        %swap3A_358 = arith.index_cast %mul3A_356 : i32 to index
        %swap3A_359 = tpu.vector_load %arg6[%swap3A_357, %swap3A_358] {strides = array<i32>} : memref<2x128xi32, #tpu.memory_space<vmem>>, vector<1x16xi32>,
        %swap3A_360 = vector.shape_cast %swap3A_359 : vector<1x16xi32> to vector<16xi32>
        %swap3A_361 = vector.shape_cast %shift_right_logical3A_354 : vector<16xi32> to vector<1x16xi32>
        tpu.vector_store %arg6[%swap3A_357, %swap3A_358], %swap3A_361 {strides = array<i32>} : memref<2x128xi32, #tpu.memory_space<vmem>>, vector<1x16xi32>,
        %and3A_362 = arith.constant 16383 : i32
        %and3A_363 = vector.broadcast %and3A_362 : i32 to vector<16xi32>
        %and3A_364 = arith.andi %get3A_352, %and3A_363 : vector<16xi32>
        %mul3A_365 = arith.constant 16 : i32
        %mul3A_366 = arith.muli %scan3A_347, %mul3A_365 : i32
        %swap3A_367 = arith.constant 0 : i32
        %swap3A_368 = arith.index_cast %swap3A_367 : i32 to index
        %swap3A_369 = arith.index_cast %mul3A_366 : i32 to index
        %swap3A_370 = tpu.vector_load %arg7[%swap3A_368, %swap3A_369] {strides = array<i32>} : memref<2x128xi32, #tpu.memory_space<vmem>>, vector<1x16xi32>,
        %swap3A_371 = vector.shape_cast %swap3A_370 : vector<1x16xi32> to vector<16xi32>
        %swap3A_372 = vector.shape_cast %and3A_364 : vector<16xi32> to vector<1x16xi32>
        tpu.vector_store %arg7[%swap3A_368, %swap3A_369], %swap3A_372 {strides = array<i32>} : memref<2x128xi32, #tpu.memory_space<vmem>>, vector<1x16xi32>,
      }
      %scan3A_242 = arith.constant 8 : i32
      %dma_start3A_243 = arith.constant 0 : i32
      %dma_start3A_244 = arith.constant 0 : i32
      %dma_start3A_245 = arith.constant 0 : i32
      %dma_start3A_246 = arith.constant 0 : i32
      %dma_start3A_247 = arith.constant 0 : i32
      %dma_start3A_248 = tpu.memref_slice %arg8[%dma_start3A_244, %dma_start3A_246, %dma_start3A_247] : memref<2x128x128xf32, #tpu.memory_space<vmem>> -> memref<1x64x128xf32, #tpu.memory_space<vmem>>
      %dma_start3A_249 = tpu.memref_squeeze %dma_start3A_248 : memref<1x64x128xf32, #tpu.memory_space<vmem>> -> memref<64x128xf32, #tpu.memory_space<vmem>>
      %dma_start3A_250 = arith.constant 0 : i32
      %dma_start3A_251 = tpu.memref_slice %arg6[%dma_start3A_243, %dma_start3A_250] : memref<2x128xi32, #tpu.memory_space<vmem>> -> memref<1x64xi32, #tpu.memory_space<vmem>>
      %dma_start3A_252 = tpu.memref_squeeze %dma_start3A_251 : memref<1x64xi32, #tpu.memory_space<vmem>> -> memref<64xi32, #tpu.memory_space<vmem>>
      %dma_start3A_253 = arith.constant 0 : i32
      %dma_start3A_254 = arith.constant 0 : i32
      %dma_start3A_255 = tpu.memref_slice %arg3[%dma_start3A_253, %dma_start3A_254] : memref<10000x128xf32, #tpu.memory_space<hbm>> -> memref<10000x128xf32, #tpu.memory_space<hbm>>
      %dma_start3A_256 = tpu.memref_slice %arg11[%dma_start3A_245] : memref<2x!tpu.dma_semaphore, #tpu.memory_space<semaphore_mem>> -> memref<1x!tpu.dma_semaphore, #tpu.memory_space<semaphore_mem>>
      %dma_start3A_257 = tpu.memref_squeeze %dma_start3A_256 : memref<1x!tpu.dma_semaphore, #tpu.memory_space<semaphore_mem>> -> memref<!tpu.dma_semaphore, #tpu.memory_space<semaphore_mem>>
      tpu.enqueue_indirect_dma source(%dma_start3A_255 : memref<10000x128xf32, #tpu.memory_space<hbm>>) target(%dma_start3A_249 : memref<64x128xf32, #tpu.memory_space<vmem>>) offsets(%dma_start3A_252 : memref<64xi32, #tpu.memory_space<vmem>>) semaphore(%dma_start3A_257 : memref<!tpu.dma_semaphore, #tpu.memory_space<semaphore_mem>>)
      %dma_start3A_258 = arith.constant 0 : i32
      %dma_start3A_259 = arith.constant 0 : i32
      %dma_start3A_260 = arith.constant 0 : i32
      %dma_start3A_261 = arith.constant 64 : i32
      %dma_start3A_262 = arith.constant 0 : i32
      %dma_start3A_263 = tpu.memref_slice %arg8[%dma_start3A_259, %dma_start3A_261, %dma_start3A_262] : memref<2x128x128xf32, #tpu.memory_space<vmem>> -> memref<1x64x128xf32, #tpu.memory_space<vmem>>
      %dma_start3A_264 = tpu.memref_squeeze %dma_start3A_263 : memref<1x64x128xf32, #tpu.memory_space<vmem>> -> memref<64x128xf32, #tpu.memory_space<vmem>>
      %dma_start3A_265 = arith.constant 64 : i32
      %dma_start3A_266 = tpu.memref_slice %arg6[%dma_start3A_258, %dma_start3A_265] : memref<2x128xi32, #tpu.memory_space<vmem>> -> memref<1x64xi32, #tpu.memory_space<vmem>>
      %dma_start3A_267 = tpu.memref_squeeze %dma_start3A_266 : memref<1x64xi32, #tpu.memory_space<vmem>> -> memref<64xi32, #tpu.memory_space<vmem>>
      %dma_start3A_268 = arith.constant 0 : i32
      %dma_start3A_269 = arith.constant 0 : i32
      %dma_start3A_270 = tpu.memref_slice %arg3[%dma_start3A_268, %dma_start3A_269] : memref<10000x128xf32, #tpu.memory_space<hbm>> -> memref<10000x128xf32, #tpu.memory_space<hbm>>
      %dma_start3A_271 = tpu.memref_slice %arg11[%dma_start3A_260] : memref<2x!tpu.dma_semaphore, #tpu.memory_space<semaphore_mem>> -> memref<1x!tpu.dma_semaphore, #tpu.memory_space<semaphore_mem>>
      %dma_start3A_272 = tpu.memref_squeeze %dma_start3A_271 : memref<1x!tpu.dma_semaphore, #tpu.memory_space<semaphore_mem>> -> memref<!tpu.dma_semaphore, #tpu.memory_space<semaphore_mem>>
      tpu.enqueue_indirect_dma source(%dma_start3A_270 : memref<10000x128xf32, #tpu.memory_space<hbm>>) target(%dma_start3A_264 : memref<64x128xf32, #tpu.memory_space<vmem>>) offsets(%dma_start3A_267 : memref<64xi32, #tpu.memory_space<vmem>>) semaphore(%dma_start3A_272 : memref<!tpu.dma_semaphore, #tpu.memory_space<semaphore_mem>>)
      %mul3A_273 = arith.constant 2 : i32
      %mul3A_274 = arith.muli %while3A_198, %mul3A_273 : i32
      %add3A_275 = arith.constant 1 : i32
      %add3A_276 = arith.addi %mul3A_274, %add3A_275 : i32
      %dma_wait3A_277 = arith.constant 1 : i32
      %dma_wait3A_278 = arith.constant 1 : i32
      %dma_wait3A_279 = arith.constant 1 : i32
      %dma_wait3A_280 = arith.constant 0 : i32
      %dma_wait3A_281 = arith.constant 0 : i32
      %dma_wait3A_282 = tpu.memref_slice %arg8[%dma_wait3A_278, %dma_wait3A_280, %dma_wait3A_281] : memref<2x128x128xf32, #tpu.memory_space<vmem>> -> memref<1x64x128xf32, #tpu.memory_space<vmem>>
      %dma_wait3A_283 = tpu.memref_squeeze %dma_wait3A_282 : memref<1x64x128xf32, #tpu.memory_space<vmem>> -> memref<64x128xf32, #tpu.memory_space<vmem>>
      %dma_wait3A_284 = arith.constant 0 : i32
      %dma_wait3A_285 = tpu.memref_slice %arg6[%dma_wait3A_277, %dma_wait3A_284] : memref<2x128xi32, #tpu.memory_space<vmem>> -> memref<1x64xi32, #tpu.memory_space<vmem>>
      %dma_wait3A_286 = tpu.memref_squeeze %dma_wait3A_285 : memref<1x64xi32, #tpu.memory_space<vmem>> -> memref<64xi32, #tpu.memory_space<vmem>>
      %dma_wait3A_287 = arith.constant 0 : i32
      %dma_wait3A_288 = arith.constant 0 : i32
      %dma_wait3A_289 = tpu.memref_slice %arg3[%dma_wait3A_287, %dma_wait3A_288] : memref<10000x128xf32, #tpu.memory_space<hbm>> -> memref<10000x128xf32, #tpu.memory_space<hbm>>
      %dma_wait3A_290 = tpu.memref_slice %arg11[%dma_wait3A_279] : memref<2x!tpu.dma_semaphore, #tpu.memory_space<semaphore_mem>> -> memref<1x!tpu.dma_semaphore, #tpu.memory_space<semaphore_mem>>
      %dma_wait3A_291 = tpu.memref_squeeze %dma_wait3A_290 : memref<1x!tpu.dma_semaphore, #tpu.memory_space<semaphore_mem>> -> memref<!tpu.dma_semaphore, #tpu.memory_space<semaphore_mem>>
      tpu.wait_indirect_dma semaphore(%dma_wait3A_291 : memref<!tpu.dma_semaphore, #tpu.memory_space<semaphore_mem>>) src(%dma_wait3A_289 : memref<10000x128xf32, #tpu.memory_space<hbm>>) dst(%dma_wait3A_283 : memref<64x128xf32, #tpu.memory_space<vmem>>)
      %dma_wait3A_292 = arith.constant 1 : i32
      %dma_wait3A_293 = arith.constant 1 : i32
      %dma_wait3A_294 = arith.constant 1 : i32
      %dma_wait3A_295 = arith.constant 64 : i32
      %dma_wait3A_296 = arith.constant 0 : i32
      %dma_wait3A_297 = tpu.memref_slice %arg8[%dma_wait3A_293, %dma_wait3A_295, %dma_wait3A_296] : memref<2x128x128xf32, #tpu.memory_space<vmem>> -> memref<1x64x128xf32, #tpu.memory_space<vmem>>
      %dma_wait3A_298 = tpu.memref_squeeze %dma_wait3A_297 : memref<1x64x128xf32, #tpu.memory_space<vmem>> -> memref<64x128xf32, #tpu.memory_space<vmem>>
      %dma_wait3A_299 = arith.constant 64 : i32
      %dma_wait3A_300 = tpu.memref_slice %arg6[%dma_wait3A_292, %dma_wait3A_299] : memref<2x128xi32, #tpu.memory_space<vmem>> -> memref<1x64xi32, #tpu.memory_space<vmem>>
      %dma_wait3A_301 = tpu.memref_squeeze %dma_wait3A_300 : memref<1x64xi32, #tpu.memory_space<vmem>> -> memref<64xi32, #tpu.memory_space<vmem>>
      %dma_wait3A_302 = arith.constant 0 : i32
      %dma_wait3A_303 = arith.constant 0 : i32
      %dma_wait3A_304 = tpu.memref_slice %arg3[%dma_wait3A_302, %dma_wait3A_303] : memref<10000x128xf32, #tpu.memory_space<hbm>> -> memref<10000x128xf32, #tpu.memory_space<hbm>>
      %dma_wait3A_305 = tpu.memref_slice %arg11[%dma_wait3A_294] : memref<2x!tpu.dma_semaphore, #tpu.memory_space<semaphore_mem>> -> memref<1x!tpu.dma_semaphore, #tpu.memory_space<semaphore_mem>>
      %dma_wait3A_306 = tpu.memref_squeeze %dma_wait3A_305 : memref<1x!tpu.dma_semaphore, #tpu.memory_space<semaphore_mem>> -> memref<!tpu.dma_semaphore, #tpu.memory_space<semaphore_mem>>
      tpu.wait_indirect_dma semaphore(%dma_wait3A_306 : memref<!tpu.dma_semaphore, #tpu.memory_space<semaphore_mem>>) src(%dma_wait3A_304 : memref<10000x128xf32, #tpu.memory_space<hbm>>) dst(%dma_wait3A_298 : memref<64x128xf32, #tpu.memory_space<vmem>>)
      %run_scoped3A_307 = arith.constant 1 : i32
      %run_scoped3A_308 = arith.constant 1 : i32
      "tpu.region"() ({
        %run_scoped3A_347 = tpu.sem_alloc : memref<!tpu.dma_semaphore, #tpu.memory_space<semaphore_mem>>
        %dma_start3A_348 = arith.constant 0 : i32
        %dma_start3A_349 = arith.constant 0 : i32
        %dma_start3A_350 = tpu.memref_slice %arg8[%run_scoped3A_307, %dma_start3A_348, %dma_start3A_349] : memref<2x128x128xf32, #tpu.memory_space<vmem>> -> memref<1x128x128xf32, #tpu.memory_space<vmem>>
        %dma_start3A_351 = tpu.memref_squeeze %dma_start3A_350 : memref<1x128x128xf32, #tpu.memory_space<vmem>> -> memref<128x128xf32, #tpu.memory_space<vmem>>
        %dma_start3A_352 = arith.constant 0 : i32
        %dma_start3A_353 = tpu.memref_slice %arg7[%run_scoped3A_308, %dma_start3A_352] : memref<2x128xi32, #tpu.memory_space<vmem>> -> memref<1x128xi32, #tpu.memory_space<vmem>>
        %dma_start3A_354 = tpu.memref_squeeze %dma_start3A_353 : memref<1x128xi32, #tpu.memory_space<vmem>> -> memref<128xi32, #tpu.memory_space<vmem>>
        %dma_start3A_355 = arith.constant 0 : i32
        %dma_start3A_356 = arith.constant 0 : i32
        %dma_start3A_357 = tpu.memref_slice %arg9[%dma_start3A_355, %dma_start3A_356] : memref<10240x128xf32, #tpu.memory_space<vmem_shared>> -> memref<10240x128xf32, #tpu.memory_space<vmem_shared>>
        tpu.enqueue_indirect_dma source(%dma_start3A_351 : memref<128x128xf32, #tpu.memory_space<vmem>>) target(%dma_start3A_357 : memref<10240x128xf32, #tpu.memory_space<vmem_shared>>) offsets(%dma_start3A_354 : memref<128xi32, #tpu.memory_space<vmem>>) semaphore(%run_scoped3A_347 : memref<!tpu.dma_semaphore, #tpu.memory_space<semaphore_mem>>) {add = true}
        %dma_wait3A_358 = arith.constant 0 : i32
        %dma_wait3A_359 = arith.constant 0 : i32
        %dma_wait3A_360 = tpu.memref_slice %arg8[%run_scoped3A_307, %dma_wait3A_358, %dma_wait3A_359] : memref<2x128x128xf32, #tpu.memory_space<vmem>> -> memref<1x128x128xf32, #tpu.memory_space<vmem>>
        %dma_wait3A_361 = tpu.memref_squeeze %dma_wait3A_360 : memref<1x128x128xf32, #tpu.memory_space<vmem>> -> memref<128x128xf32, #tpu.memory_space<vmem>>
        %dma_wait3A_362 = arith.constant 0 : i32
        %dma_wait3A_363 = tpu.memref_slice %arg7[%run_scoped3A_308, %dma_wait3A_362] : memref<2x128xi32, #tpu.memory_space<vmem>> -> memref<1x128xi32, #tpu.memory_space<vmem>>
        %dma_wait3A_364 = tpu.memref_squeeze %dma_wait3A_363 : memref<1x128xi32, #tpu.memory_space<vmem>> -> memref<128xi32, #tpu.memory_space<vmem>>
        %dma_wait3A_365 = arith.constant 0 : i32
        %dma_wait3A_366 = arith.constant 0 : i32
        %dma_wait3A_367 = tpu.memref_slice %arg9[%dma_wait3A_365, %dma_wait3A_366] : memref<10240x128xf32, #tpu.memory_space<vmem_shared>> -> memref<10240x128xf32, #tpu.memory_space<vmem_shared>>
        tpu.wait_indirect_dma semaphore(%run_scoped3A_347 : memref<!tpu.dma_semaphore, #tpu.memory_space<semaphore_mem>>) src(%dma_wait3A_361 : memref<128x128xf32, #tpu.memory_space<vmem>>) dst(%dma_wait3A_367 : memref<10240x128xf32, #tpu.memory_space<vmem_shared>>)
        tpu.yield
      }) : () -> ()
      %add3A_309 = arith.constant 2 : i32
      %add3A_310 = arith.addi %add3A_276, %add3A_309 : i32
      %scan3A_311 = arith.constant 0 : i32
      %scan3A_312 = arith.constant 0 : i32
      %scan3A_313 = arith.constant 8 : i32
      %scan3A_314 = arith.addi %scan3A_312, %scan3A_313 : i32
      %scan3A_315 = arith.constant 1 : i32
      scf.for %scan3A_347 = %scan3A_312 to %scan3A_314 step %scan3A_315  : i32 {
        %mul3A_348 = arith.constant 16 : i32
        %mul3A_349 = arith.muli %scan3A_347, %mul3A_348 : i32
        %get3A = arith.index_cast %add3A_310 : i32 to index
        %get3A_350 = arith.index_cast %mul3A_349 : i32 to index
        %get3A_351 = tpu.vector_load %arg5[%get3A, %get3A_350] {strides = array<i32>} : memref<80x128xi32, #tpu.memory_space<vmem>>, vector<1x16xi32>,
        %get3A_352 = vector.shape_cast %get3A_351 : vector<1x16xi32> to vector<16xi32>
        %shift_right_logical3A = arith.constant 14 : i32
        %shift_right_logical3A_353 = vector.broadcast %shift_right_logical3A : i32 to vector<16xi32>
        %shift_right_logical3A_354 = arith.shrui %get3A_352, %shift_right_logical3A_353 : vector<16xi32>
        %mul3A_355 = arith.constant 16 : i32
        %mul3A_356 = arith.muli %scan3A_347, %mul3A_355 : i32
        %swap3A = arith.constant 1 : i32
        %swap3A_357 = arith.index_cast %swap3A : i32 to index
        %swap3A_358 = arith.index_cast %mul3A_356 : i32 to index
        %swap3A_359 = tpu.vector_load %arg6[%swap3A_357, %swap3A_358] {strides = array<i32>} : memref<2x128xi32, #tpu.memory_space<vmem>>, vector<1x16xi32>,
        %swap3A_360 = vector.shape_cast %swap3A_359 : vector<1x16xi32> to vector<16xi32>
        %swap3A_361 = vector.shape_cast %shift_right_logical3A_354 : vector<16xi32> to vector<1x16xi32>
        tpu.vector_store %arg6[%swap3A_357, %swap3A_358], %swap3A_361 {strides = array<i32>} : memref<2x128xi32, #tpu.memory_space<vmem>>, vector<1x16xi32>,
        %and3A_362 = arith.constant 16383 : i32
        %and3A_363 = vector.broadcast %and3A_362 : i32 to vector<16xi32>
        %and3A_364 = arith.andi %get3A_352, %and3A_363 : vector<16xi32>
        %mul3A_365 = arith.constant 16 : i32
        %mul3A_366 = arith.muli %scan3A_347, %mul3A_365 : i32
        %swap3A_367 = arith.constant 1 : i32
        %swap3A_368 = arith.index_cast %swap3A_367 : i32 to index
        %swap3A_369 = arith.index_cast %mul3A_366 : i32 to index
        %swap3A_370 = tpu.vector_load %arg7[%swap3A_368, %swap3A_369] {strides = array<i32>} : memref<2x128xi32, #tpu.memory_space<vmem>>, vector<1x16xi32>,
        %swap3A_371 = vector.shape_cast %swap3A_370 : vector<1x16xi32> to vector<16xi32>
        %swap3A_372 = vector.shape_cast %and3A_364 : vector<16xi32> to vector<1x16xi32>
        tpu.vector_store %arg7[%swap3A_368, %swap3A_369], %swap3A_372 {strides = array<i32>} : memref<2x128xi32, #tpu.memory_space<vmem>>, vector<1x16xi32>,
      }
      %scan3A_316 = arith.constant 8 : i32
      %dma_start3A_317 = arith.constant 1 : i32
      %dma_start3A_318 = arith.constant 1 : i32
      %dma_start3A_319 = arith.constant 1 : i32
      %dma_start3A_320 = arith.constant 0 : i32
      %dma_start3A_321 = arith.constant 0 : i32
      %dma_start3A_322 = tpu.memref_slice %arg8[%dma_start3A_318, %dma_start3A_320, %dma_start3A_321] : memref<2x128x128xf32, #tpu.memory_space<vmem>> -> memref<1x64x128xf32, #tpu.memory_space<vmem>>
      %dma_start3A_323 = tpu.memref_squeeze %dma_start3A_322 : memref<1x64x128xf32, #tpu.memory_space<vmem>> -> memref<64x128xf32, #tpu.memory_space<vmem>>
      %dma_start3A_324 = arith.constant 0 : i32
      %dma_start3A_325 = tpu.memref_slice %arg6[%dma_start3A_317, %dma_start3A_324] : memref<2x128xi32, #tpu.memory_space<vmem>> -> memref<1x64xi32, #tpu.memory_space<vmem>>
      %dma_start3A_326 = tpu.memref_squeeze %dma_start3A_325 : memref<1x64xi32, #tpu.memory_space<vmem>> -> memref<64xi32, #tpu.memory_space<vmem>>
      %dma_start3A_327 = arith.constant 0 : i32
      %dma_start3A_328 = arith.constant 0 : i32
      %dma_start3A_329 = tpu.memref_slice %arg3[%dma_start3A_327, %dma_start3A_328] : memref<10000x128xf32, #tpu.memory_space<hbm>> -> memref<10000x128xf32, #tpu.memory_space<hbm>>
      %dma_start3A_330 = tpu.memref_slice %arg11[%dma_start3A_319] : memref<2x!tpu.dma_semaphore, #tpu.memory_space<semaphore_mem>> -> memref<1x!tpu.dma_semaphore, #tpu.memory_space<semaphore_mem>>
      %dma_start3A_331 = tpu.memref_squeeze %dma_start3A_330 : memref<1x!tpu.dma_semaphore, #tpu.memory_space<semaphore_mem>> -> memref<!tpu.dma_semaphore, #tpu.memory_space<semaphore_mem>>
      tpu.enqueue_indirect_dma source(%dma_start3A_329 : memref<10000x128xf32, #tpu.memory_space<hbm>>) target(%dma_start3A_323 : memref<64x128xf32, #tpu.memory_space<vmem>>) offsets(%dma_start3A_326 : memref<64xi32, #tpu.memory_space<vmem>>) semaphore(%dma_start3A_331 : memref<!tpu.dma_semaphore, #tpu.memory_space<semaphore_mem>>)
      %dma_start3A_332 = arith.constant 1 : i32
      %dma_start3A_333 = arith.constant 1 : i32
      %dma_start3A_334 = arith.constant 1 : i32
      %dma_start3A_335 = arith.constant 64 : i32
      %dma_start3A_336 = arith.constant 0 : i32
      %dma_start3A_337 = tpu.memref_slice %arg8[%dma_start3A_333, %dma_start3A_335, %dma_start3A_336] : memref<2x128x128xf32, #tpu.memory_space<vmem>> -> memref<1x64x128xf32, #tpu.memory_space<vmem>>
      %dma_start3A_338 = tpu.memref_squeeze %dma_start3A_337 : memref<1x64x128xf32, #tpu.memory_space<vmem>> -> memref<64x128xf32, #tpu.memory_space<vmem>>
      %dma_start3A_339 = arith.constant 64 : i32
      %dma_start3A_340 = tpu.memref_slice %arg6[%dma_start3A_332, %dma_start3A_339] : memref<2x128xi32, #tpu.memory_space<vmem>> -> memref<1x64xi32, #tpu.memory_space<vmem>>
      %dma_start3A_341 = tpu.memref_squeeze %dma_start3A_340 : memref<1x64xi32, #tpu.memory_space<vmem>> -> memref<64xi32, #tpu.memory_space<vmem>>
      %dma_start3A_342 = arith.constant 0 : i32
      %dma_start3A_343 = arith.constant 0 : i32
      %dma_start3A_344 = tpu.memref_slice %arg3[%dma_start3A_342, %dma_start3A_343] : memref<10000x128xf32, #tpu.memory_space<hbm>> -> memref<10000x128xf32, #tpu.memory_space<hbm>>
      %dma_start3A_345 = tpu.memref_slice %arg11[%dma_start3A_334] : memref<2x!tpu.dma_semaphore, #tpu.memory_space<semaphore_mem>> -> memref<1x!tpu.dma_semaphore, #tpu.memory_space<semaphore_mem>>
      %dma_start3A_346 = tpu.memref_squeeze %dma_start3A_345 : memref<1x!tpu.dma_semaphore, #tpu.memory_space<semaphore_mem>> -> memref<!tpu.dma_semaphore, #tpu.memory_space<semaphore_mem>>
      tpu.enqueue_indirect_dma source(%dma_start3A_344 : memref<10000x128xf32, #tpu.memory_space<hbm>>) target(%dma_start3A_338 : memref<64x128xf32, #tpu.memory_space<vmem>>) offsets(%dma_start3A_341 : memref<64xi32, #tpu.memory_space<vmem>>) semaphore(%dma_start3A_346 : memref<!tpu.dma_semaphore, #tpu.memory_space<semaphore_mem>>)
    }
    %while3A_127 = arith.constant 1 : i32
    scf.for %while3A_198 = %while3A_125 to %while3A_121 step %while3A_127  : i32 {
      %mul3A_199 = arith.constant 2 : i32
      %mul3A_200 = arith.muli %while3A_198, %mul3A_199 : i32
      %add3A_201 = arith.constant 0 : i32
      %add3A_202 = arith.addi %mul3A_200, %add3A_201 : i32
      %dma_wait3A_203 = arith.constant 0 : i32
      %dma_wait3A_204 = arith.constant 0 : i32
      %dma_wait3A_205 = arith.constant 0 : i32
      %dma_wait3A_206 = arith.constant 0 : i32
      %dma_wait3A_207 = arith.constant 0 : i32
      %dma_wait3A_208 = tpu.memref_slice %arg8[%dma_wait3A_204, %dma_wait3A_206, %dma_wait3A_207] : memref<2x128x128xf32, #tpu.memory_space<vmem>> -> memref<1x64x128xf32, #tpu.memory_space<vmem>>
      %dma_wait3A_209 = tpu.memref_squeeze %dma_wait3A_208 : memref<1x64x128xf32, #tpu.memory_space<vmem>> -> memref<64x128xf32, #tpu.memory_space<vmem>>
      %dma_wait3A_210 = arith.constant 0 : i32
      %dma_wait3A_211 = tpu.memref_slice %arg6[%dma_wait3A_203, %dma_wait3A_210] : memref<2x128xi32, #tpu.memory_space<vmem>> -> memref<1x64xi32, #tpu.memory_space<vmem>>
      %dma_wait3A_212 = tpu.memref_squeeze %dma_wait3A_211 : memref<1x64xi32, #tpu.memory_space<vmem>> -> memref<64xi32, #tpu.memory_space<vmem>>
      %dma_wait3A_213 = arith.constant 0 : i32
      %dma_wait3A_214 = arith.constant 0 : i32
      %dma_wait3A_215 = tpu.memref_slice %arg3[%dma_wait3A_213, %dma_wait3A_214] : memref<10000x128xf32, #tpu.memory_space<hbm>> -> memref<10000x128xf32, #tpu.memory_space<hbm>>
      %dma_wait3A_216 = tpu.memref_slice %arg11[%dma_wait3A_205] : memref<2x!tpu.dma_semaphore, #tpu.memory_space<semaphore_mem>> -> memref<1x!tpu.dma_semaphore, #tpu.memory_space<semaphore_mem>>
      %dma_wait3A_217 = tpu.memref_squeeze %dma_wait3A_216 : memref<1x!tpu.dma_semaphore, #tpu.memory_space<semaphore_mem>> -> memref<!tpu.dma_semaphore, #tpu.memory_space<semaphore_mem>>
      tpu.wait_indirect_dma semaphore(%dma_wait3A_217 : memref<!tpu.dma_semaphore, #tpu.memory_space<semaphore_mem>>) src(%dma_wait3A_215 : memref<10000x128xf32, #tpu.memory_space<hbm>>) dst(%dma_wait3A_209 : memref<64x128xf32, #tpu.memory_space<vmem>>)
      %dma_wait3A_218 = arith.constant 0 : i32
      %dma_wait3A_219 = arith.constant 0 : i32
      %dma_wait3A_220 = arith.constant 0 : i32
      %dma_wait3A_221 = arith.constant 64 : i32
      %dma_wait3A_222 = arith.constant 0 : i32
      %dma_wait3A_223 = tpu.memref_slice %arg8[%dma_wait3A_219, %dma_wait3A_221, %dma_wait3A_222] : memref<2x128x128xf32, #tpu.memory_space<vmem>> -> memref<1x64x128xf32, #tpu.memory_space<vmem>>
      %dma_wait3A_224 = tpu.memref_squeeze %dma_wait3A_223 : memref<1x64x128xf32, #tpu.memory_space<vmem>> -> memref<64x128xf32, #tpu.memory_space<vmem>>
      %dma_wait3A_225 = arith.constant 64 : i32
      %dma_wait3A_226 = tpu.memref_slice %arg6[%dma_wait3A_218, %dma_wait3A_225] : memref<2x128xi32, #tpu.memory_space<vmem>> -> memref<1x64xi32, #tpu.memory_space<vmem>>
      %dma_wait3A_227 = tpu.memref_squeeze %dma_wait3A_226 : memref<1x64xi32, #tpu.memory_space<vmem>> -> memref<64xi32, #tpu.memory_space<vmem>>
      %dma_wait3A_228 = arith.constant 0 : i32
      %dma_wait3A_229 = arith.constant 0 : i32
      %dma_wait3A_230 = tpu.memref_slice %arg3[%dma_wait3A_228, %dma_wait3A_229] : memref<10000x128xf32, #tpu.memory_space<hbm>> -> memref<10000x128xf32, #tpu.memory_space<hbm>>
      %dma_wait3A_231 = tpu.memref_slice %arg11[%dma_wait3A_220] : memref<2x!tpu.dma_semaphore, #tpu.memory_space<semaphore_mem>> -> memref<1x!tpu.dma_semaphore, #tpu.memory_space<semaphore_mem>>
      %dma_wait3A_232 = tpu.memref_squeeze %dma_wait3A_231 : memref<1x!tpu.dma_semaphore, #tpu.memory_space<semaphore_mem>> -> memref<!tpu.dma_semaphore, #tpu.memory_space<semaphore_mem>>
      tpu.wait_indirect_dma semaphore(%dma_wait3A_232 : memref<!tpu.dma_semaphore, #tpu.memory_space<semaphore_mem>>) src(%dma_wait3A_230 : memref<10000x128xf32, #tpu.memory_space<hbm>>) dst(%dma_wait3A_224 : memref<64x128xf32, #tpu.memory_space<vmem>>)
      %run_scoped3A_233 = arith.constant 0 : i32
      %run_scoped3A_234 = arith.constant 0 : i32
      "tpu.region"() ({
        %run_scoped3A_347 = tpu.sem_alloc : memref<!tpu.dma_semaphore, #tpu.memory_space<semaphore_mem>>
        %dma_start3A_348 = arith.constant 0 : i32
        %dma_start3A_349 = arith.constant 0 : i32
        %dma_start3A_350 = tpu.memref_slice %arg8[%run_scoped3A_233, %dma_start3A_348, %dma_start3A_349] : memref<2x128x128xf32, #tpu.memory_space<vmem>> -> memref<1x128x128xf32, #tpu.memory_space<vmem>>
        %dma_start3A_351 = tpu.memref_squeeze %dma_start3A_350 : memref<1x128x128xf32, #tpu.memory_space<vmem>> -> memref<128x128xf32, #tpu.memory_space<vmem>>
        %dma_start3A_352 = arith.constant 0 : i32
        %dma_start3A_353 = tpu.memref_slice %arg7[%run_scoped3A_234, %dma_start3A_352] : memref<2x128xi32, #tpu.memory_space<vmem>> -> memref<1x128xi32, #tpu.memory_space<vmem>>
        %dma_start3A_354 = tpu.memref_squeeze %dma_start3A_353 : memref<1x128xi32, #tpu.memory_space<vmem>> -> memref<128xi32, #tpu.memory_space<vmem>>
        %dma_start3A_355 = arith.constant 0 : i32
        %dma_start3A_356 = arith.constant 0 : i32
        %dma_start3A_357 = tpu.memref_slice %arg9[%dma_start3A_355, %dma_start3A_356] : memref<10240x128xf32, #tpu.memory_space<vmem_shared>> -> memref<10240x128xf32, #tpu.memory_space<vmem_shared>>
        tpu.enqueue_indirect_dma source(%dma_start3A_351 : memref<128x128xf32, #tpu.memory_space<vmem>>) target(%dma_start3A_357 : memref<10240x128xf32, #tpu.memory_space<vmem_shared>>) offsets(%dma_start3A_354 : memref<128xi32, #tpu.memory_space<vmem>>) semaphore(%run_scoped3A_347 : memref<!tpu.dma_semaphore, #tpu.memory_space<semaphore_mem>>) {add = true}
        %dma_wait3A_358 = arith.constant 0 : i32
        %dma_wait3A_359 = arith.constant 0 : i32
        %dma_wait3A_360 = tpu.memref_slice %arg8[%run_scoped3A_233, %dma_wait3A_358, %dma_wait3A_359] : memref<2x128x128xf32, #tpu.memory_space<vmem>> -> memref<1x128x128xf32, #tpu.memory_space<vmem>>
        %dma_wait3A_361 = tpu.memref_squeeze %dma_wait3A_360 : memref<1x128x128xf32, #tpu.memory_space<vmem>> -> memref<128x128xf32, #tpu.memory_space<vmem>>
        %dma_wait3A_362 = arith.constant 0 : i32
        %dma_wait3A_363 = tpu.memref_slice %arg7[%run_scoped3A_234, %dma_wait3A_362] : memref<2x128xi32, #tpu.memory_space<vmem>> -> memref<1x128xi32, #tpu.memory_space<vmem>>
        %dma_wait3A_364 = tpu.memref_squeeze %dma_wait3A_363 : memref<1x128xi32, #tpu.memory_space<vmem>> -> memref<128xi32, #tpu.memory_space<vmem>>
        %dma_wait3A_365 = arith.constant 0 : i32
        %dma_wait3A_366 = arith.constant 0 : i32
        %dma_wait3A_367 = tpu.memref_slice %arg9[%dma_wait3A_365, %dma_wait3A_366] : memref<10240x128xf32, #tpu.memory_space<vmem_shared>> -> memref<10240x128xf32, #tpu.memory_space<vmem_shared>>
        tpu.wait_indirect_dma semaphore(%run_scoped3A_347 : memref<!tpu.dma_semaphore, #tpu.memory_space<semaphore_mem>>) src(%dma_wait3A_361 : memref<128x128xf32, #tpu.memory_space<vmem>>) dst(%dma_wait3A_367 : memref<10240x128xf32, #tpu.memory_space<vmem_shared>>)
        tpu.yield
      }) : () -> ()
      %add3A_235 = arith.constant 2 : i32
      %add3A_236 = arith.addi %add3A_202, %add3A_235 : i32
      %scan3A_237 = arith.constant 0 : i32
      %scan3A_238 = arith.constant 0 : i32
      %scan3A_239 = arith.constant 8 : i32
      %scan3A_240 = arith.addi %scan3A_238, %scan3A_239 : i32
      %scan3A_241 = arith.constant 1 : i32
      scf.for %scan3A_347 = %scan3A_238 to %scan3A_240 step %scan3A_241  : i32 {
        %mul3A_348 = arith.constant 16 : i32
        %mul3A_349 = arith.muli %scan3A_347, %mul3A_348 : i32
        %get3A = arith.index_cast %add3A_236 : i32 to index
        %get3A_350 = arith.index_cast %mul3A_349 : i32 to index
        %get3A_351 = tpu.vector_load %arg5[%get3A, %get3A_350] {strides = array<i32>} : memref<80x128xi32, #tpu.memory_space<vmem>>, vector<1x16xi32>,
        %get3A_352 = vector.shape_cast %get3A_351 : vector<1x16xi32> to vector<16xi32>
        %shift_right_logical3A = arith.constant 14 : i32
        %shift_right_logical3A_353 = vector.broadcast %shift_right_logical3A : i32 to vector<16xi32>
        %shift_right_logical3A_354 = arith.shrui %get3A_352, %shift_right_logical3A_353 : vector<16xi32>
        %mul3A_355 = arith.constant 16 : i32
        %mul3A_356 = arith.muli %scan3A_347, %mul3A_355 : i32
        %swap3A = arith.constant 0 : i32
        %swap3A_357 = arith.index_cast %swap3A : i32 to index
        %swap3A_358 = arith.index_cast %mul3A_356 : i32 to index
        %swap3A_359 = tpu.vector_load %arg6[%swap3A_357, %swap3A_358] {strides = array<i32>} : memref<2x128xi32, #tpu.memory_space<vmem>>, vector<1x16xi32>,
        %swap3A_360 = vector.shape_cast %swap3A_359 : vector<1x16xi32> to vector<16xi32>
        %swap3A_361 = vector.shape_cast %shift_right_logical3A_354 : vector<16xi32> to vector<1x16xi32>
        tpu.vector_store %arg6[%swap3A_357, %swap3A_358], %swap3A_361 {strides = array<i32>} : memref<2x128xi32, #tpu.memory_space<vmem>>, vector<1x16xi32>,
        %and3A_362 = arith.constant 16383 : i32
        %and3A_363 = vector.broadcast %and3A_362 : i32 to vector<16xi32>
        %and3A_364 = arith.andi %get3A_352, %and3A_363 : vector<16xi32>
        %mul3A_365 = arith.constant 16 : i32
        %mul3A_366 = arith.muli %scan3A_347, %mul3A_365 : i32
        %swap3A_367 = arith.constant 0 : i32
        %swap3A_368 = arith.index_cast %swap3A_367 : i32 to index
        %swap3A_369 = arith.index_cast %mul3A_366 : i32 to index
        %swap3A_370 = tpu.vector_load %arg7[%swap3A_368, %swap3A_369] {strides = array<i32>} : memref<2x128xi32, #tpu.memory_space<vmem>>, vector<1x16xi32>,
        %swap3A_371 = vector.shape_cast %swap3A_370 : vector<1x16xi32> to vector<16xi32>
        %swap3A_372 = vector.shape_cast %and3A_364 : vector<16xi32> to vector<1x16xi32>
        tpu.vector_store %arg7[%swap3A_368, %swap3A_369], %swap3A_372 {strides = array<i32>} : memref<2x128xi32, #tpu.memory_space<vmem>>, vector<1x16xi32>,
      }
      %scan3A_242 = arith.constant 8 : i32
      %dma_start3A_243 = arith.constant 0 : i32
      %dma_start3A_244 = arith.constant 0 : i32
      %dma_start3A_245 = arith.constant 0 : i32
      %dma_start3A_246 = arith.constant 0 : i32
      %dma_start3A_247 = arith.constant 0 : i32
      %dma_start3A_248 = tpu.memref_slice %arg8[%dma_start3A_244, %dma_start3A_246, %dma_start3A_247] : memref<2x128x128xf32, #tpu.memory_space<vmem>> -> memref<1x64x128xf32, #tpu.memory_space<vmem>>
      %dma_start3A_249 = tpu.memref_squeeze %dma_start3A_248 : memref<1x64x128xf32, #tpu.memory_space<vmem>> -> memref<64x128xf32, #tpu.memory_space<vmem>>
      %dma_start3A_250 = arith.constant 0 : i32
      %dma_start3A_251 = tpu.memref_slice %arg6[%dma_start3A_243, %dma_start3A_250] : memref<2x128xi32, #tpu.memory_space<vmem>> -> memref<1x64xi32, #tpu.memory_space<vmem>>
      %dma_start3A_252 = tpu.memref_squeeze %dma_start3A_251 : memref<1x64xi32, #tpu.memory_space<vmem>> -> memref<64xi32, #tpu.memory_space<vmem>>
      %dma_start3A_253 = arith.constant 0 : i32
      %dma_start3A_254 = arith.constant 0 : i32
      %dma_start3A_255 = tpu.memref_slice %arg3[%dma_start3A_253, %dma_start3A_254] : memref<10000x128xf32, #tpu.memory_space<hbm>> -> memref<10000x128xf32, #tpu.memory_space<hbm>>
      %dma_start3A_256 = tpu.memref_slice %arg11[%dma_start3A_245] : memref<2x!tpu.dma_semaphore, #tpu.memory_space<semaphore_mem>> -> memref<1x!tpu.dma_semaphore, #tpu.memory_space<semaphore_mem>>
      %dma_start3A_257 = tpu.memref_squeeze %dma_start3A_256 : memref<1x!tpu.dma_semaphore, #tpu.memory_space<semaphore_mem>> -> memref<!tpu.dma_semaphore, #tpu.memory_space<semaphore_mem>>
      tpu.enqueue_indirect_dma source(%dma_start3A_255 : memref<10000x128xf32, #tpu.memory_space<hbm>>) target(%dma_start3A_249 : memref<64x128xf32, #tpu.memory_space<vmem>>) offsets(%dma_start3A_252 : memref<64xi32, #tpu.memory_space<vmem>>) semaphore(%dma_start3A_257 : memref<!tpu.dma_semaphore, #tpu.memory_space<semaphore_mem>>)
      %dma_start3A_258 = arith.constant 0 : i32
      %dma_start3A_259 = arith.constant 0 : i32
      %dma_start3A_260 = arith.constant 0 : i32
      %dma_start3A_261 = arith.constant 64 : i32
      %dma_start3A_262 = arith.constant 0 : i32
      %dma_start3A_263 = tpu.memref_slice %arg8[%dma_start3A_259, %dma_start3A_261, %dma_start3A_262] : memref<2x128x128xf32, #tpu.memory_space<vmem>> -> memref<1x64x128xf32, #tpu.memory_space<vmem>>
      %dma_start3A_264 = tpu.memref_squeeze %dma_start3A_263 : memref<1x64x128xf32, #tpu.memory_space<vmem>> -> memref<64x128xf32, #tpu.memory_space<vmem>>
      %dma_start3A_265 = arith.constant 64 : i32
      %dma_start3A_266 = tpu.memref_slice %arg6[%dma_start3A_258, %dma_start3A_265] : memref<2x128xi32, #tpu.memory_space<vmem>> -> memref<1x64xi32, #tpu.memory_space<vmem>>
      %dma_start3A_267 = tpu.memref_squeeze %dma_start3A_266 : memref<1x64xi32, #tpu.memory_space<vmem>> -> memref<64xi32, #tpu.memory_space<vmem>>
      %dma_start3A_268 = arith.constant 0 : i32
      %dma_start3A_269 = arith.constant 0 : i32
      %dma_start3A_270 = tpu.memref_slice %arg3[%dma_start3A_268, %dma_start3A_269] : memref<10000x128xf32, #tpu.memory_space<hbm>> -> memref<10000x128xf32, #tpu.memory_space<hbm>>
      %dma_start3A_271 = tpu.memref_slice %arg11[%dma_start3A_260] : memref<2x!tpu.dma_semaphore, #tpu.memory_space<semaphore_mem>> -> memref<1x!tpu.dma_semaphore, #tpu.memory_space<semaphore_mem>>
      %dma_start3A_272 = tpu.memref_squeeze %dma_start3A_271 : memref<1x!tpu.dma_semaphore, #tpu.memory_space<semaphore_mem>> -> memref<!tpu.dma_semaphore, #tpu.memory_space<semaphore_mem>>
      tpu.enqueue_indirect_dma source(%dma_start3A_270 : memref<10000x128xf32, #tpu.memory_space<hbm>>) target(%dma_start3A_264 : memref<64x128xf32, #tpu.memory_space<vmem>>) offsets(%dma_start3A_267 : memref<64xi32, #tpu.memory_space<vmem>>) semaphore(%dma_start3A_272 : memref<!tpu.dma_semaphore, #tpu.memory_space<semaphore_mem>>)
      %mul3A_273 = arith.constant 2 : i32
      %mul3A_274 = arith.muli %while3A_198, %mul3A_273 : i32
      %add3A_275 = arith.constant 1 : i32
      %add3A_276 = arith.addi %mul3A_274, %add3A_275 : i32
      %dma_wait3A_277 = arith.constant 1 : i32
      %dma_wait3A_278 = arith.constant 1 : i32
      %dma_wait3A_279 = arith.constant 1 : i32
      %dma_wait3A_280 = arith.constant 0 : i32
      %dma_wait3A_281 = arith.constant 0 : i32
      %dma_wait3A_282 = tpu.memref_slice %arg8[%dma_wait3A_278, %dma_wait3A_280, %dma_wait3A_281] : memref<2x128x128xf32, #tpu.memory_space<vmem>> -> memref<1x64x128xf32, #tpu.memory_space<vmem>>
      %dma_wait3A_283 = tpu.memref_squeeze %dma_wait3A_282 : memref<1x64x128xf32, #tpu.memory_space<vmem>> -> memref<64x128xf32, #tpu.memory_space<vmem>>
      %dma_wait3A_284 = arith.constant 0 : i32
      %dma_wait3A_285 = tpu.memref_slice %arg6[%dma_wait3A_277, %dma_wait3A_284] : memref<2x128xi32, #tpu.memory_space<vmem>> -> memref<1x64xi32, #tpu.memory_space<vmem>>
      %dma_wait3A_286 = tpu.memref_squeeze %dma_wait3A_285 : memref<1x64xi32, #tpu.memory_space<vmem>> -> memref<64xi32, #tpu.memory_space<vmem>>
      %dma_wait3A_287 = arith.constant 0 : i32
      %dma_wait3A_288 = arith.constant 0 : i32
      %dma_wait3A_289 = tpu.memref_slice %arg3[%dma_wait3A_287, %dma_wait3A_288] : memref<10000x128xf32, #tpu.memory_space<hbm>> -> memref<10000x128xf32, #tpu.memory_space<hbm>>
      %dma_wait3A_290 = tpu.memref_slice %arg11[%dma_wait3A_279] : memref<2x!tpu.dma_semaphore, #tpu.memory_space<semaphore_mem>> -> memref<1x!tpu.dma_semaphore, #tpu.memory_space<semaphore_mem>>
      %dma_wait3A_291 = tpu.memref_squeeze %dma_wait3A_290 : memref<1x!tpu.dma_semaphore, #tpu.memory_space<semaphore_mem>> -> memref<!tpu.dma_semaphore, #tpu.memory_space<semaphore_mem>>
      tpu.wait_indirect_dma semaphore(%dma_wait3A_291 : memref<!tpu.dma_semaphore, #tpu.memory_space<semaphore_mem>>) src(%dma_wait3A_289 : memref<10000x128xf32, #tpu.memory_space<hbm>>) dst(%dma_wait3A_283 : memref<64x128xf32, #tpu.memory_space<vmem>>)
      %dma_wait3A_292 = arith.constant 1 : i32
      %dma_wait3A_293 = arith.constant 1 : i32
      %dma_wait3A_294 = arith.constant 1 : i32
      %dma_wait3A_295 = arith.constant 64 : i32
      %dma_wait3A_296 = arith.constant 0 : i32
      %dma_wait3A_297 = tpu.memref_slice %arg8[%dma_wait3A_293, %dma_wait3A_295, %dma_wait3A_296] : memref<2x128x128xf32, #tpu.memory_space<vmem>> -> memref<1x64x128xf32, #tpu.memory_space<vmem>>
      %dma_wait3A_298 = tpu.memref_squeeze %dma_wait3A_297 : memref<1x64x128xf32, #tpu.memory_space<vmem>> -> memref<64x128xf32, #tpu.memory_space<vmem>>
      %dma_wait3A_299 = arith.constant 64 : i32
      %dma_wait3A_300 = tpu.memref_slice %arg6[%dma_wait3A_292, %dma_wait3A_299] : memref<2x128xi32, #tpu.memory_space<vmem>> -> memref<1x64xi32, #tpu.memory_space<vmem>>
      %dma_wait3A_301 = tpu.memref_squeeze %dma_wait3A_300 : memref<1x64xi32, #tpu.memory_space<vmem>> -> memref<64xi32, #tpu.memory_space<vmem>>
      %dma_wait3A_302 = arith.constant 0 : i32
      %dma_wait3A_303 = arith.constant 0 : i32
      %dma_wait3A_304 = tpu.memref_slice %arg3[%dma_wait3A_302, %dma_wait3A_303] : memref<10000x128xf32, #tpu.memory_space<hbm>> -> memref<10000x128xf32, #tpu.memory_space<hbm>>
      %dma_wait3A_305 = tpu.memref_slice %arg11[%dma_wait3A_294] : memref<2x!tpu.dma_semaphore, #tpu.memory_space<semaphore_mem>> -> memref<1x!tpu.dma_semaphore, #tpu.memory_space<semaphore_mem>>
      %dma_wait3A_306 = tpu.memref_squeeze %dma_wait3A_305 : memref<1x!tpu.dma_semaphore, #tpu.memory_space<semaphore_mem>> -> memref<!tpu.dma_semaphore, #tpu.memory_space<semaphore_mem>>
      tpu.wait_indirect_dma semaphore(%dma_wait3A_306 : memref<!tpu.dma_semaphore, #tpu.memory_space<semaphore_mem>>) src(%dma_wait3A_304 : memref<10000x128xf32, #tpu.memory_space<hbm>>) dst(%dma_wait3A_298 : memref<64x128xf32, #tpu.memory_space<vmem>>)
      %run_scoped3A_307 = arith.constant 1 : i32
      %run_scoped3A_308 = arith.constant 1 : i32
      "tpu.region"() ({
        %run_scoped3A_347 = tpu.sem_alloc : memref<!tpu.dma_semaphore, #tpu.memory_space<semaphore_mem>>
        %dma_start3A_348 = arith.constant 0 : i32
        %dma_start3A_349 = arith.constant 0 : i32
        %dma_start3A_350 = tpu.memref_slice %arg8[%run_scoped3A_307, %dma_start3A_348, %dma_start3A_349] : memref<2x128x128xf32, #tpu.memory_space<vmem>> -> memref<1x128x128xf32, #tpu.memory_space<vmem>>
        %dma_start3A_351 = tpu.memref_squeeze %dma_start3A_350 : memref<1x128x128xf32, #tpu.memory_space<vmem>> -> memref<128x128xf32, #tpu.memory_space<vmem>>
        %dma_start3A_352 = arith.constant 0 : i32
        %dma_start3A_353 = tpu.memref_slice %arg7[%run_scoped3A_308, %dma_start3A_352] : memref<2x128xi32, #tpu.memory_space<vmem>> -> memref<1x128xi32, #tpu.memory_space<vmem>>
        %dma_start3A_354 = tpu.memref_squeeze %dma_start3A_353 : memref<1x128xi32, #tpu.memory_space<vmem>> -> memref<128xi32, #tpu.memory_space<vmem>>
        %dma_start3A_355 = arith.constant 0 : i32
        %dma_start3A_356 = arith.constant 0 : i32
        %dma_start3A_357 = tpu.memref_slice %arg9[%dma_start3A_355, %dma_start3A_356] : memref<10240x128xf32, #tpu.memory_space<vmem_shared>> -> memref<10240x128xf32, #tpu.memory_space<vmem_shared>>
        tpu.enqueue_indirect_dma source(%dma_start3A_351 : memref<128x128xf32, #tpu.memory_space<vmem>>) target(%dma_start3A_357 : memref<10240x128xf32, #tpu.memory_space<vmem_shared>>) offsets(%dma_start3A_354 : memref<128xi32, #tpu.memory_space<vmem>>) semaphore(%run_scoped3A_347 : memref<!tpu.dma_semaphore, #tpu.memory_space<semaphore_mem>>) {add = true}
        %dma_wait3A_358 = arith.constant 0 : i32
        %dma_wait3A_359 = arith.constant 0 : i32
        %dma_wait3A_360 = tpu.memref_slice %arg8[%run_scoped3A_307, %dma_wait3A_358, %dma_wait3A_359] : memref<2x128x128xf32, #tpu.memory_space<vmem>> -> memref<1x128x128xf32, #tpu.memory_space<vmem>>
        %dma_wait3A_361 = tpu.memref_squeeze %dma_wait3A_360 : memref<1x128x128xf32, #tpu.memory_space<vmem>> -> memref<128x128xf32, #tpu.memory_space<vmem>>
        %dma_wait3A_362 = arith.constant 0 : i32
        %dma_wait3A_363 = tpu.memref_slice %arg7[%run_scoped3A_308, %dma_wait3A_362] : memref<2x128xi32, #tpu.memory_space<vmem>> -> memref<1x128xi32, #tpu.memory_space<vmem>>
        %dma_wait3A_364 = tpu.memref_squeeze %dma_wait3A_363 : memref<1x128xi32, #tpu.memory_space<vmem>> -> memref<128xi32, #tpu.memory_space<vmem>>
        %dma_wait3A_365 = arith.constant 0 : i32
        %dma_wait3A_366 = arith.constant 0 : i32
        %dma_wait3A_367 = tpu.memref_slice %arg9[%dma_wait3A_365, %dma_wait3A_366] : memref<10240x128xf32, #tpu.memory_space<vmem_shared>> -> memref<10240x128xf32, #tpu.memory_space<vmem_shared>>
        tpu.wait_indirect_dma semaphore(%run_scoped3A_347 : memref<!tpu.dma_semaphore, #tpu.memory_space<semaphore_mem>>) src(%dma_wait3A_361 : memref<128x128xf32, #tpu.memory_space<vmem>>) dst(%dma_wait3A_367 : memref<10240x128xf32, #tpu.memory_space<vmem_shared>>)
        tpu.yield
      }) : () -> ()
      %add3A_309 = arith.constant 2 : i32
      %add3A_310 = arith.addi %add3A_276, %add3A_309 : i32
      %scan3A_311 = arith.constant 0 : i32
      %scan3A_312 = arith.constant 0 : i32
      %scan3A_313 = arith.constant 8 : i32
      %scan3A_314 = arith.addi %scan3A_312, %scan3A_313 : i32
      %scan3A_315 = arith.constant 1 : i32
      scf.for %scan3A_347 = %scan3A_312 to %scan3A_314 step %scan3A_315  : i32 {
        %mul3A_348 = arith.constant 16 : i32
        %mul3A_349 = arith.muli %scan3A_347, %mul3A_348 : i32
        %get3A = arith.index_cast %add3A_310 : i32 to index
        %get3A_350 = arith.index_cast %mul3A_349 : i32 to index
        %get3A_351 = tpu.vector_load %arg5[%get3A, %get3A_350] {strides = array<i32>} : memref<80x128xi32, #tpu.memory_space<vmem>>, vector<1x16xi32>,
        %get3A_352 = vector.shape_cast %get3A_351 : vector<1x16xi32> to vector<16xi32>
        %shift_right_logical3A = arith.constant 14 : i32
        %shift_right_logical3A_353 = vector.broadcast %shift_right_logical3A : i32 to vector<16xi32>
        %shift_right_logical3A_354 = arith.shrui %get3A_352, %shift_right_logical3A_353 : vector<16xi32>
        %mul3A_355 = arith.constant 16 : i32
        %mul3A_356 = arith.muli %scan3A_347, %mul3A_355 : i32
        %swap3A = arith.constant 1 : i32
        %swap3A_357 = arith.index_cast %swap3A : i32 to index
        %swap3A_358 = arith.index_cast %mul3A_356 : i32 to index
        %swap3A_359 = tpu.vector_load %arg6[%swap3A_357, %swap3A_358] {strides = array<i32>} : memref<2x128xi32, #tpu.memory_space<vmem>>, vector<1x16xi32>,
        %swap3A_360 = vector.shape_cast %swap3A_359 : vector<1x16xi32> to vector<16xi32>
        %swap3A_361 = vector.shape_cast %shift_right_logical3A_354 : vector<16xi32> to vector<1x16xi32>
        tpu.vector_store %arg6[%swap3A_357, %swap3A_358], %swap3A_361 {strides = array<i32>} : memref<2x128xi32, #tpu.memory_space<vmem>>, vector<1x16xi32>,
        %and3A_362 = arith.constant 16383 : i32
        %and3A_363 = vector.broadcast %and3A_362 : i32 to vector<16xi32>
        %and3A_364 = arith.andi %get3A_352, %and3A_363 : vector<16xi32>
        %mul3A_365 = arith.constant 16 : i32
        %mul3A_366 = arith.muli %scan3A_347, %mul3A_365 : i32
        %swap3A_367 = arith.constant 1 : i32
        %swap3A_368 = arith.index_cast %swap3A_367 : i32 to index
        %swap3A_369 = arith.index_cast %mul3A_366 : i32 to index
        %swap3A_370 = tpu.vector_load %arg7[%swap3A_368, %swap3A_369] {strides = array<i32>} : memref<2x128xi32, #tpu.memory_space<vmem>>, vector<1x16xi32>,
        %swap3A_371 = vector.shape_cast %swap3A_370 : vector<1x16xi32> to vector<16xi32>
        %swap3A_372 = vector.shape_cast %and3A_364 : vector<16xi32> to vector<1x16xi32>
        tpu.vector_store %arg7[%swap3A_368, %swap3A_369], %swap3A_372 {strides = array<i32>} : memref<2x128xi32, #tpu.memory_space<vmem>>, vector<1x16xi32>,
      }
      %scan3A_316 = arith.constant 8 : i32
      %dma_start3A_317 = arith.constant 1 : i32
      %dma_start3A_318 = arith.constant 1 : i32
      %dma_start3A_319 = arith.constant 1 : i32
      %dma_start3A_320 = arith.constant 0 : i32
      %dma_start3A_321 = arith.constant 0 : i32
      %dma_start3A_322 = tpu.memref_slice %arg8[%dma_start3A_318, %dma_start3A_320, %dma_start3A_321] : memref<2x128x128xf32, #tpu.memory_space<vmem>> -> memref<1x64x128xf32, #tpu.memory_space<vmem>>
      %dma_start3A_323 = tpu.memref_squeeze %dma_start3A_322 : memref<1x64x128xf32, #tpu.memory_space<vmem>> -> memref<64x128xf32, #tpu.memory_space<vmem>>
      %dma_start3A_324 = arith.constant 0 : i32
      %dma_start3A_325 = tpu.memref_slice %arg6[%dma_start3A_317, %dma_start3A_324] : memref<2x128xi32, #tpu.memory_space<vmem>> -> memref<1x64xi32, #tpu.memory_space<vmem>>
      %dma_start3A_326 = tpu.memref_squeeze %dma_start3A_325 : memref<1x64xi32, #tpu.memory_space<vmem>> -> memref<64xi32, #tpu.memory_space<vmem>>
      %dma_start3A_327 = arith.constant 0 : i32
      %dma_start3A_328 = arith.constant 0 : i32
      %dma_start3A_329 = tpu.memref_slice %arg3[%dma_start3A_327, %dma_start3A_328] : memref<10000x128xf32, #tpu.memory_space<hbm>> -> memref<10000x128xf32, #tpu.memory_space<hbm>>
      %dma_start3A_330 = tpu.memref_slice %arg11[%dma_start3A_319] : memref<2x!tpu.dma_semaphore, #tpu.memory_space<semaphore_mem>> -> memref<1x!tpu.dma_semaphore, #tpu.memory_space<semaphore_mem>>
      %dma_start3A_331 = tpu.memref_squeeze %dma_start3A_330 : memref<1x!tpu.dma_semaphore, #tpu.memory_space<semaphore_mem>> -> memref<!tpu.dma_semaphore, #tpu.memory_space<semaphore_mem>>
      tpu.enqueue_indirect_dma source(%dma_start3A_329 : memref<10000x128xf32, #tpu.memory_space<hbm>>) target(%dma_start3A_323 : memref<64x128xf32, #tpu.memory_space<vmem>>) offsets(%dma_start3A_326 : memref<64xi32, #tpu.memory_space<vmem>>) semaphore(%dma_start3A_331 : memref<!tpu.dma_semaphore, #tpu.memory_space<semaphore_mem>>)
      %dma_start3A_332 = arith.constant 1 : i32
      %dma_start3A_333 = arith.constant 1 : i32
      %dma_start3A_334 = arith.constant 1 : i32
      %dma_start3A_335 = arith.constant 64 : i32
      %dma_start3A_336 = arith.constant 0 : i32
      %dma_start3A_337 = tpu.memref_slice %arg8[%dma_start3A_333, %dma_start3A_335, %dma_start3A_336] : memref<2x128x128xf32, #tpu.memory_space<vmem>> -> memref<1x64x128xf32, #tpu.memory_space<vmem>>
      %dma_start3A_338 = tpu.memref_squeeze %dma_start3A_337 : memref<1x64x128xf32, #tpu.memory_space<vmem>> -> memref<64x128xf32, #tpu.memory_space<vmem>>
      %dma_start3A_339 = arith.constant 64 : i32
      %dma_start3A_340 = tpu.memref_slice %arg6[%dma_start3A_332, %dma_start3A_339] : memref<2x128xi32, #tpu.memory_space<vmem>> -> memref<1x64xi32, #tpu.memory_space<vmem>>
      %dma_start3A_341 = tpu.memref_squeeze %dma_start3A_340 : memref<1x64xi32, #tpu.memory_space<vmem>> -> memref<64xi32, #tpu.memory_space<vmem>>
      %dma_start3A_342 = arith.constant 0 : i32
      %dma_start3A_343 = arith.constant 0 : i32
      %dma_start3A_344 = tpu.memref_slice %arg3[%dma_start3A_342, %dma_start3A_343] : memref<10000x128xf32, #tpu.memory_space<hbm>> -> memref<10000x128xf32, #tpu.memory_space<hbm>>
      %dma_start3A_345 = tpu.memref_slice %arg11[%dma_start3A_334] : memref<2x!tpu.dma_semaphore, #tpu.memory_space<semaphore_mem>> -> memref<1x!tpu.dma_semaphore, #tpu.memory_space<semaphore_mem>>
      %dma_start3A_346 = tpu.memref_squeeze %dma_start3A_345 : memref<1x!tpu.dma_semaphore, #tpu.memory_space<semaphore_mem>> -> memref<!tpu.dma_semaphore, #tpu.memory_space<semaphore_mem>>
      tpu.enqueue_indirect_dma source(%dma_start3A_344 : memref<10000x128xf32, #tpu.memory_space<hbm>>) target(%dma_start3A_338 : memref<64x128xf32, #tpu.memory_space<vmem>>) offsets(%dma_start3A_341 : memref<64xi32, #tpu.memory_space<vmem>>) semaphore(%dma_start3A_346 : memref<!tpu.dma_semaphore, #tpu.memory_space<semaphore_mem>>)
    }
    %dma_wait3A_128 = arith.constant 0 : i32
    %dma_wait3A_129 = arith.constant 0 : i32
    %dma_wait3A_130 = arith.constant 0 : i32
    %dma_wait3A_131 = arith.constant 0 : i32
    %dma_wait3A_132 = arith.constant 0 : i32
    %dma_wait3A_133 = tpu.memref_slice %arg8[%dma_wait3A_129, %dma_wait3A_131, %dma_wait3A_132] : memref<2x128x128xf32, #tpu.memory_space<vmem>> -> memref<1x64x128xf32, #tpu.memory_space<vmem>>
    %dma_wait3A_134 = tpu.memref_squeeze %dma_wait3A_133 : memref<1x64x128xf32, #tpu.memory_space<vmem>> -> memref<64x128xf32, #tpu.memory_space<vmem>>
    %dma_wait3A_135 = arith.constant 0 : i32
    %dma_wait3A_136 = tpu.memref_slice %arg6[%dma_wait3A_128, %dma_wait3A_135] : memref<2x128xi32, #tpu.memory_space<vmem>> -> memref<1x64xi32, #tpu.memory_space<vmem>>
    %dma_wait3A_137 = tpu.memref_squeeze %dma_wait3A_136 : memref<1x64xi32, #tpu.memory_space<vmem>> -> memref<64xi32, #tpu.memory_space<vmem>>
    %dma_wait3A_138 = arith.constant 0 : i32
    %dma_wait3A_139 = arith.constant 0 : i32
    %dma_wait3A_140 = tpu.memref_slice %arg3[%dma_wait3A_138, %dma_wait3A_139] : memref<10000x128xf32, #tpu.memory_space<hbm>> -> memref<10000x128xf32, #tpu.memory_space<hbm>>
    %dma_wait3A_141 = tpu.memref_slice %arg11[%dma_wait3A_130] : memref<2x!tpu.dma_semaphore, #tpu.memory_space<semaphore_mem>> -> memref<1x!tpu.dma_semaphore, #tpu.memory_space<semaphore_mem>>
    %dma_wait3A_142 = tpu.memref_squeeze %dma_wait3A_141 : memref<1x!tpu.dma_semaphore, #tpu.memory_space<semaphore_mem>> -> memref<!tpu.dma_semaphore, #tpu.memory_space<semaphore_mem>>
    tpu.wait_indirect_dma semaphore(%dma_wait3A_142 : memref<!tpu.dma_semaphore, #tpu.memory_space<semaphore_mem>>) src(%dma_wait3A_140 : memref<10000x128xf32, #tpu.memory_space<hbm>>) dst(%dma_wait3A_134 : memref<64x128xf32, #tpu.memory_space<vmem>>)
    %dma_wait3A_143 = arith.constant 0 : i32
    %dma_wait3A_144 = arith.constant 0 : i32
    %dma_wait3A_145 = arith.constant 0 : i32
    %dma_wait3A_146 = arith.constant 64 : i32
    %dma_wait3A_147 = arith.constant 0 : i32
    %dma_wait3A_148 = tpu.memref_slice %arg8[%dma_wait3A_144, %dma_wait3A_146, %dma_wait3A_147] : memref<2x128x128xf32, #tpu.memory_space<vmem>> -> memref<1x64x128xf32, #tpu.memory_space<vmem>>
    %dma_wait3A_149 = tpu.memref_squeeze %dma_wait3A_148 : memref<1x64x128xf32, #tpu.memory_space<vmem>> -> memref<64x128xf32, #tpu.memory_space<vmem>>
    %dma_wait3A_150 = arith.constant 64 : i32
    %dma_wait3A_151 = tpu.memref_slice %arg6[%dma_wait3A_143, %dma_wait3A_150] : memref<2x128xi32, #tpu.memory_space<vmem>> -> memref<1x64xi32, #tpu.memory_space<vmem>>
    %dma_wait3A_152 = tpu.memref_squeeze %dma_wait3A_151 : memref<1x64xi32, #tpu.memory_space<vmem>> -> memref<64xi32, #tpu.memory_space<vmem>>
    %dma_wait3A_153 = arith.constant 0 : i32
    %dma_wait3A_154 = arith.constant 0 : i32
    %dma_wait3A_155 = tpu.memref_slice %arg3[%dma_wait3A_153, %dma_wait3A_154] : memref<10000x128xf32, #tpu.memory_space<hbm>> -> memref<10000x128xf32, #tpu.memory_space<hbm>>
    %dma_wait3A_156 = tpu.memref_slice %arg11[%dma_wait3A_145] : memref<2x!tpu.dma_semaphore, #tpu.memory_space<semaphore_mem>> -> memref<1x!tpu.dma_semaphore, #tpu.memory_space<semaphore_mem>>
    %dma_wait3A_157 = tpu.memref_squeeze %dma_wait3A_156 : memref<1x!tpu.dma_semaphore, #tpu.memory_space<semaphore_mem>> -> memref<!tpu.dma_semaphore, #tpu.memory_space<semaphore_mem>>
    tpu.wait_indirect_dma semaphore(%dma_wait3A_157 : memref<!tpu.dma_semaphore, #tpu.memory_space<semaphore_mem>>) src(%dma_wait3A_155 : memref<10000x128xf32, #tpu.memory_space<hbm>>) dst(%dma_wait3A_149 : memref<64x128xf32, #tpu.memory_space<vmem>>)
    %run_scoped3A = arith.constant 0 : i32
    %run_scoped3A_158 = arith.constant 0 : i32
    "tpu.region"() ({
      %run_scoped3A_198 = tpu.sem_alloc : memref<!tpu.dma_semaphore, #tpu.memory_space<semaphore_mem>>
      %dma_start3A_199 = arith.constant 0 : i32
      %dma_start3A_200 = arith.constant 0 : i32
      %dma_start3A_201 = tpu.memref_slice %arg8[%run_scoped3A, %dma_start3A_199, %dma_start3A_200] : memref<2x128x128xf32, #tpu.memory_space<vmem>> -> memref<1x128x128xf32, #tpu.memory_space<vmem>>
      %dma_start3A_202 = tpu.memref_squeeze %dma_start3A_201 : memref<1x128x128xf32, #tpu.memory_space<vmem>> -> memref<128x128xf32, #tpu.memory_space<vmem>>
      %dma_start3A_203 = arith.constant 0 : i32
      %dma_start3A_204 = tpu.memref_slice %arg7[%run_scoped3A_158, %dma_start3A_203] : memref<2x128xi32, #tpu.memory_space<vmem>> -> memref<1x128xi32, #tpu.memory_space<vmem>>
      %dma_start3A_205 = tpu.memref_squeeze %dma_start3A_204 : memref<1x128xi32, #tpu.memory_space<vmem>> -> memref<128xi32, #tpu.memory_space<vmem>>
      %dma_start3A_206 = arith.constant 0 : i32
      %dma_start3A_207 = arith.constant 0 : i32
      %dma_start3A_208 = tpu.memref_slice %arg9[%dma_start3A_206, %dma_start3A_207] : memref<10240x128xf32, #tpu.memory_space<vmem_shared>> -> memref<10240x128xf32, #tpu.memory_space<vmem_shared>>
      tpu.enqueue_indirect_dma source(%dma_start3A_202 : memref<128x128xf32, #tpu.memory_space<vmem>>) target(%dma_start3A_208 : memref<10240x128xf32, #tpu.memory_space<vmem_shared>>) offsets(%dma_start3A_205 : memref<128xi32, #tpu.memory_space<vmem>>) semaphore(%run_scoped3A_198 : memref<!tpu.dma_semaphore, #tpu.memory_space<semaphore_mem>>) {add = true}
      %dma_wait3A_209 = arith.constant 0 : i32
      %dma_wait3A_210 = arith.constant 0 : i32
      %dma_wait3A_211 = tpu.memref_slice %arg8[%run_scoped3A, %dma_wait3A_209, %dma_wait3A_210] : memref<2x128x128xf32, #tpu.memory_space<vmem>> -> memref<1x128x128xf32, #tpu.memory_space<vmem>>
      %dma_wait3A_212 = tpu.memref_squeeze %dma_wait3A_211 : memref<1x128x128xf32, #tpu.memory_space<vmem>> -> memref<128x128xf32, #tpu.memory_space<vmem>>
      %dma_wait3A_213 = arith.constant 0 : i32
      %dma_wait3A_214 = tpu.memref_slice %arg7[%run_scoped3A_158, %dma_wait3A_213] : memref<2x128xi32, #tpu.memory_space<vmem>> -> memref<1x128xi32, #tpu.memory_space<vmem>>
      %dma_wait3A_215 = tpu.memref_squeeze %dma_wait3A_214 : memref<1x128xi32, #tpu.memory_space<vmem>> -> memref<128xi32, #tpu.memory_space<vmem>>
      %dma_wait3A_216 = arith.constant 0 : i32
      %dma_wait3A_217 = arith.constant 0 : i32
      %dma_wait3A_218 = tpu.memref_slice %arg9[%dma_wait3A_216, %dma_wait3A_217] : memref<10240x128xf32, #tpu.memory_space<vmem_shared>> -> memref<10240x128xf32, #tpu.memory_space<vmem_shared>>
      tpu.wait_indirect_dma semaphore(%run_scoped3A_198 : memref<!tpu.dma_semaphore, #tpu.memory_space<semaphore_mem>>) src(%dma_wait3A_212 : memref<128x128xf32, #tpu.memory_space<vmem>>) dst(%dma_wait3A_218 : memref<10240x128xf32, #tpu.memory_space<vmem_shared>>)
      tpu.yield
    }) : () -> ()
    %dma_wait3A_159 = arith.constant 1 : i32
    %dma_wait3A_160 = arith.constant 1 : i32
    %dma_wait3A_161 = arith.constant 1 : i32
    %dma_wait3A_162 = arith.constant 0 : i32
    %dma_wait3A_163 = arith.constant 0 : i32
    %dma_wait3A_164 = tpu.memref_slice %arg8[%dma_wait3A_160, %dma_wait3A_162, %dma_wait3A_163] : memref<2x128x128xf32, #tpu.memory_space<vmem>> -> memref<1x64x128xf32, #tpu.memory_space<vmem>>
    %dma_wait3A_165 = tpu.memref_squeeze %dma_wait3A_164 : memref<1x64x128xf32, #tpu.memory_space<vmem>> -> memref<64x128xf32, #tpu.memory_space<vmem>>
    %dma_wait3A_166 = arith.constant 0 : i32
    %dma_wait3A_167 = tpu.memref_slice %arg6[%dma_wait3A_159, %dma_wait3A_166] : memref<2x128xi32, #tpu.memory_space<vmem>> -> memref<1x64xi32, #tpu.memory_space<vmem>>
    %dma_wait3A_168 = tpu.memref_squeeze %dma_wait3A_167 : memref<1x64xi32, #tpu.memory_space<vmem>> -> memref<64xi32, #tpu.memory_space<vmem>>
    %dma_wait3A_169 = arith.constant 0 : i32
    %dma_wait3A_170 = arith.constant 0 : i32
    %dma_wait3A_171 = tpu.memref_slice %arg3[%dma_wait3A_169, %dma_wait3A_170] : memref<10000x128xf32, #tpu.memory_space<hbm>> -> memref<10000x128xf32, #tpu.memory_space<hbm>>
    %dma_wait3A_172 = tpu.memref_slice %arg11[%dma_wait3A_161] : memref<2x!tpu.dma_semaphore, #tpu.memory_space<semaphore_mem>> -> memref<1x!tpu.dma_semaphore, #tpu.memory_space<semaphore_mem>>
    %dma_wait3A_173 = tpu.memref_squeeze %dma_wait3A_172 : memref<1x!tpu.dma_semaphore, #tpu.memory_space<semaphore_mem>> -> memref<!tpu.dma_semaphore, #tpu.memory_space<semaphore_mem>>
    tpu.wait_indirect_dma semaphore(%dma_wait3A_173 : memref<!tpu.dma_semaphore, #tpu.memory_space<semaphore_mem>>) src(%dma_wait3A_171 : memref<10000x128xf32, #tpu.memory_space<hbm>>) dst(%dma_wait3A_165 : memref<64x128xf32, #tpu.memory_space<vmem>>)
    %dma_wait3A_174 = arith.constant 1 : i32
    %dma_wait3A_175 = arith.constant 1 : i32
    %dma_wait3A_176 = arith.constant 1 : i32
    %dma_wait3A_177 = arith.constant 64 : i32
    %dma_wait3A_178 = arith.constant 0 : i32
    %dma_wait3A_179 = tpu.memref_slice %arg8[%dma_wait3A_175, %dma_wait3A_177, %dma_wait3A_178] : memref<2x128x128xf32, #tpu.memory_space<vmem>> -> memref<1x64x128xf32, #tpu.memory_space<vmem>>
    %dma_wait3A_180 = tpu.memref_squeeze %dma_wait3A_179 : memref<1x64x128xf32, #tpu.memory_space<vmem>> -> memref<64x128xf32, #tpu.memory_space<vmem>>
    %dma_wait3A_181 = arith.constant 64 : i32
    %dma_wait3A_182 = tpu.memref_slice %arg6[%dma_wait3A_174, %dma_wait3A_181] : memref<2x128xi32, #tpu.memory_space<vmem>> -> memref<1x64xi32, #tpu.memory_space<vmem>>
    %dma_wait3A_183 = tpu.memref_squeeze %dma_wait3A_182 : memref<1x64xi32, #tpu.memory_space<vmem>> -> memref<64xi32, #tpu.memory_space<vmem>>
    %dma_wait3A_184 = arith.constant 0 : i32
    %dma_wait3A_185 = arith.constant 0 : i32
    %dma_wait3A_186 = tpu.memref_slice %arg3[%dma_wait3A_184, %dma_wait3A_185] : memref<10000x128xf32, #tpu.memory_space<hbm>> -> memref<10000x128xf32, #tpu.memory_space<hbm>>
    %dma_wait3A_187 = tpu.memref_slice %arg11[%dma_wait3A_176] : memref<2x!tpu.dma_semaphore, #tpu.memory_space<semaphore_mem>> -> memref<1x!tpu.dma_semaphore, #tpu.memory_space<semaphore_mem>>
    %dma_wait3A_188 = tpu.memref_squeeze %dma_wait3A_187 : memref<1x!tpu.dma_semaphore, #tpu.memory_space<semaphore_mem>> -> memref<!tpu.dma_semaphore, #tpu.memory_space<semaphore_mem>>
    tpu.wait_indirect_dma semaphore(%dma_wait3A_188 : memref<!tpu.dma_semaphore, #tpu.memory_space<semaphore_mem>>) src(%dma_wait3A_186 : memref<10000x128xf32, #tpu.memory_space<hbm>>) dst(%dma_wait3A_180 : memref<64x128xf32, #tpu.memory_space<vmem>>)
    %run_scoped3A_189 = arith.constant 1 : i32
    %run_scoped3A_190 = arith.constant 1 : i32
    "tpu.region"() ({
      %run_scoped3A_198 = tpu.sem_alloc : memref<!tpu.dma_semaphore, #tpu.memory_space<semaphore_mem>>
      %dma_start3A_199 = arith.constant 0 : i32
      %dma_start3A_200 = arith.constant 0 : i32
      %dma_start3A_201 = tpu.memref_slice %arg8[%run_scoped3A_189, %dma_start3A_199, %dma_start3A_200] : memref<2x128x128xf32, #tpu.memory_space<vmem>> -> memref<1x128x128xf32, #tpu.memory_space<vmem>>
      %dma_start3A_202 = tpu.memref_squeeze %dma_start3A_201 : memref<1x128x128xf32, #tpu.memory_space<vmem>> -> memref<128x128xf32, #tpu.memory_space<vmem>>
      %dma_start3A_203 = arith.constant 0 : i32
      %dma_start3A_204 = tpu.memref_slice %arg7[%run_scoped3A_190, %dma_start3A_203] : memref<2x128xi32, #tpu.memory_space<vmem>> -> memref<1x128xi32, #tpu.memory_space<vmem>>
      %dma_start3A_205 = tpu.memref_squeeze %dma_start3A_204 : memref<1x128xi32, #tpu.memory_space<vmem>> -> memref<128xi32, #tpu.memory_space<vmem>>
      %dma_start3A_206 = arith.constant 0 : i32
      %dma_start3A_207 = arith.constant 0 : i32
      %dma_start3A_208 = tpu.memref_slice %arg9[%dma_start3A_206, %dma_start3A_207] : memref<10240x128xf32, #tpu.memory_space<vmem_shared>> -> memref<10240x128xf32, #tpu.memory_space<vmem_shared>>
      tpu.enqueue_indirect_dma source(%dma_start3A_202 : memref<128x128xf32, #tpu.memory_space<vmem>>) target(%dma_start3A_208 : memref<10240x128xf32, #tpu.memory_space<vmem_shared>>) offsets(%dma_start3A_205 : memref<128xi32, #tpu.memory_space<vmem>>) semaphore(%run_scoped3A_198 : memref<!tpu.dma_semaphore, #tpu.memory_space<semaphore_mem>>) {add = true}
      %dma_wait3A_209 = arith.constant 0 : i32
      %dma_wait3A_210 = arith.constant 0 : i32
      %dma_wait3A_211 = tpu.memref_slice %arg8[%run_scoped3A_189, %dma_wait3A_209, %dma_wait3A_210] : memref<2x128x128xf32, #tpu.memory_space<vmem>> -> memref<1x128x128xf32, #tpu.memory_space<vmem>>
      %dma_wait3A_212 = tpu.memref_squeeze %dma_wait3A_211 : memref<1x128x128xf32, #tpu.memory_space<vmem>> -> memref<128x128xf32, #tpu.memory_space<vmem>>
      %dma_wait3A_213 = arith.constant 0 : i32
      %dma_wait3A_214 = tpu.memref_slice %arg7[%run_scoped3A_190, %dma_wait3A_213] : memref<2x128xi32, #tpu.memory_space<vmem>> -> memref<1x128xi32, #tpu.memory_space<vmem>>
      %dma_wait3A_215 = tpu.memref_squeeze %dma_wait3A_214 : memref<1x128xi32, #tpu.memory_space<vmem>> -> memref<128xi32, #tpu.memory_space<vmem>>
      %dma_wait3A_216 = arith.constant 0 : i32
      %dma_wait3A_217 = arith.constant 0 : i32
      %dma_wait3A_218 = tpu.memref_slice %arg9[%dma_wait3A_216, %dma_wait3A_217] : memref<10240x128xf32, #tpu.memory_space<vmem_shared>> -> memref<10240x128xf32, #tpu.memory_space<vmem_shared>>
      tpu.wait_indirect_dma semaphore(%run_scoped3A_198 : memref<!tpu.dma_semaphore, #tpu.memory_space<semaphore_mem>>) src(%dma_wait3A_212 : memref<128x128xf32, #tpu.memory_space<vmem>>) dst(%dma_wait3A_218 : memref<10240x128xf32, #tpu.memory_space<vmem_shared>>)
      tpu.yield
    }) : () -> ()
    %barrier3A_191 = arith.constant 0 : index
    tpu.barrier barrier_id(%barrier3A_191)
    %scan3A_192 = arith.constant 0 : i32
    %scan3A_193 = arith.constant 0 : i32
    %scan3A_194 = arith.constant 5 : i32
    %scan3A_195 = arith.addi %scan3A_193, %scan3A_194 : i32
    %scan3A_196 = arith.constant 1 : i32
    scf.for %scan3A_198 = %scan3A_193 to %scan3A_195 step %scan3A_196  : i32 {
      %mul3A_199 = arith.constant 640 : i32
      %mul3A_200 = arith.muli %arg1, %mul3A_199 : i32
      %mul3A_201 = arith.constant 128 : i32
      %mul3A_202 = arith.muli %scan3A_198, %mul3A_201 : i32
      %add3A_203 = arith.addi %mul3A_200, %mul3A_202 : i32
      %run_scoped3A_204 = arith.constant 0 : i32
      "tpu.region"() ({
        %run_scoped3A_206 = tpu.sem_alloc : memref<!tpu.dma_semaphore, #tpu.memory_space<semaphore_mem>>
        %dma_start3A_207 = arith.constant 0 : i32
        %dma_start3A_208 = arith.constant 0 : i32
        %dma_start3A_209 = tpu.memref_slice %arg8[%run_scoped3A_204, %dma_start3A_207, %dma_start3A_208] : memref<2x128x128xf32, #tpu.memory_space<vmem>> -> memref<1x128x128xf32, #tpu.memory_space<vmem>>
        %dma_start3A_210 = tpu.memref_squeeze %dma_start3A_209 : memref<1x128x128xf32, #tpu.memory_space<vmem>> -> memref<128x128xf32, #tpu.memory_space<vmem>>
        %dma_start3A_211 = arith.constant 0 : i32
        %dma_start3A_212 = tpu.memref_slice %arg9[%add3A_203, %dma_start3A_211] : memref<10240x128xf32, #tpu.memory_space<vmem_shared>> -> memref<128x128xf32, #tpu.memory_space<vmem_shared>>
        %dma_start3A_213 = arith.constant 0 : i32
        %dma_start3A_214 = arith.constant 0 : i32
        %dma_start3A_215 = tpu.memref_slice %arg8[%run_scoped3A_204, %dma_start3A_213, %dma_start3A_214] : memref<2x128x128xf32, #tpu.memory_space<vmem>> -> memref<1x128x128xf32, #tpu.memory_space<vmem>>
        %dma_start3A_216 = tpu.memref_squeeze %dma_start3A_215 : memref<1x128x128xf32, #tpu.memory_space<vmem>> -> memref<128x128xf32, #tpu.memory_space<vmem>>
        %dma_start3A_217 = arith.constant 0 : i32
        %dma_start3A_218 = tpu.memref_slice %arg9[%add3A_203, %dma_start3A_217] : memref<10240x128xf32, #tpu.memory_space<vmem_shared>> -> memref<128x128xf32, #tpu.memory_space<vmem_shared>>
        tpu.enqueue_dma source(%dma_start3A_218 : memref<128x128xf32, #tpu.memory_space<vmem_shared>>) target(%dma_start3A_216 : memref<128x128xf32, #tpu.memory_space<vmem>>) target_semaphore(%run_scoped3A_206 : memref<!tpu.dma_semaphore, #tpu.memory_space<semaphore_mem>>)
        %dma_wait3A_219 = arith.constant 0 : i32
        %dma_wait3A_220 = arith.constant 0 : i32
        %dma_wait3A_221 = tpu.memref_slice %arg8[%run_scoped3A_204, %dma_wait3A_219, %dma_wait3A_220] : memref<2x128x128xf32, #tpu.memory_space<vmem>> -> memref<1x128x128xf32, #tpu.memory_space<vmem>>
        %dma_wait3A_222 = tpu.memref_squeeze %dma_wait3A_221 : memref<1x128x128xf32, #tpu.memory_space<vmem>> -> memref<128x128xf32, #tpu.memory_space<vmem>>
        %dma_wait3A_223 = arith.constant 0 : i32
        %dma_wait3A_224 = tpu.memref_slice %arg9[%add3A_203, %dma_wait3A_223] : memref<10240x128xf32, #tpu.memory_space<vmem_shared>> -> memref<128x128xf32, #tpu.memory_space<vmem_shared>>
        %dma_wait3A_225 = arith.constant 0 : i32
        %dma_wait3A_226 = arith.constant 0 : i32
        %dma_wait3A_227 = tpu.memref_slice %arg8[%run_scoped3A_204, %dma_wait3A_225, %dma_wait3A_226] : memref<2x128x128xf32, #tpu.memory_space<vmem>> -> memref<1x128x128xf32, #tpu.memory_space<vmem>>
        %dma_wait3A_228 = tpu.memref_squeeze %dma_wait3A_227 : memref<1x128x128xf32, #tpu.memory_space<vmem>> -> memref<128x128xf32, #tpu.memory_space<vmem>>
        %dma_wait3A_229 = arith.constant 0 : i32
        %dma_wait3A_230 = tpu.memref_slice %arg9[%add3A_203, %dma_wait3A_229] : memref<10240x128xf32, #tpu.memory_space<vmem_shared>> -> memref<128x128xf32, #tpu.memory_space<vmem_shared>>
        tpu.wait_dma2 semaphore(%run_scoped3A_206 : memref<!tpu.dma_semaphore, #tpu.memory_space<semaphore_mem>>) src(%dma_wait3A_230 : memref<128x128xf32, #tpu.memory_space<vmem_shared>>) dst(%dma_wait3A_228 : memref<128x128xf32, #tpu.memory_space<vmem>>)
        tpu.yield
      }) : () -> ()
      %run_scoped3A_205 = arith.constant 0 : i32
      "tpu.region"() ({
        %run_scoped3A_206 = tpu.sem_alloc : memref<!tpu.dma_semaphore, #tpu.memory_space<semaphore_mem>>
        %dma_start3A_207 = arith.constant 0 : i32
        %dma_start3A_208 = arith.constant 0 : i32
        %dma_start3A_209 = tpu.memref_slice %arg8[%run_scoped3A_205, %dma_start3A_207, %dma_start3A_208] : memref<2x128x128xf32, #tpu.memory_space<vmem>> -> memref<1x128x128xf32, #tpu.memory_space<vmem>>
        %dma_start3A_210 = tpu.memref_squeeze %dma_start3A_209 : memref<1x128x128xf32, #tpu.memory_space<vmem>> -> memref<128x128xf32, #tpu.memory_space<vmem>>
        %dma_start3A_211 = arith.constant 0 : i32
        %dma_start3A_212 = tpu.memref_slice %arg4[%arg0, %add3A_203, %dma_start3A_211] : memref<2x10240x128xf32, #tpu.memory_space<hbm>> -> memref<1x128x128xf32, #tpu.memory_space<hbm>>
        %dma_start3A_213 = tpu.memref_squeeze %dma_start3A_212 : memref<1x128x128xf32, #tpu.memory_space<hbm>> -> memref<128x128xf32, #tpu.memory_space<hbm>>
        %dma_start3A_214 = arith.constant 0 : i32
        %dma_start3A_215 = tpu.memref_slice %arg4[%arg0, %add3A_203, %dma_start3A_214] : memref<2x10240x128xf32, #tpu.memory_space<hbm>> -> memref<1x128x128xf32, #tpu.memory_space<hbm>>
        %dma_start3A_216 = tpu.memref_squeeze %dma_start3A_215 : memref<1x128x128xf32, #tpu.memory_space<hbm>> -> memref<128x128xf32, #tpu.memory_space<hbm>>
        %dma_start3A_217 = arith.constant 0 : i32
        %dma_start3A_218 = arith.constant 0 : i32
        %dma_start3A_219 = tpu.memref_slice %arg8[%run_scoped3A_205, %dma_start3A_217, %dma_start3A_218] : memref<2x128x128xf32, #tpu.memory_space<vmem>> -> memref<1x128x128xf32, #tpu.memory_space<vmem>>
        %dma_start3A_220 = tpu.memref_squeeze %dma_start3A_219 : memref<1x128x128xf32, #tpu.memory_space<vmem>> -> memref<128x128xf32, #tpu.memory_space<vmem>>
        tpu.enqueue_dma source(%dma_start3A_220 : memref<128x128xf32, #tpu.memory_space<vmem>>) target(%dma_start3A_216 : memref<128x128xf32, #tpu.memory_space<hbm>>) target_semaphore(%run_scoped3A_206 : memref<!tpu.dma_semaphore, #tpu.memory_space<semaphore_mem>>)
        %dma_wait3A_221 = arith.constant 0 : i32
        %dma_wait3A_222 = arith.constant 0 : i32
        %dma_wait3A_223 = tpu.memref_slice %arg8[%run_scoped3A_205, %dma_wait3A_221, %dma_wait3A_222] : memref<2x128x128xf32, #tpu.memory_space<vmem>> -> memref<1x128x128xf32, #tpu.memory_space<vmem>>
        %dma_wait3A_224 = tpu.memref_squeeze %dma_wait3A_223 : memref<1x128x128xf32, #tpu.memory_space<vmem>> -> memref<128x128xf32, #tpu.memory_space<vmem>>
        %dma_wait3A_225 = arith.constant 0 : i32
        %dma_wait3A_226 = tpu.memref_slice %arg4[%arg0, %add3A_203, %dma_wait3A_225] : memref<2x10240x128xf32, #tpu.memory_space<hbm>> -> memref<1x128x128xf32, #tpu.memory_space<hbm>>
        %dma_wait3A_227 = tpu.memref_squeeze %dma_wait3A_226 : memref<1x128x128xf32, #tpu.memory_space<hbm>> -> memref<128x128xf32, #tpu.memory_space<hbm>>
        %dma_wait3A_228 = arith.constant 0 : i32
        %dma_wait3A_229 = tpu.memref_slice %arg4[%arg0, %add3A_203, %dma_wait3A_228] : memref<2x10240x128xf32, #tpu.memory_space<hbm>> -> memref<1x128x128xf32, #tpu.memory_space<hbm>>
        %dma_wait3A_230 = tpu.memref_squeeze %dma_wait3A_229 : memref<1x128x128xf32, #tpu.memory_space<hbm>> -> memref<128x128xf32, #tpu.memory_space<hbm>>
        %dma_wait3A_231 = arith.constant 0 : i32
        %dma_wait3A_232 = arith.constant 0 : i32
        %dma_wait3A_233 = tpu.memref_slice %arg8[%run_scoped3A_205, %dma_wait3A_231, %dma_wait3A_232] : memref<2x128x128xf32, #tpu.memory_space<vmem>> -> memref<1x128x128xf32, #tpu.memory_space<vmem>>
        %dma_wait3A_234 = tpu.memref_squeeze %dma_wait3A_233 : memref<1x128x128xf32, #tpu.memory_space<vmem>> -> memref<128x128xf32, #tpu.memory_space<vmem>>
        tpu.wait_dma2 semaphore(%run_scoped3A_206 : memref<!tpu.dma_semaphore, #tpu.memory_space<semaphore_mem>>) src(%dma_wait3A_234 : memref<128x128xf32, #tpu.memory_space<vmem>>) dst(%dma_wait3A_230 : memref<128x128xf32, #tpu.memory_space<hbm>>)
        tpu.yield
      }) : () -> ()
    }
    %scan3A_197 = arith.constant 5 : i32
    return
  }
}

module attributes {stable_mosaic.version = 14 : i64} {
  func.func @_scale_body(%arg0: i32, %arg1: memref<2000x128xf32, #tpu.memory_space<vmem>>, %arg2: memref<2000x1xf32, #tpu.memory_space<vmem>>, %arg3: memref<2000x128xf32, #tpu.memory_space<vmem>>) attributes {dimension_semantics = [#tpu.dimension_semantics<arbitrary>], iteration_bounds = array<i64: 5>, scalar_prefetch = 0 : i64, scratch_operands = 0 : i64, tpu.core_type = #tpu.core_type<tc>, window_params = [{transform_indices = @transform_0, window_bounds = array<i64: 2000, 128>}, {transform_indices = @transform_1, window_bounds = array<i64: 2000, 1>}, {transform_indices = @transform_2, window_bounds = array<i64: 2000, 128>}]} {
    %get3A = arith.constant 0 : index
    %get3A_0 = arith.constant 0 : index
    %get3A_1 = vector.load %arg1[%get3A, %get3A_0] : memref<2000x128xf32, #tpu.memory_space<vmem>>, vector<2000x128xf32>
    %get3A_2 = arith.constant 0 : index
    %get3A_3 = arith.constant 0 : index
    %get3A_4 = vector.load %arg2[%get3A_2, %get3A_3] : memref<2000x1xf32, #tpu.memory_space<vmem>>, vector<2000x1xf32>
    %mul3A = vector.broadcast %get3A_4 : vector<2000x1xf32> to vector<2000x128xf32>
    %mul3A_5 = arith.mulf %get3A_1, %mul3A : vector<2000x128xf32>
    %swap3A = arith.constant 0 : index
    %swap3A_6 = arith.constant 0 : index
    %swap3A_7 = vector.load %arg3[%swap3A, %swap3A_6] : memref<2000x128xf32, #tpu.memory_space<vmem>>, vector<2000x128xf32>
    tpu.vector_store %arg3[%swap3A, %swap3A_6], %mul3A_5 {strides = array<i32>} : memref<2000x128xf32, #tpu.memory_space<vmem>>, vector<2000x128xf32>,
    return
  }
  func.func @transform_0(%arg0: i32) -> (i32, i32) {
    %c0_i32 = arith.constant 0 : i32
    %c0_i32_0 = arith.constant 0 : i32
    return %arg0, %c0_i32 : i32, i32
  }
  func.func @transform_1(%arg0: i32) -> (i32, i32) {
    %c0_i32 = arith.constant 0 : i32
    %c0_i32_0 = arith.constant 0 : i32
    return %arg0, %c0_i32 : i32, i32
  }
  func.func @transform_2(%arg0: i32) -> (i32, i32) {
    %c0_i32 = arith.constant 0 : i32
    %c0_i32_0 = arith.constant 0 : i32
    return %arg0, %c0_i32 : i32, i32
  }
}

module attributes {stable_mosaic.version = 14 : i64} {
  func.func @_combine_body(%arg0: i32, %arg1: memref<2x2000x128xf32, #tpu.memory_space<vmem>>, %arg2: memref<2000x1xf32, #tpu.memory_space<vmem>>, %arg3: memref<2000x128xf32, #tpu.memory_space<vmem>>) attributes {dimension_semantics = [#tpu.dimension_semantics<arbitrary>], iteration_bounds = array<i64: 5>, scalar_prefetch = 0 : i64, scratch_operands = 0 : i64, tpu.core_type = #tpu.core_type<tc>, window_params = [{transform_indices = @transform_0, window_bounds = array<i64: 2, 2000, 128>}, {transform_indices = @transform_1, window_bounds = array<i64: 2000, 1>}, {transform_indices = @transform_2, window_bounds = array<i64: 2000, 128>}]} {
    %get3A = arith.constant 0 : index
    %get3A_0 = arith.constant 0 : index
    %get3A_1 = arith.constant 0 : index
    %get3A_2 = vector.load %arg1[%get3A, %get3A_0, %get3A_1] : memref<2x2000x128xf32, #tpu.memory_space<vmem>>, vector<1x2000x128xf32>
    %get3A_3 = vector.shape_cast %get3A_2 : vector<1x2000x128xf32> to vector<2000x128xf32>
    %get3A_4 = arith.constant 1 : index
    %get3A_5 = arith.constant 0 : index
    %get3A_6 = arith.constant 0 : index
    %get3A_7 = vector.load %arg1[%get3A_4, %get3A_5, %get3A_6] : memref<2x2000x128xf32, #tpu.memory_space<vmem>>, vector<1x2000x128xf32>
    %get3A_8 = vector.shape_cast %get3A_7 : vector<1x2000x128xf32> to vector<2000x128xf32>
    %add3A = arith.addf %get3A_3, %get3A_8 : vector<2000x128xf32>
    %get3A_9 = arith.constant 0 : index
    %get3A_10 = arith.constant 0 : index
    %get3A_11 = vector.load %arg2[%get3A_9, %get3A_10] : memref<2000x1xf32, #tpu.memory_space<vmem>>, vector<2000x1xf32>
    %mul3A = vector.broadcast %get3A_11 : vector<2000x1xf32> to vector<2000x128xf32>
    %mul3A_12 = arith.mulf %add3A, %mul3A : vector<2000x128xf32>
    %mul3A_13 = vector.broadcast %get3A_11 : vector<2000x1xf32> to vector<2000x128xf32>
    %mul3A_14 = arith.mulf %mul3A_12, %mul3A_13 : vector<2000x128xf32>
    %swap3A = arith.constant 0 : index
    %swap3A_15 = arith.constant 0 : index
    %swap3A_16 = vector.load %arg3[%swap3A, %swap3A_15] : memref<2000x128xf32, #tpu.memory_space<vmem>>, vector<2000x128xf32>
    tpu.vector_store %arg3[%swap3A, %swap3A_15], %mul3A_14 {strides = array<i32>} : memref<2000x128xf32, #tpu.memory_space<vmem>>, vector<2000x128xf32>,
    return
  }
  func.func @transform_0(%arg0: i32) -> (i32, i32, i32) {
    %c0_i32 = arith.constant 0 : i32
    %c0_i32_0 = arith.constant 0 : i32
    %c0_i32_1 = arith.constant 0 : i32
    return %c0_i32, %arg0, %c0_i32_0 : i32, i32, i32
  }
  func.func @transform_1(%arg0: i32) -> (i32, i32) {
    %c0_i32 = arith.constant 0 : i32
    %c0_i32_0 = arith.constant 0 : i32
    return %arg0, %c0_i32 : i32, i32
  }
  func.func @transform_2(%arg0: i32) -> (i32, i32) {
    %c0_i32 = arith.constant 0 : i32
    %c0_i32_0 = arith.constant 0 : i32
    return %arg0, %c0_i32 : i32, i32
  }
}

module attributes {stable_mosaic.version = 14 : i64} {
  func.func @_final_body(%arg0: i32, %arg1: memref<2000x128xf32, #tpu.memory_space<vmem>>, %arg2: memref<2x2000x128xf32, #tpu.memory_space<vmem>>, %arg3: memref<2x2000x128xf32, #tpu.memory_space<vmem>>, %arg4: memref<2000x1xf32, #tpu.memory_space<vmem>>, %arg5: memref<3x128xf32, #tpu.memory_space<vmem>>, %arg6: memref<1x3xf32, #tpu.memory_space<vmem>>, %arg7: memref<1x3xf32, #tpu.memory_space<vmem>>, %arg8: memref<128x128xf32, #tpu.memory_space<vmem>>, %arg9: memref<1x128xf32, #tpu.memory_space<vmem>>, %arg10: memref<2000x128xf32, #tpu.memory_space<vmem>>, %arg11: memref<2000x1xf32, #tpu.memory_space<vmem>>) attributes {dimension_semantics = [#tpu.dimension_semantics<arbitrary>], iteration_bounds = array<i64: 5>, scalar_prefetch = 0 : i64, scratch_operands = 0 : i64, tpu.core_type = #tpu.core_type<tc>, window_params = [{transform_indices = @transform_0, window_bounds = array<i64: 2000, 128>}, {transform_indices = @transform_1, window_bounds = array<i64: 2, 2000, 128>}, {transform_indices = @transform_2, window_bounds = array<i64: 2, 2000, 128>}, {transform_indices = @transform_3, window_bounds = array<i64: 2000, 1>}, {pipeline_mode = #tpu.pipeline_mode<synchronous>, transform_indices = @transform_4, window_bounds = array<i64: 3, 128>}, {pipeline_mode = #tpu.pipeline_mode<synchronous>, transform_indices = @transform_5, window_bounds = array<i64: 1, 3>}, {pipeline_mode = #tpu.pipeline_mode<synchronous>, transform_indices = @transform_6, window_bounds = array<i64: 1, 3>}, {pipeline_mode = #tpu.pipeline_mode<synchronous>, transform_indices = @transform_7, window_bounds = array<i64: 128, 128>}, {pipeline_mode = #tpu.pipeline_mode<synchronous>, transform_indices = @transform_8, window_bounds = array<i64: 1, 128>}, {transform_indices = @transform_9, window_bounds = array<i64: 2000, 128>}, {transform_indices = @transform_10, window_bounds = array<i64: 2000, 1>}]} {
    %get3A = arith.constant 0 : index
    %get3A_0 = arith.constant 0 : index
    %get3A_1 = vector.load %arg4[%get3A, %get3A_0] : memref<2000x1xf32, #tpu.memory_space<vmem>>, vector<2000x1xf32>
    %get3A_2 = arith.constant 0 : index
    %get3A_3 = arith.constant 0 : index
    %get3A_4 = arith.constant 0 : index
    %get3A_5 = vector.load %arg2[%get3A_2, %get3A_3, %get3A_4] : memref<2x2000x128xf32, #tpu.memory_space<vmem>>, vector<1x2000x128xf32>
    %get3A_6 = vector.shape_cast %get3A_5 : vector<1x2000x128xf32> to vector<2000x128xf32>
    %get3A_7 = arith.constant 1 : index
    %get3A_8 = arith.constant 0 : index
    %get3A_9 = arith.constant 0 : index
    %get3A_10 = vector.load %arg2[%get3A_7, %get3A_8, %get3A_9] : memref<2x2000x128xf32, #tpu.memory_space<vmem>>, vector<1x2000x128xf32>
    %get3A_11 = vector.shape_cast %get3A_10 : vector<1x2000x128xf32> to vector<2000x128xf32>
    %add3A = arith.addf %get3A_6, %get3A_11 : vector<2000x128xf32>
    %mul3A = vector.broadcast %get3A_1 : vector<2000x1xf32> to vector<2000x128xf32>
    %mul3A_12 = arith.mulf %add3A, %mul3A : vector<2000x128xf32>
    %get3A_13 = arith.constant 0 : index
    %get3A_14 = arith.constant 0 : index
    %get3A_15 = arith.constant 0 : index
    %get3A_16 = vector.load %arg3[%get3A_13, %get3A_14, %get3A_15] : memref<2x2000x128xf32, #tpu.memory_space<vmem>>, vector<1x2000x128xf32>
    %get3A_17 = vector.shape_cast %get3A_16 : vector<1x2000x128xf32> to vector<2000x128xf32>
    %get3A_18 = arith.constant 1 : index
    %get3A_19 = arith.constant 0 : index
    %get3A_20 = arith.constant 0 : index
    %get3A_21 = vector.load %arg3[%get3A_18, %get3A_19, %get3A_20] : memref<2x2000x128xf32, #tpu.memory_space<vmem>>, vector<1x2000x128xf32>
    %get3A_22 = vector.shape_cast %get3A_21 : vector<1x2000x128xf32> to vector<2000x128xf32>
    %add3A_23 = arith.addf %get3A_17, %get3A_22 : vector<2000x128xf32>
    %mul3A_24 = vector.broadcast %get3A_1 : vector<2000x1xf32> to vector<2000x128xf32>
    %mul3A_25 = arith.mulf %add3A_23, %mul3A_24 : vector<2000x128xf32>
    %get3A_26 = arith.constant 0 : index
    %get3A_27 = arith.constant 0 : index
    %get3A_28 = vector.load %arg1[%get3A_26, %get3A_27] : memref<2000x128xf32, #tpu.memory_space<vmem>>, vector<2000x128xf32>
    %get3A_29 = arith.constant 0 : index
    %get3A_30 = arith.constant 0 : index
    %get3A_31 = vector.load %arg5[%get3A_29, %get3A_30] : memref<3x128xf32, #tpu.memory_space<vmem>>, vector<3x128xf32>
    %slice3A = vector.extract_strided_slice %get3A_31 {offsets = [0, 0], sizes = [1, 128], strides = [1, 1]} : vector<3x128xf32> to vector<1x128xf32>
    %squeeze3A = vector.shape_cast %slice3A : vector<1x128xf32> to vector<128xf32>
    %broadcast_in_dim3A = vector.shape_cast %squeeze3A : vector<128xf32> to vector<1x128xf32>
    %mul3A_32 = vector.broadcast %broadcast_in_dim3A : vector<1x128xf32> to vector<2000x128xf32>
    %mul3A_33 = arith.mulf %get3A_28, %mul3A_32 : vector<2000x128xf32>
    %reduce_sum3A = arith.constant dense<0.000000e+00> : vector<2000xf32>
    %reduce_sum3A_34 = vector.multi_reduction <add>, %mul3A_33, %reduce_sum3A [1] : vector<2000x128xf32> to vector<2000xf32>
    %broadcast_in_dim3A_35 = vector.shape_cast %reduce_sum3A_34 : vector<2000xf32> to vector<2000x1xf32>
    %get3A_36 = arith.constant 0 : index
    %get3A_37 = arith.constant 0 : index
    %get3A_38 = vector.load %arg6[%get3A_36, %get3A_37] : memref<1x3xf32, #tpu.memory_space<vmem>>, vector<1x1xf32>
    %get3A_39 = vector.extract %get3A_38[0, 0] : f32 from vector<1x1xf32>
    %add3A_40 = vector.broadcast %get3A_39 : f32 to vector<2000x1xf32>
    %add3A_41 = arith.addf %broadcast_in_dim3A_35, %add3A_40 : vector<2000x1xf32>
    %slice3A_42 = vector.extract_strided_slice %get3A_31 {offsets = [1, 0], sizes = [1, 128], strides = [1, 1]} : vector<3x128xf32> to vector<1x128xf32>
    %squeeze3A_43 = vector.shape_cast %slice3A_42 : vector<1x128xf32> to vector<128xf32>
    %broadcast_in_dim3A_44 = vector.shape_cast %squeeze3A_43 : vector<128xf32> to vector<1x128xf32>
    %mul3A_45 = vector.broadcast %broadcast_in_dim3A_44 : vector<1x128xf32> to vector<2000x128xf32>
    %mul3A_46 = arith.mulf %get3A_28, %mul3A_45 : vector<2000x128xf32>
    %reduce_sum3A_47 = arith.constant dense<0.000000e+00> : vector<2000xf32>
    %reduce_sum3A_48 = vector.multi_reduction <add>, %mul3A_46, %reduce_sum3A_47 [1] : vector<2000x128xf32> to vector<2000xf32>
    %broadcast_in_dim3A_49 = vector.shape_cast %reduce_sum3A_48 : vector<2000xf32> to vector<2000x1xf32>
    %get3A_50 = arith.constant 0 : index
    %get3A_51 = arith.constant 1 : index
    %get3A_52 = vector.load %arg6[%get3A_50, %get3A_51] : memref<1x3xf32, #tpu.memory_space<vmem>>, vector<1x1xf32>
    %get3A_53 = vector.extract %get3A_52[0, 0] : f32 from vector<1x1xf32>
    %add3A_54 = vector.broadcast %get3A_53 : f32 to vector<2000x1xf32>
    %add3A_55 = arith.addf %broadcast_in_dim3A_49, %add3A_54 : vector<2000x1xf32>
    %slice3A_56 = vector.extract_strided_slice %get3A_31 {offsets = [2, 0], sizes = [1, 128], strides = [1, 1]} : vector<3x128xf32> to vector<1x128xf32>
    %squeeze3A_57 = vector.shape_cast %slice3A_56 : vector<1x128xf32> to vector<128xf32>
    %broadcast_in_dim3A_58 = vector.shape_cast %squeeze3A_57 : vector<128xf32> to vector<1x128xf32>
    %mul3A_59 = vector.broadcast %broadcast_in_dim3A_58 : vector<1x128xf32> to vector<2000x128xf32>
    %mul3A_60 = arith.mulf %get3A_28, %mul3A_59 : vector<2000x128xf32>
    %reduce_sum3A_61 = arith.constant dense<0.000000e+00> : vector<2000xf32>
    %reduce_sum3A_62 = vector.multi_reduction <add>, %mul3A_60, %reduce_sum3A_61 [1] : vector<2000x128xf32> to vector<2000xf32>
    %broadcast_in_dim3A_63 = vector.shape_cast %reduce_sum3A_62 : vector<2000xf32> to vector<2000x1xf32>
    %get3A_64 = arith.constant 0 : index
    %get3A_65 = arith.constant 2 : index
    %get3A_66 = vector.load %arg6[%get3A_64, %get3A_65] : memref<1x3xf32, #tpu.memory_space<vmem>>, vector<1x1xf32>
    %get3A_67 = vector.extract %get3A_66[0, 0] : f32 from vector<1x1xf32>
    %add3A_68 = vector.broadcast %get3A_67 : f32 to vector<2000x1xf32>
    %add3A_69 = arith.addf %broadcast_in_dim3A_63, %add3A_68 : vector<2000x1xf32>
    %slice3A_70 = vector.extract_strided_slice %get3A_31 {offsets = [0, 0], sizes = [1, 128], strides = [1, 1]} : vector<3x128xf32> to vector<1x128xf32>
    %squeeze3A_71 = vector.shape_cast %slice3A_70 : vector<1x128xf32> to vector<128xf32>
    %broadcast_in_dim3A_72 = vector.shape_cast %squeeze3A_71 : vector<128xf32> to vector<1x128xf32>
    %mul3A_73 = vector.broadcast %broadcast_in_dim3A_72 : vector<1x128xf32> to vector<2000x128xf32>
    %mul3A_74 = arith.mulf %mul3A_12, %mul3A_73 : vector<2000x128xf32>
    %reduce_sum3A_75 = arith.constant dense<0.000000e+00> : vector<2000xf32>
    %reduce_sum3A_76 = vector.multi_reduction <add>, %mul3A_74, %reduce_sum3A_75 [1] : vector<2000x128xf32> to vector<2000xf32>
    %broadcast_in_dim3A_77 = vector.shape_cast %reduce_sum3A_76 : vector<2000xf32> to vector<2000x1xf32>
    %get3A_78 = arith.constant 0 : index
    %get3A_79 = arith.constant 0 : index
    %get3A_80 = vector.load %arg6[%get3A_78, %get3A_79] : memref<1x3xf32, #tpu.memory_space<vmem>>, vector<1x1xf32>
    %get3A_81 = vector.extract %get3A_80[0, 0] : f32 from vector<1x1xf32>
    %add3A_82 = vector.broadcast %get3A_81 : f32 to vector<2000x1xf32>
    %add3A_83 = arith.addf %broadcast_in_dim3A_77, %add3A_82 : vector<2000x1xf32>
    %slice3A_84 = vector.extract_strided_slice %get3A_31 {offsets = [1, 0], sizes = [1, 128], strides = [1, 1]} : vector<3x128xf32> to vector<1x128xf32>
    %squeeze3A_85 = vector.shape_cast %slice3A_84 : vector<1x128xf32> to vector<128xf32>
    %broadcast_in_dim3A_86 = vector.shape_cast %squeeze3A_85 : vector<128xf32> to vector<1x128xf32>
    %mul3A_87 = vector.broadcast %broadcast_in_dim3A_86 : vector<1x128xf32> to vector<2000x128xf32>
    %mul3A_88 = arith.mulf %mul3A_12, %mul3A_87 : vector<2000x128xf32>
    %reduce_sum3A_89 = arith.constant dense<0.000000e+00> : vector<2000xf32>
    %reduce_sum3A_90 = vector.multi_reduction <add>, %mul3A_88, %reduce_sum3A_89 [1] : vector<2000x128xf32> to vector<2000xf32>
    %broadcast_in_dim3A_91 = vector.shape_cast %reduce_sum3A_90 : vector<2000xf32> to vector<2000x1xf32>
    %get3A_92 = arith.constant 0 : index
    %get3A_93 = arith.constant 1 : index
    %get3A_94 = vector.load %arg6[%get3A_92, %get3A_93] : memref<1x3xf32, #tpu.memory_space<vmem>>, vector<1x1xf32>
    %get3A_95 = vector.extract %get3A_94[0, 0] : f32 from vector<1x1xf32>
    %add3A_96 = vector.broadcast %get3A_95 : f32 to vector<2000x1xf32>
    %add3A_97 = arith.addf %broadcast_in_dim3A_91, %add3A_96 : vector<2000x1xf32>
    %slice3A_98 = vector.extract_strided_slice %get3A_31 {offsets = [2, 0], sizes = [1, 128], strides = [1, 1]} : vector<3x128xf32> to vector<1x128xf32>
    %squeeze3A_99 = vector.shape_cast %slice3A_98 : vector<1x128xf32> to vector<128xf32>
    %broadcast_in_dim3A_100 = vector.shape_cast %squeeze3A_99 : vector<128xf32> to vector<1x128xf32>
    %mul3A_101 = vector.broadcast %broadcast_in_dim3A_100 : vector<1x128xf32> to vector<2000x128xf32>
    %mul3A_102 = arith.mulf %mul3A_12, %mul3A_101 : vector<2000x128xf32>
    %reduce_sum3A_103 = arith.constant dense<0.000000e+00> : vector<2000xf32>
    %reduce_sum3A_104 = vector.multi_reduction <add>, %mul3A_102, %reduce_sum3A_103 [1] : vector<2000x128xf32> to vector<2000xf32>
    %broadcast_in_dim3A_105 = vector.shape_cast %reduce_sum3A_104 : vector<2000xf32> to vector<2000x1xf32>
    %get3A_106 = arith.constant 0 : index
    %get3A_107 = arith.constant 2 : index
    %get3A_108 = vector.load %arg6[%get3A_106, %get3A_107] : memref<1x3xf32, #tpu.memory_space<vmem>>, vector<1x1xf32>
    %get3A_109 = vector.extract %get3A_108[0, 0] : f32 from vector<1x1xf32>
    %add3A_110 = vector.broadcast %get3A_109 : f32 to vector<2000x1xf32>
    %add3A_111 = arith.addf %broadcast_in_dim3A_105, %add3A_110 : vector<2000x1xf32>
    %slice3A_112 = vector.extract_strided_slice %get3A_31 {offsets = [0, 0], sizes = [1, 128], strides = [1, 1]} : vector<3x128xf32> to vector<1x128xf32>
    %squeeze3A_113 = vector.shape_cast %slice3A_112 : vector<1x128xf32> to vector<128xf32>
    %broadcast_in_dim3A_114 = vector.shape_cast %squeeze3A_113 : vector<128xf32> to vector<1x128xf32>
    %mul3A_115 = vector.broadcast %broadcast_in_dim3A_114 : vector<1x128xf32> to vector<2000x128xf32>
    %mul3A_116 = arith.mulf %mul3A_25, %mul3A_115 : vector<2000x128xf32>
    %reduce_sum3A_117 = arith.constant dense<0.000000e+00> : vector<2000xf32>
    %reduce_sum3A_118 = vector.multi_reduction <add>, %mul3A_116, %reduce_sum3A_117 [1] : vector<2000x128xf32> to vector<2000xf32>
    %broadcast_in_dim3A_119 = vector.shape_cast %reduce_sum3A_118 : vector<2000xf32> to vector<2000x1xf32>
    %get3A_120 = arith.constant 0 : index
    %get3A_121 = arith.constant 0 : index
    %get3A_122 = vector.load %arg6[%get3A_120, %get3A_121] : memref<1x3xf32, #tpu.memory_space<vmem>>, vector<1x1xf32>
    %get3A_123 = vector.extract %get3A_122[0, 0] : f32 from vector<1x1xf32>
    %add3A_124 = vector.broadcast %get3A_123 : f32 to vector<2000x1xf32>
    %add3A_125 = arith.addf %broadcast_in_dim3A_119, %add3A_124 : vector<2000x1xf32>
    %slice3A_126 = vector.extract_strided_slice %get3A_31 {offsets = [1, 0], sizes = [1, 128], strides = [1, 1]} : vector<3x128xf32> to vector<1x128xf32>
    %squeeze3A_127 = vector.shape_cast %slice3A_126 : vector<1x128xf32> to vector<128xf32>
    %broadcast_in_dim3A_128 = vector.shape_cast %squeeze3A_127 : vector<128xf32> to vector<1x128xf32>
    %mul3A_129 = vector.broadcast %broadcast_in_dim3A_128 : vector<1x128xf32> to vector<2000x128xf32>
    %mul3A_130 = arith.mulf %mul3A_25, %mul3A_129 : vector<2000x128xf32>
    %reduce_sum3A_131 = arith.constant dense<0.000000e+00> : vector<2000xf32>
    %reduce_sum3A_132 = vector.multi_reduction <add>, %mul3A_130, %reduce_sum3A_131 [1] : vector<2000x128xf32> to vector<2000xf32>
    %broadcast_in_dim3A_133 = vector.shape_cast %reduce_sum3A_132 : vector<2000xf32> to vector<2000x1xf32>
    %get3A_134 = arith.constant 0 : index
    %get3A_135 = arith.constant 1 : index
    %get3A_136 = vector.load %arg6[%get3A_134, %get3A_135] : memref<1x3xf32, #tpu.memory_space<vmem>>, vector<1x1xf32>
    %get3A_137 = vector.extract %get3A_136[0, 0] : f32 from vector<1x1xf32>
    %add3A_138 = vector.broadcast %get3A_137 : f32 to vector<2000x1xf32>
    %add3A_139 = arith.addf %broadcast_in_dim3A_133, %add3A_138 : vector<2000x1xf32>
    %slice3A_140 = vector.extract_strided_slice %get3A_31 {offsets = [2, 0], sizes = [1, 128], strides = [1, 1]} : vector<3x128xf32> to vector<1x128xf32>
    %squeeze3A_141 = vector.shape_cast %slice3A_140 : vector<1x128xf32> to vector<128xf32>
    %broadcast_in_dim3A_142 = vector.shape_cast %squeeze3A_141 : vector<128xf32> to vector<1x128xf32>
    %mul3A_143 = vector.broadcast %broadcast_in_dim3A_142 : vector<1x128xf32> to vector<2000x128xf32>
    %mul3A_144 = arith.mulf %mul3A_25, %mul3A_143 : vector<2000x128xf32>
    %reduce_sum3A_145 = arith.constant dense<0.000000e+00> : vector<2000xf32>
    %reduce_sum3A_146 = vector.multi_reduction <add>, %mul3A_144, %reduce_sum3A_145 [1] : vector<2000x128xf32> to vector<2000xf32>
    %broadcast_in_dim3A_147 = vector.shape_cast %reduce_sum3A_146 : vector<2000xf32> to vector<2000x1xf32>
    %get3A_148 = arith.constant 0 : index
    %get3A_149 = arith.constant 2 : index
    %get3A_150 = vector.load %arg6[%get3A_148, %get3A_149] : memref<1x3xf32, #tpu.memory_space<vmem>>, vector<1x1xf32>
    %get3A_151 = vector.extract %get3A_150[0, 0] : f32 from vector<1x1xf32>
    %add3A_152 = vector.broadcast %get3A_151 : f32 to vector<2000x1xf32>
    %add3A_153 = arith.addf %broadcast_in_dim3A_147, %add3A_152 : vector<2000x1xf32>
    %broadcast_in_dim3A_154 = arith.constant 0.000000e+00 : f32
    %broadcast_in_dim3A_155 = vector.broadcast %broadcast_in_dim3A_154 : f32 to vector<2000x1xf32>
    %broadcast_in_dim3A_156 = arith.constant 0.000000e+00 : f32
    %broadcast_in_dim3A_157 = vector.broadcast %broadcast_in_dim3A_156 : f32 to vector<2000x1xf32>
    %broadcast_in_dim3A_158 = arith.constant 0.000000e+00 : f32
    %broadcast_in_dim3A_159 = vector.broadcast %broadcast_in_dim3A_158 : f32 to vector<2000x1xf32>
    %broadcast_in_dim3A_160 = arith.constant 0.000000e+00 : f32
    %broadcast_in_dim3A_161 = vector.broadcast %broadcast_in_dim3A_160 : f32 to vector<2000x1xf32>
    %max3A = arith.maximumf %add3A_41, %add3A_83 : vector<2000x1xf32>
    %max3A_162 = arith.maximumf %max3A, %add3A_125 : vector<2000x1xf32>
    %sub3A = arith.subf %add3A_41, %max3A_162 : vector<2000x1xf32>
    %exp3A = math.exp %sub3A : vector<2000x1xf32>
    %sub3A_163 = arith.subf %add3A_83, %max3A_162 : vector<2000x1xf32>
    %exp3A_164 = math.exp %sub3A_163 : vector<2000x1xf32>
    %sub3A_165 = arith.subf %add3A_125, %max3A_162 : vector<2000x1xf32>
    %exp3A_166 = math.exp %sub3A_165 : vector<2000x1xf32>
    %add3A_167 = arith.addf %exp3A, %exp3A_164 : vector<2000x1xf32>
    %add3A_168 = arith.addf %add3A_167, %exp3A_166 : vector<2000x1xf32>
    %div3A = arith.constant 1.000000e+00 : f32
    %div3A_169 = vector.broadcast %div3A : f32 to vector<2000x1xf32>
    %div3A_170 = arith.divf %div3A_169, %add3A_168 : vector<2000x1xf32>
    %mul3A_171 = arith.mulf %exp3A, %div3A_170 : vector<2000x1xf32>
    %add3A_172 = arith.addf %broadcast_in_dim3A_155, %mul3A_171 : vector<2000x1xf32>
    %add3A_173 = arith.constant 9.99999996E-13 : f32
    %add3A_174 = vector.broadcast %add3A_173 : f32 to vector<2000x1xf32>
    %add3A_175 = arith.addf %mul3A_171, %add3A_174 : vector<2000x1xf32>
    %log3A = math.log %add3A_175 : vector<2000x1xf32>
    %mul3A_176 = arith.mulf %mul3A_171, %log3A : vector<2000x1xf32>
    %sub3A_177 = arith.subf %broadcast_in_dim3A_161, %mul3A_176 : vector<2000x1xf32>
    %mul3A_178 = arith.mulf %exp3A_164, %div3A_170 : vector<2000x1xf32>
    %add3A_179 = arith.addf %broadcast_in_dim3A_157, %mul3A_178 : vector<2000x1xf32>
    %add3A_180 = arith.constant 9.99999996E-13 : f32
    %add3A_181 = vector.broadcast %add3A_180 : f32 to vector<2000x1xf32>
    %add3A_182 = arith.addf %mul3A_178, %add3A_181 : vector<2000x1xf32>
    %log3A_183 = math.log %add3A_182 : vector<2000x1xf32>
    %mul3A_184 = arith.mulf %mul3A_178, %log3A_183 : vector<2000x1xf32>
    %sub3A_185 = arith.subf %sub3A_177, %mul3A_184 : vector<2000x1xf32>
    %mul3A_186 = arith.mulf %exp3A_166, %div3A_170 : vector<2000x1xf32>
    %add3A_187 = arith.addf %broadcast_in_dim3A_159, %mul3A_186 : vector<2000x1xf32>
    %add3A_188 = arith.constant 9.99999996E-13 : f32
    %add3A_189 = vector.broadcast %add3A_188 : f32 to vector<2000x1xf32>
    %add3A_190 = arith.addf %mul3A_186, %add3A_189 : vector<2000x1xf32>
    %log3A_191 = math.log %add3A_190 : vector<2000x1xf32>
    %mul3A_192 = arith.mulf %mul3A_186, %log3A_191 : vector<2000x1xf32>
    %sub3A_193 = arith.subf %sub3A_185, %mul3A_192 : vector<2000x1xf32>
    %max3A_194 = arith.maximumf %add3A_55, %add3A_97 : vector<2000x1xf32>
    %max3A_195 = arith.maximumf %max3A_194, %add3A_139 : vector<2000x1xf32>
    %sub3A_196 = arith.subf %add3A_55, %max3A_195 : vector<2000x1xf32>
    %exp3A_197 = math.exp %sub3A_196 : vector<2000x1xf32>
    %sub3A_198 = arith.subf %add3A_97, %max3A_195 : vector<2000x1xf32>
    %exp3A_199 = math.exp %sub3A_198 : vector<2000x1xf32>
    %sub3A_200 = arith.subf %add3A_139, %max3A_195 : vector<2000x1xf32>
    %exp3A_201 = math.exp %sub3A_200 : vector<2000x1xf32>
    %add3A_202 = arith.addf %exp3A_197, %exp3A_199 : vector<2000x1xf32>
    %add3A_203 = arith.addf %add3A_202, %exp3A_201 : vector<2000x1xf32>
    %div3A_204 = arith.constant 1.000000e+00 : f32
    %div3A_205 = vector.broadcast %div3A_204 : f32 to vector<2000x1xf32>
    %div3A_206 = arith.divf %div3A_205, %add3A_203 : vector<2000x1xf32>
    %mul3A_207 = arith.mulf %exp3A_197, %div3A_206 : vector<2000x1xf32>
    %add3A_208 = arith.addf %add3A_172, %mul3A_207 : vector<2000x1xf32>
    %add3A_209 = arith.constant 9.99999996E-13 : f32
    %add3A_210 = vector.broadcast %add3A_209 : f32 to vector<2000x1xf32>
    %add3A_211 = arith.addf %mul3A_207, %add3A_210 : vector<2000x1xf32>
    %log3A_212 = math.log %add3A_211 : vector<2000x1xf32>
    %mul3A_213 = arith.mulf %mul3A_207, %log3A_212 : vector<2000x1xf32>
    %sub3A_214 = arith.subf %sub3A_193, %mul3A_213 : vector<2000x1xf32>
    %mul3A_215 = arith.mulf %exp3A_199, %div3A_206 : vector<2000x1xf32>
    %add3A_216 = arith.addf %add3A_179, %mul3A_215 : vector<2000x1xf32>
    %add3A_217 = arith.constant 9.99999996E-13 : f32
    %add3A_218 = vector.broadcast %add3A_217 : f32 to vector<2000x1xf32>
    %add3A_219 = arith.addf %mul3A_215, %add3A_218 : vector<2000x1xf32>
    %log3A_220 = math.log %add3A_219 : vector<2000x1xf32>
    %mul3A_221 = arith.mulf %mul3A_215, %log3A_220 : vector<2000x1xf32>
    %sub3A_222 = arith.subf %sub3A_214, %mul3A_221 : vector<2000x1xf32>
    %mul3A_223 = arith.mulf %exp3A_201, %div3A_206 : vector<2000x1xf32>
    %add3A_224 = arith.addf %add3A_187, %mul3A_223 : vector<2000x1xf32>
    %add3A_225 = arith.constant 9.99999996E-13 : f32
    %add3A_226 = vector.broadcast %add3A_225 : f32 to vector<2000x1xf32>
    %add3A_227 = arith.addf %mul3A_223, %add3A_226 : vector<2000x1xf32>
    %log3A_228 = math.log %add3A_227 : vector<2000x1xf32>
    %mul3A_229 = arith.mulf %mul3A_223, %log3A_228 : vector<2000x1xf32>
    %sub3A_230 = arith.subf %sub3A_222, %mul3A_229 : vector<2000x1xf32>
    %max3A_231 = arith.maximumf %add3A_69, %add3A_111 : vector<2000x1xf32>
    %max3A_232 = arith.maximumf %max3A_231, %add3A_153 : vector<2000x1xf32>
    %sub3A_233 = arith.subf %add3A_69, %max3A_232 : vector<2000x1xf32>
    %exp3A_234 = math.exp %sub3A_233 : vector<2000x1xf32>
    %sub3A_235 = arith.subf %add3A_111, %max3A_232 : vector<2000x1xf32>
    %exp3A_236 = math.exp %sub3A_235 : vector<2000x1xf32>
    %sub3A_237 = arith.subf %add3A_153, %max3A_232 : vector<2000x1xf32>
    %exp3A_238 = math.exp %sub3A_237 : vector<2000x1xf32>
    %add3A_239 = arith.addf %exp3A_234, %exp3A_236 : vector<2000x1xf32>
    %add3A_240 = arith.addf %add3A_239, %exp3A_238 : vector<2000x1xf32>
    %div3A_241 = arith.constant 1.000000e+00 : f32
    %div3A_242 = vector.broadcast %div3A_241 : f32 to vector<2000x1xf32>
    %div3A_243 = arith.divf %div3A_242, %add3A_240 : vector<2000x1xf32>
    %mul3A_244 = arith.mulf %exp3A_234, %div3A_243 : vector<2000x1xf32>
    %add3A_245 = arith.addf %add3A_208, %mul3A_244 : vector<2000x1xf32>
    %add3A_246 = arith.constant 9.99999996E-13 : f32
    %add3A_247 = vector.broadcast %add3A_246 : f32 to vector<2000x1xf32>
    %add3A_248 = arith.addf %mul3A_244, %add3A_247 : vector<2000x1xf32>
    %log3A_249 = math.log %add3A_248 : vector<2000x1xf32>
    %mul3A_250 = arith.mulf %mul3A_244, %log3A_249 : vector<2000x1xf32>
    %sub3A_251 = arith.subf %sub3A_230, %mul3A_250 : vector<2000x1xf32>
    %mul3A_252 = arith.mulf %exp3A_236, %div3A_243 : vector<2000x1xf32>
    %add3A_253 = arith.addf %add3A_216, %mul3A_252 : vector<2000x1xf32>
    %add3A_254 = arith.constant 9.99999996E-13 : f32
    %add3A_255 = vector.broadcast %add3A_254 : f32 to vector<2000x1xf32>
    %add3A_256 = arith.addf %mul3A_252, %add3A_255 : vector<2000x1xf32>
    %log3A_257 = math.log %add3A_256 : vector<2000x1xf32>
    %mul3A_258 = arith.mulf %mul3A_252, %log3A_257 : vector<2000x1xf32>
    %sub3A_259 = arith.subf %sub3A_251, %mul3A_258 : vector<2000x1xf32>
    %mul3A_260 = arith.mulf %exp3A_238, %div3A_243 : vector<2000x1xf32>
    %add3A_261 = arith.addf %add3A_224, %mul3A_260 : vector<2000x1xf32>
    %add3A_262 = arith.constant 9.99999996E-13 : f32
    %add3A_263 = vector.broadcast %add3A_262 : f32 to vector<2000x1xf32>
    %add3A_264 = arith.addf %mul3A_260, %add3A_263 : vector<2000x1xf32>
    %log3A_265 = math.log %add3A_264 : vector<2000x1xf32>
    %mul3A_266 = arith.mulf %mul3A_260, %log3A_265 : vector<2000x1xf32>
    %sub3A_267 = arith.subf %sub3A_259, %mul3A_266 : vector<2000x1xf32>
    %broadcast_in_dim3A_268 = arith.constant 0.000000e+00 : f32
    %broadcast_in_dim3A_269 = vector.broadcast %broadcast_in_dim3A_268 : f32 to vector<2000x128xf32>
    %get3A_270 = arith.constant 0 : index
    %get3A_271 = arith.constant 0 : index
    %get3A_272 = vector.load %arg7[%get3A_270, %get3A_271] : memref<1x3xf32, #tpu.memory_space<vmem>>, vector<1x1xf32>
    %get3A_273 = vector.extract %get3A_272[0, 0] : f32 from vector<1x1xf32>
    %mul3A_274 = vector.broadcast %get3A_273 : f32 to vector<2000x1xf32>
    %mul3A_275 = arith.mulf %mul3A_274, %add3A_245 : vector<2000x1xf32>
    %mul3A_276 = vector.broadcast %mul3A_275 : vector<2000x1xf32> to vector<2000x128xf32>
    %mul3A_277 = arith.mulf %get3A_28, %mul3A_276 : vector<2000x128xf32>
    %add3A_278 = arith.addf %broadcast_in_dim3A_269, %mul3A_277 : vector<2000x128xf32>
    %get3A_279 = arith.constant 0 : index
    %get3A_280 = arith.constant 1 : index
    %get3A_281 = vector.load %arg7[%get3A_279, %get3A_280] : memref<1x3xf32, #tpu.memory_space<vmem>>, vector<1x1xf32>
    %get3A_282 = vector.extract %get3A_281[0, 0] : f32 from vector<1x1xf32>
    %mul3A_283 = vector.broadcast %get3A_282 : f32 to vector<2000x1xf32>
    %mul3A_284 = arith.mulf %mul3A_283, %add3A_253 : vector<2000x1xf32>
    %mul3A_285 = vector.broadcast %mul3A_284 : vector<2000x1xf32> to vector<2000x128xf32>
    %mul3A_286 = arith.mulf %mul3A_12, %mul3A_285 : vector<2000x128xf32>
    %add3A_287 = arith.addf %add3A_278, %mul3A_286 : vector<2000x128xf32>
    %get3A_288 = arith.constant 0 : index
    %get3A_289 = arith.constant 2 : index
    %get3A_290 = vector.load %arg7[%get3A_288, %get3A_289] : memref<1x3xf32, #tpu.memory_space<vmem>>, vector<1x1xf32>
    %get3A_291 = vector.extract %get3A_290[0, 0] : f32 from vector<1x1xf32>
    %mul3A_292 = vector.broadcast %get3A_291 : f32 to vector<2000x1xf32>
    %mul3A_293 = arith.mulf %mul3A_292, %add3A_261 : vector<2000x1xf32>
    %mul3A_294 = vector.broadcast %mul3A_293 : vector<2000x1xf32> to vector<2000x128xf32>
    %mul3A_295 = arith.mulf %mul3A_25, %mul3A_294 : vector<2000x128xf32>
    %add3A_296 = arith.addf %add3A_287, %mul3A_295 : vector<2000x128xf32>
    %get3A_297 = arith.constant 0 : index
    %get3A_298 = arith.constant 0 : index
    %get3A_299 = vector.load %arg8[%get3A_297, %get3A_298] : memref<128x128xf32, #tpu.memory_space<vmem>>, vector<128x128xf32>
    %dot_general3A = arith.constant dense<0.000000e+00> : vector<2000x128xf32>
    %dot_general3A_300 = tpu.matmul %add3A_296, %get3A_299, %dot_general3A {dimension_numbers = #tpu.dot_dimension_numbers<[1], [0], [0], [1], [0, 0, 1, 1], [], []>, transpose_lhs_hint = false} : vector<2000x128xf32>, vector<128x128xf32>, vector<2000x128xf32> -> vector<2000x128xf32>
    %get3A_301 = arith.constant 0 : index
    %get3A_302 = arith.constant 0 : index
    %get3A_303 = vector.load %arg9[%get3A_301, %get3A_302] : memref<1x128xf32, #tpu.memory_space<vmem>>, vector<1x128xf32>
    %mul3A_304 = arith.constant 3.000000e+00 : f32
    %mul3A_305 = vector.broadcast %mul3A_304 : f32 to vector<1x128xf32>
    %mul3A_306 = arith.mulf %mul3A_305, %get3A_303 : vector<1x128xf32>
    %add3A_307 = vector.broadcast %mul3A_306 : vector<1x128xf32> to vector<2000x128xf32>
    %add3A_308 = arith.addf %dot_general3A_300, %add3A_307 : vector<2000x128xf32>
    %swap3A = arith.constant 0 : index
    %swap3A_309 = arith.constant 0 : index
    %swap3A_310 = vector.load %arg10[%swap3A, %swap3A_309] : memref<2000x128xf32, #tpu.memory_space<vmem>>, vector<2000x128xf32>
    tpu.vector_store %arg10[%swap3A, %swap3A_309], %add3A_308 {strides = array<i32>} : memref<2000x128xf32, #tpu.memory_space<vmem>>, vector<2000x128xf32>,
    %swap3A_311 = arith.constant 0 : index
    %swap3A_312 = arith.constant 0 : index
    %swap3A_313 = vector.load %arg11[%swap3A_311, %swap3A_312] : memref<2000x1xf32, #tpu.memory_space<vmem>>, vector<2000x1xf32>
    tpu.vector_store %arg11[%swap3A_311, %swap3A_312], %sub3A_267 {strides = array<i32>} : memref<2000x1xf32, #tpu.memory_space<vmem>>, vector<2000x1xf32>,
    return
  }
  func.func @transform_0(%arg0: i32) -> (i32, i32) {
    %c0_i32 = arith.constant 0 : i32
    %c0_i32_0 = arith.constant 0 : i32
    return %arg0, %c0_i32 : i32, i32
  }
  func.func @transform_1(%arg0: i32) -> (i32, i32, i32) {
    %c0_i32 = arith.constant 0 : i32
    %c0_i32_0 = arith.constant 0 : i32
    %c0_i32_1 = arith.constant 0 : i32
    return %c0_i32, %arg0, %c0_i32_0 : i32, i32, i32
  }
  func.func @transform_2(%arg0: i32) -> (i32, i32, i32) {
    %c0_i32 = arith.constant 0 : i32
    %c0_i32_0 = arith.constant 0 : i32
    %c0_i32_1 = arith.constant 0 : i32
    return %c0_i32, %arg0, %c0_i32_0 : i32, i32, i32
  }
  func.func @transform_3(%arg0: i32) -> (i32, i32) {
    %c0_i32 = arith.constant 0 : i32
    %c0_i32_0 = arith.constant 0 : i32
    return %arg0, %c0_i32 : i32, i32
  }
  func.func @transform_4(%arg0: i32) -> (i32, i32) {
    %c0_i32 = arith.constant 0 : i32
    %c0_i32_0 = arith.constant 0 : i32
    %c0_i32_1 = arith.constant 0 : i32
    return %c0_i32, %c0_i32_0 : i32, i32
  }
  func.func @transform_5(%arg0: i32) -> (i32, i32) {
    %c0_i32 = arith.constant 0 : i32
    %c0_i32_0 = arith.constant 0 : i32
    %c0_i32_1 = arith.constant 0 : i32
    return %c0_i32, %c0_i32_0 : i32, i32
  }
  func.func @transform_6(%arg0: i32) -> (i32, i32) {
    %c0_i32 = arith.constant 0 : i32
    %c0_i32_0 = arith.constant 0 : i32
    %c0_i32_1 = arith.constant 0 : i32
    return %c0_i32, %c0_i32_0 : i32, i32
  }
  func.func @transform_7(%arg0: i32) -> (i32, i32) {
    %c0_i32 = arith.constant 0 : i32
    %c0_i32_0 = arith.constant 0 : i32
    %c0_i32_1 = arith.constant 0 : i32
    return %c0_i32, %c0_i32_0 : i32, i32
  }
  func.func @transform_8(%arg0: i32) -> (i32, i32) {
    %c0_i32 = arith.constant 0 : i32
    %c0_i32_0 = arith.constant 0 : i32
    %c0_i32_1 = arith.constant 0 : i32
    return %c0_i32, %c0_i32_0 : i32, i32
  }
  func.func @transform_9(%arg0: i32) -> (i32, i32) {
    %c0_i32 = arith.constant 0 : i32
    %c0_i32_0 = arith.constant 0 : i32
    return %arg0, %c0_i32 : i32, i32
  }
  func.func @transform_10(%arg0: i32) -> (i32, i32) {
    %c0_i32 = arith.constant 0 : i32
    %c0_i32_0 = arith.constant 0 : i32
    return %arg0, %c0_i32 : i32, i32
  }
}

</mosaic_0001>

<sc_bundles>
// kernel: kernel.11.cloned.1.call-start
scs
__scs_entry_jumppad:
0x0: {  	(pc) =	sbr.rel $0x88, $3  }
0x1: {  	(tag) =	ssettag $0x0;
	lr =	simm.s32 $0x1  }
0x2: {  	[smem:$0x3F9A] =	sst lr;
	_ =	strace $0xD0000000  }
0x3: {  	_ = 	snop  }
0x4: {  	_ = 	snop  }
0x5: {  	_ = 	snop  }
0x6: {  	_ = 	snop  }
0x7: {  	_ = 	snop  }
__scs_overlays_trampoline_lowered:
0x8: {  	[smem:$0x3FA9] =	sst s0  }
0x9: {  	[smem:$0x3FAA] =	sst s1  }
0xa: {  	[smem:$0x3FAB] =	sst s2  }
0xb: {  	[smem:$0x3FAC] =	sst s3  }
0xc: {  	[smem:$0x3FAD] =	sst s4  }
0xd: {  	[smem:$0x3FAE] =	sst s5  }
0xe: {  	[smem:$0x3FAF] =	sst s6  }
0xf: {  	[smem:$0x3FB0] =	sst s7  }
0x10: {  	[smem:$0x3FB1] =	sst s8  }
0x11: {  	[smem:$0x3FB2] =	sst s9;
	s0 =	simm.s32 @!p0 $0x0  }
0x12: {  	s1 =	sld [smem:$0x3F98];
	s0 =	simm.s32 @p0 $0x1  }
0x13: {  	[smem:$0x3FB3] =	sst s0;
	s0 =	simm.s32 @!p1 $0x0  }
0x14: {  	s2 =	sld [smem:$0x3F97];
	s0 =	simm.s32 @p1 $0x1  }
0x15: {  	[smem:$0x3FB4] =	sst s0;
	s0 =	simm.s32 @!p2 $0x0  }
0x16: {  	s3 =	sld [smem:$0x3FDB];
	s0 =	simm.s32 @p2 $0x1  }
0x17: {  	s4 =	simm.s32 $0x1BF5;
	[smem:$0x3FB6] =	sst s0  }
0x18: {  	s0 =	sld [smem:$0x3F99];
	_ =	swait.ge [sflag:s4], $0x0  }
0x19: {  	s7 =	sld [smem:$0x3F9A]  }
0x1a: {  	s8 =	sadd.s32 $0xFFFFE003, lr  }
0x1b: {  	s9 =	sadd.s32 $0xFFFFFEF7, lr;
	s5 =	simm.s32 $0xFFFFFFFF;
	p2 =	slt.u32 s8, $0xFFFFF086  }
0x1c: {  	p1 =	slt.u32 s9, $0xF7A;
	s5 =	simm.s32 @!p2 $0x0  }
0x1d: {  	s5 =	simm.s32 @p1 $0x1;
	p0 =	seq.s32 s7, s2  }
0x1e: {  	s7 =	smul.u32 @!p0 $0xF7A, s2;
	p2 =	seq.s32 @!p0 s5, $0x0  }
0x1f: {  	s9 =	smul.u32 $0xF7A, s1;
	s8 =	simm.s32 @!p0 $0x1BF5;
	p2 =	por !p2, p0  }
0x20: {  	[sflag:s8] =	ssyncset.s32 @!p0 $0xFFFFF086;
	s6 =	sadd.s32 @!p0 s3, s7;
	s7 =	simm.s32 @!p0 $0x108  }
0x21: {  	s3 =	sadd.s32 s3, s9;
	s6 =	sadd.s32 @!p0 $0x88, s6;
	s7 =	simm.s32 @p2 $0x1082  }
0x22: {  	[simem:s7], [sflag:s8] =	dma.local @!p0 [hbm:s6], $0xF7A  }
0x23: {  	s9 =	sor.u32 $0xD0000000, s2;
	s6 =	simm.s32 $0x108;
	_ =	swait.ge @!p0 [sflag:s8], $0x0  }
0x24: {  	s3 =	sadd.s32 $0x88, s3;
	s6 =	simm.s32 @!p1 $0x1082;
	[sflag:s4] =	ssyncset.s32 $0xFFFFF086  }
0x25: {  	[simem:s6], [sflag:s4] =	dma.local [hbm:s3], $0xF7A  }
0x26: {  	[smem:$0x3F9A] =	sst s1;
	(tag) =	ssettag s2;
	_ =	strace s9  }
0x27: {  	s1 =	sld [smem:$0x3FAA]  }
0x28: {  	s2 =	sld [smem:$0x3FAB]  }
0x29: {  	s4 =	sld [smem:$0x3FAD]  }
0x2a: {  	p0 =	seq.s32 s5, $0x0;
	s5 =	sld [smem:$0x3FAE]  }
0x2b: {  	s6 =	sld [smem:$0x3FAF]  }
0x2c: {  	s7 =	sld [smem:$0x3FB0]  }
0x2d: {  	s3 =	simm.s32 $0x108;
	s8 =	sld [smem:$0x3FB1]  }
0x2e: {  	s3 =	simm.s32 @!p0 $0x1082;
	s9 =	sld [smem:$0x3FB2]  }
0x2f: {  	lr =	sadd.s32 s0, s3;
	s0 =	sld [smem:$0x3FA9]  }
0x30: {  	s3 =	sld [smem:$0x3FAC]  }
0x31: {  	[smem:$0x3FB5] =	sst s10  }
0x32: {  	s10 =	sld [smem:$0x3FB3];
	_ =	sdelay $0x3  }
0x33: {  	p0 =	seq.s32 s10, $0x1;
	s10 =	sld [smem:$0x3FB5];
	_ =	sdelay $0x3  }
0x34: {  	[smem:$0x3FB5] =	sst s10  }
0x35: {  	s10 =	sld [smem:$0x3FB4];
	_ =	sdelay $0x3  }
0x36: {  	p1 =	seq.s32 s10, $0x1;
	s10 =	sld [smem:$0x3FB5];
	_ =	sdelay $0x3  }
0x37: {  	[smem:$0x3FB5] =	sst s10  }
0x38: {  	s10 =	sld [smem:$0x3FB6]  }
0x39: {  	_ = 	snop;
	(pc) =	sbr.ind lr, $3  }
0x3a: {  	_ = 	snop  }
0x3b: {  	_ = 	snop  }
0x3c: {  	p2 =	seq.s32 s10, $0x1;
	s10 =	sld [smem:$0x3FB5]  }
0x3d: {  	_ =	shalt  }
0x3e: {  	_ =	shalt  }
0x3f: {  	_ =	shalt  }
0x40: {  	_ =	shalt  }
0x41: {  	_ =	shalt  }
0x42: {  	_ =	shalt  }
0x43: {  	_ =	shalt  }
0x44: {  	_ =	shalt  }
0x45: {  	_ =	shalt  }
0x46: {  	_ =	shalt  }
0x47: {  	_ =	shalt  }
0x48: {  	_ =	shalt  }
0x49: {  	_ =	shalt  }
0x4a: {  	_ =	shalt  }
0x4b: {  	_ =	shalt  }
0x4c: {  	_ =	shalt  }
0x4d: {  	_ =	shalt  }
0x4e: {  	_ =	shalt  }
0x4f: {  	_ =	shalt  }
0x50: {  	_ =	shalt  }
0x51: {  	_ =	shalt  }
0x52: {  	_ =	shalt  }
0x53: {  	_ =	shalt  }
0x54: {  	_ =	shalt  }
0x55: {  	_ =	shalt  }
0x56: {  	_ =	shalt  }
0x57: {  	_ =	shalt  }
0x58: {  	_ =	shalt  }
0x59: {  	_ =	shalt  }
0x5a: {  	_ =	shalt  }
0x5b: {  	_ =	shalt  }
0x5c: {  	_ =	shalt  }
0x5d: {  	_ =	shalt  }
0x5e: {  	_ =	shalt  }
0x5f: {  	_ =	shalt  }
0x60: {  	_ =	shalt  }
0x61: {  	_ =	shalt  }
0x62: {  	_ =	shalt  }
0x63: {  	_ =	shalt  }
0x64: {  	_ =	shalt  }
0x65: {  	_ =	shalt  }
0x66: {  	_ =	shalt  }
0x67: {  	_ =	shalt  }
0x68: {  	_ =	shalt  }
0x69: {  	_ =	shalt  }
0x6a: {  	_ =	shalt  }
0x6b: {  	_ =	shalt  }
0x6c: {  	_ =	shalt  }
0x6d: {  	_ =	shalt  }
0x6e: {  	_ =	shalt  }
0x6f: {  	_ =	shalt  }
0x70: {  	_ =	shalt  }
0x71: {  	_ =	shalt  }
0x72: {  	_ =	shalt  }
0x73: {  	_ =	shalt  }
0x74: {  	_ =	shalt  }
0x75: {  	_ =	shalt  }
0x76: {  	_ =	shalt  }
0x77: {  	_ =	shalt  }
0x78: {  	_ =	shalt  }
0x79: {  	_ =	shalt  }
0x7a: {  	_ =	shalt  }
0x7b: {  	_ =	shalt  }
0x7c: {  	_ =	shalt  }
0x7d: {  	_ =	shalt  }
0x7e: {  	_ =	shalt  }
0x7f: {  	_ =	shalt  }
0x80: {  	_ =	shalt  }
0x81: {  	_ =	shalt  }
0x82: {  	_ =	shalt  }
0x83: {  	_ =	shalt  }
0x84: {  	_ =	shalt  }
0x85: {  	_ =	shalt  }
0x86: {  	_ =	shalt  }
0x87: {  	_ =	shalt  }
.Lfunc_end0:
.L_simem_size_0:
called_computation.1_lowered:
.L_overlay_start_0:
0x88: {  	s2 =	sld [smem:$0x3FD9]  }
0x89: {  	s3 =	sld [smem:$0x3FFE];
	_ =	sdelay $0x1  }
0x8a: {  	s1 =	srdreg.scid  }
0x8b: {  	s0 =	sand.u32 $0x1, s1  }
0x8c: {  	s14 =	sshll.u32 s0, $0xA;
	s2 =	sadd.s32 s3, s2  }
0x8d: {  	s2 =	sadd.s32 s2, s14  }
0x8e: {  	[smem:$0x3FC1] =	sst s2  }
0x8f: {  	_ = 	snop  }
0x90: {  	s2 =	sld [smem:$0x3FD0];
	_ =	sdelay $0x2  }
0x91: {  	s15 =	simm.s32 $0xA;
	s4 =	simm.s32 $0x10  }
0x92: {  	[smem:s4], [sflag:s15] =	dma.local [hbm:s2], $0x1  }
0x93: {  	_ =	swait.eq [sflag:s15], $0x1  }
0x94: {  	[sflag:s15] =	ssyncset.done $0x0  }
0x95: {  	[sflag:s15] =	ssyncadd.s32 $0xFFFFFFFF  }
0x96: {  	s16 =	sld [smem:$0x10];
	(tm) =	ssettm $0x1  }
0x97: {  	s17 =	sld [smem:$0x3FFB];
	_ =	sdelay $0x3  }
0x98: {  	_ =	strace s17  }
0x99: {  	s3 =	sld [smem:$0x3FFC];
	_ =	sdelay $0x3  }
0x9a: {  	_ =	strace s3  }
0x9b: {  	s3 =	sld [smem:$0x3FFD];
	_ =	sdelay $0x3  }
0x9c: {  	_ =	strace s3  }
0x9d: {  	_ =	strace $0x8FFFFFFF  }
0x9e: {  	s18 =	sld [smem:$0x3FDB];
	_ =	sdelay $0x1  }
0x9f: {  	s19 =	simm.s32 $_scs_section_size  }
0xa0: {  	s5 =	simm.s32 $_size__tile_overlayer_lowered;
	s6 =	simm.s32 $_tile_overlayer_lowered  }
0xa1: {  	s22 =	simm.s32 $0x1BFF;
	s21 =	sshll.u32 s6, $0x1;
	s3 =	sadd.s32 s19, s18  }
0xa2: {  	s7 =	simm.s32 $0x0;
	s20 =	sshll.u32 s5, $0x1;
	s5 =	sadd.s32 s21, s3  }
0xa3: {  	[timem:s7], [sflag:s22] =	dma.local [hbm:s5], s20  }
0xa4: {  	_ =	swait.ge [sflag:s22], s20  }
0xa5: {  	s4 =	ssub.s32 $0x0, s20;
	[sflag:s22] =	ssyncset.done $0x0  }
0xa6: {  	[sflag:s22] =	ssyncadd.s32 s4;
	_ =	sdelay $0x1  }
0xa7: {  	s23 =	simm.s32 $0x1B8B  }
0xa8: {  	_ =	swait.ge [sflag:s23], $0x1  }
0xa9: {  	[sflag:s23] =	ssyncset.done $0x0  }
0xaa: {  	s25 =	simm.s32 $0x1B8E;
	s24 =	sld [smem:$0x3FFE];
	[sflag:s23] =	ssyncadd.s32 $0xFFFFFFFF  }
0xab: {  	s26 =	simm.s32 $execute0_lowered;
	[smem:$0x3FD2] =	sst s25  }
0xac: {  	s5 =	sshll.u32 s26, $0x1;
	_ =	strace $0x80000049;
	[dreg:$0x1] =	wrdreg $0xFFFFFFFF  }
0xad: {  	s28 =	simm.s32 $_size_execute0_lowered;
	s3 =	sadd.s32 s3, s5;
	[dreg:$0x0] =	wrdreg $0x0  }
0xae: {  	s5 =	sshll.u32 s28, $0x1;
	[dreg:$0x2] =	wrdreg s3  }
0xaf: {  	[dreg:$0x3] =	wrdreg s5  }
0xb0: {  	[dreg:$0x4] =	wrdreg $0xC0  }
0xb1: {  	_ =	task [dreg:s7], $0x5FFFF  }
0xb2: {  	[dreg:$0x1] =	wrdreg $0xFFFFFFFF  }
0xb3: {  	[dreg:$0x0] =	wrdreg $0x60  }
0xb4: {  	[dreg:$0x2] =	wrdreg s24  }
0xb5: {  	[dreg:$0x3] =	wrdreg s16  }
0xb6: {  	[dreg:$0x4] =	wrdreg $0xAA000  }
0xb7: {  	[dreg:$0x5] =	wrdreg $0x9  }
0xb8: {  	_ =	task.clear_ibuf [dreg:s7], $0x6FFFF;
	_ =	strace $0x90000049  }
0xb9: {  	s29 =	simm.s32 $0x9;
	_ =	strace $0x8000004B  }
0xba: {  	_ =	swait.ge [sflag:s29], $0x1  }
0xbb: {  	[sflag:s29] =	ssyncadd.s32 $0xFFFFFFFF  }
0xbc: {  	_ =	strace $0x9000004B  }
0xbd: {  	_ =	sfence  }
0xbe: {  	s30 =	sld [smem:$0x0];
	_ =	sdelay $0x2  }
0xbf: {  	s31 =	sshll.u32 s1, $0xD;
	s1 =	sshrl.u32 s1, $0x2  }
0xc0: {  	s3 =	sand.u32 $0x4000, s31;
	s1 =	sadd.s32 s1, s30  }
0xc1: {  	s0 =	sor.u32 s3, s0;
	s1 =	sshll.u32 s1, $0x11  }
0xc2: {  	s0 =	sor.u32 s1, s0  }
0xc3: {  	s0 =	sadd.s32 $0x8F2B, s0  }
0xc4: {  	[sflag:s0] =	ssyncadd.remote.s32 $0x1  }
0xc5: {  	_ =	sfence.sel $0xFFFF  }
0xc6: {  	[dreg:$0x0] =	wrdreg $0xFFFFFFFF;
	(pc) =	sbr.abs _section_cstart, $3  }
0xc7: {  	[dreg:$0x1] =	wrdreg $0xFFFFFFFF  }
0xc8: {  	_ =	task.clear_ibuf [dreg:s7], $0x2FFFF;
	_ =	strace $0x9FFFFFFF  }
0xc9: {  	(tm) =	ssettm $0x7FFFFFFF  }
tec
execute0_lowered:
.L_overlay_start_1:
0x0: {  	(tag) =	ssettag $0x1  }
0x1: {  	s0 =	rddreg [dreg:$0x0]  }
0x2: {  	s2 =	rddreg [dreg:$0x1]  }
0x3: {  	s3 =	rddreg [dreg:$0x2];
	s9 =	stileid.u32  }
0x4: {  	s1 =	srdreg.scid;
	s4 =	simm.s32 $0x0;
	s28 =	simm.s32 $0x4A00  }
0x5: {  	s29 =	simm.s32 $0x2880;
	s30 =	simm.s32 $0x6A00;
	s5 =	smul.u32 $0x2800, s9  }
0x6: {  	s31 =	simm.s32 $0x28C0;
	s10 =	simm.s32 $0x0;
	s7 =	smul.u32 $0x50000, s9  }
0x7: {  	s1 =	sand.u32 $0x1, s1;
	[smem:$0x7FF] =	sst s4;
	s13 =	smul.u32 $0x14000, s9  }
0x8: {  	s9 =	simm.s32 $0x2980;
	p0 =	seq.s32 s1, $0x0;
	_ =	strace $0x8000004A  }
0x9: {  	s11 =	ssub.s32 $0x2, s1;
	s1 =	smul.u32 $0x140000, s1;
	s6 =	sadd.s32 $0x28000, s5  }
0xa: {  	s8 =	sshrl.u32 s11, $0x1;
	s12 =	sshrl.u32 s7, $0x2;
	s19 =	sadd.s32 $0x4000, s13  }
0xb: {  	s23 =	sadd.s32 $0x8000, s13;
	s25 =	sadd.s32 $0xC000, s13;
	s6 =	smov.u32 @p0 s5  }
0xc: {  	s8 =	ssub.s32 s11, s8;
	s18 =	sadd.s32 s1, s13;
	s21 =	sadd.s32 s1, s19  }
0xd: {  	s24 =	sadd.s32 s1, s23;
	s26 =	sadd.s32 s1, s25;
	s5 =	sshrl.u32 s6, $0x3  }
0xe: {  	s6 =	sadd.s32 s12, s3;
	s14 =	smax.u32 s8, $0x1;
	s7 =	sshrl.u32 s18, $0x3  }
0xf: {  	s22 =	sshrl.u32 s21, $0x3;
	s8 =	sadd.s32 s19, s3;
	[dreg:$0x5] =	wrdreg s14  }
0x10: {  	s21 =	simm.s32 $0x2A00;
	s15 =	sadd.s32 $0x4000, s6;
	[dreg:$0xb] =	wrdreg s8  }
0x11: {  	s5 =	sadd.s32 s5, s0;
	s16 =	sadd.s32 $0x8000, s6;
	[dreg:$0x6] =	wrdreg s15  }
0x12: {  	s0 =	sadd.s32 $0xC800, s0;
	s17 =	sadd.s32 $0xC000, s6;
	[dreg:$0x7] =	wrdreg s16  }
0x13: {  	s20 =	sadd.s32 $0x10000, s6;
	s8 =	simm.s32 $0x3;
	[dreg:$0x8] =	wrdreg s17  }
0x14: {  	s5 =	sadd.s32 $0x2200, s5;
	[dreg:$0x9] =	wrdreg s20;
	s7 =	sadd.s32 s0, s7  }
0x15: {  	s15 =	sadd.s32 s23, s3;
	s17 =	sadd.s32 s25, s3;
	[dreg:$0x4] =	wrdreg s5  }
0x16: {  	s23 =	simm.s32 $0x1;
	s25 =	simm.s32 $0x2800;
	[dreg:$0xa] =	wrdreg s7  }
0x17: {  	s7 =	sadd.s32 s0, s22;
	s5 =	sadd.s32 $0x10000, s13;
	s22 =	simm.s32 $0x4  }
0x18: {  	[dreg:$0xc] =	wrdreg s7;
	s7 =	sshrl.u32 s24, $0x3;
	s1 =	sadd.s32 s1, s5  }
0x19: {  	s19 =	sadd.s32 s5, s3;
	s24 =	simm.s32 $0x40;
	s5 =	simm.s32 $0x80  }
0x1a: {  	s16 =	sadd.s32 s0, s7;
	s7 =	sshrl.u32 s26, $0x3;
	s1 =	sshrl.u32 s1, $0x3  }
0x1b: {  	s26 =	simm.s32 $0x2840;
	s18 =	sadd.s32 s0, s7;
	s20 =	sadd.s32 s0, s1  }
0x1c: {  	v0 =	vimm.f32 $0.0e+00;
	s1 =	simm.s32 $0x8A00;
	s0 =	simm.s32 $0x2;
	s7 =	simm.s32 $0x2900  }
.LBB2_1:
0x1d: {  	s11 =	rddreg [dreg:$0x4];
	s14 =	sand.u32 $0xFE00, s4  }
0x1e: {  	[tilespmem:s4], [sflag:$0x1] =	stream.linear.gather [hbm4b:s11+s4], $0x2800, $0x38;
	[tilespmem:$0x1EA00] =	vst v63  }
0x1f: {  	s12 =	sand.u32 $0x70, s4;
	s13 =	sshrl.u32 s14, $0x2  }
0x20: {  	s11 =	simm.s32 $0x40;
	s13 =	sor.u32 s12, s13;
	s12 =	simm.s32 $0x0  }
.LBB2_2:
0x21: {  	p0 =	sne.s32 s11, $0xFFC0  }
0x22: {  	[tilespmem:s13+$0x2A00] =	vst v0;
	s12 =	sadd.s32 $0x10, s12;
	s13 =	smov.u32 s11;
	s11 =	sadd.s32 $0x40, s11  }
.Ltmp0:
0x23: {  	(pc) =	sbr.rel @p0 .LBB2_2-.Ltmp0, $4  }
0x24: {  	_ = 	snop  }
0x25: {  	s13 =	sand.u32 $0xFE00, s13  }
0x26: {  	s14 =	sand.u32 $0x70, s12;
	s13 =	sshrl.u32 s13, $0x2  }
0x27: {  	s13 =	sor.u32 s14, s13  }
0x28: {  	[tilespmem:s13+$0x2A00] =	vst v0  }
0x29: {  	[spmem:s6] =	stream.linear.scatter [tilespmem:s21], [sflag:$0x4], $0x4000, $0x38;
	[tilespmem:$0x1EA00] =	vst v63  }
0x2a: {  	_ =	swait.ge [sflag:s22], $0x4000  }
0x2b: {  	[sflag:s22] =	ssyncset.done $0x0  }
0x2c: {  	s11 =	rddreg [dreg:$0x6];
	[sflag:s22] =	ssyncadd.s32 $0xFFFFC000  }
0x2d: {  	[spmem:s11] =	stream.linear.scatter [tilespmem:s21], [sflag:$0x4], $0x4000, $0x38;
	[tilespmem:$0x1EA00] =	vst v63  }
0x2e: {  	_ =	swait.ge [sflag:s22], $0x4000  }
0x2f: {  	[sflag:s22] =	ssyncset.done $0x0  }
0x30: {  	s12 =	rddreg [dreg:$0x7];
	[sflag:s22] =	ssyncadd.s32 $0xFFFFC000  }
0x31: {  	[spmem:s12] =	stream.linear.scatter [tilespmem:s21], [sflag:$0x4], $0x4000, $0x38;
	[tilespmem:$0x1EA00] =	vst v63  }
0x32: {  	_ =	swait.ge [sflag:s22], $0x4000  }
0x33: {  	[sflag:s22] =	ssyncset.done $0x0  }
0x34: {  	s13 =	rddreg [dreg:$0x8];
	[sflag:s22] =	ssyncadd.s32 $0xFFFFC000  }
0x35: {  	[spmem:s13] =	stream.linear.scatter [tilespmem:s21], [sflag:$0x4], $0x4000, $0x38;
	[tilespmem:$0x1EA00] =	vst v63  }
0x36: {  	_ =	swait.ge [sflag:s22], $0x4000  }
0x37: {  	[sflag:s22] =	ssyncset.done $0x0  }
0x38: {  	s14 =	rddreg [dreg:$0x9];
	[sflag:s22] =	ssyncadd.s32 $0xFFFFC000  }
0x39: {  	[spmem:s14] =	stream.linear.scatter [tilespmem:s21], [sflag:$0x4], $0x4000, $0x38;
	[tilespmem:$0x1EA00] =	vst v63  }
0x3a: {  	_ =	swait.ge [sflag:s22], $0x4000  }
0x3b: {  	[sflag:s22] =	ssyncset.done $0x0  }
0x3c: {  	[sflag:s22] =	ssyncadd.s32 $0xFFFFC000  }
0x3d: {  	_ =	swait.ge [sflag:s23], $0x2800  }
0x3e: {  	[sflag:s23] =	ssyncset.done $0x0  }
0x3f: {  	[sflag:s23] =	ssyncadd.s32 $0xFFFFD800  }
0x40: {  	[bflag:$0x0] =	sbarrier.arrive $0xFFFF  }
0x41: {  	v1 =	vld [tilespmem:$0x0];
	_ =	sdelay $0x1  }
0x42: {  	v2 =	vld [tilespmem:$0x10];
	_ =	sdelay $0x1  }
0x43: {  	v3 =	vld [tilespmem:$0x20]  }
0x44: {  	v4 =	vshrl.u32 v1, $0xE  }
0x45: {  	v59 =	vld [tilespmem:$0x30];
	v1 =	vand.u32 $0x3FFF, v1;
	[tilespmem:$0x2800] =	vst v4  }
0x46: {  	[tilespmem:$0x2900] =	vst v1;
	v1 =	vshrl.u32 v2, $0xE  }
0x47: {  	[tilespmem:$0x2810] =	vst v1;
	v1 =	vand.u32 $0x3FFF, v2;
	v2 =	vld [tilespmem:$0x40]  }
0x48: {  	[tilespmem:$0x2910] =	vst v1;
	v1 =	vshrl.u32 v3, $0xE  }
0x49: {  	[tilespmem:$0x2820] =	vst v1;
	v1 =	vand.u32 $0x3FFF, v3;
	v3 =	vld [tilespmem:$0x50]  }
0x4a: {  	[tilespmem:$0x2920] =	vst v1;
	v1 =	vshrl.u32 v59, $0xE  }
0x4b: {  	v60 =	vld [tilespmem:$0x60];
	[tilespmem:$0x2830] =	vst v1;
	v1 =	vand.u32 $0x3FFF, v59  }
0x4c: {  	[tilespmem:$0x2930] =	vst v1;
	v1 =	vshrl.u32 v2, $0xE  }
0x4d: {  	[tilespmem:$0x2840] =	vst v1;
	v1 =	vand.u32 $0x3FFF, v2;
	v2 =	vld [tilespmem:$0x70]  }
0x4e: {  	[tilespmem:$0x2940] =	vst v1;
	v1 =	vshrl.u32 v3, $0xE  }
0x4f: {  	[tilespmem:$0x2850] =	vst v1;
	v1 =	vand.u32 $0x3FFF, v3  }
0x50: {  	[tilespmem:$0x2950] =	vst v1;
	v1 =	vshrl.u32 v60, $0xE  }
0x51: {  	[tilespmem:$0x2860] =	vst v1;
	v1 =	vand.u32 $0x3FFF, v60  }
0x52: {  	[tilespmem:$0x2960] =	vst v1;
	v1 =	vshrl.u32 v2, $0xE  }
0x53: {  	[tilespmem:$0x2870] =	vst v1;
	v1 =	vand.u32 $0x3FFF, v2  }
0x54: {  	[tilespmem:$0x2970] =	vst v1  }
0x55: {  	[tilespmem:s21], [sflag:$0x2] =	stream.indirect.gather [hbm4b:s2+s24], $0x80, s25, s24, $0xb8;
	[tilespmem:$0x1EA00] =	vst v63  }
0x56: {  	_ = 	snop  }
0x57: {  	[tilespmem:s28], [sflag:$0x2] =	stream.indirect.gather [hbm4b:s2+s24], $0x80, s26, s24, $0xb8;
	[tilespmem:$0x1EA00] =	vst v63  }
0x58: {  	v1 =	vld [tilespmem:$0x80];
	_ =	sdelay $0x1  }
0x59: {  	v2 =	vld [tilespmem:$0x90];
	_ =	sdelay $0x1  }
0x5a: {  	v3 =	vld [tilespmem:$0xA0]  }
0x5b: {  	v61 =	vshrl.u32 v1, $0xE  }
0x5c: {  	v62 =	vld [tilespmem:$0xB0];
	v1 =	vand.u32 $0x3FFF, v1;
	[tilespmem:$0x2880] =	vst v61  }
0x5d: {  	[tilespmem:$0x2980] =	vst v1;
	v1 =	vshrl.u32 v2, $0xE  }
0x5e: {  	[tilespmem:$0x2890] =	vst v1;
	v1 =	vand.u32 $0x3FFF, v2;
	v2 =	vld [tilespmem:$0xC0]  }
0x5f: {  	[tilespmem:$0x2990] =	vst v1;
	v1 =	vshrl.u32 v3, $0xE  }
0x60: {  	[tilespmem:$0x28A0] =	vst v1;
	v1 =	vand.u32 $0x3FFF, v3;
	v3 =	vld [tilespmem:$0xD0]  }
0x61: {  	[tilespmem:$0x29A0] =	vst v1;
	v1 =	vshrl.u32 v62, $0xE  }
0x62: {  	v63 =	vld [tilespmem:$0xE0];
	[tilespmem:$0x28B0] =	vst v1;
	v1 =	vand.u32 $0x3FFF, v62  }
0x63: {  	[tilespmem:$0x29B0] =	vst v1;
	v1 =	vshrl.u32 v2, $0xE  }
0x64: {  	[tilespmem:$0x28C0] =	vst v1;
	v1 =	vand.u32 $0x3FFF, v2;
	v2 =	vld [tilespmem:$0xF0]  }
0x65: {  	[tilespmem:$0x29C0] =	vst v1;
	v1 =	vshrl.u32 v3, $0xE  }
0x66: {  	[tilespmem:$0x28D0] =	vst v1;
	v1 =	vand.u32 $0x3FFF, v3  }
0x67: {  	[tilespmem:$0x29D0] =	vst v1;
	v1 =	vshrl.u32 v63, $0xE  }
0x68: {  	[tilespmem:$0x28E0] =	vst v1;
	v1 =	vand.u32 $0x3FFF, v63  }
0x69: {  	[tilespmem:$0x29E0] =	vst v1;
	v1 =	vshrl.u32 v2, $0xE  }
0x6a: {  	[tilespmem:$0x28F0] =	vst v1;
	v1 =	vand.u32 $0x3FFF, v2  }
0x6b: {  	[tilespmem:$0x29F0] =	vst v1  }
0x6c: {  	[tilespmem:s30], [sflag:$0x3] =	stream.indirect.gather [hbm4b:s2+s24], $0x80, s29, s24, $0xb8;
	[tilespmem:$0x1EA00] =	vst v63  }
0x6d: {  	_ = 	snop  }
0x6e: {  	[tilespmem:s1], [sflag:$0x3] =	stream.indirect.gather [hbm4b:s2+s24], $0x80, s31, s24, $0xb8;
	[tilespmem:$0x1EA00] =	vst v63  }
0x6f: {  	_ =	swait.ge [sflag:s0], $0x2000  }
0x70: {  	[sflag:s0] =	ssyncset.done $0x0  }
0x71: {  	[sflag:s0] =	ssyncadd.s32 $0xFFFFE000  }
0x72: {  	_ =	swait.ge [sflag:s0], $0x2000  }
0x73: {  	[sflag:s0] =	ssyncset.done $0x0  }
0x74: {  	[sflag:s0] =	ssyncadd.s32 $0xFFFFE000  }
0x75: {  	[spmem:s3] =	stream.indirect.scatter.add.f32 [tilespmem:s21], [sflag:$0x4], $0x80, s7, s5, $0xb8;
	[tilespmem:$0x1EA00] =	vst v63  }
0x76: {  	_ =	swait.ge [sflag:s22], $0x4000  }
0x77: {  	[sflag:s22] =	ssyncset.done $0x0  }
0x78: {  	s11 =	simm.s32 $0x0;
	[sflag:s22] =	ssyncadd.s32 $0xFFFFC000  }
0x79: {  	v1 =	vld [tilespmem:s11+$0x100];
	_ =	sdelay $0x4  }
0x7a: {  	v2 =	vshrl.u32 v1, $0xE  }
0x7b: {  	v1 =	vand.u32 $0x3FFF, v1;
	[tilespmem:$0x2800] =	vst v2  }
0x7c: {  	[tilespmem:$0x2900] =	vst v1  }
0x7d: {  	v1 =	vld [tilespmem:s11+$0x110];
	_ =	sdelay $0x4  }
0x7e: {  	v2 =	vshrl.u32 v1, $0xE  }
0x7f: {  	v1 =	vand.u32 $0x3FFF, v1;
	[tilespmem:$0x2810] =	vst v2  }
0x80: {  	[tilespmem:$0x2910] =	vst v1  }
0x81: {  	v1 =	vld [tilespmem:s11+$0x120];
	_ =	sdelay $0x4  }
0x82: {  	v2 =	vshrl.u32 v1, $0xE  }
0x83: {  	v1 =	vand.u32 $0x3FFF, v1;
	[tilespmem:$0x2820] =	vst v2  }
0x84: {  	[tilespmem:$0x2920] =	vst v1  }
0x85: {  	v1 =	vld [tilespmem:s11+$0x130];
	_ =	sdelay $0x4  }
0x86: {  	v2 =	vshrl.u32 v1, $0xE  }
0x87: {  	v1 =	vand.u32 $0x3FFF, v1;
	[tilespmem:$0x2830] =	vst v2  }
0x88: {  	[tilespmem:$0x2930] =	vst v1  }
0x89: {  	v1 =	vld [tilespmem:s11+$0x140];
	_ =	sdelay $0x4  }
0x8a: {  	v2 =	vshrl.u32 v1, $0xE  }
0x8b: {  	v1 =	vand.u32 $0x3FFF, v1;
	[tilespmem:$0x2840] =	vst v2  }
0x8c: {  	[tilespmem:$0x2940] =	vst v1  }
0x8d: {  	v1 =	vld [tilespmem:s11+$0x150];
	_ =	sdelay $0x4  }
0x8e: {  	v2 =	vshrl.u32 v1, $0xE  }
0x8f: {  	v1 =	vand.u32 $0x3FFF, v1;
	[tilespmem:$0x2850] =	vst v2  }
0x90: {  	[tilespmem:$0x2950] =	vst v1  }
0x91: {  	v1 =	vld [tilespmem:s11+$0x160];
	_ =	sdelay $0x4  }
0x92: {  	v2 =	vshrl.u32 v1, $0xE  }
0x93: {  	v1 =	vand.u32 $0x3FFF, v1;
	[tilespmem:$0x2860] =	vst v2  }
0x94: {  	[tilespmem:$0x2960] =	vst v1  }
0x95: {  	v1 =	vld [tilespmem:s11+$0x170];
	_ =	sdelay $0x4  }
0x96: {  	v2 =	vshrl.u32 v1, $0xE  }
0x97: {  	v1 =	vand.u32 $0x3FFF, v1;
	[tilespmem:$0x2870] =	vst v2  }
0x98: {  	[tilespmem:$0x2970] =	vst v1  }
0x99: {  	[tilespmem:s21], [sflag:$0x2] =	stream.indirect.gather [hbm4b:s2+s24], $0x80, s25, s24, $0xb8;
	[tilespmem:$0x1EA00] =	vst v63  }
0x9a: {  	_ = 	snop  }
0x9b: {  	[tilespmem:s28], [sflag:$0x2] =	stream.indirect.gather [hbm4b:s2+s24], $0x80, s26, s24, $0xb8;
	[tilespmem:$0x1EA00] =	vst v63  }
0x9c: {  	_ =	swait.ge [sflag:s8], $0x2000  }
0x9d: {  	[sflag:s8] =	ssyncset.done $0x0  }
0x9e: {  	[sflag:s8] =	ssyncadd.s32 $0xFFFFE000  }
0x9f: {  	_ =	swait.ge [sflag:s8], $0x2000  }
0xa0: {  	[sflag:s8] =	ssyncset.done $0x0  }
0xa1: {  	[sflag:s8] =	ssyncadd.s32 $0xFFFFE000  }
0xa2: {  	[spmem:s3] =	stream.indirect.scatter.add.f32 [tilespmem:s30], [sflag:$0x4], $0x80, s9, s5, $0xb8;
	[tilespmem:$0x1EA00] =	vst v63  }
0xa3: {  	_ =	swait.ge [sflag:s22], $0x4000  }
0xa4: {  	[sflag:s22] =	ssyncset.done $0x0  }
0xa5: {  	[sflag:s22] =	ssyncadd.s32 $0xFFFFC000  }
0xa6: {  	v1 =	vld [tilespmem:s11+$0x180];
	_ =	sdelay $0x4  }
0xa7: {  	v2 =	vshrl.u32 v1, $0xE  }
0xa8: {  	v1 =	vand.u32 $0x3FFF, v1;
	[tilespmem:$0x2880] =	vst v2  }
0xa9: {  	[tilespmem:$0x2980] =	vst v1  }
0xaa: {  	v1 =	vld [tilespmem:s11+$0x190];
	_ =	sdelay $0x4  }
0xab: {  	v2 =	vshrl.u32 v1, $0xE  }
0xac: {  	v1 =	vand.u32 $0x3FFF, v1;
	[tilespmem:$0x2890] =	vst v2  }
0xad: {  	[tilespmem:$0x2990] =	vst v1  }
0xae: {  	v1 =	vld [tilespmem:s11+$0x1A0];
	_ =	sdelay $0x4  }
0xaf: {  	v2 =	vshrl.u32 v1, $0xE  }
0xb0: {  	v1 =	vand.u32 $0x3FFF, v1;
	[tilespmem:$0x28A0] =	vst v2  }
0xb1: {  	[tilespmem:$0x29A0] =	vst v1  }
0xb2: {  	v1 =	vld [tilespmem:s11+$0x1B0];
	_ =	sdelay $0x4  }
0xb3: {  	v2 =	vshrl.u32 v1, $0xE  }
0xb4: {  	v1 =	vand.u32 $0x3FFF, v1;
	[tilespmem:$0x28B0] =	vst v2  }
0xb5: {  	[tilespmem:$0x29B0] =	vst v1  }
0xb6: {  	v1 =	vld [tilespmem:s11+$0x1C0];
	_ =	sdelay $0x4  }
0xb7: {  	v2 =	vshrl.u32 v1, $0xE  }
0xb8: {  	v1 =	vand.u32 $0x3FFF, v1;
	[tilespmem:$0x28C0] =	vst v2  }
0xb9: {  	[tilespmem:$0x29C0] =	vst v1  }
0xba: {  	v1 =	vld [tilespmem:s11+$0x1D0];
	_ =	sdelay $0x4  }
0xbb: {  	v2 =	vshrl.u32 v1, $0xE  }
0xbc: {  	v1 =	vand.u32 $0x3FFF, v1;
	[tilespmem:$0x28D0] =	vst v2  }
0xbd: {  	[tilespmem:$0x29D0] =	vst v1  }
0xbe: {  	s12 =	simm.s32 $0x400;
	v1 =	vld [tilespmem:s11+$0x1E0]  }
.LBB2_4:
0xbf: {  	_ = 	snop  }
0xc0: {  	p0 =	sne.s32 s12, $0x9800;
	s13 =	smov.u32 s12;
	s12 =	sadd.s32 $0x400, s12  }
0xc1: {  	_ =	sdelay $0x1  }
0xc2: {  	v2 =	vshrl.u32 v1, $0xE;
	v1 =	vand.u32 $0x3FFF, v1  }
0xc3: {  	[tilespmem:$0x28E0] =	vst v2  }
0xc4: {  	[tilespmem:$0x29E0] =	vst v1  }
0xc5: {  	v1 =	vld [tilespmem:s11+$0x1F0];
	_ =	sdelay $0x4  }
0xc6: {  	v2 =	vshrl.u32 v1, $0xE;
	v1 =	vand.u32 $0x3FFF, v1  }
0xc7: {  	[tilespmem:$0x28F0] =	vst v2  }
0xc8: {  	[tilespmem:$0x29F0] =	vst v1  }
0xc9: {  	[tilespmem:s30], [sflag:$0x3] =	stream.indirect.gather [hbm4b:s2+s24], $0x80, s29, s24, $0xb8;
	[tilespmem:$0x1EA00] =	vst v63  }
0xca: {  	_ = 	snop  }
0xcb: {  	[tilespmem:s1], [sflag:$0x3] =	stream.indirect.gather [hbm4b:s2+s24], $0x80, s31, s24, $0xb8;
	[tilespmem:$0x1EA00] =	vst v63  }
0xcc: {  	_ =	swait.ge [sflag:s0], $0x2000  }
0xcd: {  	[sflag:s0] =	ssyncset.done $0x0  }
0xce: {  	[sflag:s0] =	ssyncadd.s32 $0xFFFFE000  }
0xcf: {  	_ =	swait.ge [sflag:s0], $0x2000  }
0xd0: {  	[sflag:s0] =	ssyncset.done $0x0  }
0xd1: {  	[sflag:s0] =	ssyncadd.s32 $0xFFFFE000  }
0xd2: {  	[spmem:s3] =	stream.indirect.scatter.add.f32 [tilespmem:s21], [sflag:$0x4], $0x80, s7, s5, $0xb8;
	[tilespmem:$0x1EA00] =	vst v63  }
0xd3: {  	_ =	swait.ge [sflag:s22], $0x4000  }
0xd4: {  	[sflag:s22] =	ssyncset.done $0x0  }
0xd5: {  	s11 =	sshra.s32 s13, $0x2;
	[sflag:s22] =	ssyncadd.s32 $0xFFFFC000  }
0xd6: {  	v1 =	vld [tilespmem:s11+$0x100];
	_ =	sdelay $0x4  }
0xd7: {  	v2 =	vshrl.u32 v1, $0xE;
	v1 =	vand.u32 $0x3FFF, v1  }
0xd8: {  	[tilespmem:$0x2800] =	vst v2  }
0xd9: {  	[tilespmem:$0x2900] =	vst v1  }
0xda: {  	v1 =	vld [tilespmem:s11+$0x110];
	_ =	sdelay $0x4  }
0xdb: {  	v2 =	vshrl.u32 v1, $0xE;
	v1 =	vand.u32 $0x3FFF, v1  }
0xdc: {  	[tilespmem:$0x2810] =	vst v2  }
0xdd: {  	[tilespmem:$0x2910] =	vst v1  }
0xde: {  	v1 =	vld [tilespmem:s11+$0x120];
	_ =	sdelay $0x4  }
0xdf: {  	v2 =	vshrl.u32 v1, $0xE;
	v1 =	vand.u32 $0x3FFF, v1  }
0xe0: {  	[tilespmem:$0x2820] =	vst v2  }
0xe1: {  	[tilespmem:$0x2920] =	vst v1  }
0xe2: {  	v1 =	vld [tilespmem:s11+$0x130];
	_ =	sdelay $0x4  }
0xe3: {  	v2 =	vshrl.u32 v1, $0xE;
	v1 =	vand.u32 $0x3FFF, v1  }
0xe4: {  	[tilespmem:$0x2830] =	vst v2  }
0xe5: {  	[tilespmem:$0x2930] =	vst v1  }
0xe6: {  	v1 =	vld [tilespmem:s11+$0x140];
	_ =	sdelay $0x4  }
0xe7: {  	v2 =	vshrl.u32 v1, $0xE;
	v1 =	vand.u32 $0x3FFF, v1  }
0xe8: {  	[tilespmem:$0x2840] =	vst v2  }
0xe9: {  	[tilespmem:$0x2940] =	vst v1  }
0xea: {  	v1 =	vld [tilespmem:s11+$0x150];
	_ =	sdelay $0x4  }
0xeb: {  	v2 =	vshrl.u32 v1, $0xE;
	v1 =	vand.u32 $0x3FFF, v1  }
0xec: {  	[tilespmem:$0x2850] =	vst v2  }
0xed: {  	[tilespmem:$0x2950] =	vst v1  }
0xee: {  	v1 =	vld [tilespmem:s11+$0x160];
	_ =	sdelay $0x4  }
0xef: {  	v2 =	vshrl.u32 v1, $0xE;
	v1 =	vand.u32 $0x3FFF, v1  }
0xf0: {  	[tilespmem:$0x2860] =	vst v2  }
0xf1: {  	[tilespmem:$0x2960] =	vst v1  }
0xf2: {  	v1 =	vld [tilespmem:s11+$0x170];
	_ =	sdelay $0x4  }
0xf3: {  	v2 =	vshrl.u32 v1, $0xE;
	v1 =	vand.u32 $0x3FFF, v1  }
0xf4: {  	[tilespmem:$0x2870] =	vst v2  }
0xf5: {  	[tilespmem:$0x2970] =	vst v1  }
0xf6: {  	[tilespmem:s21], [sflag:$0x2] =	stream.indirect.gather [hbm4b:s2+s24], $0x80, s25, s24, $0xb8;
	[tilespmem:$0x1EA00] =	vst v63  }
0xf7: {  	_ = 	snop  }
0xf8: {  	[tilespmem:s28], [sflag:$0x2] =	stream.indirect.gather [hbm4b:s2+s24], $0x80, s26, s24, $0xb8;
	[tilespmem:$0x1EA00] =	vst v63  }
0xf9: {  	_ =	swait.ge [sflag:s8], $0x2000  }
0xfa: {  	[sflag:s8] =	ssyncset.done $0x0  }
0xfb: {  	[sflag:s8] =	ssyncadd.s32 $0xFFFFE000  }
0xfc: {  	_ =	swait.ge [sflag:s8], $0x2000  }
0xfd: {  	[sflag:s8] =	ssyncset.done $0x0  }
0xfe: {  	[sflag:s8] =	ssyncadd.s32 $0xFFFFE000  }
0xff: {  	[spmem:s3] =	stream.indirect.scatter.add.f32 [tilespmem:s30], [sflag:$0x4], $0x80, s9, s5, $0xb8;
	[tilespmem:$0x1EA00] =	vst v63  }
0x100: {  	_ =	swait.ge [sflag:s22], $0x4000  }
0x101: {  	[sflag:s22] =	ssyncset.done $0x0  }
0x102: {  	[sflag:s22] =	ssyncadd.s32 $0xFFFFC000  }
0x103: {  	v1 =	vld [tilespmem:s11+$0x180];
	_ =	sdelay $0x4  }
0x104: {  	v2 =	vshrl.u32 v1, $0xE;
	v1 =	vand.u32 $0x3FFF, v1  }
0x105: {  	[tilespmem:$0x2880] =	vst v2  }
0x106: {  	[tilespmem:$0x2980] =	vst v1  }
0x107: {  	v1 =	vld [tilespmem:s11+$0x190];
	_ =	sdelay $0x4  }
0x108: {  	v2 =	vshrl.u32 v1, $0xE;
	v1 =	vand.u32 $0x3FFF, v1  }
0x109: {  	[tilespmem:$0x2890] =	vst v2  }
0x10a: {  	[tilespmem:$0x2990] =	vst v1  }
0x10b: {  	v1 =	vld [tilespmem:s11+$0x1A0];
	_ =	sdelay $0x4  }
0x10c: {  	v2 =	vshrl.u32 v1, $0xE;
	v1 =	vand.u32 $0x3FFF, v1  }
0x10d: {  	[tilespmem:$0x28A0] =	vst v2  }
0x10e: {  	[tilespmem:$0x29A0] =	vst v1  }
0x10f: {  	v1 =	vld [tilespmem:s11+$0x1B0];
	_ =	sdelay $0x4  }
0x110: {  	v2 =	vshrl.u32 v1, $0xE;
	v1 =	vand.u32 $0x3FFF, v1  }
0x111: {  	[tilespmem:$0x28B0] =	vst v2  }
0x112: {  	[tilespmem:$0x29B0] =	vst v1  }
0x113: {  	v1 =	vld [tilespmem:s11+$0x1C0];
	_ =	sdelay $0x4  }
0x114: {  	v2 =	vshrl.u32 v1, $0xE;
	v1 =	vand.u32 $0x3FFF, v1  }
0x115: {  	[tilespmem:$0x28C0] =	vst v2  }
0x116: {  	[tilespmem:$0x29C0] =	vst v1  }
0x117: {  	v1 =	vld [tilespmem:s11+$0x1D0];
	_ =	sdelay $0x3  }
.Ltmp1:
0x118: {  	(pc) =	sbr.rel @p0 .LBB2_4-.Ltmp1, $4  }
0x119: {  	v2 =	vshrl.u32 v1, $0xE;
	v1 =	vand.u32 $0x3FFF, v1  }
0x11a: {  	[tilespmem:$0x28D0] =	vst v2  }
0x11b: {  	[tilespmem:$0x29D0] =	vst v1  }
0x11c: {  	v1 =	vld [tilespmem:s11+$0x1E0]  }
0x11d: {  	_ =	sdelay $0x3  }
0x11e: {  	v2 =	vshrl.u32 v1, $0xE  }
0x11f: {  	v1 =	vand.u32 $0x3FFF, v1;
	[tilespmem:$0x28E0] =	vst v2  }
0x120: {  	[tilespmem:$0x29E0] =	vst v1  }
0x121: {  	v1 =	vld [tilespmem:s11+$0x1F0];
	_ =	sdelay $0x4  }
0x122: {  	v2 =	vshrl.u32 v1, $0xE  }
0x123: {  	v1 =	vand.u32 $0x3FFF, v1;
	[tilespmem:$0x28F0] =	vst v2  }
0x124: {  	[tilespmem:$0x29F0] =	vst v1  }
0x125: {  	[tilespmem:s30], [sflag:$0x3] =	stream.indirect.gather [hbm4b:s2+s24], $0x80, s29, s24, $0xb8;
	[tilespmem:$0x1EA00] =	vst v63  }
0x126: {  	_ = 	snop  }
0x127: {  	[tilespmem:s1], [sflag:$0x3] =	stream.indirect.gather [hbm4b:s2+s24], $0x80, s31, s24, $0xb8;
	[tilespmem:$0x1EA00] =	vst v63  }
0x128: {  	_ =	swait.ge [sflag:s0], $0x2000  }
0x129: {  	[sflag:s0] =	ssyncset.done $0x0  }
0x12a: {  	[sflag:s0] =	ssyncadd.s32 $0xFFFFE000  }
0x12b: {  	_ =	swait.ge [sflag:s0], $0x2000  }
0x12c: {  	[sflag:s0] =	ssyncset.done $0x0  }
0x12d: {  	[sflag:s0] =	ssyncadd.s32 $0xFFFFE000  }
0x12e: {  	[spmem:s3] =	stream.indirect.scatter.add.f32 [tilespmem:s21], [sflag:$0x4], $0x80, s7, s5, $0xb8;
	[tilespmem:$0x1EA00] =	vst v63  }
0x12f: {  	_ =	swait.ge [sflag:s22], $0x4000  }
0x130: {  	[sflag:s22] =	ssyncset.done $0x0  }
0x131: {  	[sflag:s22] =	ssyncadd.s32 $0xFFFFC000  }
0x132: {  	_ =	swait.ge [sflag:s8], $0x2000  }
0x133: {  	[sflag:s8] =	ssyncset.done $0x0  }
0x134: {  	[sflag:s8] =	ssyncadd.s32 $0xFFFFE000  }
0x135: {  	_ =	swait.ge [sflag:s8], $0x2000  }
0x136: {  	[sflag:s8] =	ssyncset.done $0x0  }
0x137: {  	[sflag:s8] =	ssyncadd.s32 $0xFFFFE000  }
0x138: {  	[spmem:s3] =	stream.indirect.scatter.add.f32 [tilespmem:s30], [sflag:$0x4], $0x80, s9, s5, $0xb8;
	[tilespmem:$0x1EA00] =	vst v63  }
0x139: {  	_ =	swait.ge [sflag:s22], $0x4000  }
0x13a: {  	[sflag:s22] =	ssyncset.done $0x0  }
0x13b: {  	[sflag:s22] =	ssyncadd.s32 $0xFFFFC000  }
0x13c: {  	[bflag:$0x0] =	sbarrier.arrive $0xFFFF  }
0x13d: {  	[tilespmem:s21], [sflag:$0x4] =	stream.linear.gather [spmem:s6], $0x4000, $0x38;
	[tilespmem:$0x1EA00] =	vst v63  }
0x13e: {  	_ =	swait.ge [sflag:s22], $0x4000  }
0x13f: {  	[sflag:s22] =	ssyncset.done $0x0  }
0x140: {  	s14 =	rddreg [dreg:$0xa];
	[sflag:s22] =	ssyncadd.s32 $0xFFFFC000  }
0x141: {  	[hbm4b:s14+s4] =	stream.linear.scatter [tilespmem:s21], [sflag:$0x4], $0x4000, $0x38;
	[tilespmem:$0x1EA00] =	vst v63  }
0x142: {  	_ =	swait.ge [sflag:s22], $0x4000  }
0x143: {  	[sflag:s22] =	ssyncset.done $0x0  }
0x144: {  	s12 =	rddreg [dreg:$0xb];
	[sflag:s22] =	ssyncadd.s32 $0xFFFFC000  }
0x145: {  	[tilespmem:s21], [sflag:$0x4] =	stream.linear.gather [spmem:s12], $0x4000, $0x38;
	[tilespmem:$0x1EA00] =	vst v63  }
0x146: {  	_ =	swait.ge [sflag:s22], $0x4000  }
0x147: {  	[sflag:s22] =	ssyncset.done $0x0  }
0x148: {  	s13 =	rddreg [dreg:$0xc];
	[sflag:s22] =	ssyncadd.s32 $0xFFFFC000  }
0x149: {  	[hbm4b:s13+s4] =	stream.linear.scatter [tilespmem:s21], [sflag:$0x4], $0x4000, $0x38;
	[tilespmem:$0x1EA00] =	vst v63  }
0x14a: {  	_ =	swait.ge [sflag:s22], $0x4000  }
0x14b: {  	[sflag:s22] =	ssyncset.done $0x0  }
0x14c: {  	[sflag:s22] =	ssyncadd.s32 $0xFFFFC000  }
0x14d: {  	[tilespmem:s21], [sflag:$0x4] =	stream.linear.gather [spmem:s15], $0x4000, $0x38;
	[tilespmem:$0x1EA00] =	vst v63  }
0x14e: {  	_ =	swait.ge [sflag:s22], $0x4000  }
0x14f: {  	[sflag:s22] =	ssyncset.done $0x0  }
0x150: {  	[sflag:s22] =	ssyncadd.s32 $0xFFFFC000  }
0x151: {  	[hbm4b:s16+s4] =	stream.linear.scatter [tilespmem:s21], [sflag:$0x4], $0x4000, $0x38;
	[tilespmem:$0x1EA00] =	vst v63  }
0x152: {  	_ =	swait.ge [sflag:s22], $0x4000  }
0x153: {  	[sflag:s22] =	ssyncset.done $0x0  }
0x154: {  	[sflag:s22] =	ssyncadd.s32 $0xFFFFC000  }
0x155: {  	[tilespmem:s21], [sflag:$0x4] =	stream.linear.gather [spmem:s17], $0x4000, $0x38;
	[tilespmem:$0x1EA00] =	vst v63  }
0x156: {  	_ =	swait.ge [sflag:s22], $0x4000  }
0x157: {  	[sflag:s22] =	ssyncset.done $0x0  }
0x158: {  	[sflag:s22] =	ssyncadd.s32 $0xFFFFC000  }
0x159: {  	[hbm4b:s18+s4] =	stream.linear.scatter [tilespmem:s21], [sflag:$0x4], $0x4000, $0x38;
	[tilespmem:$0x1EA00] =	vst v63  }
0x15a: {  	_ =	swait.ge [sflag:s22], $0x4000  }
0x15b: {  	[sflag:s22] =	ssyncset.done $0x0  }
0x15c: {  	[sflag:s22] =	ssyncadd.s32 $0xFFFFC000  }
0x15d: {  	[tilespmem:s21], [sflag:$0x4] =	stream.linear.gather [spmem:s19], $0x4000, $0x38;
	[tilespmem:$0x1EA00] =	vst v63  }
0x15e: {  	_ =	swait.ge [sflag:s22], $0x4000  }
0x15f: {  	[sflag:s22] =	ssyncset.done $0x0  }
0x160: {  	[sflag:s22] =	ssyncadd.s32 $0xFFFFC000  }
0x161: {  	[hbm4b:s20+s4] =	stream.linear.scatter [tilespmem:s21], [sflag:$0x4], $0x4000, $0x38;
	[tilespmem:$0x1EA00] =	vst v63  }
0x162: {  	_ =	swait.ge [sflag:s22], $0x4000  }
0x163: {  	s10 =	sadd.s32 $0x1, s10;
	s14 =	rddreg [dreg:$0x5]  }
0x164: {  	p0 =	sne.s32 s10, s14  }
.Ltmp2:
0x165: {  	_ = 	snop;
	(pc) =	sbr.rel @p0 .LBB2_1-.Ltmp2, $3  }
0x166: {  	_ =	sdelay $0x1  }
0x167: {  	[sflag:s22] =	ssyncset.done $0x0  }
0x168: {  	[sflag:s22] =	ssyncadd.s32 $0xFFFFC000  }
0x169: {  	_ =	sfence.sel $0x180000  }
0x16a: {  	[bflag:$0x0] =	sbarrier.arrive $0xFFFF  }
0x16b: {  	_ =	strace $0x9000004A  }
0x16c: {  	s0 =	stileid.u32;
	[bflag:$0x2] =	sbarrier.arrive $0xFFFF  }
0x16d: {  	p0 =	sne.s32 s0, $0x0;
	s0 =	rddreg [dreg:$0x3]  }
0x16e: {  	s0 =	sadd.s32 @!p0 $0x100000, s0  }
0x16f: {  	[sflag:s0] =	ssyncadd.tile.s32 @!p0 $0x1;
	_ =	shalt  }
.Lfunc_end2:
_tile_overlayer_lowered:
.L_overlay_start_2:
0x170: {  	(tag) =	ssettag $0x2  }
0x171: {  	s0 =	rddreg [dreg:$0x0];
	s2 =	stileid.u32  }
0x172: {  	s1 =	rddreg [dreg:$0x1];
	p0 =	sne.s32 s2, $0x0  }
0x173: {  	s3 =	rddreg [dreg:$0x2];
	[bflag:$0x3] =	sbarrier.arrive $0xFFFF;
	s2 =	simm.s32 @!p0 $0x1C04  }
0x174: {  	[timem:s3], [sflag:s2] =	dma.local @!p0 [hbm:s0], s1  }
0x175: {  	s0 =	simm.s32 @!p0 $0x4  }
0x176: {  	_ =	swait.ge @!p0 [sflag:s0], s1  }
0x177: {  	s1 =	ssub.s32 @!p0 $0x0, s1;
	[sflag:s0] =	ssyncset.done @!p0 $0x0  }
0x178: {  	[sflag:s0] =	ssyncadd.s32 @!p0 s1  }
0x179: {  	[bflag:$0x3] =	sbarrier.arrive $0xFFFF  }
0x17a: {  	_ =	shalt  }

// kernel: kernel.14.cloned.1.call-start
scs
__scs_entry_jumppad:
0x0: {  	(pc) =	sbr.rel $0x88, $3  }
0x1: {  	(tag) =	ssettag $0x0;
	lr =	simm.s32 $0x1  }
0x2: {  	[smem:$0x3F9A] =	sst lr;
	_ =	strace $0xD0000000  }
0x3: {  	_ = 	snop  }
0x4: {  	_ = 	snop  }
0x5: {  	_ = 	snop  }
0x6: {  	_ = 	snop  }
0x7: {  	_ = 	snop  }
__scs_overlays_trampoline_lowered:
0x8: {  	[smem:$0x3FA9] =	sst s0  }
0x9: {  	[smem:$0x3FAA] =	sst s1  }
0xa: {  	[smem:$0x3FAB] =	sst s2  }
0xb: {  	[smem:$0x3FAC] =	sst s3  }
0xc: {  	[smem:$0x3FAD] =	sst s4  }
0xd: {  	[smem:$0x3FAE] =	sst s5  }
0xe: {  	[smem:$0x3FAF] =	sst s6  }
0xf: {  	[smem:$0x3FB0] =	sst s7  }
0x10: {  	[smem:$0x3FB1] =	sst s8  }
0x11: {  	[smem:$0x3FB2] =	sst s9;
	s0 =	simm.s32 @!p0 $0x0  }
0x12: {  	s1 =	sld [smem:$0x3F98];
	s0 =	simm.s32 @p0 $0x1  }
0x13: {  	[smem:$0x3FB3] =	sst s0;
	s0 =	simm.s32 @!p1 $0x0  }
0x14: {  	s2 =	sld [smem:$0x3F97];
	s0 =	simm.s32 @p1 $0x1  }
0x15: {  	[smem:$0x3FB4] =	sst s0;
	s0 =	simm.s32 @!p2 $0x0  }
0x16: {  	s3 =	sld [smem:$0x3FDB];
	s0 =	simm.s32 @p2 $0x1  }
0x17: {  	s4 =	simm.s32 $0x1BF5;
	[smem:$0x3FB6] =	sst s0  }
0x18: {  	s0 =	sld [smem:$0x3F99];
	_ =	swait.ge [sflag:s4], $0x0  }
0x19: {  	s7 =	sld [smem:$0x3F9A]  }
0x1a: {  	s8 =	sadd.s32 $0xFFFFE003, lr  }
0x1b: {  	s9 =	sadd.s32 $0xFFFFFEF7, lr;
	s5 =	simm.s32 $0xFFFFFFFF;
	p2 =	slt.u32 s8, $0xFFFFF086  }
0x1c: {  	p1 =	slt.u32 s9, $0xF7A;
	s5 =	simm.s32 @!p2 $0x0  }
0x1d: {  	s5 =	simm.s32 @p1 $0x1;
	p0 =	seq.s32 s7, s2  }
0x1e: {  	s7 =	smul.u32 @!p0 $0xF7A, s2;
	p2 =	seq.s32 @!p0 s5, $0x0  }
0x1f: {  	s9 =	smul.u32 $0xF7A, s1;
	s8 =	simm.s32 @!p0 $0x1BF5;
	p2 =	por !p2, p0  }
0x20: {  	[sflag:s8] =	ssyncset.s32 @!p0 $0xFFFFF086;
	s6 =	sadd.s32 @!p0 s3, s7;
	s7 =	simm.s32 @!p0 $0x108  }
0x21: {  	s3 =	sadd.s32 s3, s9;
	s6 =	sadd.s32 @!p0 $0x88, s6;
	s7 =	simm.s32 @p2 $0x1082  }
0x22: {  	[simem:s7], [sflag:s8] =	dma.local @!p0 [hbm:s6], $0xF7A  }
0x23: {  	s9 =	sor.u32 $0xD0000000, s2;
	s6 =	simm.s32 $0x108;
	_ =	swait.ge @!p0 [sflag:s8], $0x0  }
0x24: {  	s3 =	sadd.s32 $0x88, s3;
	s6 =	simm.s32 @!p1 $0x1082;
	[sflag:s4] =	ssyncset.s32 $0xFFFFF086  }
0x25: {  	[simem:s6], [sflag:s4] =	dma.local [hbm:s3], $0xF7A  }
0x26: {  	[smem:$0x3F9A] =	sst s1;
	(tag) =	ssettag s2;
	_ =	strace s9  }
0x27: {  	s1 =	sld [smem:$0x3FAA]  }
0x28: {  	s2 =	sld [smem:$0x3FAB]  }
0x29: {  	s4 =	sld [smem:$0x3FAD]  }
0x2a: {  	p0 =	seq.s32 s5, $0x0;
	s5 =	sld [smem:$0x3FAE]  }
0x2b: {  	s6 =	sld [smem:$0x3FAF]  }
0x2c: {  	s7 =	sld [smem:$0x3FB0]  }
0x2d: {  	s3 =	simm.s32 $0x108;
	s8 =	sld [smem:$0x3FB1]  }
0x2e: {  	s3 =	simm.s32 @!p0 $0x1082;
	s9 =	sld [smem:$0x3FB2]  }
0x2f: {  	lr =	sadd.s32 s0, s3;
	s0 =	sld [smem:$0x3FA9]  }
0x30: {  	s3 =	sld [smem:$0x3FAC]  }
0x31: {  	[smem:$0x3FB5] =	sst s10  }
0x32: {  	s10 =	sld [smem:$0x3FB3];
	_ =	sdelay $0x3  }
0x33: {  	p0 =	seq.s32 s10, $0x1;
	s10 =	sld [smem:$0x3FB5];
	_ =	sdelay $0x3  }
0x34: {  	[smem:$0x3FB5] =	sst s10  }
0x35: {  	s10 =	sld [smem:$0x3FB4];
	_ =	sdelay $0x3  }
0x36: {  	p1 =	seq.s32 s10, $0x1;
	s10 =	sld [smem:$0x3FB5];
	_ =	sdelay $0x3  }
0x37: {  	[smem:$0x3FB5] =	sst s10  }
0x38: {  	s10 =	sld [smem:$0x3FB6]  }
0x39: {  	_ = 	snop;
	(pc) =	sbr.ind lr, $3  }
0x3a: {  	_ = 	snop  }
0x3b: {  	_ = 	snop  }
0x3c: {  	p2 =	seq.s32 s10, $0x1;
	s10 =	sld [smem:$0x3FB5]  }
0x3d: {  	_ =	shalt  }
0x3e: {  	_ =	shalt  }
0x3f: {  	_ =	shalt  }
0x40: {  	_ =	shalt  }
0x41: {  	_ =	shalt  }
0x42: {  	_ =	shalt  }
0x43: {  	_ =	shalt  }
0x44: {  	_ =	shalt  }
0x45: {  	_ =	shalt  }
0x46: {  	_ =	shalt  }
0x47: {  	_ =	shalt  }
0x48: {  	_ =	shalt  }
0x49: {  	_ =	shalt  }
0x4a: {  	_ =	shalt  }
0x4b: {  	_ =	shalt  }
0x4c: {  	_ =	shalt  }
0x4d: {  	_ =	shalt  }
0x4e: {  	_ =	shalt  }
0x4f: {  	_ =	shalt  }
0x50: {  	_ =	shalt  }
0x51: {  	_ =	shalt  }
0x52: {  	_ =	shalt  }
0x53: {  	_ =	shalt  }
0x54: {  	_ =	shalt  }
0x55: {  	_ =	shalt  }
0x56: {  	_ =	shalt  }
0x57: {  	_ =	shalt  }
0x58: {  	_ =	shalt  }
0x59: {  	_ =	shalt  }
0x5a: {  	_ =	shalt  }
0x5b: {  	_ =	shalt  }
0x5c: {  	_ =	shalt  }
0x5d: {  	_ =	shalt  }
0x5e: {  	_ =	shalt  }
0x5f: {  	_ =	shalt  }
0x60: {  	_ =	shalt  }
0x61: {  	_ =	shalt  }
0x62: {  	_ =	shalt  }
0x63: {  	_ =	shalt  }
0x64: {  	_ =	shalt  }
0x65: {  	_ =	shalt  }
0x66: {  	_ =	shalt  }
0x67: {  	_ =	shalt  }
0x68: {  	_ =	shalt  }
0x69: {  	_ =	shalt  }
0x6a: {  	_ =	shalt  }
0x6b: {  	_ =	shalt  }
0x6c: {  	_ =	shalt  }
0x6d: {  	_ =	shalt  }
0x6e: {  	_ =	shalt  }
0x6f: {  	_ =	shalt  }
0x70: {  	_ =	shalt  }
0x71: {  	_ =	shalt  }
0x72: {  	_ =	shalt  }
0x73: {  	_ =	shalt  }
0x74: {  	_ =	shalt  }
0x75: {  	_ =	shalt  }
0x76: {  	_ =	shalt  }
0x77: {  	_ =	shalt  }
0x78: {  	_ =	shalt  }
0x79: {  	_ =	shalt  }
0x7a: {  	_ =	shalt  }
0x7b: {  	_ =	shalt  }
0x7c: {  	_ =	shalt  }
0x7d: {  	_ =	shalt  }
0x7e: {  	_ =	shalt  }
0x7f: {  	_ =	shalt  }
0x80: {  	_ =	shalt  }
0x81: {  	_ =	shalt  }
0x82: {  	_ =	shalt  }
0x83: {  	_ =	shalt  }
0x84: {  	_ =	shalt  }
0x85: {  	_ =	shalt  }
0x86: {  	_ =	shalt  }
0x87: {  	_ =	shalt  }
.Lfunc_end0:
.L_simem_size_0:
called_computation.2_lowered:
.L_overlay_start_0:
0x88: {  	s2 =	sld [smem:$0x3FD9]  }
0x89: {  	s3 =	sld [smem:$0x3FFE];
	_ =	sdelay $0x1  }
0x8a: {  	s1 =	srdreg.scid  }
0x8b: {  	s0 =	sand.u32 $0x1, s1  }
0x8c: {  	s14 =	sshll.u32 s0, $0xA;
	s2 =	sadd.s32 s3, s2  }
0x8d: {  	s2 =	sadd.s32 s2, s14  }
0x8e: {  	[smem:$0x3FC1] =	sst s2  }
0x8f: {  	_ = 	snop  }
0x90: {  	s2 =	sld [smem:$0x3FD0];
	_ =	sdelay $0x2  }
0x91: {  	s15 =	simm.s32 $0xA;
	s4 =	simm.s32 $0x10  }
0x92: {  	[smem:s4], [sflag:s15] =	dma.local [hbm:s2], $0x1  }
0x93: {  	_ =	swait.eq [sflag:s15], $0x1  }
0x94: {  	[sflag:s15] =	ssyncset.done $0x0  }
0x95: {  	[sflag:s15] =	ssyncadd.s32 $0xFFFFFFFF  }
0x96: {  	s16 =	sld [smem:$0x10];
	(tm) =	ssettm $0x1  }
0x97: {  	s17 =	sld [smem:$0x3FFB];
	_ =	sdelay $0x3  }
0x98: {  	_ =	strace s17  }
0x99: {  	s3 =	sld [smem:$0x3FFC];
	_ =	sdelay $0x3  }
0x9a: {  	_ =	strace s3  }
0x9b: {  	s3 =	sld [smem:$0x3FFD];
	_ =	sdelay $0x3  }
0x9c: {  	_ =	strace s3  }
0x9d: {  	_ =	strace $0x8FFFFFFF  }
0x9e: {  	s18 =	sld [smem:$0x3FDB];
	_ =	sdelay $0x1  }
0x9f: {  	s19 =	simm.s32 $_scs_section_size  }
0xa0: {  	s5 =	simm.s32 $_size__tile_overlayer_lowered;
	s6 =	simm.s32 $_tile_overlayer_lowered  }
0xa1: {  	s22 =	simm.s32 $0x1BFF;
	s21 =	sshll.u32 s6, $0x1;
	s3 =	sadd.s32 s19, s18  }
0xa2: {  	s7 =	simm.s32 $0x0;
	s20 =	sshll.u32 s5, $0x1;
	s5 =	sadd.s32 s21, s3  }
0xa3: {  	[timem:s7], [sflag:s22] =	dma.local [hbm:s5], s20  }
0xa4: {  	_ =	swait.ge [sflag:s22], s20  }
0xa5: {  	s4 =	ssub.s32 $0x0, s20;
	[sflag:s22] =	ssyncset.done $0x0  }
0xa6: {  	[sflag:s22] =	ssyncadd.s32 s4;
	_ =	sdelay $0x1  }
0xa7: {  	s23 =	simm.s32 $0x1B8B  }
0xa8: {  	_ =	swait.ge [sflag:s23], $0x1  }
0xa9: {  	[sflag:s23] =	ssyncset.done $0x0  }
0xaa: {  	s25 =	simm.s32 $0x1B8E;
	s24 =	sld [smem:$0x3FFE];
	[sflag:s23] =	ssyncadd.s32 $0xFFFFFFFF  }
0xab: {  	s26 =	simm.s32 $execute0_lowered;
	[smem:$0x3FD2] =	sst s25  }
0xac: {  	s5 =	sshll.u32 s26, $0x1;
	_ =	strace $0x8000004C;
	[dreg:$0x1] =	wrdreg $0xFFFFFFFF  }
0xad: {  	s28 =	simm.s32 $_size_execute0_lowered;
	s3 =	sadd.s32 s3, s5;
	[dreg:$0x0] =	wrdreg $0x0  }
0xae: {  	s5 =	sshll.u32 s28, $0x1;
	[dreg:$0x2] =	wrdreg s3  }
0xaf: {  	[dreg:$0x3] =	wrdreg s5  }
0xb0: {  	[dreg:$0x4] =	wrdreg $0xC0  }
0xb1: {  	_ =	task [dreg:s7], $0x5FFFF  }
0xb2: {  	[dreg:$0x1] =	wrdreg $0xFFFFFFFF  }
0xb3: {  	[dreg:$0x0] =	wrdreg $0x60  }
0xb4: {  	[dreg:$0x2] =	wrdreg s24  }
0xb5: {  	[dreg:$0x3] =	wrdreg s16  }
0xb6: {  	[dreg:$0x4] =	wrdreg $0xAA000  }
0xb7: {  	[dreg:$0x5] =	wrdreg $0x9  }
0xb8: {  	_ =	task.clear_ibuf [dreg:s7], $0x6FFFF;
	_ =	strace $0x9000004C  }
0xb9: {  	s29 =	simm.s32 $0x9;
	_ =	strace $0x8000004E  }
0xba: {  	_ =	swait.ge [sflag:s29], $0x1  }
0xbb: {  	[sflag:s29] =	ssyncadd.s32 $0xFFFFFFFF  }
0xbc: {  	_ =	strace $0x9000004E  }
0xbd: {  	_ =	sfence  }
0xbe: {  	s30 =	sld [smem:$0x0];
	_ =	sdelay $0x2  }
0xbf: {  	s31 =	sshll.u32 s1, $0xD;
	s1 =	sshrl.u32 s1, $0x2  }
0xc0: {  	s3 =	sand.u32 $0x4000, s31;
	s1 =	sadd.s32 s1, s30  }
0xc1: {  	s0 =	sor.u32 s3, s0;
	s1 =	sshll.u32 s1, $0x11  }
0xc2: {  	s0 =	sor.u32 s1, s0  }
0xc3: {  	s0 =	sadd.s32 $0x8F2B, s0  }
0xc4: {  	[sflag:s0] =	ssyncadd.remote.s32 $0x1  }
0xc5: {  	_ =	sfence.sel $0xFFFF  }
0xc6: {  	[dreg:$0x0] =	wrdreg $0xFFFFFFFF;
	(pc) =	sbr.abs _section_cstart, $3  }
0xc7: {  	[dreg:$0x1] =	wrdreg $0xFFFFFFFF  }
0xc8: {  	_ =	task.clear_ibuf [dreg:s7], $0x2FFFF;
	_ =	strace $0x9FFFFFFF  }
0xc9: {  	(tm) =	ssettm $0x7FFFFFFF  }
tec
execute0_lowered:
.L_overlay_start_1:
0x0: {  	(tag) =	ssettag $0x1  }
0x1: {  	s0 =	rddreg [dreg:$0x0]  }
0x2: {  	s2 =	rddreg [dreg:$0x1]  }
0x3: {  	s3 =	rddreg [dreg:$0x2];
	s9 =	stileid.u32  }
0x4: {  	s1 =	srdreg.scid;
	s4 =	simm.s32 $0x0;
	s28 =	simm.s32 $0x4A00  }
0x5: {  	s29 =	simm.s32 $0x2880;
	s30 =	simm.s32 $0x6A00;
	s5 =	smul.u32 $0x2800, s9  }
0x6: {  	s31 =	simm.s32 $0x28C0;
	s10 =	simm.s32 $0x0;
	s7 =	smul.u32 $0x50000, s9  }
0x7: {  	s1 =	sand.u32 $0x1, s1;
	[smem:$0x7FF] =	sst s4;
	s13 =	smul.u32 $0x14000, s9  }
0x8: {  	s9 =	simm.s32 $0x2980;
	p0 =	seq.s32 s1, $0x0;
	_ =	strace $0x8000004D  }
0x9: {  	s11 =	ssub.s32 $0x2, s1;
	s1 =	smul.u32 $0x140000, s1;
	s6 =	sadd.s32 $0x28000, s5  }
0xa: {  	s8 =	sshrl.u32 s11, $0x1;
	s12 =	sshrl.u32 s7, $0x2;
	s19 =	sadd.s32 $0x4000, s13  }
0xb: {  	s23 =	sadd.s32 $0x8000, s13;
	s25 =	sadd.s32 $0xC000, s13;
	s6 =	smov.u32 @p0 s5  }
0xc: {  	s8 =	ssub.s32 s11, s8;
	s18 =	sadd.s32 s1, s13;
	s21 =	sadd.s32 s1, s19  }
0xd: {  	s24 =	sadd.s32 s1, s23;
	s26 =	sadd.s32 s1, s25;
	s5 =	sshrl.u32 s6, $0x3  }
0xe: {  	s6 =	sadd.s32 s12, s3;
	s14 =	smax.u32 s8, $0x1;
	s7 =	sshrl.u32 s18, $0x3  }
0xf: {  	s22 =	sshrl.u32 s21, $0x3;
	s8 =	sadd.s32 s19, s3;
	[dreg:$0x5] =	wrdreg s14  }
0x10: {  	s21 =	simm.s32 $0x2A00;
	s15 =	sadd.s32 $0x4000, s6;
	[dreg:$0xb] =	wrdreg s8  }
0x11: {  	s5 =	sadd.s32 s5, s0;
	s16 =	sadd.s32 $0x8000, s6;
	[dreg:$0x6] =	wrdreg s15  }
0x12: {  	s0 =	sadd.s32 $0x5C800, s0;
	s17 =	sadd.s32 $0xC000, s6;
	[dreg:$0x7] =	wrdreg s16  }
0x13: {  	s20 =	sadd.s32 $0x10000, s6;
	s8 =	simm.s32 $0x3;
	[dreg:$0x8] =	wrdreg s17  }
0x14: {  	s5 =	sadd.s32 $0x2200, s5;
	[dreg:$0x9] =	wrdreg s20;
	s7 =	sadd.s32 s0, s7  }
0x15: {  	s15 =	sadd.s32 s23, s3;
	s17 =	sadd.s32 s25, s3;
	[dreg:$0x4] =	wrdreg s5  }
0x16: {  	s23 =	simm.s32 $0x1;
	s25 =	simm.s32 $0x2800;
	[dreg:$0xa] =	wrdreg s7  }
0x17: {  	s7 =	sadd.s32 s0, s22;
	s5 =	sadd.s32 $0x10000, s13;
	s22 =	simm.s32 $0x4  }
0x18: {  	[dreg:$0xc] =	wrdreg s7;
	s7 =	sshrl.u32 s24, $0x3;
	s1 =	sadd.s32 s1, s5  }
0x19: {  	s19 =	sadd.s32 s5, s3;
	s24 =	simm.s32 $0x40;
	s5 =	simm.s32 $0x80  }
0x1a: {  	s16 =	sadd.s32 s0, s7;
	s7 =	sshrl.u32 s26, $0x3;
	s1 =	sshrl.u32 s1, $0x3  }
0x1b: {  	s26 =	simm.s32 $0x2840;
	s18 =	sadd.s32 s0, s7;
	s20 =	sadd.s32 s0, s1  }
0x1c: {  	v0 =	vimm.f32 $0.0e+00;
	s1 =	simm.s32 $0x8A00;
	s0 =	simm.s32 $0x2;
	s7 =	simm.s32 $0x2900  }
.LBB2_1:
0x1d: {  	s11 =	rddreg [dreg:$0x4];
	s14 =	sand.u32 $0xFE00, s4  }
0x1e: {  	[tilespmem:s4], [sflag:$0x1] =	stream.linear.gather [hbm4b:s11+s4], $0x2800, $0x38;
	[tilespmem:$0x1EA00] =	vst v63  }
0x1f: {  	s12 =	sand.u32 $0x70, s4;
	s13 =	sshrl.u32 s14, $0x2  }
0x20: {  	s11 =	simm.s32 $0x40;
	s13 =	sor.u32 s12, s13;
	s12 =	simm.s32 $0x0  }
.LBB2_2:
0x21: {  	p0 =	sne.s32 s11, $0xFFC0  }
0x22: {  	[tilespmem:s13+$0x2A00] =	vst v0;
	s12 =	sadd.s32 $0x10, s12;
	s13 =	smov.u32 s11;
	s11 =	sadd.s32 $0x40, s11  }
.Ltmp0:
0x23: {  	(pc) =	sbr.rel @p0 .LBB2_2-.Ltmp0, $4  }
0x24: {  	_ = 	snop  }
0x25: {  	s13 =	sand.u32 $0xFE00, s13  }
0x26: {  	s14 =	sand.u32 $0x70, s12;
	s13 =	sshrl.u32 s13, $0x2  }
0x27: {  	s13 =	sor.u32 s14, s13  }
0x28: {  	[tilespmem:s13+$0x2A00] =	vst v0  }
0x29: {  	[spmem:s6] =	stream.linear.scatter [tilespmem:s21], [sflag:$0x4], $0x4000, $0x38;
	[tilespmem:$0x1EA00] =	vst v63  }
0x2a: {  	_ =	swait.ge [sflag:s22], $0x4000  }
0x2b: {  	[sflag:s22] =	ssyncset.done $0x0  }
0x2c: {  	s11 =	rddreg [dreg:$0x6];
	[sflag:s22] =	ssyncadd.s32 $0xFFFFC000  }
0x2d: {  	[spmem:s11] =	stream.linear.scatter [tilespmem:s21], [sflag:$0x4], $0x4000, $0x38;
	[tilespmem:$0x1EA00] =	vst v63  }
0x2e: {  	_ =	swait.ge [sflag:s22], $0x4000  }
0x2f: {  	[sflag:s22] =	ssyncset.done $0x0  }
0x30: {  	s12 =	rddreg [dreg:$0x7];
	[sflag:s22] =	ssyncadd.s32 $0xFFFFC000  }
0x31: {  	[spmem:s12] =	stream.linear.scatter [tilespmem:s21], [sflag:$0x4], $0x4000, $0x38;
	[tilespmem:$0x1EA00] =	vst v63  }
0x32: {  	_ =	swait.ge [sflag:s22], $0x4000  }
0x33: {  	[sflag:s22] =	ssyncset.done $0x0  }
0x34: {  	s13 =	rddreg [dreg:$0x8];
	[sflag:s22] =	ssyncadd.s32 $0xFFFFC000  }
0x35: {  	[spmem:s13] =	stream.linear.scatter [tilespmem:s21], [sflag:$0x4], $0x4000, $0x38;
	[tilespmem:$0x1EA00] =	vst v63  }
0x36: {  	_ =	swait.ge [sflag:s22], $0x4000  }
0x37: {  	[sflag:s22] =	ssyncset.done $0x0  }
0x38: {  	s14 =	rddreg [dreg:$0x9];
	[sflag:s22] =	ssyncadd.s32 $0xFFFFC000  }
0x39: {  	[spmem:s14] =	stream.linear.scatter [tilespmem:s21], [sflag:$0x4], $0x4000, $0x38;
	[tilespmem:$0x1EA00] =	vst v63  }
0x3a: {  	_ =	swait.ge [sflag:s22], $0x4000  }
0x3b: {  	[sflag:s22] =	ssyncset.done $0x0  }
0x3c: {  	[sflag:s22] =	ssyncadd.s32 $0xFFFFC000  }
0x3d: {  	_ =	swait.ge [sflag:s23], $0x2800  }
0x3e: {  	[sflag:s23] =	ssyncset.done $0x0  }
0x3f: {  	[sflag:s23] =	ssyncadd.s32 $0xFFFFD800  }
0x40: {  	[bflag:$0x0] =	sbarrier.arrive $0xFFFF  }
0x41: {  	v1 =	vld [tilespmem:$0x0];
	_ =	sdelay $0x1  }
0x42: {  	v2 =	vld [tilespmem:$0x10];
	_ =	sdelay $0x1  }
0x43: {  	v3 =	vld [tilespmem:$0x20]  }
0x44: {  	v4 =	vshrl.u32 v1, $0xE  }
0x45: {  	v59 =	vld [tilespmem:$0x30];
	v1 =	vand.u32 $0x3FFF, v1;
	[tilespmem:$0x2800] =	vst v4  }
0x46: {  	[tilespmem:$0x2900] =	vst v1;
	v1 =	vshrl.u32 v2, $0xE  }
0x47: {  	[tilespmem:$0x2810] =	vst v1;
	v1 =	vand.u32 $0x3FFF, v2;
	v2 =	vld [tilespmem:$0x40]  }
0x48: {  	[tilespmem:$0x2910] =	vst v1;
	v1 =	vshrl.u32 v3, $0xE  }
0x49: {  	[tilespmem:$0x2820] =	vst v1;
	v1 =	vand.u32 $0x3FFF, v3;
	v3 =	vld [tilespmem:$0x50]  }
0x4a: {  	[tilespmem:$0x2920] =	vst v1;
	v1 =	vshrl.u32 v59, $0xE  }
0x4b: {  	v60 =	vld [tilespmem:$0x60];
	[tilespmem:$0x2830] =	vst v1;
	v1 =	vand.u32 $0x3FFF, v59  }
0x4c: {  	[tilespmem:$0x2930] =	vst v1;
	v1 =	vshrl.u32 v2, $0xE  }
0x4d: {  	[tilespmem:$0x2840] =	vst v1;
	v1 =	vand.u32 $0x3FFF, v2;
	v2 =	vld [tilespmem:$0x70]  }
0x4e: {  	[tilespmem:$0x2940] =	vst v1;
	v1 =	vshrl.u32 v3, $0xE  }
0x4f: {  	[tilespmem:$0x2850] =	vst v1;
	v1 =	vand.u32 $0x3FFF, v3  }
0x50: {  	[tilespmem:$0x2950] =	vst v1;
	v1 =	vshrl.u32 v60, $0xE  }
0x51: {  	[tilespmem:$0x2860] =	vst v1;
	v1 =	vand.u32 $0x3FFF, v60  }
0x52: {  	[tilespmem:$0x2960] =	vst v1;
	v1 =	vshrl.u32 v2, $0xE  }
0x53: {  	[tilespmem:$0x2870] =	vst v1;
	v1 =	vand.u32 $0x3FFF, v2  }
0x54: {  	[tilespmem:$0x2970] =	vst v1  }
0x55: {  	[tilespmem:s21], [sflag:$0x2] =	stream.indirect.gather [hbm4b:s2+s24], $0x80, s25, s24, $0xb8;
	[tilespmem:$0x1EA00] =	vst v63  }
0x56: {  	_ = 	snop  }
0x57: {  	[tilespmem:s28], [sflag:$0x2] =	stream.indirect.gather [hbm4b:s2+s24], $0x80, s26, s24, $0xb8;
	[tilespmem:$0x1EA00] =	vst v63  }
0x58: {  	v1 =	vld [tilespmem:$0x80];
	_ =	sdelay $0x1  }
0x59: {  	v2 =	vld [tilespmem:$0x90];
	_ =	sdelay $0x1  }
0x5a: {  	v3 =	vld [tilespmem:$0xA0]  }
0x5b: {  	v61 =	vshrl.u32 v1, $0xE  }
0x5c: {  	v62 =	vld [tilespmem:$0xB0];
	v1 =	vand.u32 $0x3FFF, v1;
	[tilespmem:$0x2880] =	vst v61  }
0x5d: {  	[tilespmem:$0x2980] =	vst v1;
	v1 =	vshrl.u32 v2, $0xE  }
0x5e: {  	[tilespmem:$0x2890] =	vst v1;
	v1 =	vand.u32 $0x3FFF, v2;
	v2 =	vld [tilespmem:$0xC0]  }
0x5f: {  	[tilespmem:$0x2990] =	vst v1;
	v1 =	vshrl.u32 v3, $0xE  }
0x60: {  	[tilespmem:$0x28A0] =	vst v1;
	v1 =	vand.u32 $0x3FFF, v3;
	v3 =	vld [tilespmem:$0xD0]  }
0x61: {  	[tilespmem:$0x29A0] =	vst v1;
	v1 =	vshrl.u32 v62, $0xE  }
0x62: {  	v63 =	vld [tilespmem:$0xE0];
	[tilespmem:$0x28B0] =	vst v1;
	v1 =	vand.u32 $0x3FFF, v62  }
0x63: {  	[tilespmem:$0x29B0] =	vst v1;
	v1 =	vshrl.u32 v2, $0xE  }
0x64: {  	[tilespmem:$0x28C0] =	vst v1;
	v1 =	vand.u32 $0x3FFF, v2;
	v2 =	vld [tilespmem:$0xF0]  }
0x65: {  	[tilespmem:$0x29C0] =	vst v1;
	v1 =	vshrl.u32 v3, $0xE  }
0x66: {  	[tilespmem:$0x28D0] =	vst v1;
	v1 =	vand.u32 $0x3FFF, v3  }
0x67: {  	[tilespmem:$0x29D0] =	vst v1;
	v1 =	vshrl.u32 v63, $0xE  }
0x68: {  	[tilespmem:$0x28E0] =	vst v1;
	v1 =	vand.u32 $0x3FFF, v63  }
0x69: {  	[tilespmem:$0x29E0] =	vst v1;
	v1 =	vshrl.u32 v2, $0xE  }
0x6a: {  	[tilespmem:$0x28F0] =	vst v1;
	v1 =	vand.u32 $0x3FFF, v2  }
0x6b: {  	[tilespmem:$0x29F0] =	vst v1  }
0x6c: {  	[tilespmem:s30], [sflag:$0x3] =	stream.indirect.gather [hbm4b:s2+s24], $0x80, s29, s24, $0xb8;
	[tilespmem:$0x1EA00] =	vst v63  }
0x6d: {  	_ = 	snop  }
0x6e: {  	[tilespmem:s1], [sflag:$0x3] =	stream.indirect.gather [hbm4b:s2+s24], $0x80, s31, s24, $0xb8;
	[tilespmem:$0x1EA00] =	vst v63  }
0x6f: {  	_ =	swait.ge [sflag:s0], $0x2000  }
0x70: {  	[sflag:s0] =	ssyncset.done $0x0  }
0x71: {  	[sflag:s0] =	ssyncadd.s32 $0xFFFFE000  }
0x72: {  	_ =	swait.ge [sflag:s0], $0x2000  }
0x73: {  	[sflag:s0] =	ssyncset.done $0x0  }
0x74: {  	[sflag:s0] =	ssyncadd.s32 $0xFFFFE000  }
0x75: {  	[spmem:s3] =	stream.indirect.scatter.add.f32 [tilespmem:s21], [sflag:$0x4], $0x80, s7, s5, $0xb8;
	[tilespmem:$0x1EA00] =	vst v63  }
0x76: {  	_ =	swait.ge [sflag:s22], $0x4000  }
0x77: {  	[sflag:s22] =	ssyncset.done $0x0  }
0x78: {  	s11 =	simm.s32 $0x0;
	[sflag:s22] =	ssyncadd.s32 $0xFFFFC000  }
0x79: {  	v1 =	vld [tilespmem:s11+$0x100];
	_ =	sdelay $0x4  }
0x7a: {  	v2 =	vshrl.u32 v1, $0xE  }
0x7b: {  	v1 =	vand.u32 $0x3FFF, v1;
	[tilespmem:$0x2800] =	vst v2  }
0x7c: {  	[tilespmem:$0x2900] =	vst v1  }
0x7d: {  	v1 =	vld [tilespmem:s11+$0x110];
	_ =	sdelay $0x4  }
0x7e: {  	v2 =	vshrl.u32 v1, $0xE  }
0x7f: {  	v1 =	vand.u32 $0x3FFF, v1;
	[tilespmem:$0x2810] =	vst v2  }
0x80: {  	[tilespmem:$0x2910] =	vst v1  }
0x81: {  	v1 =	vld [tilespmem:s11+$0x120];
	_ =	sdelay $0x4  }
0x82: {  	v2 =	vshrl.u32 v1, $0xE  }
0x83: {  	v1 =	vand.u32 $0x3FFF, v1;
	[tilespmem:$0x2820] =	vst v2  }
0x84: {  	[tilespmem:$0x2920] =	vst v1  }
0x85: {  	v1 =	vld [tilespmem:s11+$0x130];
	_ =	sdelay $0x4  }
0x86: {  	v2 =	vshrl.u32 v1, $0xE  }
0x87: {  	v1 =	vand.u32 $0x3FFF, v1;
	[tilespmem:$0x2830] =	vst v2  }
0x88: {  	[tilespmem:$0x2930] =	vst v1  }
0x89: {  	v1 =	vld [tilespmem:s11+$0x140];
	_ =	sdelay $0x4  }
0x8a: {  	v2 =	vshrl.u32 v1, $0xE  }
0x8b: {  	v1 =	vand.u32 $0x3FFF, v1;
	[tilespmem:$0x2840] =	vst v2  }
0x8c: {  	[tilespmem:$0x2940] =	vst v1  }
0x8d: {  	v1 =	vld [tilespmem:s11+$0x150];
	_ =	sdelay $0x4  }
0x8e: {  	v2 =	vshrl.u32 v1, $0xE  }
0x8f: {  	v1 =	vand.u32 $0x3FFF, v1;
	[tilespmem:$0x2850] =	vst v2  }
0x90: {  	[tilespmem:$0x2950] =	vst v1  }
0x91: {  	v1 =	vld [tilespmem:s11+$0x160];
	_ =	sdelay $0x4  }
0x92: {  	v2 =	vshrl.u32 v1, $0xE  }
0x93: {  	v1 =	vand.u32 $0x3FFF, v1;
	[tilespmem:$0x2860] =	vst v2  }
0x94: {  	[tilespmem:$0x2960] =	vst v1  }
0x95: {  	v1 =	vld [tilespmem:s11+$0x170];
	_ =	sdelay $0x4  }
0x96: {  	v2 =	vshrl.u32 v1, $0xE  }
0x97: {  	v1 =	vand.u32 $0x3FFF, v1;
	[tilespmem:$0x2870] =	vst v2  }
0x98: {  	[tilespmem:$0x2970] =	vst v1  }
0x99: {  	[tilespmem:s21], [sflag:$0x2] =	stream.indirect.gather [hbm4b:s2+s24], $0x80, s25, s24, $0xb8;
	[tilespmem:$0x1EA00] =	vst v63  }
0x9a: {  	_ = 	snop  }
0x9b: {  	[tilespmem:s28], [sflag:$0x2] =	stream.indirect.gather [hbm4b:s2+s24], $0x80, s26, s24, $0xb8;
	[tilespmem:$0x1EA00] =	vst v63  }
0x9c: {  	_ =	swait.ge [sflag:s8], $0x2000  }
0x9d: {  	[sflag:s8] =	ssyncset.done $0x0  }
0x9e: {  	[sflag:s8] =	ssyncadd.s32 $0xFFFFE000  }
0x9f: {  	_ =	swait.ge [sflag:s8], $0x2000  }
0xa0: {  	[sflag:s8] =	ssyncset.done $0x0  }
0xa1: {  	[sflag:s8] =	ssyncadd.s32 $0xFFFFE000  }
0xa2: {  	[spmem:s3] =	stream.indirect.scatter.add.f32 [tilespmem:s30], [sflag:$0x4], $0x80, s9, s5, $0xb8;
	[tilespmem:$0x1EA00] =	vst v63  }
0xa3: {  	_ =	swait.ge [sflag:s22], $0x4000  }
0xa4: {  	[sflag:s22] =	ssyncset.done $0x0  }
0xa5: {  	[sflag:s22] =	ssyncadd.s32 $0xFFFFC000  }
0xa6: {  	v1 =	vld [tilespmem:s11+$0x180];
	_ =	sdelay $0x4  }
0xa7: {  	v2 =	vshrl.u32 v1, $0xE  }
0xa8: {  	v1 =	vand.u32 $0x3FFF, v1;
	[tilespmem:$0x2880] =	vst v2  }
0xa9: {  	[tilespmem:$0x2980] =	vst v1  }
0xaa: {  	v1 =	vld [tilespmem:s11+$0x190];
	_ =	sdelay $0x4  }
0xab: {  	v2 =	vshrl.u32 v1, $0xE  }
0xac: {  	v1 =	vand.u32 $0x3FFF, v1;
	[tilespmem:$0x2890] =	vst v2  }
0xad: {  	[tilespmem:$0x2990] =	vst v1  }
0xae: {  	v1 =	vld [tilespmem:s11+$0x1A0];
	_ =	sdelay $0x4  }
0xaf: {  	v2 =	vshrl.u32 v1, $0xE  }
0xb0: {  	v1 =	vand.u32 $0x3FFF, v1;
	[tilespmem:$0x28A0] =	vst v2  }
0xb1: {  	[tilespmem:$0x29A0] =	vst v1  }
0xb2: {  	v1 =	vld [tilespmem:s11+$0x1B0];
	_ =	sdelay $0x4  }
0xb3: {  	v2 =	vshrl.u32 v1, $0xE  }
0xb4: {  	v1 =	vand.u32 $0x3FFF, v1;
	[tilespmem:$0x28B0] =	vst v2  }
0xb5: {  	[tilespmem:$0x29B0] =	vst v1  }
0xb6: {  	v1 =	vld [tilespmem:s11+$0x1C0];
	_ =	sdelay $0x4  }
0xb7: {  	v2 =	vshrl.u32 v1, $0xE  }
0xb8: {  	v1 =	vand.u32 $0x3FFF, v1;
	[tilespmem:$0x28C0] =	vst v2  }
0xb9: {  	[tilespmem:$0x29C0] =	vst v1  }
0xba: {  	v1 =	vld [tilespmem:s11+$0x1D0];
	_ =	sdelay $0x4  }
0xbb: {  	v2 =	vshrl.u32 v1, $0xE  }
0xbc: {  	v1 =	vand.u32 $0x3FFF, v1;
	[tilespmem:$0x28D0] =	vst v2  }
0xbd: {  	[tilespmem:$0x29D0] =	vst v1  }
0xbe: {  	s12 =	simm.s32 $0x400;
	v1 =	vld [tilespmem:s11+$0x1E0]  }
.LBB2_4:
0xbf: {  	_ = 	snop  }
0xc0: {  	p0 =	sne.s32 s12, $0x9800;
	s13 =	smov.u32 s12;
	s12 =	sadd.s32 $0x400, s12  }
0xc1: {  	_ =	sdelay $0x1  }
0xc2: {  	v2 =	vshrl.u32 v1, $0xE;
	v1 =	vand.u32 $0x3FFF, v1  }
0xc3: {  	[tilespmem:$0x28E0] =	vst v2  }
0xc4: {  	[tilespmem:$0x29E0] =	vst v1  }
0xc5: {  	v1 =	vld [tilespmem:s11+$0x1F0];
	_ =	sdelay $0x4  }
0xc6: {  	v2 =	vshrl.u32 v1, $0xE;
	v1 =	vand.u32 $0x3FFF, v1  }
0xc7: {  	[tilespmem:$0x28F0] =	vst v2  }
0xc8: {  	[tilespmem:$0x29F0] =	vst v1  }
0xc9: {  	[tilespmem:s30], [sflag:$0x3] =	stream.indirect.gather [hbm4b:s2+s24], $0x80, s29, s24, $0xb8;
	[tilespmem:$0x1EA00] =	vst v63  }
0xca: {  	_ = 	snop  }
0xcb: {  	[tilespmem:s1], [sflag:$0x3] =	stream.indirect.gather [hbm4b:s2+s24], $0x80, s31, s24, $0xb8;
	[tilespmem:$0x1EA00] =	vst v63  }
0xcc: {  	_ =	swait.ge [sflag:s0], $0x2000  }
0xcd: {  	[sflag:s0] =	ssyncset.done $0x0  }
0xce: {  	[sflag:s0] =	ssyncadd.s32 $0xFFFFE000  }
0xcf: {  	_ =	swait.ge [sflag:s0], $0x2000  }
0xd0: {  	[sflag:s0] =	ssyncset.done $0x0  }
0xd1: {  	[sflag:s0] =	ssyncadd.s32 $0xFFFFE000  }
0xd2: {  	[spmem:s3] =	stream.indirect.scatter.add.f32 [tilespmem:s21], [sflag:$0x4], $0x80, s7, s5, $0xb8;
	[tilespmem:$0x1EA00] =	vst v63  }
0xd3: {  	_ =	swait.ge [sflag:s22], $0x4000  }
0xd4: {  	[sflag:s22] =	ssyncset.done $0x0  }
0xd5: {  	s11 =	sshra.s32 s13, $0x2;
	[sflag:s22] =	ssyncadd.s32 $0xFFFFC000  }
0xd6: {  	v1 =	vld [tilespmem:s11+$0x100];
	_ =	sdelay $0x4  }
0xd7: {  	v2 =	vshrl.u32 v1, $0xE;
	v1 =	vand.u32 $0x3FFF, v1  }
0xd8: {  	[tilespmem:$0x2800] =	vst v2  }
0xd9: {  	[tilespmem:$0x2900] =	vst v1  }
0xda: {  	v1 =	vld [tilespmem:s11+$0x110];
	_ =	sdelay $0x4  }
0xdb: {  	v2 =	vshrl.u32 v1, $0xE;
	v1 =	vand.u32 $0x3FFF, v1  }
0xdc: {  	[tilespmem:$0x2810] =	vst v2  }
0xdd: {  	[tilespmem:$0x2910] =	vst v1  }
0xde: {  	v1 =	vld [tilespmem:s11+$0x120];
	_ =	sdelay $0x4  }
0xdf: {  	v2 =	vshrl.u32 v1, $0xE;
	v1 =	vand.u32 $0x3FFF, v1  }
0xe0: {  	[tilespmem:$0x2820] =	vst v2  }
0xe1: {  	[tilespmem:$0x2920] =	vst v1  }
0xe2: {  	v1 =	vld [tilespmem:s11+$0x130];
	_ =	sdelay $0x4  }
0xe3: {  	v2 =	vshrl.u32 v1, $0xE;
	v1 =	vand.u32 $0x3FFF, v1  }
0xe4: {  	[tilespmem:$0x2830] =	vst v2  }
0xe5: {  	[tilespmem:$0x2930] =	vst v1  }
0xe6: {  	v1 =	vld [tilespmem:s11+$0x140];
	_ =	sdelay $0x4  }
0xe7: {  	v2 =	vshrl.u32 v1, $0xE;
	v1 =	vand.u32 $0x3FFF, v1  }
0xe8: {  	[tilespmem:$0x2840] =	vst v2  }
0xe9: {  	[tilespmem:$0x2940] =	vst v1  }
0xea: {  	v1 =	vld [tilespmem:s11+$0x150];
	_ =	sdelay $0x4  }
0xeb: {  	v2 =	vshrl.u32 v1, $0xE;
	v1 =	vand.u32 $0x3FFF, v1  }
0xec: {  	[tilespmem:$0x2850] =	vst v2  }
0xed: {  	[tilespmem:$0x2950] =	vst v1  }
0xee: {  	v1 =	vld [tilespmem:s11+$0x160];
	_ =	sdelay $0x4  }
0xef: {  	v2 =	vshrl.u32 v1, $0xE;
	v1 =	vand.u32 $0x3FFF, v1  }
0xf0: {  	[tilespmem:$0x2860] =	vst v2  }
0xf1: {  	[tilespmem:$0x2960] =	vst v1  }
0xf2: {  	v1 =	vld [tilespmem:s11+$0x170];
	_ =	sdelay $0x4  }
0xf3: {  	v2 =	vshrl.u32 v1, $0xE;
	v1 =	vand.u32 $0x3FFF, v1  }
0xf4: {  	[tilespmem:$0x2870] =	vst v2  }
0xf5: {  	[tilespmem:$0x2970] =	vst v1  }
0xf6: {  	[tilespmem:s21], [sflag:$0x2] =	stream.indirect.gather [hbm4b:s2+s24], $0x80, s25, s24, $0xb8;
	[tilespmem:$0x1EA00] =	vst v63  }
0xf7: {  	_ = 	snop  }
0xf8: {  	[tilespmem:s28], [sflag:$0x2] =	stream.indirect.gather [hbm4b:s2+s24], $0x80, s26, s24, $0xb8;
	[tilespmem:$0x1EA00] =	vst v63  }
0xf9: {  	_ =	swait.ge [sflag:s8], $0x2000  }
0xfa: {  	[sflag:s8] =	ssyncset.done $0x0  }
0xfb: {  	[sflag:s8] =	ssyncadd.s32 $0xFFFFE000  }
0xfc: {  	_ =	swait.ge [sflag:s8], $0x2000  }
0xfd: {  	[sflag:s8] =	ssyncset.done $0x0  }
0xfe: {  	[sflag:s8] =	ssyncadd.s32 $0xFFFFE000  }
0xff: {  	[spmem:s3] =	stream.indirect.scatter.add.f32 [tilespmem:s30], [sflag:$0x4], $0x80, s9, s5, $0xb8;
	[tilespmem:$0x1EA00] =	vst v63  }
0x100: {  	_ =	swait.ge [sflag:s22], $0x4000  }
0x101: {  	[sflag:s22] =	ssyncset.done $0x0  }
0x102: {  	[sflag:s22] =	ssyncadd.s32 $0xFFFFC000  }
0x103: {  	v1 =	vld [tilespmem:s11+$0x180];
	_ =	sdelay $0x4  }
0x104: {  	v2 =	vshrl.u32 v1, $0xE;
	v1 =	vand.u32 $0x3FFF, v1  }
0x105: {  	[tilespmem:$0x2880] =	vst v2  }
0x106: {  	[tilespmem:$0x2980] =	vst v1  }
0x107: {  	v1 =	vld [tilespmem:s11+$0x190];
	_ =	sdelay $0x4  }
0x108: {  	v2 =	vshrl.u32 v1, $0xE;
	v1 =	vand.u32 $0x3FFF, v1  }
0x109: {  	[tilespmem:$0x2890] =	vst v2  }
0x10a: {  	[tilespmem:$0x2990] =	vst v1  }
0x10b: {  	v1 =	vld [tilespmem:s11+$0x1A0];
	_ =	sdelay $0x4  }
0x10c: {  	v2 =	vshrl.u32 v1, $0xE;
	v1 =	vand.u32 $0x3FFF, v1  }
0x10d: {  	[tilespmem:$0x28A0] =	vst v2  }
0x10e: {  	[tilespmem:$0x29A0] =	vst v1  }
0x10f: {  	v1 =	vld [tilespmem:s11+$0x1B0];
	_ =	sdelay $0x4  }
0x110: {  	v2 =	vshrl.u32 v1, $0xE;
	v1 =	vand.u32 $0x3FFF, v1  }
0x111: {  	[tilespmem:$0x28B0] =	vst v2  }
0x112: {  	[tilespmem:$0x29B0] =	vst v1  }
0x113: {  	v1 =	vld [tilespmem:s11+$0x1C0];
	_ =	sdelay $0x4  }
0x114: {  	v2 =	vshrl.u32 v1, $0xE;
	v1 =	vand.u32 $0x3FFF, v1  }
0x115: {  	[tilespmem:$0x28C0] =	vst v2  }
0x116: {  	[tilespmem:$0x29C0] =	vst v1  }
0x117: {  	v1 =	vld [tilespmem:s11+$0x1D0];
	_ =	sdelay $0x3  }
.Ltmp1:
0x118: {  	(pc) =	sbr.rel @p0 .LBB2_4-.Ltmp1, $4  }
0x119: {  	v2 =	vshrl.u32 v1, $0xE;
	v1 =	vand.u32 $0x3FFF, v1  }
0x11a: {  	[tilespmem:$0x28D0] =	vst v2  }
0x11b: {  	[tilespmem:$0x29D0] =	vst v1  }
0x11c: {  	v1 =	vld [tilespmem:s11+$0x1E0]  }
0x11d: {  	_ =	sdelay $0x3  }
0x11e: {  	v2 =	vshrl.u32 v1, $0xE  }
0x11f: {  	v1 =	vand.u32 $0x3FFF, v1;
	[tilespmem:$0x28E0] =	vst v2  }
0x120: {  	[tilespmem:$0x29E0] =	vst v1  }
0x121: {  	v1 =	vld [tilespmem:s11+$0x1F0];
	_ =	sdelay $0x4  }
0x122: {  	v2 =	vshrl.u32 v1, $0xE  }
0x123: {  	v1 =	vand.u32 $0x3FFF, v1;
	[tilespmem:$0x28F0] =	vst v2  }
0x124: {  	[tilespmem:$0x29F0] =	vst v1  }
0x125: {  	[tilespmem:s30], [sflag:$0x3] =	stream.indirect.gather [hbm4b:s2+s24], $0x80, s29, s24, $0xb8;
	[tilespmem:$0x1EA00] =	vst v63  }
0x126: {  	_ = 	snop  }
0x127: {  	[tilespmem:s1], [sflag:$0x3] =	stream.indirect.gather [hbm4b:s2+s24], $0x80, s31, s24, $0xb8;
	[tilespmem:$0x1EA00] =	vst v63  }
0x128: {  	_ =	swait.ge [sflag:s0], $0x2000  }
0x129: {  	[sflag:s0] =	ssyncset.done $0x0  }
0x12a: {  	[sflag:s0] =	ssyncadd.s32 $0xFFFFE000  }
0x12b: {  	_ =	swait.ge [sflag:s0], $0x2000  }
0x12c: {  	[sflag:s0] =	ssyncset.done $0x0  }
0x12d: {  	[sflag:s0] =	ssyncadd.s32 $0xFFFFE000  }
0x12e: {  	[spmem:s3] =	stream.indirect.scatter.add.f32 [tilespmem:s21], [sflag:$0x4], $0x80, s7, s5, $0xb8;
	[tilespmem:$0x1EA00] =	vst v63  }
0x12f: {  	_ =	swait.ge [sflag:s22], $0x4000  }
0x130: {  	[sflag:s22] =	ssyncset.done $0x0  }
0x131: {  	[sflag:s22] =	ssyncadd.s32 $0xFFFFC000  }
0x132: {  	_ =	swait.ge [sflag:s8], $0x2000  }
0x133: {  	[sflag:s8] =	ssyncset.done $0x0  }
0x134: {  	[sflag:s8] =	ssyncadd.s32 $0xFFFFE000  }
0x135: {  	_ =	swait.ge [sflag:s8], $0x2000  }
0x136: {  	[sflag:s8] =	ssyncset.done $0x0  }
0x137: {  	[sflag:s8] =	ssyncadd.s32 $0xFFFFE000  }
0x138: {  	[spmem:s3] =	stream.indirect.scatter.add.f32 [tilespmem:s30], [sflag:$0x4], $0x80, s9, s5, $0xb8;
	[tilespmem:$0x1EA00] =	vst v63  }
0x139: {  	_ =	swait.ge [sflag:s22], $0x4000  }
0x13a: {  	[sflag:s22] =	ssyncset.done $0x0  }
0x13b: {  	[sflag:s22] =	ssyncadd.s32 $0xFFFFC000  }
0x13c: {  	[bflag:$0x0] =	sbarrier.arrive $0xFFFF  }
0x13d: {  	[tilespmem:s21], [sflag:$0x4] =	stream.linear.gather [spmem:s6], $0x4000, $0x38;
	[tilespmem:$0x1EA00] =	vst v63  }
0x13e: {  	_ =	swait.ge [sflag:s22], $0x4000  }
0x13f: {  	[sflag:s22] =	ssyncset.done $0x0  }
0x140: {  	s14 =	rddreg [dreg:$0xa];
	[sflag:s22] =	ssyncadd.s32 $0xFFFFC000  }
0x141: {  	[hbm4b:s14+s4] =	stream.linear.scatter [tilespmem:s21], [sflag:$0x4], $0x4000, $0x38;
	[tilespmem:$0x1EA00] =	vst v63  }
0x142: {  	_ =	swait.ge [sflag:s22], $0x4000  }
0x143: {  	[sflag:s22] =	ssyncset.done $0x0  }
0x144: {  	s12 =	rddreg [dreg:$0xb];
	[sflag:s22] =	ssyncadd.s32 $0xFFFFC000  }
0x145: {  	[tilespmem:s21], [sflag:$0x4] =	stream.linear.gather [spmem:s12], $0x4000, $0x38;
	[tilespmem:$0x1EA00] =	vst v63  }
0x146: {  	_ =	swait.ge [sflag:s22], $0x4000  }
0x147: {  	[sflag:s22] =	ssyncset.done $0x0  }
0x148: {  	s13 =	rddreg [dreg:$0xc];
	[sflag:s22] =	ssyncadd.s32 $0xFFFFC000  }
0x149: {  	[hbm4b:s13+s4] =	stream.linear.scatter [tilespmem:s21], [sflag:$0x4], $0x4000, $0x38;
	[tilespmem:$0x1EA00] =	vst v63  }
0x14a: {  	_ =	swait.ge [sflag:s22], $0x4000  }
0x14b: {  	[sflag:s22] =	ssyncset.done $0x0  }
0x14c: {  	[sflag:s22] =	ssyncadd.s32 $0xFFFFC000  }
0x14d: {  	[tilespmem:s21], [sflag:$0x4] =	stream.linear.gather [spmem:s15], $0x4000, $0x38;
	[tilespmem:$0x1EA00] =	vst v63  }
0x14e: {  	_ =	swait.ge [sflag:s22], $0x4000  }
0x14f: {  	[sflag:s22] =	ssyncset.done $0x0  }
0x150: {  	[sflag:s22] =	ssyncadd.s32 $0xFFFFC000  }
0x151: {  	[hbm4b:s16+s4] =	stream.linear.scatter [tilespmem:s21], [sflag:$0x4], $0x4000, $0x38;
	[tilespmem:$0x1EA00] =	vst v63  }
0x152: {  	_ =	swait.ge [sflag:s22], $0x4000  }
0x153: {  	[sflag:s22] =	ssyncset.done $0x0  }
0x154: {  	[sflag:s22] =	ssyncadd.s32 $0xFFFFC000  }
0x155: {  	[tilespmem:s21], [sflag:$0x4] =	stream.linear.gather [spmem:s17], $0x4000, $0x38;
	[tilespmem:$0x1EA00] =	vst v63  }
0x156: {  	_ =	swait.ge [sflag:s22], $0x4000  }
0x157: {  	[sflag:s22] =	ssyncset.done $0x0  }
0x158: {  	[sflag:s22] =	ssyncadd.s32 $0xFFFFC000  }
0x159: {  	[hbm4b:s18+s4] =	stream.linear.scatter [tilespmem:s21], [sflag:$0x4], $0x4000, $0x38;
	[tilespmem:$0x1EA00] =	vst v63  }
0x15a: {  	_ =	swait.ge [sflag:s22], $0x4000  }
0x15b: {  	[sflag:s22] =	ssyncset.done $0x0  }
0x15c: {  	[sflag:s22] =	ssyncadd.s32 $0xFFFFC000  }
0x15d: {  	[tilespmem:s21], [sflag:$0x4] =	stream.linear.gather [spmem:s19], $0x4000, $0x38;
	[tilespmem:$0x1EA00] =	vst v63  }
0x15e: {  	_ =	swait.ge [sflag:s22], $0x4000  }
0x15f: {  	[sflag:s22] =	ssyncset.done $0x0  }
0x160: {  	[sflag:s22] =	ssyncadd.s32 $0xFFFFC000  }
0x161: {  	[hbm4b:s20+s4] =	stream.linear.scatter [tilespmem:s21], [sflag:$0x4], $0x4000, $0x38;
	[tilespmem:$0x1EA00] =	vst v63  }
0x162: {  	_ =	swait.ge [sflag:s22], $0x4000  }
0x163: {  	s10 =	sadd.s32 $0x1, s10;
	s14 =	rddreg [dreg:$0x5]  }
0x164: {  	p0 =	sne.s32 s10, s14  }
.Ltmp2:
0x165: {  	_ = 	snop;
	(pc) =	sbr.rel @p0 .LBB2_1-.Ltmp2, $3  }
0x166: {  	_ =	sdelay $0x1  }
0x167: {  	[sflag:s22] =	ssyncset.done $0x0  }
0x168: {  	[sflag:s22] =	ssyncadd.s32 $0xFFFFC000  }
0x169: {  	_ =	sfence.sel $0x180000  }
0x16a: {  	[bflag:$0x0] =	sbarrier.arrive $0xFFFF  }
0x16b: {  	_ =	strace $0x9000004D  }
0x16c: {  	s0 =	stileid.u32;
	[bflag:$0x2] =	sbarrier.arrive $0xFFFF  }
0x16d: {  	p0 =	sne.s32 s0, $0x0;
	s0 =	rddreg [dreg:$0x3]  }
0x16e: {  	s0 =	sadd.s32 @!p0 $0x100000, s0  }
0x16f: {  	[sflag:s0] =	ssyncadd.tile.s32 @!p0 $0x1;
	_ =	shalt  }
.Lfunc_end2:
_tile_overlayer_lowered:
.L_overlay_start_2:
0x170: {  	(tag) =	ssettag $0x2  }
0x171: {  	s0 =	rddreg [dreg:$0x0];
	s2 =	stileid.u32  }
0x172: {  	s1 =	rddreg [dreg:$0x1];
	p0 =	sne.s32 s2, $0x0  }
0x173: {  	s3 =	rddreg [dreg:$0x2];
	[bflag:$0x3] =	sbarrier.arrive $0xFFFF;
	s2 =	simm.s32 @!p0 $0x1C04  }
0x174: {  	[timem:s3], [sflag:s2] =	dma.local @!p0 [hbm:s0], s1  }
0x175: {  	s0 =	simm.s32 @!p0 $0x4  }
0x176: {  	_ =	swait.ge @!p0 [sflag:s0], s1  }
0x177: {  	s1 =	ssub.s32 @!p0 $0x0, s1;
	[sflag:s0] =	ssyncset.done @!p0 $0x0  }
0x178: {  	[sflag:s0] =	ssyncadd.s32 @!p0 s1  }
0x179: {  	[bflag:$0x3] =	sbarrier.arrive $0xFFFF  }
0x17a: {  	_ =	shalt  }

// kernel: kernel.8.cloned.1.call-start
scs
__scs_entry_jumppad:
0x0: {  	(pc) =	sbr.rel $0x88, $3  }
0x1: {  	(tag) =	ssettag $0x0;
	lr =	simm.s32 $0x1  }
0x2: {  	[smem:$0x3F9A] =	sst lr;
	_ =	strace $0xD0000000  }
0x3: {  	_ = 	snop  }
0x4: {  	_ = 	snop  }
0x5: {  	_ = 	snop  }
0x6: {  	_ = 	snop  }
0x7: {  	_ = 	snop  }
__scs_overlays_trampoline_lowered:
0x8: {  	[smem:$0x3FA9] =	sst s0  }
0x9: {  	[smem:$0x3FAA] =	sst s1  }
0xa: {  	[smem:$0x3FAB] =	sst s2  }
0xb: {  	[smem:$0x3FAC] =	sst s3  }
0xc: {  	[smem:$0x3FAD] =	sst s4  }
0xd: {  	[smem:$0x3FAE] =	sst s5  }
0xe: {  	[smem:$0x3FAF] =	sst s6  }
0xf: {  	[smem:$0x3FB0] =	sst s7  }
0x10: {  	[smem:$0x3FB1] =	sst s8  }
0x11: {  	[smem:$0x3FB2] =	sst s9;
	s0 =	simm.s32 @!p0 $0x0  }
0x12: {  	s1 =	sld [smem:$0x3F98];
	s0 =	simm.s32 @p0 $0x1  }
0x13: {  	[smem:$0x3FB3] =	sst s0;
	s0 =	simm.s32 @!p1 $0x0  }
0x14: {  	s2 =	sld [smem:$0x3F97];
	s0 =	simm.s32 @p1 $0x1  }
0x15: {  	[smem:$0x3FB4] =	sst s0;
	s0 =	simm.s32 @!p2 $0x0  }
0x16: {  	s3 =	sld [smem:$0x3FDB];
	s0 =	simm.s32 @p2 $0x1  }
0x17: {  	s4 =	simm.s32 $0x1BF5;
	[smem:$0x3FB6] =	sst s0  }
0x18: {  	s0 =	sld [smem:$0x3F99];
	_ =	swait.ge [sflag:s4], $0x0  }
0x19: {  	s7 =	sld [smem:$0x3F9A]  }
0x1a: {  	s8 =	sadd.s32 $0xFFFFE003, lr  }
0x1b: {  	s9 =	sadd.s32 $0xFFFFFEF7, lr;
	s5 =	simm.s32 $0xFFFFFFFF;
	p2 =	slt.u32 s8, $0xFFFFF086  }
0x1c: {  	p1 =	slt.u32 s9, $0xF7A;
	s5 =	simm.s32 @!p2 $0x0  }
0x1d: {  	s5 =	simm.s32 @p1 $0x1;
	p0 =	seq.s32 s7, s2  }
0x1e: {  	s7 =	smul.u32 @!p0 $0xF7A, s2;
	p2 =	seq.s32 @!p0 s5, $0x0  }
0x1f: {  	s9 =	smul.u32 $0xF7A, s1;
	s8 =	simm.s32 @!p0 $0x1BF5;
	p2 =	por !p2, p0  }
0x20: {  	[sflag:s8] =	ssyncset.s32 @!p0 $0xFFFFF086;
	s6 =	sadd.s32 @!p0 s3, s7;
	s7 =	simm.s32 @!p0 $0x108  }
0x21: {  	s3 =	sadd.s32 s3, s9;
	s6 =	sadd.s32 @!p0 $0x88, s6;
	s7 =	simm.s32 @p2 $0x1082  }
0x22: {  	[simem:s7], [sflag:s8] =	dma.local @!p0 [hbm:s6], $0xF7A  }
0x23: {  	s9 =	sor.u32 $0xD0000000, s2;
	s6 =	simm.s32 $0x108;
	_ =	swait.ge @!p0 [sflag:s8], $0x0  }
0x24: {  	s3 =	sadd.s32 $0x88, s3;
	s6 =	simm.s32 @!p1 $0x1082;
	[sflag:s4] =	ssyncset.s32 $0xFFFFF086  }
0x25: {  	[simem:s6], [sflag:s4] =	dma.local [hbm:s3], $0xF7A  }
0x26: {  	[smem:$0x3F9A] =	sst s1;
	(tag) =	ssettag s2;
	_ =	strace s9  }
0x27: {  	s1 =	sld [smem:$0x3FAA]  }
0x28: {  	s2 =	sld [smem:$0x3FAB]  }
0x29: {  	s4 =	sld [smem:$0x3FAD]  }
0x2a: {  	p0 =	seq.s32 s5, $0x0;
	s5 =	sld [smem:$0x3FAE]  }
0x2b: {  	s6 =	sld [smem:$0x3FAF]  }
0x2c: {  	s7 =	sld [smem:$0x3FB0]  }
0x2d: {  	s3 =	simm.s32 $0x108;
	s8 =	sld [smem:$0x3FB1]  }
0x2e: {  	s3 =	simm.s32 @!p0 $0x1082;
	s9 =	sld [smem:$0x3FB2]  }
0x2f: {  	lr =	sadd.s32 s0, s3;
	s0 =	sld [smem:$0x3FA9]  }
0x30: {  	s3 =	sld [smem:$0x3FAC]  }
0x31: {  	[smem:$0x3FB5] =	sst s10  }
0x32: {  	s10 =	sld [smem:$0x3FB3];
	_ =	sdelay $0x3  }
0x33: {  	p0 =	seq.s32 s10, $0x1;
	s10 =	sld [smem:$0x3FB5];
	_ =	sdelay $0x3  }
0x34: {  	[smem:$0x3FB5] =	sst s10  }
0x35: {  	s10 =	sld [smem:$0x3FB4];
	_ =	sdelay $0x3  }
0x36: {  	p1 =	seq.s32 s10, $0x1;
	s10 =	sld [smem:$0x3FB5];
	_ =	sdelay $0x3  }
0x37: {  	[smem:$0x3FB5] =	sst s10  }
0x38: {  	s10 =	sld [smem:$0x3FB6]  }
0x39: {  	_ = 	snop;
	(pc) =	sbr.ind lr, $3  }
0x3a: {  	_ = 	snop  }
0x3b: {  	_ = 	snop  }
0x3c: {  	p2 =	seq.s32 s10, $0x1;
	s10 =	sld [smem:$0x3FB5]  }
0x3d: {  	_ =	shalt  }
0x3e: {  	_ =	shalt  }
0x3f: {  	_ =	shalt  }
0x40: {  	_ =	shalt  }
0x41: {  	_ =	shalt  }
0x42: {  	_ =	shalt  }
0x43: {  	_ =	shalt  }
0x44: {  	_ =	shalt  }
0x45: {  	_ =	shalt  }
0x46: {  	_ =	shalt  }
0x47: {  	_ =	shalt  }
0x48: {  	_ =	shalt  }
0x49: {  	_ =	shalt  }
0x4a: {  	_ =	shalt  }
0x4b: {  	_ =	shalt  }
0x4c: {  	_ =	shalt  }
0x4d: {  	_ =	shalt  }
0x4e: {  	_ =	shalt  }
0x4f: {  	_ =	shalt  }
0x50: {  	_ =	shalt  }
0x51: {  	_ =	shalt  }
0x52: {  	_ =	shalt  }
0x53: {  	_ =	shalt  }
0x54: {  	_ =	shalt  }
0x55: {  	_ =	shalt  }
0x56: {  	_ =	shalt  }
0x57: {  	_ =	shalt  }
0x58: {  	_ =	shalt  }
0x59: {  	_ =	shalt  }
0x5a: {  	_ =	shalt  }
0x5b: {  	_ =	shalt  }
0x5c: {  	_ =	shalt  }
0x5d: {  	_ =	shalt  }
0x5e: {  	_ =	shalt  }
0x5f: {  	_ =	shalt  }
0x60: {  	_ =	shalt  }
0x61: {  	_ =	shalt  }
0x62: {  	_ =	shalt  }
0x63: {  	_ =	shalt  }
0x64: {  	_ =	shalt  }
0x65: {  	_ =	shalt  }
0x66: {  	_ =	shalt  }
0x67: {  	_ =	shalt  }
0x68: {  	_ =	shalt  }
0x69: {  	_ =	shalt  }
0x6a: {  	_ =	shalt  }
0x6b: {  	_ =	shalt  }
0x6c: {  	_ =	shalt  }
0x6d: {  	_ =	shalt  }
0x6e: {  	_ =	shalt  }
0x6f: {  	_ =	shalt  }
0x70: {  	_ =	shalt  }
0x71: {  	_ =	shalt  }
0x72: {  	_ =	shalt  }
0x73: {  	_ =	shalt  }
0x74: {  	_ =	shalt  }
0x75: {  	_ =	shalt  }
0x76: {  	_ =	shalt  }
0x77: {  	_ =	shalt  }
0x78: {  	_ =	shalt  }
0x79: {  	_ =	shalt  }
0x7a: {  	_ =	shalt  }
0x7b: {  	_ =	shalt  }
0x7c: {  	_ =	shalt  }
0x7d: {  	_ =	shalt  }
0x7e: {  	_ =	shalt  }
0x7f: {  	_ =	shalt  }
0x80: {  	_ =	shalt  }
0x81: {  	_ =	shalt  }
0x82: {  	_ =	shalt  }
0x83: {  	_ =	shalt  }
0x84: {  	_ =	shalt  }
0x85: {  	_ =	shalt  }
0x86: {  	_ =	shalt  }
0x87: {  	_ =	shalt  }
.Lfunc_end0:
.L_simem_size_0:
called_computation_lowered:
.L_overlay_start_0:
0x88: {  	s2 =	sld [smem:$0x3FD9]  }
0x89: {  	s3 =	sld [smem:$0x3FFE];
	_ =	sdelay $0x1  }
0x8a: {  	s1 =	srdreg.scid  }
0x8b: {  	s0 =	sand.u32 $0x1, s1  }
0x8c: {  	s14 =	sshll.u32 s0, $0xA;
	s2 =	sadd.s32 s3, s2  }
0x8d: {  	s2 =	sadd.s32 s2, s14  }
0x8e: {  	[smem:$0x3FC1] =	sst s2  }
0x8f: {  	_ = 	snop  }
0x90: {  	s2 =	sld [smem:$0x3FD0];
	_ =	sdelay $0x2  }
0x91: {  	s15 =	simm.s32 $0xA;
	s4 =	simm.s32 $0x10  }
0x92: {  	[smem:s4], [sflag:s15] =	dma.local [hbm:s2], $0x1  }
0x93: {  	_ =	swait.eq [sflag:s15], $0x1  }
0x94: {  	[sflag:s15] =	ssyncset.done $0x0  }
0x95: {  	[sflag:s15] =	ssyncadd.s32 $0xFFFFFFFF  }
0x96: {  	s16 =	sld [smem:$0x10];
	(tm) =	ssettm $0x1  }
0x97: {  	s17 =	sld [smem:$0x3FFB];
	_ =	sdelay $0x3  }
0x98: {  	_ =	strace s17  }
0x99: {  	s3 =	sld [smem:$0x3FFC];
	_ =	sdelay $0x3  }
0x9a: {  	_ =	strace s3  }
0x9b: {  	s3 =	sld [smem:$0x3FFD];
	_ =	sdelay $0x3  }
0x9c: {  	_ =	strace s3  }
0x9d: {  	_ =	strace $0x8FFFFFFF  }
0x9e: {  	s18 =	sld [smem:$0x3FDB];
	_ =	sdelay $0x1  }
0x9f: {  	s19 =	simm.s32 $_scs_section_size  }
0xa0: {  	s5 =	simm.s32 $_size__tile_overlayer_lowered;
	s6 =	simm.s32 $_tile_overlayer_lowered  }
0xa1: {  	s22 =	simm.s32 $0x1BFF;
	s21 =	sshll.u32 s6, $0x1;
	s3 =	sadd.s32 s19, s18  }
0xa2: {  	s7 =	simm.s32 $0x0;
	s20 =	sshll.u32 s5, $0x1;
	s5 =	sadd.s32 s21, s3  }
0xa3: {  	[timem:s7], [sflag:s22] =	dma.local [hbm:s5], s20  }
0xa4: {  	_ =	swait.ge [sflag:s22], s20  }
0xa5: {  	s4 =	ssub.s32 $0x0, s20;
	[sflag:s22] =	ssyncset.done $0x0  }
0xa6: {  	[sflag:s22] =	ssyncadd.s32 s4;
	_ =	sdelay $0x1  }
0xa7: {  	s23 =	simm.s32 $0x1B8B  }
0xa8: {  	_ =	swait.ge [sflag:s23], $0x1  }
0xa9: {  	[sflag:s23] =	ssyncset.done $0x0  }
0xaa: {  	s25 =	simm.s32 $0x1B8E;
	s24 =	sld [smem:$0x3FFE];
	[sflag:s23] =	ssyncadd.s32 $0xFFFFFFFF  }
0xab: {  	s26 =	simm.s32 $execute0_lowered;
	[smem:$0x3FD2] =	sst s25  }
0xac: {  	s5 =	sshll.u32 s26, $0x1;
	_ =	strace $0x80000046;
	[dreg:$0x1] =	wrdreg $0xFFFFFFFF  }
0xad: {  	s28 =	simm.s32 $_size_execute0_lowered;
	s3 =	sadd.s32 s3, s5;
	[dreg:$0x0] =	wrdreg $0x0  }
0xae: {  	s5 =	sshll.u32 s28, $0x1;
	[dreg:$0x2] =	wrdreg s3  }
0xaf: {  	[dreg:$0x3] =	wrdreg s5  }
0xb0: {  	[dreg:$0x4] =	wrdreg $0xC0  }
0xb1: {  	_ =	task [dreg:s7], $0x5FFFF  }
0xb2: {  	[dreg:$0x1] =	wrdreg $0xFFFFFFFF  }
0xb3: {  	[dreg:$0x0] =	wrdreg $0x60  }
0xb4: {  	[dreg:$0x2] =	wrdreg s16  }
0xb5: {  	[dreg:$0x3] =	wrdreg s24  }
0xb6: {  	[dreg:$0x4] =	wrdreg $0x2B800  }
0xb7: {  	[dreg:$0x5] =	wrdreg $0x9  }
0xb8: {  	_ =	task.clear_ibuf [dreg:s7], $0x6FFFF;
	_ =	strace $0x90000046  }
0xb9: {  	s29 =	simm.s32 $0x9;
	_ =	strace $0x80000048  }
0xba: {  	_ =	swait.ge [sflag:s29], $0x1  }
0xbb: {  	[sflag:s29] =	ssyncadd.s32 $0xFFFFFFFF  }
0xbc: {  	_ =	strace $0x90000048  }
0xbd: {  	_ =	sfence  }
0xbe: {  	s30 =	sld [smem:$0x0];
	_ =	sdelay $0x2  }
0xbf: {  	s31 =	sshll.u32 s1, $0xD;
	s1 =	sshrl.u32 s1, $0x2  }
0xc0: {  	s3 =	sand.u32 $0x4000, s31;
	s1 =	sadd.s32 s1, s30  }
0xc1: {  	s0 =	sor.u32 s3, s0;
	s1 =	sshll.u32 s1, $0x11  }
0xc2: {  	s0 =	sor.u32 s1, s0  }
0xc3: {  	s0 =	sadd.s32 $0x8F2B, s0  }
0xc4: {  	[sflag:s0] =	ssyncadd.remote.s32 $0x1  }
0xc5: {  	_ =	sfence.sel $0xFFFF  }
0xc6: {  	[dreg:$0x0] =	wrdreg $0xFFFFFFFF;
	(pc) =	sbr.abs _section_cstart, $3  }
0xc7: {  	[dreg:$0x1] =	wrdreg $0xFFFFFFFF  }
0xc8: {  	_ =	task.clear_ibuf [dreg:s7], $0x2FFFF;
	_ =	strace $0x9FFFFFFF  }
0xc9: {  	(tm) =	ssettm $0x7FFFFFFF  }
tec
execute0_lowered:
.L_overlay_start_1:
0x0: {  	(tag) =	ssettag $0x1  }
0x1: {  	s4 =	rddreg [dreg:$0x0]  }
0x2: {  	s1 =	srdreg.scid;
	s5 =	rddreg [dreg:$0x1]  }
0x3: {  	s0 =	stileid.u32;
	s2 =	rddreg [dreg:$0x2]  }
0x4: {  	s3 =	simm.s32 $0x0;
	s11 =	simm.s32 $0x80;
	s12 =	simm.s32 $0x2800  }
0x5: {  	s13 =	simm.s32 $0x2880;
	s6 =	sand.u32 $0x1, s1;
	s7 =	smul.u32 $0x280, s0  }
0x6: {  	s1 =	rddreg [dreg:$0x3];
	s8 =	smul.u32 $0x2800, s6;
	s9 =	sshll.u32 s6, $0x4  }
0x7: {  	s14 =	simm.s32 $0x0;
	[smem:$0x7FF] =	sst s3;
	s9 =	sor.u32 s0, s9  }
0x8: {  	s6 =	ssub.s32 $0x2, s6;
	s8 =	sadd.s32 s7, s8;
	s9 =	smul.u32 $0x500, s9  }
0x9: {  	_ =	strace $0x80000047;
	s31 =	sshrl.u32 s6, $0x1;
	s8 =	sshrl.u32 s8, $0x3  }
0xa: {  	s10 =	ssub.s32 s6, s31;
	s8 =	sadd.s32 s8, s5;
	s4 =	sadd.s32 s4, s9  }
0xb: {  	s5 =	sadd.s32 s7, s2;
	s7 =	smax.u32 s10, $0x1;
	s9 =	simm.s32 $0x2900  }
0xc: {  	v0 =	vimm.f32 $1.000000000e+00;
	v1 =	vimm.f32 $0.0e+00;
	s10 =	simm.s32 $0x2;
	s6 =	sadd.s32 $0x1800, s8;
	s8 =	simm.s32 $0x1  }
.LBB2_1:
0xd: {  	[tilespmem:$0x2880] =	vst v0  }
0xe: {  	[tilespmem:$0x2890] =	vst v0  }
0xf: {  	[tilespmem:$0x28A0] =	vst v0  }
0x10: {  	[tilespmem:$0x28B0] =	vst v0  }
0x11: {  	[tilespmem:$0x28C0] =	vst v0  }
0x12: {  	[tilespmem:$0x28D0] =	vst v0  }
0x13: {  	[tilespmem:$0x28E0] =	vst v0  }
0x14: {  	[tilespmem:$0x28F0] =	vst v0  }
0x15: {  	[tilespmem:s3], [sflag:$0x1] =	stream.linear.gather [hbm4b:s4+s3], $0x2800, $0x38;
	[tilespmem:$0x2E00] =	vst v63  }
0x16: {  	_ =	swait.ge [sflag:s8], $0x2800  }
0x17: {  	[sflag:s8] =	ssyncset.done $0x0  }
0x18: {  	[sflag:s8] =	ssyncadd.s32 $0xFFFFD800  }
0x19: {  	[tilespmem:$0x2900] =	vst v1  }
0x1a: {  	[tilespmem:$0x2910] =	vst v1  }
0x1b: {  	[tilespmem:$0x2920] =	vst v1  }
0x1c: {  	[tilespmem:$0x2930] =	vst v1  }
0x1d: {  	[tilespmem:$0x2940] =	vst v1  }
0x1e: {  	[tilespmem:$0x2950] =	vst v1  }
0x1f: {  	[tilespmem:$0x2960] =	vst v1  }
0x20: {  	[tilespmem:$0x2970] =	vst v1  }
0x21: {  	[tilespmem:$0x2980] =	vst v1  }
0x22: {  	[tilespmem:$0x2990] =	vst v1  }
0x23: {  	[tilespmem:$0x29A0] =	vst v1  }
0x24: {  	[tilespmem:$0x29B0] =	vst v1  }
0x25: {  	[tilespmem:$0x29C0] =	vst v1  }
0x26: {  	[tilespmem:$0x29D0] =	vst v1  }
0x27: {  	[tilespmem:$0x29E0] =	vst v1  }
0x28: {  	[tilespmem:$0x29F0] =	vst v1  }
0x29: {  	[tilespmem:$0x2A00] =	vst v1  }
0x2a: {  	[tilespmem:$0x2A10] =	vst v1  }
0x2b: {  	[tilespmem:$0x2A20] =	vst v1  }
0x2c: {  	[tilespmem:$0x2A30] =	vst v1  }
0x2d: {  	[tilespmem:$0x2A40] =	vst v1  }
0x2e: {  	[tilespmem:$0x2A50] =	vst v1  }
0x2f: {  	[tilespmem:$0x2A60] =	vst v1  }
0x30: {  	[tilespmem:$0x2A70] =	vst v1  }
0x31: {  	[tilespmem:$0x2A80] =	vst v1  }
0x32: {  	[tilespmem:$0x2A90] =	vst v1  }
0x33: {  	[tilespmem:$0x2AA0] =	vst v1  }
0x34: {  	[tilespmem:$0x2AB0] =	vst v1  }
0x35: {  	[tilespmem:$0x2AC0] =	vst v1  }
0x36: {  	[tilespmem:$0x2AD0] =	vst v1  }
0x37: {  	[tilespmem:$0x2AE0] =	vst v1  }
0x38: {  	[tilespmem:$0x2AF0] =	vst v1  }
0x39: {  	[tilespmem:$0x2B00] =	vst v1  }
0x3a: {  	[tilespmem:$0x2B10] =	vst v1  }
0x3b: {  	[tilespmem:$0x2B20] =	vst v1  }
0x3c: {  	[tilespmem:$0x2B30] =	vst v1  }
0x3d: {  	[tilespmem:$0x2B40] =	vst v1  }
0x3e: {  	[tilespmem:$0x2B50] =	vst v1  }
0x3f: {  	[tilespmem:$0x2B60] =	vst v1  }
0x40: {  	[tilespmem:$0x2B70] =	vst v1  }
0x41: {  	[spmem:s5] =	stream.linear.scatter [tilespmem:s9], [sflag:$0x2], $0x280, $0x38;
	[tilespmem:$0x2E00] =	vst v63  }
0x42: {  	_ =	swait.ge [sflag:s10], $0x280  }
0x43: {  	[sflag:s10] =	ssyncset.done $0x0  }
0x44: {  	[sflag:s10] =	ssyncadd.s32 $0xFFFFFD80  }
0x45: {  	s15 =	simm.s32 $0x0;
	[bflag:$0x0] =	sbarrier.arrive $0xFFFF  }
0x46: {  	v2 =	vld [tilespmem:s15+$0x0];
	_ =	sdelay $0x4  }
0x47: {  	v2 =	vand.u32 $0x3FFF, v2  }
0x48: {  	[tilespmem:$0x2800] =	vst v2  }
0x49: {  	v2 =	vld [tilespmem:s15+$0x10];
	_ =	sdelay $0x4  }
0x4a: {  	v2 =	vand.u32 $0x3FFF, v2  }
0x4b: {  	[tilespmem:$0x2810] =	vst v2  }
0x4c: {  	v2 =	vld [tilespmem:s15+$0x20];
	_ =	sdelay $0x4  }
0x4d: {  	v2 =	vand.u32 $0x3FFF, v2  }
0x4e: {  	[tilespmem:$0x2820] =	vst v2  }
0x4f: {  	v2 =	vld [tilespmem:s15+$0x30];
	_ =	sdelay $0x4  }
0x50: {  	v2 =	vand.u32 $0x3FFF, v2  }
0x51: {  	[tilespmem:$0x2830] =	vst v2  }
0x52: {  	v2 =	vld [tilespmem:s15+$0x40];
	_ =	sdelay $0x4  }
0x53: {  	v2 =	vand.u32 $0x3FFF, v2  }
0x54: {  	[tilespmem:$0x2840] =	vst v2  }
0x55: {  	v2 =	vld [tilespmem:s15+$0x50];
	_ =	sdelay $0x4  }
0x56: {  	v2 =	vand.u32 $0x3FFF, v2  }
0x57: {  	[tilespmem:$0x2850] =	vst v2  }
0x58: {  	v2 =	vld [tilespmem:s15+$0x60];
	_ =	sdelay $0x4  }
0x59: {  	v2 =	vand.u32 $0x3FFF, v2  }
0x5a: {  	[tilespmem:$0x2860] =	vst v2  }
0x5b: {  	v2 =	vld [tilespmem:s15+$0x70];
	_ =	sdelay $0x4  }
0x5c: {  	v2 =	vand.u32 $0x3FFF, v2  }
0x5d: {  	[tilespmem:$0x2870] =	vst v2  }
0x5e: {  	[spmem:s2] =	stream.indirect.scatter.add.f32 [tilespmem:s13], [sflag:$0x2], $0x1, s12, s11, $0xb8;
	[tilespmem:$0x2E00] =	vst v63  }
0x5f: {  	_ =	swait.ge [sflag:s10], $0x80  }
0x60: {  	s18 =	simm.s32 $0x400;
	s15 =	simm.s32 $0x200;
	[sflag:s10] =	ssyncset.done $0x0  }
.LBB2_2:
0x61: {  	s17 =	sshra.s32 s15, $0x2  }
0x62: {  	[sflag:s10] =	ssyncadd.s32 $0xFFFFFF80;
	s15 =	smov.u32 s18;
	s16 =	sadd.s32 $0x200, s18  }
0x63: {  	p0 =	sne.s32 s18, $0x9E00;
	v2 =	vld [tilespmem:s17+$0x0];
	_ =	sdelay $0x4  }
0x64: {  	v2 =	vand.u32 $0x3FFF, v2  }
0x65: {  	[tilespmem:$0x2800] =	vst v2  }
0x66: {  	v2 =	vld [tilespmem:s17+$0x10];
	_ =	sdelay $0x4  }
0x67: {  	v2 =	vand.u32 $0x3FFF, v2  }
0x68: {  	[tilespmem:$0x2810] =	vst v2  }
0x69: {  	v2 =	vld [tilespmem:s17+$0x20];
	_ =	sdelay $0x4  }
0x6a: {  	v2 =	vand.u32 $0x3FFF, v2  }
0x6b: {  	[tilespmem:$0x2820] =	vst v2  }
0x6c: {  	v2 =	vld [tilespmem:s17+$0x30];
	_ =	sdelay $0x4  }
0x6d: {  	v2 =	vand.u32 $0x3FFF, v2  }
0x6e: {  	[tilespmem:$0x2830] =	vst v2  }
0x6f: {  	v2 =	vld [tilespmem:s17+$0x40];
	_ =	sdelay $0x4  }
0x70: {  	v2 =	vand.u32 $0x3FFF, v2  }
0x71: {  	[tilespmem:$0x2840] =	vst v2  }
0x72: {  	v2 =	vld [tilespmem:s17+$0x50];
	_ =	sdelay $0x4  }
0x73: {  	v2 =	vand.u32 $0x3FFF, v2  }
0x74: {  	[tilespmem:$0x2850] =	vst v2  }
0x75: {  	v2 =	vld [tilespmem:s17+$0x60];
	_ =	sdelay $0x4  }
0x76: {  	v2 =	vand.u32 $0x3FFF, v2  }
0x77: {  	[tilespmem:$0x2860] =	vst v2  }
0x78: {  	v2 =	vld [tilespmem:s17+$0x70];
	_ =	sdelay $0x4  }
.Ltmp0:
0x79: {  	v2 =	vand.u32 $0x3FFF, v2;
	(pc) =	sbr.rel @p0 .LBB2_2-.Ltmp0, $4  }
0x7a: {  	[tilespmem:$0x2870] =	vst v2  }
0x7b: {  	[spmem:s2] =	stream.indirect.scatter.add.f32 [tilespmem:s13], [sflag:$0x2], $0x1, s12, s11, $0xb8;
	[tilespmem:$0x2E00] =	vst v63  }
0x7c: {  	_ =	swait.ge [sflag:s10], $0x80  }
0x7d: {  	s18 =	smov.u32 s16;
	[sflag:s10] =	ssyncset.done $0x0  }
0x7e: {  	s15 =	sshra.s32 s15, $0x2;
	[sflag:s10] =	ssyncadd.s32 $0xFFFFFF80  }
0x7f: {  	v2 =	vld [tilespmem:s15+$0x0];
	_ =	sdelay $0x4  }
0x80: {  	v2 =	vand.u32 $0x3FFF, v2  }
0x81: {  	[tilespmem:$0x2800] =	vst v2  }
0x82: {  	v2 =	vld [tilespmem:s15+$0x10];
	_ =	sdelay $0x4  }
0x83: {  	v2 =	vand.u32 $0x3FFF, v2  }
0x84: {  	[tilespmem:$0x2810] =	vst v2  }
0x85: {  	v2 =	vld [tilespmem:s15+$0x20];
	_ =	sdelay $0x4  }
0x86: {  	v2 =	vand.u32 $0x3FFF, v2  }
0x87: {  	[tilespmem:$0x2820] =	vst v2  }
0x88: {  	v2 =	vld [tilespmem:s15+$0x30];
	_ =	sdelay $0x4  }
0x89: {  	v2 =	vand.u32 $0x3FFF, v2  }
0x8a: {  	[tilespmem:$0x2830] =	vst v2  }
0x8b: {  	v2 =	vld [tilespmem:s15+$0x40];
	_ =	sdelay $0x4  }
0x8c: {  	v2 =	vand.u32 $0x3FFF, v2  }
0x8d: {  	[tilespmem:$0x2840] =	vst v2  }
0x8e: {  	v2 =	vld [tilespmem:s15+$0x50];
	_ =	sdelay $0x4  }
0x8f: {  	v2 =	vand.u32 $0x3FFF, v2  }
0x90: {  	[tilespmem:$0x2850] =	vst v2  }
0x91: {  	v2 =	vld [tilespmem:s15+$0x60];
	_ =	sdelay $0x4  }
0x92: {  	v2 =	vand.u32 $0x3FFF, v2  }
0x93: {  	[tilespmem:$0x2860] =	vst v2  }
0x94: {  	v2 =	vld [tilespmem:s15+$0x70];
	_ =	sdelay $0x4  }
0x95: {  	v2 =	vand.u32 $0x3FFF, v2  }
0x96: {  	[tilespmem:$0x2870] =	vst v2  }
0x97: {  	[spmem:s2] =	stream.indirect.scatter.add.f32 [tilespmem:s13], [sflag:$0x2], $0x1, s12, s11, $0xb8;
	[tilespmem:$0x2E00] =	vst v63  }
0x98: {  	_ =	swait.ge [sflag:s10], $0x80  }
0x99: {  	[sflag:s10] =	ssyncset.done $0x0  }
0x9a: {  	[sflag:s10] =	ssyncadd.s32 $0xFFFFFF80  }
0x9b: {  	[bflag:$0x0] =	sbarrier.arrive $0xFFFF  }
0x9c: {  	[tilespmem:s9], [sflag:$0x2] =	stream.linear.gather [spmem:s5], $0x280, $0x38;
	[tilespmem:$0x2E00] =	vst v63  }
0x9d: {  	s14 =	sadd.s32 $0x1, s14;
	_ =	swait.ge [sflag:s10], $0x280  }
0x9e: {  	p0 =	sne.s32 s14, s7;
	[sflag:s10] =	ssyncset.done $0x0  }
.Ltmp1:
0x9f: {  	[sflag:s10] =	ssyncadd.s32 $0xFFFFFD80;
	(pc) =	sbr.rel @p0 .LBB2_1-.Ltmp1, $4  }
0xa0: {  	[hbm4b:s6+s3] =	stream.linear.scatter [tilespmem:s9], [sflag:$0x2], $0x280, $0x38;
	[tilespmem:$0x2E00] =	vst v63  }
0xa1: {  	_ =	swait.ge [sflag:s10], $0x280  }
0xa2: {  	[sflag:s10] =	ssyncset.done $0x0  }
0xa3: {  	[sflag:s10] =	ssyncadd.s32 $0xFFFFFD80  }
0xa4: {  	_ =	sfence.sel $0x180000  }
0xa5: {  	[bflag:$0x0] =	sbarrier.arrive $0xFFFF  }
0xa6: {  	p0 =	sne.s32 s0, $0x0;
	_ =	strace $0x90000047  }
0xa7: {  	s0 =	sadd.s32 @!p0 $0x100000, s1;
	[bflag:$0x2] =	sbarrier.arrive $0xFFFF  }
0xa8: {  	[sflag:s0] =	ssyncadd.tile.s32 @!p0 $0x1;
	_ =	shalt  }
.Lfunc_end2:
_tile_overlayer_lowered:
.L_overlay_start_2:
0xa9: {  	(tag) =	ssettag $0x2  }
0xaa: {  	s0 =	rddreg [dreg:$0x0];
	s2 =	stileid.u32  }
0xab: {  	s1 =	rddreg [dreg:$0x1];
	p0 =	sne.s32 s2, $0x0  }
0xac: {  	s3 =	rddreg [dreg:$0x2];
	[bflag:$0x3] =	sbarrier.arrive $0xFFFF;
	s2 =	simm.s32 @!p0 $0x1C02  }
0xad: {  	[timem:s3], [sflag:s2] =	dma.local @!p0 [hbm:s0], s1  }
0xae: {  	s0 =	simm.s32 @!p0 $0x2  }
0xaf: {  	_ =	swait.ge @!p0 [sflag:s0], s1  }
0xb0: {  	s1 =	ssub.s32 @!p0 $0x0, s1;
	[sflag:s0] =	ssyncset.done @!p0 $0x0  }
0xb1: {  	[sflag:s0] =	ssyncadd.s32 @!p0 s1  }
0xb2: {  	[bflag:$0x3] =	sbarrier.arrive $0xFFFF  }
0xb3: {  	_ =	shalt  }

</sc_bundles>
